<compile_context>
chip_gen: v7x
topology: tpu7x:2x2x1
jax: 0.10.2.dev20260603
libtpu: 0.0.44.dev20260713+nightly
codegen_flags: <defaults>
</compile_context>

<pallas_src>
import functools

import jax
import jax.numpy as jnp
import numpy as np
from jax import lax
from jax.experimental import pallas as pl
from jax.experimental.pallas import tpu as pltpu
from jax.experimental.pallas import tpu_sc as plsc

_LANES = 16


def _build_sc_call(R, D, T, A, P, AP):
    NC, NS = 2, 16
    NW = NC * NS
    CH = 40
    CPA = (P * T) // CH
    NV = D // _LANES

    assert T % CH == 0 and (P * T) % CH == 0 and CH % 8 == 0

    mesh = plsc.VectorSubcoreMesh(core_axis_name="c", subcore_axis_name="s")

    @functools.partial(
        pl.kernel,
        out_type=jax.ShapeDtypeStruct((R, D), jnp.float32),
        mesh=mesh,
        scratch_types=[
            pltpu.VMEM((T, D), jnp.float32),
            pltpu.VMEM((AP, D), jnp.float32),
            pltpu.VMEM((AP, _LANES), jnp.int32),
            pltpu.VMEM((NW, _LANES), jnp.int32),
            pltpu.VMEM((CH, D), jnp.float32),
            pltpu.VMEM((CH, D), jnp.float32),
            pltpu.VMEM((CH, D), jnp.float32),
            pltpu.VMEM((CH, D), jnp.float32),
            pltpu.SemaphoreType.DMA,
            pltpu.SemaphoreType.DMA,
            pltpu.SemaphoreType.DMA,
            pltpu.SemaphoreType.DMA,
            pltpu.SemaphoreType.DMA,
            pltpu.SemaphoreType.DMA,
            pltpu.SemaphoreType.DMA,
            pltpu.SemaphoreType.DMA,
        ],
    )
    def sc_add(x_hbm, pe_hbm, ie_hbm, idx_hbm, winit_hbm, out_hbm,
               pe_b, ie_b, idx_b, wi_b, ob0, ob1, ob2, ob3,
               si0, si1, si2, si3, so0, so1, so2, so3):
        wid = lax.axis_index("s") * NC + lax.axis_index("c")

        pltpu.sync_copy(winit_hbm, wi_b)

        wi = wi_b[wid, pl.ds(0, _LANES)]
        base = wi[0]
        nch = wi[1]
        a0 = wi[2]
        ac0 = wi[3]
        poff0 = wi[4]

        obs = (ob0, ob1, ob2, ob3)
        sis = (si0, si1, si2, si3)
        sos = (so0, so1, so2, so3)

        def adv(p):
            return jnp.where(p + CH == T, 0, p + CH)

        def start_in(k, b):
            off = pl.multiple_of(base + k * CH, 8)
            pltpu.async_copy(x_hbm.at[pl.ds(off, CH)], obs[b], sis[b])

        def start_out(k, b):
            off = pl.multiple_of(base + k * CH, 8)
            pltpu.async_copy(obs[b], out_hbm.at[pl.ds(off, CH)], sos[b])

        def wait_in(b):
            pltpu.make_async_copy(x_hbm.at[pl.ds(0, CH)], obs[b], sis[b]).wait()

        def wait_out(b):
            pltpu.make_async_copy(obs[b], out_hbm.at[pl.ds(0, CH)], sos[b]).wait()

        start_in(0, 0)
        start_in(1, 1)

        pltpu.sync_copy(idx_hbm, idx_b)
        pltpu.sync_copy(ie_hbm, ie_b)
        pltpu.sync_copy(pe_hbm, pe_b)

        def ie_row_vecs(a):
            sidx = idx_b[a, pl.ds(0, _LANES)][0]
            return [ie_b[sidx, pl.ds(j * _LANES, _LANES)] for j in range(NV)]

        def fold_into_pe(vecs):
            @plsc.parallel_loop(0, T, unroll=2)
            def _(t):
                for j in range(NV):
                    plsc.addupdate(pe_b.at[t, pl.ds(j * _LANES, _LANES)], vecs[j])

        fold_into_pe(ie_row_vecs(a0))

        def compute(ob, poff):
            @plsc.parallel_loop(0, CH, unroll=2)
            def row(r):
                for j in range(NV):
                    sl = pl.ds(j * _LANES, _LANES)
                    plsc.addupdate(ob.at[r, sl], pe_b[poff + r, sl])

        def step(k, carry):
            a, ac, poff = carry

            def do(b4):
                wait_in(b4)

                @pl.when(k > 1)
                def _():
                    wait_out((b4 + 2) % 4)

                @pl.when(k + 2 < nch)
                def _():
                    start_in(k + 2, (b4 + 2) % 4)

                compute(obs[b4], poff)
                start_out(k, b4)

            km = jnp.bitwise_and(k, 3)
            for b4 in range(4):
                @pl.when(km == b4)
                def _(b4=b4):
                    do(b4)

            poff = adv(poff)
            ac = ac + 1
            bump = ac == CPA

            @pl.when(bump)
            def _():
                old = ie_row_vecs(a)
                new = ie_row_vecs(a + 1)
                fold_into_pe([n - o for n, o in zip(new, old)])

            a = jnp.where(bump, a + 1, a)
            ac = jnp.where(bump, 0, ac)
            return (a, ac, poff)

        lax.fori_loop(0, nch, step, (a0, ac0, poff0))

        nm = jnp.bitwise_and(nch, 3)
        for m in range(4):
            @pl.when(nm == m)
            def _(m=m):
                wait_out((m + 2) % 4)
                wait_out((m + 3) % 4)

    return sc_add


def _worker_init(R, T, P, NW=32, CH=40):
    nchunks = R // CH
    cpb = T // CH
    cpa = (P * T) // CH
    rows = []
    g0 = 0
    for w in range(NW):
        nc = nchunks // NW + (1 if w < nchunks % NW else 0)
        rows.append([g0 * CH, nc, g0 // cpa, g0 % cpa, (g0 % cpb) * CH] + [0] * 11)
        g0 += nc
    return np.asarray(rows, dtype=np.int32)


def kernel(x, pe, ie, id_enc_shuffle, num_a, num_p, num_t, t_offset):
    B, N, D = x.shape
    A = id_enc_shuffle.shape[0]
    T = pe.shape[1]
    P = N // (A * T)
    AP = 32

    x2 = x.reshape(N, D)
    pe2 = pe.reshape(T, D)
    ie2 = jnp.zeros((AP, D), jnp.float32).at[: ie.shape[1]].set(ie.reshape(ie.shape[1], D))
    idxp = jnp.zeros((AP, 16), jnp.int32).at[:A].set(
        jnp.broadcast_to(id_enc_shuffle.astype(jnp.int32)[:, None], (A, 16)))
    winit = jnp.asarray(_worker_init(N, T, P))

    out2 = _build_sc_call(N, D, T, A, P, AP)(x2, pe2, ie2, idxp, winit)
    return out2.reshape(B, N, D)

# --- scband reference (transcript-rebuilt; emitter-appended) ---
"""Pipeline reference for scband-tem-id-encoder-6657199309027 (READ-ONLY COPY).

The authoritative reference and input builder live on the scoring server;
editing this copy changes nothing except your own understanding.
"""

import jax, jax.numpy as jnp
import numpy as np

D_MODEL = 256
MAX_T_LEN = 200
MAX_A_LEN = 20

def _build_enc(max_len, d_model):
    pe = np.zeros((max_len, d_model), dtype=np.float32)
    position = np.arange(0, max_len, dtype=np.float32)[:, None]
    div_term = np.exp(np.arange(0, d_model, 2).astype(np.float32) * (-np.log(10000.0) / d_model))
    pe[:, 0::2] = np.sin(position * div_term)
    pe[:, 1::2] = np.cos(position * div_term)
    return jnp.asarray(pe[None])  # [1, max_len, d_model]

def setup_inputs(seed: int = 0) -> dict:
    key = jax.random.key(seed)
    num_a, num_p, num_t = 20, 20, 200
    x = jax.random.normal(jax.random.fold_in(key, 1), (1, num_a * num_p * num_t, D_MODEL), dtype=jnp.float32)
    pe = _build_enc(MAX_T_LEN, D_MODEL)
    ie = _build_enc(MAX_A_LEN, D_MODEL)
    # torch module uses random.choices(range(num_p), k=num_a); deterministic jax equivalent:
    id_enc_shuffle = jax.random.randint(jax.random.fold_in(key, 2), (num_a,), 0, num_p)
    return {"x": x, "pe": pe, "ie": ie, "id_enc_shuffle": id_enc_shuffle,
            "num_a": num_a, "num_p": num_p, "num_t": num_t, "t_offset": 0}

def reference(x, pe, ie, id_enc_shuffle, num_a, num_p, num_t, t_offset):
    A = id_enc_shuffle.shape[0]
    T = pe.shape[1]
    P = x.shape[1] // (A * T)
    start = t_offset + (num_a - A) + (num_p - P) + (num_t - T)
    # get_pos_enc: slice pe over time window, tile over num_a*num_p
    pos_enc = jax.lax.dynamic_slice_in_dim(pe, start, T, axis=1)  # [1, num_t, d]
    pos_enc = jnp.tile(pos_enc, (1, A * P, 1))            # [1, A*P*T, d]
    # get_id_enc: gather per-person id encodings, repeat_interleave over num_p*num_t
    id_enc = ie[:, id_enc_shuffle]                        # [1, num_a, d] gather
    id_enc = jnp.repeat(id_enc, P * T, axis=1)            # [1, A*P*T, d]
    out = x + pos_enc + id_enc
    # dropout is identity in eval mode
    return out

if __name__ == "__main__":
    import jax
    _d = setup_inputs()
    print(jax.jit(kernel)(*tuple(_d.values())))

</pallas_src>

<mosaic_0001>
#map = affine_map<(d0, d1) -> (0, 0)>
module attributes {stable_mosaic.version = 14 : i64} {
  func.func @sc_add(%arg0: i32, %arg1: i32, %arg2: memref<80000x256xf32, #tpu.memory_space<hbm>>, %arg3: memref<200x256xf32, #tpu.memory_space<hbm>>, %arg4: memref<32x256xf32, #tpu.memory_space<hbm>>, %arg5: memref<32x16xi32, #tpu.memory_space<hbm>>, %arg6: memref<32x16xi32, #tpu.memory_space<hbm>>, %arg7: memref<80000x256xf32, #tpu.memory_space<hbm>>, %arg8: memref<200x256xf32, #tpu.memory_space<vmem>>, %arg9: memref<32x256xf32, #tpu.memory_space<vmem>>, %arg10: memref<32x16xi32, #tpu.memory_space<vmem>>, %arg11: memref<32x16xi32, #tpu.memory_space<vmem>>, %arg12: memref<40x256xf32, #tpu.memory_space<vmem>>, %arg13: memref<40x256xf32, #tpu.memory_space<vmem>>, %arg14: memref<40x256xf32, #tpu.memory_space<vmem>>, %arg15: memref<40x256xf32, #tpu.memory_space<vmem>>, %arg16: memref<!tpu.dma_semaphore, #tpu.memory_space<semaphore_mem>>, %arg17: memref<!tpu.dma_semaphore, #tpu.memory_space<semaphore_mem>>, %arg18: memref<!tpu.dma_semaphore, #tpu.memory_space<semaphore_mem>>, %arg19: memref<!tpu.dma_semaphore, #tpu.memory_space<semaphore_mem>>, %arg20: memref<!tpu.dma_semaphore, #tpu.memory_space<semaphore_mem>>, %arg21: memref<!tpu.dma_semaphore, #tpu.memory_space<semaphore_mem>>, %arg22: memref<!tpu.dma_semaphore, #tpu.memory_space<semaphore_mem>>, %arg23: memref<!tpu.dma_semaphore, #tpu.memory_space<semaphore_mem>>) attributes {dimension_semantics = [#tpu.dimension_semantics<core_parallel>, #tpu.dimension_semantics<subcore_parallel>], iteration_bounds = array<i64: 2, 16>, scalar_prefetch = 0 : i64, scratch_operands = 16 : i64, tpu.core_type = #tpu.core_type<sc_vector_subcore>, window_params = [{transform_indices = #map}, {transform_indices = #map}, {transform_indices = #map}, {transform_indices = #map}, {transform_indices = #map}, {transform_indices = #map}]} {
    %mul3A = arith.constant 2 : i32
    %mul3A_0 = arith.muli %arg1, %mul3A : i32
    %add3A = arith.addi %mul3A_0, %arg0 : i32
    "tpu.region"() ({
      %run_scoped3A = tpu.sem_alloc : memref<!tpu.dma_semaphore, #tpu.memory_space<semaphore_mem>>
      tpu.enqueue_dma source(%arg6 : memref<32x16xi32, #tpu.memory_space<hbm>>) target(%arg11 : memref<32x16xi32, #tpu.memory_space<vmem>>) target_semaphore(%run_scoped3A : memref<!tpu.dma_semaphore, #tpu.memory_space<semaphore_mem>>)
      tpu.wait_dma2 semaphore(%run_scoped3A : memref<!tpu.dma_semaphore, #tpu.memory_space<semaphore_mem>>) src(%arg6 : memref<32x16xi32, #tpu.memory_space<hbm>>) dst(%arg11 : memref<32x16xi32, #tpu.memory_space<vmem>>)
      tpu.yield
    }) : () -> ()
    %get3A = arith.index_cast %add3A : i32 to index
    %get3A_1 = arith.constant 0 : index
    %get3A_2 = tpu.vector_load %arg11[%get3A, %get3A_1] {strides = array<i32>} : memref<32x16xi32, #tpu.memory_space<vmem>>, vector<1x16xi32>,
    %get3A_3 = vector.shape_cast %get3A_2 : vector<1x16xi32> to vector<16xi32>
    %slice3A = vector.extract_strided_slice %get3A_3 {offsets = [0], sizes = [1], strides = [1]} : vector<16xi32> to vector<1xi32>
    %squeeze3A = vector.extract %slice3A[0] : i32 from vector<1xi32>
    %slice3A_4 = vector.extract_strided_slice %get3A_3 {offsets = [1], sizes = [1], strides = [1]} : vector<16xi32> to vector<1xi32>
    %squeeze3A_5 = vector.extract %slice3A_4[0] : i32 from vector<1xi32>
    %slice3A_6 = vector.extract_strided_slice %get3A_3 {offsets = [2], sizes = [1], strides = [1]} : vector<16xi32> to vector<1xi32>
    %squeeze3A_7 = vector.extract %slice3A_6[0] : i32 from vector<1xi32>
    %slice3A_8 = vector.extract_strided_slice %get3A_3 {offsets = [3], sizes = [1], strides = [1]} : vector<16xi32> to vector<1xi32>
    %squeeze3A_9 = vector.extract %slice3A_8[0] : i32 from vector<1xi32>
    %slice3A_10 = vector.extract_strided_slice %get3A_3 {offsets = [4], sizes = [1], strides = [1]} : vector<16xi32> to vector<1xi32>
    %squeeze3A_11 = vector.extract %slice3A_10[0] : i32 from vector<1xi32>
    %add3A_12 = arith.constant 0 : i32
    %add3A_13 = arith.addi %squeeze3A, %add3A_12 : i32
    %multiple_of3A = tpu.assume_multiple %add3A_13, 8 : i32
    %dma_start3A = arith.constant 0 : i32
    %dma_start3A_14 = tpu.memref_slice %arg2[%multiple_of3A, %dma_start3A] : memref<80000x256xf32, #tpu.memory_space<hbm>> -> memref<40x256xf32, #tpu.memory_space<hbm>>
    %dma_start3A_15 = arith.constant 0 : i32
    %dma_start3A_16 = tpu.memref_slice %arg2[%multiple_of3A, %dma_start3A_15] : memref<80000x256xf32, #tpu.memory_space<hbm>> -> memref<40x256xf32, #tpu.memory_space<hbm>>
    tpu.enqueue_dma source(%dma_start3A_16 : memref<40x256xf32, #tpu.memory_space<hbm>>) target(%arg12 : memref<40x256xf32, #tpu.memory_space<vmem>>) target_semaphore(%arg16 : memref<!tpu.dma_semaphore, #tpu.memory_space<semaphore_mem>>)
    %add3A_17 = arith.constant 40 : i32
    %add3A_18 = arith.addi %squeeze3A, %add3A_17 : i32
    %multiple_of3A_19 = tpu.assume_multiple %add3A_18, 8 : i32
    %dma_start3A_20 = arith.constant 0 : i32
    %dma_start3A_21 = tpu.memref_slice %arg2[%multiple_of3A_19, %dma_start3A_20] : memref<80000x256xf32, #tpu.memory_space<hbm>> -> memref<40x256xf32, #tpu.memory_space<hbm>>
    %dma_start3A_22 = arith.constant 0 : i32
    %dma_start3A_23 = tpu.memref_slice %arg2[%multiple_of3A_19, %dma_start3A_22] : memref<80000x256xf32, #tpu.memory_space<hbm>> -> memref<40x256xf32, #tpu.memory_space<hbm>>
    tpu.enqueue_dma source(%dma_start3A_23 : memref<40x256xf32, #tpu.memory_space<hbm>>) target(%arg13 : memref<40x256xf32, #tpu.memory_space<vmem>>) target_semaphore(%arg17 : memref<!tpu.dma_semaphore, #tpu.memory_space<semaphore_mem>>)
    "tpu.region"() ({
      %run_scoped3A = tpu.sem_alloc : memref<!tpu.dma_semaphore, #tpu.memory_space<semaphore_mem>>
      tpu.enqueue_dma source(%arg5 : memref<32x16xi32, #tpu.memory_space<hbm>>) target(%arg10 : memref<32x16xi32, #tpu.memory_space<vmem>>) target_semaphore(%run_scoped3A : memref<!tpu.dma_semaphore, #tpu.memory_space<semaphore_mem>>)
      tpu.wait_dma2 semaphore(%run_scoped3A : memref<!tpu.dma_semaphore, #tpu.memory_space<semaphore_mem>>) src(%arg5 : memref<32x16xi32, #tpu.memory_space<hbm>>) dst(%arg10 : memref<32x16xi32, #tpu.memory_space<vmem>>)
      tpu.yield
    }) : () -> ()
    "tpu.region"() ({
      %run_scoped3A = tpu.sem_alloc : memref<!tpu.dma_semaphore, #tpu.memory_space<semaphore_mem>>
      tpu.enqueue_dma source(%arg4 : memref<32x256xf32, #tpu.memory_space<hbm>>) target(%arg9 : memref<32x256xf32, #tpu.memory_space<vmem>>) target_semaphore(%run_scoped3A : memref<!tpu.dma_semaphore, #tpu.memory_space<semaphore_mem>>)
      tpu.wait_dma2 semaphore(%run_scoped3A : memref<!tpu.dma_semaphore, #tpu.memory_space<semaphore_mem>>) src(%arg4 : memref<32x256xf32, #tpu.memory_space<hbm>>) dst(%arg9 : memref<32x256xf32, #tpu.memory_space<vmem>>)
      tpu.yield
    }) : () -> ()
    "tpu.region"() ({
      %run_scoped3A = tpu.sem_alloc : memref<!tpu.dma_semaphore, #tpu.memory_space<semaphore_mem>>
      tpu.enqueue_dma source(%arg3 : memref<200x256xf32, #tpu.memory_space<hbm>>) target(%arg8 : memref<200x256xf32, #tpu.memory_space<vmem>>) target_semaphore(%run_scoped3A : memref<!tpu.dma_semaphore, #tpu.memory_space<semaphore_mem>>)
      tpu.wait_dma2 semaphore(%run_scoped3A : memref<!tpu.dma_semaphore, #tpu.memory_space<semaphore_mem>>) src(%arg3 : memref<200x256xf32, #tpu.memory_space<hbm>>) dst(%arg8 : memref<200x256xf32, #tpu.memory_space<vmem>>)
      tpu.yield
    }) : () -> ()
    %get3A_24 = arith.index_cast %squeeze3A_7 : i32 to index
    %get3A_25 = arith.constant 0 : index
    %get3A_26 = tpu.vector_load %arg10[%get3A_24, %get3A_25] {strides = array<i32>} : memref<32x16xi32, #tpu.memory_space<vmem>>, vector<1x16xi32>,
    %get3A_27 = vector.shape_cast %get3A_26 : vector<1x16xi32> to vector<16xi32>
    %slice3A_28 = vector.extract_strided_slice %get3A_27 {offsets = [0], sizes = [1], strides = [1]} : vector<16xi32> to vector<1xi32>
    %squeeze3A_29 = vector.extract %slice3A_28[0] : i32 from vector<1xi32>
    %get3A_30 = arith.index_cast %squeeze3A_29 : i32 to index
    %get3A_31 = arith.constant 0 : index
    %get3A_32 = tpu.vector_load %arg9[%get3A_30, %get3A_31] {strides = array<i32>} : memref<32x256xf32, #tpu.memory_space<vmem>>, vector<1x16xf32>,
    %get3A_33 = vector.shape_cast %get3A_32 : vector<1x16xf32> to vector<16xf32>
    %get3A_34 = arith.index_cast %squeeze3A_29 : i32 to index
    %get3A_35 = arith.constant 16 : index
    %get3A_36 = tpu.vector_load %arg9[%get3A_34, %get3A_35] {strides = array<i32>} : memref<32x256xf32, #tpu.memory_space<vmem>>, vector<1x16xf32>,
    %get3A_37 = vector.shape_cast %get3A_36 : vector<1x16xf32> to vector<16xf32>
    %get3A_38 = arith.index_cast %squeeze3A_29 : i32 to index
    %get3A_39 = arith.constant 32 : index
    %get3A_40 = tpu.vector_load %arg9[%get3A_38, %get3A_39] {strides = array<i32>} : memref<32x256xf32, #tpu.memory_space<vmem>>, vector<1x16xf32>,
    %get3A_41 = vector.shape_cast %get3A_40 : vector<1x16xf32> to vector<16xf32>
    %get3A_42 = arith.index_cast %squeeze3A_29 : i32 to index
    %get3A_43 = arith.constant 48 : index
    %get3A_44 = tpu.vector_load %arg9[%get3A_42, %get3A_43] {strides = array<i32>} : memref<32x256xf32, #tpu.memory_space<vmem>>, vector<1x16xf32>,
    %get3A_45 = vector.shape_cast %get3A_44 : vector<1x16xf32> to vector<16xf32>
    %get3A_46 = arith.index_cast %squeeze3A_29 : i32 to index
    %get3A_47 = arith.constant 64 : index
    %get3A_48 = tpu.vector_load %arg9[%get3A_46, %get3A_47] {strides = array<i32>} : memref<32x256xf32, #tpu.memory_space<vmem>>, vector<1x16xf32>,
    %get3A_49 = vector.shape_cast %get3A_48 : vector<1x16xf32> to vector<16xf32>
    %get3A_50 = arith.index_cast %squeeze3A_29 : i32 to index
    %get3A_51 = arith.constant 80 : index
    %get3A_52 = tpu.vector_load %arg9[%get3A_50, %get3A_51] {strides = array<i32>} : memref<32x256xf32, #tpu.memory_space<vmem>>, vector<1x16xf32>,
    %get3A_53 = vector.shape_cast %get3A_52 : vector<1x16xf32> to vector<16xf32>
    %get3A_54 = arith.index_cast %squeeze3A_29 : i32 to index
    %get3A_55 = arith.constant 96 : index
    %get3A_56 = tpu.vector_load %arg9[%get3A_54, %get3A_55] {strides = array<i32>} : memref<32x256xf32, #tpu.memory_space<vmem>>, vector<1x16xf32>,
    %get3A_57 = vector.shape_cast %get3A_56 : vector<1x16xf32> to vector<16xf32>
    %get3A_58 = arith.index_cast %squeeze3A_29 : i32 to index
    %get3A_59 = arith.constant 112 : index
    %get3A_60 = tpu.vector_load %arg9[%get3A_58, %get3A_59] {strides = array<i32>} : memref<32x256xf32, #tpu.memory_space<vmem>>, vector<1x16xf32>,
    %get3A_61 = vector.shape_cast %get3A_60 : vector<1x16xf32> to vector<16xf32>
    %get3A_62 = arith.index_cast %squeeze3A_29 : i32 to index
    %get3A_63 = arith.constant 128 : index
    %get3A_64 = tpu.vector_load %arg9[%get3A_62, %get3A_63] {strides = array<i32>} : memref<32x256xf32, #tpu.memory_space<vmem>>, vector<1x16xf32>,
    %get3A_65 = vector.shape_cast %get3A_64 : vector<1x16xf32> to vector<16xf32>
    %get3A_66 = arith.index_cast %squeeze3A_29 : i32 to index
    %get3A_67 = arith.constant 144 : index
    %get3A_68 = tpu.vector_load %arg9[%get3A_66, %get3A_67] {strides = array<i32>} : memref<32x256xf32, #tpu.memory_space<vmem>>, vector<1x16xf32>,
    %get3A_69 = vector.shape_cast %get3A_68 : vector<1x16xf32> to vector<16xf32>
    %get3A_70 = arith.index_cast %squeeze3A_29 : i32 to index
    %get3A_71 = arith.constant 160 : index
    %get3A_72 = tpu.vector_load %arg9[%get3A_70, %get3A_71] {strides = array<i32>} : memref<32x256xf32, #tpu.memory_space<vmem>>, vector<1x16xf32>,
    %get3A_73 = vector.shape_cast %get3A_72 : vector<1x16xf32> to vector<16xf32>
    %get3A_74 = arith.index_cast %squeeze3A_29 : i32 to index
    %get3A_75 = arith.constant 176 : index
    %get3A_76 = tpu.vector_load %arg9[%get3A_74, %get3A_75] {strides = array<i32>} : memref<32x256xf32, #tpu.memory_space<vmem>>, vector<1x16xf32>,
    %get3A_77 = vector.shape_cast %get3A_76 : vector<1x16xf32> to vector<16xf32>
    %get3A_78 = arith.index_cast %squeeze3A_29 : i32 to index
    %get3A_79 = arith.constant 192 : index
    %get3A_80 = tpu.vector_load %arg9[%get3A_78, %get3A_79] {strides = array<i32>} : memref<32x256xf32, #tpu.memory_space<vmem>>, vector<1x16xf32>,
    %get3A_81 = vector.shape_cast %get3A_80 : vector<1x16xf32> to vector<16xf32>
    %get3A_82 = arith.index_cast %squeeze3A_29 : i32 to index
    %get3A_83 = arith.constant 208 : index
    %get3A_84 = tpu.vector_load %arg9[%get3A_82, %get3A_83] {strides = array<i32>} : memref<32x256xf32, #tpu.memory_space<vmem>>, vector<1x16xf32>,
    %get3A_85 = vector.shape_cast %get3A_84 : vector<1x16xf32> to vector<16xf32>
    %get3A_86 = arith.index_cast %squeeze3A_29 : i32 to index
    %get3A_87 = arith.constant 224 : index
    %get3A_88 = tpu.vector_load %arg9[%get3A_86, %get3A_87] {strides = array<i32>} : memref<32x256xf32, #tpu.memory_space<vmem>>, vector<1x16xf32>,
    %get3A_89 = vector.shape_cast %get3A_88 : vector<1x16xf32> to vector<16xf32>
    %get3A_90 = arith.index_cast %squeeze3A_29 : i32 to index
    %get3A_91 = arith.constant 240 : index
    %get3A_92 = tpu.vector_load %arg9[%get3A_90, %get3A_91] {strides = array<i32>} : memref<32x256xf32, #tpu.memory_space<vmem>>, vector<1x16xf32>,
    %get3A_93 = vector.shape_cast %get3A_92 : vector<1x16xf32> to vector<16xf32>
    %parallel_loop3A = arith.constant 0 : i32
    %parallel_loop3A_94 = arith.constant 200 : i32
    %parallel_loop3A_95 = arith.constant 1 : i32
    scf.for %parallel_loop3A_124 = %parallel_loop3A to %parallel_loop3A_94 step %parallel_loop3A_95  : i32 {
      %parallel_loop3A_125 = arith.index_cast %parallel_loop3A_124 : i32 to index
      %parallel_loop3A_126 = arith.constant 0 : index
      %parallel_loop3A_127 = tpu.vector_load %arg8[%parallel_loop3A_125, %parallel_loop3A_126] {strides = array<i32>} : memref<200x256xf32, #tpu.memory_space<vmem>>, vector<1x16xf32>,
      %parallel_loop3A_128 = vector.shape_cast %parallel_loop3A_127 : vector<1x16xf32> to vector<16xf32>
      %parallel_loop3A_129 = vector.shape_cast %get3A_33 : vector<16xf32> to vector<1x16xf32>
      tpu.vector_store %arg8[%parallel_loop3A_125, %parallel_loop3A_126], %parallel_loop3A_129 {add = true, strides = array<i32>} : memref<200x256xf32, #tpu.memory_space<vmem>>, vector<1x16xf32>,
      %parallel_loop3A_130 = arith.index_cast %parallel_loop3A_124 : i32 to index
      %parallel_loop3A_131 = arith.constant 16 : index
      %parallel_loop3A_132 = tpu.vector_load %arg8[%parallel_loop3A_130, %parallel_loop3A_131] {strides = array<i32>} : memref<200x256xf32, #tpu.memory_space<vmem>>, vector<1x16xf32>,
      %parallel_loop3A_133 = vector.shape_cast %parallel_loop3A_132 : vector<1x16xf32> to vector<16xf32>
      %parallel_loop3A_134 = vector.shape_cast %get3A_37 : vector<16xf32> to vector<1x16xf32>
      tpu.vector_store %arg8[%parallel_loop3A_130, %parallel_loop3A_131], %parallel_loop3A_134 {add = true, strides = array<i32>} : memref<200x256xf32, #tpu.memory_space<vmem>>, vector<1x16xf32>,
      %parallel_loop3A_135 = arith.index_cast %parallel_loop3A_124 : i32 to index
      %parallel_loop3A_136 = arith.constant 32 : index
      %parallel_loop3A_137 = tpu.vector_load %arg8[%parallel_loop3A_135, %parallel_loop3A_136] {strides = array<i32>} : memref<200x256xf32, #tpu.memory_space<vmem>>, vector<1x16xf32>,
      %parallel_loop3A_138 = vector.shape_cast %parallel_loop3A_137 : vector<1x16xf32> to vector<16xf32>
      %parallel_loop3A_139 = vector.shape_cast %get3A_41 : vector<16xf32> to vector<1x16xf32>
      tpu.vector_store %arg8[%parallel_loop3A_135, %parallel_loop3A_136], %parallel_loop3A_139 {add = true, strides = array<i32>} : memref<200x256xf32, #tpu.memory_space<vmem>>, vector<1x16xf32>,
      %parallel_loop3A_140 = arith.index_cast %parallel_loop3A_124 : i32 to index
      %parallel_loop3A_141 = arith.constant 48 : index
      %parallel_loop3A_142 = tpu.vector_load %arg8[%parallel_loop3A_140, %parallel_loop3A_141] {strides = array<i32>} : memref<200x256xf32, #tpu.memory_space<vmem>>, vector<1x16xf32>,
      %parallel_loop3A_143 = vector.shape_cast %parallel_loop3A_142 : vector<1x16xf32> to vector<16xf32>
      %parallel_loop3A_144 = vector.shape_cast %get3A_45 : vector<16xf32> to vector<1x16xf32>
      tpu.vector_store %arg8[%parallel_loop3A_140, %parallel_loop3A_141], %parallel_loop3A_144 {add = true, strides = array<i32>} : memref<200x256xf32, #tpu.memory_space<vmem>>, vector<1x16xf32>,
      %parallel_loop3A_145 = arith.index_cast %parallel_loop3A_124 : i32 to index
      %parallel_loop3A_146 = arith.constant 64 : index
      %parallel_loop3A_147 = tpu.vector_load %arg8[%parallel_loop3A_145, %parallel_loop3A_146] {strides = array<i32>} : memref<200x256xf32, #tpu.memory_space<vmem>>, vector<1x16xf32>,
      %parallel_loop3A_148 = vector.shape_cast %parallel_loop3A_147 : vector<1x16xf32> to vector<16xf32>
      %parallel_loop3A_149 = vector.shape_cast %get3A_49 : vector<16xf32> to vector<1x16xf32>
      tpu.vector_store %arg8[%parallel_loop3A_145, %parallel_loop3A_146], %parallel_loop3A_149 {add = true, strides = array<i32>} : memref<200x256xf32, #tpu.memory_space<vmem>>, vector<1x16xf32>,
      %parallel_loop3A_150 = arith.index_cast %parallel_loop3A_124 : i32 to index
      %parallel_loop3A_151 = arith.constant 80 : index
      %parallel_loop3A_152 = tpu.vector_load %arg8[%parallel_loop3A_150, %parallel_loop3A_151] {strides = array<i32>} : memref<200x256xf32, #tpu.memory_space<vmem>>, vector<1x16xf32>,
      %parallel_loop3A_153 = vector.shape_cast %parallel_loop3A_152 : vector<1x16xf32> to vector<16xf32>
      %parallel_loop3A_154 = vector.shape_cast %get3A_53 : vector<16xf32> to vector<1x16xf32>
      tpu.vector_store %arg8[%parallel_loop3A_150, %parallel_loop3A_151], %parallel_loop3A_154 {add = true, strides = array<i32>} : memref<200x256xf32, #tpu.memory_space<vmem>>, vector<1x16xf32>,
      %parallel_loop3A_155 = arith.index_cast %parallel_loop3A_124 : i32 to index
      %parallel_loop3A_156 = arith.constant 96 : index
      %parallel_loop3A_157 = tpu.vector_load %arg8[%parallel_loop3A_155, %parallel_loop3A_156] {strides = array<i32>} : memref<200x256xf32, #tpu.memory_space<vmem>>, vector<1x16xf32>,
      %parallel_loop3A_158 = vector.shape_cast %parallel_loop3A_157 : vector<1x16xf32> to vector<16xf32>
      %parallel_loop3A_159 = vector.shape_cast %get3A_57 : vector<16xf32> to vector<1x16xf32>
      tpu.vector_store %arg8[%parallel_loop3A_155, %parallel_loop3A_156], %parallel_loop3A_159 {add = true, strides = array<i32>} : memref<200x256xf32, #tpu.memory_space<vmem>>, vector<1x16xf32>,
      %parallel_loop3A_160 = arith.index_cast %parallel_loop3A_124 : i32 to index
      %parallel_loop3A_161 = arith.constant 112 : index
      %parallel_loop3A_162 = tpu.vector_load %arg8[%parallel_loop3A_160, %parallel_loop3A_161] {strides = array<i32>} : memref<200x256xf32, #tpu.memory_space<vmem>>, vector<1x16xf32>,
      %parallel_loop3A_163 = vector.shape_cast %parallel_loop3A_162 : vector<1x16xf32> to vector<16xf32>
      %parallel_loop3A_164 = vector.shape_cast %get3A_61 : vector<16xf32> to vector<1x16xf32>
      tpu.vector_store %arg8[%parallel_loop3A_160, %parallel_loop3A_161], %parallel_loop3A_164 {add = true, strides = array<i32>} : memref<200x256xf32, #tpu.memory_space<vmem>>, vector<1x16xf32>,
      %parallel_loop3A_165 = arith.index_cast %parallel_loop3A_124 : i32 to index
      %parallel_loop3A_166 = arith.constant 128 : index
      %parallel_loop3A_167 = tpu.vector_load %arg8[%parallel_loop3A_165, %parallel_loop3A_166] {strides = array<i32>} : memref<200x256xf32, #tpu.memory_space<vmem>>, vector<1x16xf32>,
      %parallel_loop3A_168 = vector.shape_cast %parallel_loop3A_167 : vector<1x16xf32> to vector<16xf32>
      %parallel_loop3A_169 = vector.shape_cast %get3A_65 : vector<16xf32> to vector<1x16xf32>
      tpu.vector_store %arg8[%parallel_loop3A_165, %parallel_loop3A_166], %parallel_loop3A_169 {add = true, strides = array<i32>} : memref<200x256xf32, #tpu.memory_space<vmem>>, vector<1x16xf32>,
      %parallel_loop3A_170 = arith.index_cast %parallel_loop3A_124 : i32 to index
      %parallel_loop3A_171 = arith.constant 144 : index
      %parallel_loop3A_172 = tpu.vector_load %arg8[%parallel_loop3A_170, %parallel_loop3A_171] {strides = array<i32>} : memref<200x256xf32, #tpu.memory_space<vmem>>, vector<1x16xf32>,
      %parallel_loop3A_173 = vector.shape_cast %parallel_loop3A_172 : vector<1x16xf32> to vector<16xf32>
      %parallel_loop3A_174 = vector.shape_cast %get3A_69 : vector<16xf32> to vector<1x16xf32>
      tpu.vector_store %arg8[%parallel_loop3A_170, %parallel_loop3A_171], %parallel_loop3A_174 {add = true, strides = array<i32>} : memref<200x256xf32, #tpu.memory_space<vmem>>, vector<1x16xf32>,
      %parallel_loop3A_175 = arith.index_cast %parallel_loop3A_124 : i32 to index
      %parallel_loop3A_176 = arith.constant 160 : index
      %parallel_loop3A_177 = tpu.vector_load %arg8[%parallel_loop3A_175, %parallel_loop3A_176] {strides = array<i32>} : memref<200x256xf32, #tpu.memory_space<vmem>>, vector<1x16xf32>,
      %parallel_loop3A_178 = vector.shape_cast %parallel_loop3A_177 : vector<1x16xf32> to vector<16xf32>
      %parallel_loop3A_179 = vector.shape_cast %get3A_73 : vector<16xf32> to vector<1x16xf32>
      tpu.vector_store %arg8[%parallel_loop3A_175, %parallel_loop3A_176], %parallel_loop3A_179 {add = true, strides = array<i32>} : memref<200x256xf32, #tpu.memory_space<vmem>>, vector<1x16xf32>,
      %parallel_loop3A_180 = arith.index_cast %parallel_loop3A_124 : i32 to index
      %parallel_loop3A_181 = arith.constant 176 : index
      %parallel_loop3A_182 = tpu.vector_load %arg8[%parallel_loop3A_180, %parallel_loop3A_181] {strides = array<i32>} : memref<200x256xf32, #tpu.memory_space<vmem>>, vector<1x16xf32>,
      %parallel_loop3A_183 = vector.shape_cast %parallel_loop3A_182 : vector<1x16xf32> to vector<16xf32>
      %parallel_loop3A_184 = vector.shape_cast %get3A_77 : vector<16xf32> to vector<1x16xf32>
      tpu.vector_store %arg8[%parallel_loop3A_180, %parallel_loop3A_181], %parallel_loop3A_184 {add = true, strides = array<i32>} : memref<200x256xf32, #tpu.memory_space<vmem>>, vector<1x16xf32>,
      %parallel_loop3A_185 = arith.index_cast %parallel_loop3A_124 : i32 to index
      %parallel_loop3A_186 = arith.constant 192 : index
      %parallel_loop3A_187 = tpu.vector_load %arg8[%parallel_loop3A_185, %parallel_loop3A_186] {strides = array<i32>} : memref<200x256xf32, #tpu.memory_space<vmem>>, vector<1x16xf32>,
      %parallel_loop3A_188 = vector.shape_cast %parallel_loop3A_187 : vector<1x16xf32> to vector<16xf32>
      %parallel_loop3A_189 = vector.shape_cast %get3A_81 : vector<16xf32> to vector<1x16xf32>
      tpu.vector_store %arg8[%parallel_loop3A_185, %parallel_loop3A_186], %parallel_loop3A_189 {add = true, strides = array<i32>} : memref<200x256xf32, #tpu.memory_space<vmem>>, vector<1x16xf32>,
      %parallel_loop3A_190 = arith.index_cast %parallel_loop3A_124 : i32 to index
      %parallel_loop3A_191 = arith.constant 208 : index
      %parallel_loop3A_192 = tpu.vector_load %arg8[%parallel_loop3A_190, %parallel_loop3A_191] {strides = array<i32>} : memref<200x256xf32, #tpu.memory_space<vmem>>, vector<1x16xf32>,
      %parallel_loop3A_193 = vector.shape_cast %parallel_loop3A_192 : vector<1x16xf32> to vector<16xf32>
      %parallel_loop3A_194 = vector.shape_cast %get3A_85 : vector<16xf32> to vector<1x16xf32>
      tpu.vector_store %arg8[%parallel_loop3A_190, %parallel_loop3A_191], %parallel_loop3A_194 {add = true, strides = array<i32>} : memref<200x256xf32, #tpu.memory_space<vmem>>, vector<1x16xf32>,
      %parallel_loop3A_195 = arith.index_cast %parallel_loop3A_124 : i32 to index
      %parallel_loop3A_196 = arith.constant 224 : index
      %parallel_loop3A_197 = tpu.vector_load %arg8[%parallel_loop3A_195, %parallel_loop3A_196] {strides = array<i32>} : memref<200x256xf32, #tpu.memory_space<vmem>>, vector<1x16xf32>,
      %parallel_loop3A_198 = vector.shape_cast %parallel_loop3A_197 : vector<1x16xf32> to vector<16xf32>
      %parallel_loop3A_199 = vector.shape_cast %get3A_89 : vector<16xf32> to vector<1x16xf32>
      tpu.vector_store %arg8[%parallel_loop3A_195, %parallel_loop3A_196], %parallel_loop3A_199 {add = true, strides = array<i32>} : memref<200x256xf32, #tpu.memory_space<vmem>>, vector<1x16xf32>,
      %parallel_loop3A_200 = arith.index_cast %parallel_loop3A_124 : i32 to index
      %parallel_loop3A_201 = arith.constant 240 : index
      %parallel_loop3A_202 = tpu.vector_load %arg8[%parallel_loop3A_200, %parallel_loop3A_201] {strides = array<i32>} : memref<200x256xf32, #tpu.memory_space<vmem>>, vector<1x16xf32>,
      %parallel_loop3A_203 = vector.shape_cast %parallel_loop3A_202 : vector<1x16xf32> to vector<16xf32>
      %parallel_loop3A_204 = vector.shape_cast %get3A_93 : vector<16xf32> to vector<1x16xf32>
      tpu.vector_store %arg8[%parallel_loop3A_200, %parallel_loop3A_201], %parallel_loop3A_204 {add = true, strides = array<i32>} : memref<200x256xf32, #tpu.memory_space<vmem>>, vector<1x16xf32>,
    } {sc.loop_unroll_factor = 2 : i64, sc.parallel_access}
    %while3A = arith.constant 0 : i32
    %while3A_96 = arith.subi %squeeze3A_5, %while3A : i32
    %while3A_97 = arith.addi %while3A, %while3A_96 : i32
    %while3A_98 = arith.constant 1 : i32
    %while3A_99 = arith.divsi %while3A_96, %while3A_98 : i32
    %while3A_100 = arith.muli %while3A_99, %while3A_98 : i32
    %while3A_101 = arith.addi %while3A, %while3A_100 : i32
    %while3A_102 = arith.constant 1 : i32
    %while3A_103:3 = scf.for %while3A_124 = %while3A to %while3A_101 step %while3A_102 iter_args(%while3A_125 = %squeeze3A_7, %while3A_126 = %squeeze3A_9, %while3A_127 = %squeeze3A_11) -> (i32, i32, i32)  : i32 {
      %and3A_128 = arith.constant 3 : i32
      %and3A_129 = arith.andi %while3A_124, %and3A_128 : i32
      %eq3A_130 = arith.constant 0 : i32
      %eq3A_131 = arith.cmpi eq, %and3A_129, %eq3A_130 : i32
      %convert_element_type3A_132 = arith.extui %eq3A_131 : i1 to i32
      %cond3A_133 = arith.constant 0 : i32
      %cond3A_134 = arith.cmpi ne, %convert_element_type3A_132, %cond3A_133 : i32
      scf.if %cond3A_134 {
        %dma_wait3A = arith.constant 0 : i32
        %dma_wait3A_168 = arith.constant 0 : i32
        %dma_wait3A_169 = tpu.memref_slice %arg2[%dma_wait3A, %dma_wait3A_168] : memref<80000x256xf32, #tpu.memory_space<hbm>> -> memref<40x256xf32, #tpu.memory_space<hbm>>
        %dma_wait3A_170 = arith.constant 0 : i32
        %dma_wait3A_171 = arith.constant 0 : i32
        %dma_wait3A_172 = tpu.memref_slice %arg2[%dma_wait3A_170, %dma_wait3A_171] : memref<80000x256xf32, #tpu.memory_space<hbm>> -> memref<40x256xf32, #tpu.memory_space<hbm>>
        tpu.wait_dma2 semaphore(%arg16 : memref<!tpu.dma_semaphore, #tpu.memory_space<semaphore_mem>>) src(%dma_wait3A_172 : memref<40x256xf32, #tpu.memory_space<hbm>>) dst(%arg12 : memref<40x256xf32, #tpu.memory_space<vmem>>)
        %gt3A = arith.constant 1 : i32
        %gt3A_173 = arith.cmpi sgt, %while3A_124, %gt3A : i32
        %convert_element_type3A_174 = arith.extui %gt3A_173 : i1 to i32
        %cond3A_175 = arith.constant 0 : i32
        %cond3A_176 = arith.cmpi ne, %convert_element_type3A_174, %cond3A_175 : i32
        scf.if %cond3A_176 {
          %dma_wait3A_193 = arith.constant 0 : i32
          %dma_wait3A_194 = arith.constant 0 : i32
          %dma_wait3A_195 = tpu.memref_slice %arg7[%dma_wait3A_193, %dma_wait3A_194] : memref<80000x256xf32, #tpu.memory_space<hbm>> -> memref<40x256xf32, #tpu.memory_space<hbm>>
          %dma_wait3A_196 = arith.constant 0 : i32
          %dma_wait3A_197 = arith.constant 0 : i32
          %dma_wait3A_198 = tpu.memref_slice %arg7[%dma_wait3A_196, %dma_wait3A_197] : memref<80000x256xf32, #tpu.memory_space<hbm>> -> memref<40x256xf32, #tpu.memory_space<hbm>>
          tpu.wait_dma2 semaphore(%arg22 : memref<!tpu.dma_semaphore, #tpu.memory_space<semaphore_mem>>) src(%arg14 : memref<40x256xf32, #tpu.memory_space<vmem>>) dst(%dma_wait3A_198 : memref<40x256xf32, #tpu.memory_space<hbm>>)
        } else {
        }
        %add3A_177 = arith.constant 2 : i32
        %add3A_178 = arith.addi %while3A_124, %add3A_177 : i32
        %lt3A = arith.cmpi slt, %add3A_178, %squeeze3A_5 : i32
        %convert_element_type3A_179 = arith.extui %lt3A : i1 to i32
        %cond3A_180 = arith.constant 0 : i32
        %cond3A_181 = arith.cmpi ne, %convert_element_type3A_179, %cond3A_180 : i32
        scf.if %cond3A_181 {
          %add3A_193 = arith.constant 2 : i32
          %add3A_194 = arith.addi %while3A_124, %add3A_193 : i32
          %mul3A_195 = arith.constant 40 : i32
          %mul3A_196 = arith.muli %add3A_194, %mul3A_195 : i32
          %add3A_197 = arith.addi %squeeze3A, %mul3A_196 : i32
          %multiple_of3A_198 = tpu.assume_multiple %add3A_197, 8 : i32
          %dma_start3A_199 = arith.constant 0 : i32
          %dma_start3A_200 = tpu.memref_slice %arg2[%multiple_of3A_198, %dma_start3A_199] : memref<80000x256xf32, #tpu.memory_space<hbm>> -> memref<40x256xf32, #tpu.memory_space<hbm>>
          %dma_start3A_201 = arith.constant 0 : i32
          %dma_start3A_202 = tpu.memref_slice %arg2[%multiple_of3A_198, %dma_start3A_201] : memref<80000x256xf32, #tpu.memory_space<hbm>> -> memref<40x256xf32, #tpu.memory_space<hbm>>
          tpu.enqueue_dma source(%dma_start3A_202 : memref<40x256xf32, #tpu.memory_space<hbm>>) target(%arg14 : memref<40x256xf32, #tpu.memory_space<vmem>>) target_semaphore(%arg18 : memref<!tpu.dma_semaphore, #tpu.memory_space<semaphore_mem>>)
        } else {
        }
        %parallel_loop3A_182 = arith.constant 0 : i32
        %parallel_loop3A_183 = arith.constant 40 : i32
        %parallel_loop3A_184 = arith.constant 1 : i32
        scf.for %parallel_loop3A_193 = %parallel_loop3A_182 to %parallel_loop3A_183 step %parallel_loop3A_184  : i32 {
          %parallel_loop3A_194 = arith.addi %while3A_127, %parallel_loop3A_193 : i32
          %parallel_loop3A_195 = arith.index_cast %parallel_loop3A_194 : i32 to index
          %parallel_loop3A_196 = arith.constant 0 : index
          %parallel_loop3A_197 = tpu.vector_load %arg8[%parallel_loop3A_195, %parallel_loop3A_196] {strides = array<i32>} : memref<200x256xf32, #tpu.memory_space<vmem>>, vector<1x16xf32>,
          %parallel_loop3A_198 = vector.shape_cast %parallel_loop3A_197 : vector<1x16xf32> to vector<16xf32>
          %parallel_loop3A_199 = arith.index_cast %parallel_loop3A_193 : i32 to index
          %parallel_loop3A_200 = arith.constant 0 : index
          %parallel_loop3A_201 = tpu.vector_load %arg12[%parallel_loop3A_199, %parallel_loop3A_200] {strides = array<i32>} : memref<40x256xf32, #tpu.memory_space<vmem>>, vector<1x16xf32>,
          %parallel_loop3A_202 = vector.shape_cast %parallel_loop3A_201 : vector<1x16xf32> to vector<16xf32>
          %parallel_loop3A_203 = vector.shape_cast %parallel_loop3A_198 : vector<16xf32> to vector<1x16xf32>
          tpu.vector_store %arg12[%parallel_loop3A_199, %parallel_loop3A_200], %parallel_loop3A_203 {add = true, strides = array<i32>} : memref<40x256xf32, #tpu.memory_space<vmem>>, vector<1x16xf32>,
          %parallel_loop3A_204 = arith.addi %while3A_127, %parallel_loop3A_193 : i32
          %parallel_loop3A_205 = arith.index_cast %parallel_loop3A_204 : i32 to index
          %parallel_loop3A_206 = arith.constant 16 : index
          %parallel_loop3A_207 = tpu.vector_load %arg8[%parallel_loop3A_205, %parallel_loop3A_206] {strides = array<i32>} : memref<200x256xf32, #tpu.memory_space<vmem>>, vector<1x16xf32>,
          %parallel_loop3A_208 = vector.shape_cast %parallel_loop3A_207 : vector<1x16xf32> to vector<16xf32>
          %parallel_loop3A_209 = arith.index_cast %parallel_loop3A_193 : i32 to index
          %parallel_loop3A_210 = arith.constant 16 : index
          %parallel_loop3A_211 = tpu.vector_load %arg12[%parallel_loop3A_209, %parallel_loop3A_210] {strides = array<i32>} : memref<40x256xf32, #tpu.memory_space<vmem>>, vector<1x16xf32>,
          %parallel_loop3A_212 = vector.shape_cast %parallel_loop3A_211 : vector<1x16xf32> to vector<16xf32>
          %parallel_loop3A_213 = vector.shape_cast %parallel_loop3A_208 : vector<16xf32> to vector<1x16xf32>
          tpu.vector_store %arg12[%parallel_loop3A_209, %parallel_loop3A_210], %parallel_loop3A_213 {add = true, strides = array<i32>} : memref<40x256xf32, #tpu.memory_space<vmem>>, vector<1x16xf32>,
          %parallel_loop3A_214 = arith.addi %while3A_127, %parallel_loop3A_193 : i32
          %parallel_loop3A_215 = arith.index_cast %parallel_loop3A_214 : i32 to index
          %parallel_loop3A_216 = arith.constant 32 : index
          %parallel_loop3A_217 = tpu.vector_load %arg8[%parallel_loop3A_215, %parallel_loop3A_216] {strides = array<i32>} : memref<200x256xf32, #tpu.memory_space<vmem>>, vector<1x16xf32>,
          %parallel_loop3A_218 = vector.shape_cast %parallel_loop3A_217 : vector<1x16xf32> to vector<16xf32>
          %parallel_loop3A_219 = arith.index_cast %parallel_loop3A_193 : i32 to index
          %parallel_loop3A_220 = arith.constant 32 : index
          %parallel_loop3A_221 = tpu.vector_load %arg12[%parallel_loop3A_219, %parallel_loop3A_220] {strides = array<i32>} : memref<40x256xf32, #tpu.memory_space<vmem>>, vector<1x16xf32>,
          %parallel_loop3A_222 = vector.shape_cast %parallel_loop3A_221 : vector<1x16xf32> to vector<16xf32>
          %parallel_loop3A_223 = vector.shape_cast %parallel_loop3A_218 : vector<16xf32> to vector<1x16xf32>
          tpu.vector_store %arg12[%parallel_loop3A_219, %parallel_loop3A_220], %parallel_loop3A_223 {add = true, strides = array<i32>} : memref<40x256xf32, #tpu.memory_space<vmem>>, vector<1x16xf32>,
          %parallel_loop3A_224 = arith.addi %while3A_127, %parallel_loop3A_193 : i32
          %parallel_loop3A_225 = arith.index_cast %parallel_loop3A_224 : i32 to index
          %parallel_loop3A_226 = arith.constant 48 : index
          %parallel_loop3A_227 = tpu.vector_load %arg8[%parallel_loop3A_225, %parallel_loop3A_226] {strides = array<i32>} : memref<200x256xf32, #tpu.memory_space<vmem>>, vector<1x16xf32>,
          %parallel_loop3A_228 = vector.shape_cast %parallel_loop3A_227 : vector<1x16xf32> to vector<16xf32>
          %parallel_loop3A_229 = arith.index_cast %parallel_loop3A_193 : i32 to index
          %parallel_loop3A_230 = arith.constant 48 : index
          %parallel_loop3A_231 = tpu.vector_load %arg12[%parallel_loop3A_229, %parallel_loop3A_230] {strides = array<i32>} : memref<40x256xf32, #tpu.memory_space<vmem>>, vector<1x16xf32>,
          %parallel_loop3A_232 = vector.shape_cast %parallel_loop3A_231 : vector<1x16xf32> to vector<16xf32>
          %parallel_loop3A_233 = vector.shape_cast %parallel_loop3A_228 : vector<16xf32> to vector<1x16xf32>
          tpu.vector_store %arg12[%parallel_loop3A_229, %parallel_loop3A_230], %parallel_loop3A_233 {add = true, strides = array<i32>} : memref<40x256xf32, #tpu.memory_space<vmem>>, vector<1x16xf32>,
          %parallel_loop3A_234 = arith.addi %while3A_127, %parallel_loop3A_193 : i32
          %parallel_loop3A_235 = arith.index_cast %parallel_loop3A_234 : i32 to index
          %parallel_loop3A_236 = arith.constant 64 : index
          %parallel_loop3A_237 = tpu.vector_load %arg8[%parallel_loop3A_235, %parallel_loop3A_236] {strides = array<i32>} : memref<200x256xf32, #tpu.memory_space<vmem>>, vector<1x16xf32>,
          %parallel_loop3A_238 = vector.shape_cast %parallel_loop3A_237 : vector<1x16xf32> to vector<16xf32>
          %parallel_loop3A_239 = arith.index_cast %parallel_loop3A_193 : i32 to index
          %parallel_loop3A_240 = arith.constant 64 : index
          %parallel_loop3A_241 = tpu.vector_load %arg12[%parallel_loop3A_239, %parallel_loop3A_240] {strides = array<i32>} : memref<40x256xf32, #tpu.memory_space<vmem>>, vector<1x16xf32>,
          %parallel_loop3A_242 = vector.shape_cast %parallel_loop3A_241 : vector<1x16xf32> to vector<16xf32>
          %parallel_loop3A_243 = vector.shape_cast %parallel_loop3A_238 : vector<16xf32> to vector<1x16xf32>
          tpu.vector_store %arg12[%parallel_loop3A_239, %parallel_loop3A_240], %parallel_loop3A_243 {add = true, strides = array<i32>} : memref<40x256xf32, #tpu.memory_space<vmem>>, vector<1x16xf32>,
          %parallel_loop3A_244 = arith.addi %while3A_127, %parallel_loop3A_193 : i32
          %parallel_loop3A_245 = arith.index_cast %parallel_loop3A_244 : i32 to index
          %parallel_loop3A_246 = arith.constant 80 : index
          %parallel_loop3A_247 = tpu.vector_load %arg8[%parallel_loop3A_245, %parallel_loop3A_246] {strides = array<i32>} : memref<200x256xf32, #tpu.memory_space<vmem>>, vector<1x16xf32>,
          %parallel_loop3A_248 = vector.shape_cast %parallel_loop3A_247 : vector<1x16xf32> to vector<16xf32>
          %parallel_loop3A_249 = arith.index_cast %parallel_loop3A_193 : i32 to index
          %parallel_loop3A_250 = arith.constant 80 : index
          %parallel_loop3A_251 = tpu.vector_load %arg12[%parallel_loop3A_249, %parallel_loop3A_250] {strides = array<i32>} : memref<40x256xf32, #tpu.memory_space<vmem>>, vector<1x16xf32>,
          %parallel_loop3A_252 = vector.shape_cast %parallel_loop3A_251 : vector<1x16xf32> to vector<16xf32>
          %parallel_loop3A_253 = vector.shape_cast %parallel_loop3A_248 : vector<16xf32> to vector<1x16xf32>
          tpu.vector_store %arg12[%parallel_loop3A_249, %parallel_loop3A_250], %parallel_loop3A_253 {add = true, strides = array<i32>} : memref<40x256xf32, #tpu.memory_space<vmem>>, vector<1x16xf32>,
          %parallel_loop3A_254 = arith.addi %while3A_127, %parallel_loop3A_193 : i32
          %parallel_loop3A_255 = arith.index_cast %parallel_loop3A_254 : i32 to index
          %parallel_loop3A_256 = arith.constant 96 : index
          %parallel_loop3A_257 = tpu.vector_load %arg8[%parallel_loop3A_255, %parallel_loop3A_256] {strides = array<i32>} : memref<200x256xf32, #tpu.memory_space<vmem>>, vector<1x16xf32>,
          %parallel_loop3A_258 = vector.shape_cast %parallel_loop3A_257 : vector<1x16xf32> to vector<16xf32>
          %parallel_loop3A_259 = arith.index_cast %parallel_loop3A_193 : i32 to index
          %parallel_loop3A_260 = arith.constant 96 : index
          %parallel_loop3A_261 = tpu.vector_load %arg12[%parallel_loop3A_259, %parallel_loop3A_260] {strides = array<i32>} : memref<40x256xf32, #tpu.memory_space<vmem>>, vector<1x16xf32>,
          %parallel_loop3A_262 = vector.shape_cast %parallel_loop3A_261 : vector<1x16xf32> to vector<16xf32>
          %parallel_loop3A_263 = vector.shape_cast %parallel_loop3A_258 : vector<16xf32> to vector<1x16xf32>
          tpu.vector_store %arg12[%parallel_loop3A_259, %parallel_loop3A_260], %parallel_loop3A_263 {add = true, strides = array<i32>} : memref<40x256xf32, #tpu.memory_space<vmem>>, vector<1x16xf32>,
          %parallel_loop3A_264 = arith.addi %while3A_127, %parallel_loop3A_193 : i32
          %parallel_loop3A_265 = arith.index_cast %parallel_loop3A_264 : i32 to index
          %parallel_loop3A_266 = arith.constant 112 : index
          %parallel_loop3A_267 = tpu.vector_load %arg8[%parallel_loop3A_265, %parallel_loop3A_266] {strides = array<i32>} : memref<200x256xf32, #tpu.memory_space<vmem>>, vector<1x16xf32>,
          %parallel_loop3A_268 = vector.shape_cast %parallel_loop3A_267 : vector<1x16xf32> to vector<16xf32>
          %parallel_loop3A_269 = arith.index_cast %parallel_loop3A_193 : i32 to index
          %parallel_loop3A_270 = arith.constant 112 : index
          %parallel_loop3A_271 = tpu.vector_load %arg12[%parallel_loop3A_269, %parallel_loop3A_270] {strides = array<i32>} : memref<40x256xf32, #tpu.memory_space<vmem>>, vector<1x16xf32>,
          %parallel_loop3A_272 = vector.shape_cast %parallel_loop3A_271 : vector<1x16xf32> to vector<16xf32>
          %parallel_loop3A_273 = vector.shape_cast %parallel_loop3A_268 : vector<16xf32> to vector<1x16xf32>
          tpu.vector_store %arg12[%parallel_loop3A_269, %parallel_loop3A_270], %parallel_loop3A_273 {add = true, strides = array<i32>} : memref<40x256xf32, #tpu.memory_space<vmem>>, vector<1x16xf32>,
          %parallel_loop3A_274 = arith.addi %while3A_127, %parallel_loop3A_193 : i32
          %parallel_loop3A_275 = arith.index_cast %parallel_loop3A_274 : i32 to index
          %parallel_loop3A_276 = arith.constant 128 : index
          %parallel_loop3A_277 = tpu.vector_load %arg8[%parallel_loop3A_275, %parallel_loop3A_276] {strides = array<i32>} : memref<200x256xf32, #tpu.memory_space<vmem>>, vector<1x16xf32>,
          %parallel_loop3A_278 = vector.shape_cast %parallel_loop3A_277 : vector<1x16xf32> to vector<16xf32>
          %parallel_loop3A_279 = arith.index_cast %parallel_loop3A_193 : i32 to index
          %parallel_loop3A_280 = arith.constant 128 : index
          %parallel_loop3A_281 = tpu.vector_load %arg12[%parallel_loop3A_279, %parallel_loop3A_280] {strides = array<i32>} : memref<40x256xf32, #tpu.memory_space<vmem>>, vector<1x16xf32>,
          %parallel_loop3A_282 = vector.shape_cast %parallel_loop3A_281 : vector<1x16xf32> to vector<16xf32>
          %parallel_loop3A_283 = vector.shape_cast %parallel_loop3A_278 : vector<16xf32> to vector<1x16xf32>
          tpu.vector_store %arg12[%parallel_loop3A_279, %parallel_loop3A_280], %parallel_loop3A_283 {add = true, strides = array<i32>} : memref<40x256xf32, #tpu.memory_space<vmem>>, vector<1x16xf32>,
          %parallel_loop3A_284 = arith.addi %while3A_127, %parallel_loop3A_193 : i32
          %parallel_loop3A_285 = arith.index_cast %parallel_loop3A_284 : i32 to index
          %parallel_loop3A_286 = arith.constant 144 : index
          %parallel_loop3A_287 = tpu.vector_load %arg8[%parallel_loop3A_285, %parallel_loop3A_286] {strides = array<i32>} : memref<200x256xf32, #tpu.memory_space<vmem>>, vector<1x16xf32>,
          %parallel_loop3A_288 = vector.shape_cast %parallel_loop3A_287 : vector<1x16xf32> to vector<16xf32>
          %parallel_loop3A_289 = arith.index_cast %parallel_loop3A_193 : i32 to index
          %parallel_loop3A_290 = arith.constant 144 : index
          %parallel_loop3A_291 = tpu.vector_load %arg12[%parallel_loop3A_289, %parallel_loop3A_290] {strides = array<i32>} : memref<40x256xf32, #tpu.memory_space<vmem>>, vector<1x16xf32>,
          %parallel_loop3A_292 = vector.shape_cast %parallel_loop3A_291 : vector<1x16xf32> to vector<16xf32>
          %parallel_loop3A_293 = vector.shape_cast %parallel_loop3A_288 : vector<16xf32> to vector<1x16xf32>
          tpu.vector_store %arg12[%parallel_loop3A_289, %parallel_loop3A_290], %parallel_loop3A_293 {add = true, strides = array<i32>} : memref<40x256xf32, #tpu.memory_space<vmem>>, vector<1x16xf32>,
          %parallel_loop3A_294 = arith.addi %while3A_127, %parallel_loop3A_193 : i32
          %parallel_loop3A_295 = arith.index_cast %parallel_loop3A_294 : i32 to index
          %parallel_loop3A_296 = arith.constant 160 : index
          %parallel_loop3A_297 = tpu.vector_load %arg8[%parallel_loop3A_295, %parallel_loop3A_296] {strides = array<i32>} : memref<200x256xf32, #tpu.memory_space<vmem>>, vector<1x16xf32>,
          %parallel_loop3A_298 = vector.shape_cast %parallel_loop3A_297 : vector<1x16xf32> to vector<16xf32>
          %parallel_loop3A_299 = arith.index_cast %parallel_loop3A_193 : i32 to index
          %parallel_loop3A_300 = arith.constant 160 : index
          %parallel_loop3A_301 = tpu.vector_load %arg12[%parallel_loop3A_299, %parallel_loop3A_300] {strides = array<i32>} : memref<40x256xf32, #tpu.memory_space<vmem>>, vector<1x16xf32>,
          %parallel_loop3A_302 = vector.shape_cast %parallel_loop3A_301 : vector<1x16xf32> to vector<16xf32>
          %parallel_loop3A_303 = vector.shape_cast %parallel_loop3A_298 : vector<16xf32> to vector<1x16xf32>
          tpu.vector_store %arg12[%parallel_loop3A_299, %parallel_loop3A_300], %parallel_loop3A_303 {add = true, strides = array<i32>} : memref<40x256xf32, #tpu.memory_space<vmem>>, vector<1x16xf32>,
          %parallel_loop3A_304 = arith.addi %while3A_127, %parallel_loop3A_193 : i32
          %parallel_loop3A_305 = arith.index_cast %parallel_loop3A_304 : i32 to index
          %parallel_loop3A_306 = arith.constant 176 : index
          %parallel_loop3A_307 = tpu.vector_load %arg8[%parallel_loop3A_305, %parallel_loop3A_306] {strides = array<i32>} : memref<200x256xf32, #tpu.memory_space<vmem>>, vector<1x16xf32>,
          %parallel_loop3A_308 = vector.shape_cast %parallel_loop3A_307 : vector<1x16xf32> to vector<16xf32>
          %parallel_loop3A_309 = arith.index_cast %parallel_loop3A_193 : i32 to index
          %parallel_loop3A_310 = arith.constant 176 : index
          %parallel_loop3A_311 = tpu.vector_load %arg12[%parallel_loop3A_309, %parallel_loop3A_310] {strides = array<i32>} : memref<40x256xf32, #tpu.memory_space<vmem>>, vector<1x16xf32>,
          %parallel_loop3A_312 = vector.shape_cast %parallel_loop3A_311 : vector<1x16xf32> to vector<16xf32>
          %parallel_loop3A_313 = vector.shape_cast %parallel_loop3A_308 : vector<16xf32> to vector<1x16xf32>
          tpu.vector_store %arg12[%parallel_loop3A_309, %parallel_loop3A_310], %parallel_loop3A_313 {add = true, strides = array<i32>} : memref<40x256xf32, #tpu.memory_space<vmem>>, vector<1x16xf32>,
          %parallel_loop3A_314 = arith.addi %while3A_127, %parallel_loop3A_193 : i32
          %parallel_loop3A_315 = arith.index_cast %parallel_loop3A_314 : i32 to index
          %parallel_loop3A_316 = arith.constant 192 : index
          %parallel_loop3A_317 = tpu.vector_load %arg8[%parallel_loop3A_315, %parallel_loop3A_316] {strides = array<i32>} : memref<200x256xf32, #tpu.memory_space<vmem>>, vector<1x16xf32>,
          %parallel_loop3A_318 = vector.shape_cast %parallel_loop3A_317 : vector<1x16xf32> to vector<16xf32>
          %parallel_loop3A_319 = arith.index_cast %parallel_loop3A_193 : i32 to index
          %parallel_loop3A_320 = arith.constant 192 : index
          %parallel_loop3A_321 = tpu.vector_load %arg12[%parallel_loop3A_319, %parallel_loop3A_320] {strides = array<i32>} : memref<40x256xf32, #tpu.memory_space<vmem>>, vector<1x16xf32>,
          %parallel_loop3A_322 = vector.shape_cast %parallel_loop3A_321 : vector<1x16xf32> to vector<16xf32>
          %parallel_loop3A_323 = vector.shape_cast %parallel_loop3A_318 : vector<16xf32> to vector<1x16xf32>
          tpu.vector_store %arg12[%parallel_loop3A_319, %parallel_loop3A_320], %parallel_loop3A_323 {add = true, strides = array<i32>} : memref<40x256xf32, #tpu.memory_space<vmem>>, vector<1x16xf32>,
          %parallel_loop3A_324 = arith.addi %while3A_127, %parallel_loop3A_193 : i32
          %parallel_loop3A_325 = arith.index_cast %parallel_loop3A_324 : i32 to index
          %parallel_loop3A_326 = arith.constant 208 : index
          %parallel_loop3A_327 = tpu.vector_load %arg8[%parallel_loop3A_325, %parallel_loop3A_326] {strides = array<i32>} : memref<200x256xf32, #tpu.memory_space<vmem>>, vector<1x16xf32>,
          %parallel_loop3A_328 = vector.shape_cast %parallel_loop3A_327 : vector<1x16xf32> to vector<16xf32>
          %parallel_loop3A_329 = arith.index_cast %parallel_loop3A_193 : i32 to index
          %parallel_loop3A_330 = arith.constant 208 : index
          %parallel_loop3A_331 = tpu.vector_load %arg12[%parallel_loop3A_329, %parallel_loop3A_330] {strides = array<i32>} : memref<40x256xf32, #tpu.memory_space<vmem>>, vector<1x16xf32>,
          %parallel_loop3A_332 = vector.shape_cast %parallel_loop3A_331 : vector<1x16xf32> to vector<16xf32>
          %parallel_loop3A_333 = vector.shape_cast %parallel_loop3A_328 : vector<16xf32> to vector<1x16xf32>
          tpu.vector_store %arg12[%parallel_loop3A_329, %parallel_loop3A_330], %parallel_loop3A_333 {add = true, strides = array<i32>} : memref<40x256xf32, #tpu.memory_space<vmem>>, vector<1x16xf32>,
          %parallel_loop3A_334 = arith.addi %while3A_127, %parallel_loop3A_193 : i32
          %parallel_loop3A_335 = arith.index_cast %parallel_loop3A_334 : i32 to index
          %parallel_loop3A_336 = arith.constant 224 : index
          %parallel_loop3A_337 = tpu.vector_load %arg8[%parallel_loop3A_335, %parallel_loop3A_336] {strides = array<i32>} : memref<200x256xf32, #tpu.memory_space<vmem>>, vector<1x16xf32>,
          %parallel_loop3A_338 = vector.shape_cast %parallel_loop3A_337 : vector<1x16xf32> to vector<16xf32>
          %parallel_loop3A_339 = arith.index_cast %parallel_loop3A_193 : i32 to index
          %parallel_loop3A_340 = arith.constant 224 : index
          %parallel_loop3A_341 = tpu.vector_load %arg12[%parallel_loop3A_339, %parallel_loop3A_340] {strides = array<i32>} : memref<40x256xf32, #tpu.memory_space<vmem>>, vector<1x16xf32>,
          %parallel_loop3A_342 = vector.shape_cast %parallel_loop3A_341 : vector<1x16xf32> to vector<16xf32>
          %parallel_loop3A_343 = vector.shape_cast %parallel_loop3A_338 : vector<16xf32> to vector<1x16xf32>
          tpu.vector_store %arg12[%parallel_loop3A_339, %parallel_loop3A_340], %parallel_loop3A_343 {add = true, strides = array<i32>} : memref<40x256xf32, #tpu.memory_space<vmem>>, vector<1x16xf32>,
          %parallel_loop3A_344 = arith.addi %while3A_127, %parallel_loop3A_193 : i32
          %parallel_loop3A_345 = arith.index_cast %parallel_loop3A_344 : i32 to index
          %parallel_loop3A_346 = arith.constant 240 : index
          %parallel_loop3A_347 = tpu.vector_load %arg8[%parallel_loop3A_345, %parallel_loop3A_346] {strides = array<i32>} : memref<200x256xf32, #tpu.memory_space<vmem>>, vector<1x16xf32>,
          %parallel_loop3A_348 = vector.shape_cast %parallel_loop3A_347 : vector<1x16xf32> to vector<16xf32>
          %parallel_loop3A_349 = arith.index_cast %parallel_loop3A_193 : i32 to index
          %parallel_loop3A_350 = arith.constant 240 : index
          %parallel_loop3A_351 = tpu.vector_load %arg12[%parallel_loop3A_349, %parallel_loop3A_350] {strides = array<i32>} : memref<40x256xf32, #tpu.memory_space<vmem>>, vector<1x16xf32>,
          %parallel_loop3A_352 = vector.shape_cast %parallel_loop3A_351 : vector<1x16xf32> to vector<16xf32>
          %parallel_loop3A_353 = vector.shape_cast %parallel_loop3A_348 : vector<16xf32> to vector<1x16xf32>
          tpu.vector_store %arg12[%parallel_loop3A_349, %parallel_loop3A_350], %parallel_loop3A_353 {add = true, strides = array<i32>} : memref<40x256xf32, #tpu.memory_space<vmem>>, vector<1x16xf32>,
        } {sc.loop_unroll_factor = 2 : i64, sc.parallel_access}
        %mul3A_185 = arith.constant 40 : i32
        %mul3A_186 = arith.muli %while3A_124, %mul3A_185 : i32
        %add3A_187 = arith.addi %squeeze3A, %mul3A_186 : i32
        %multiple_of3A_188 = tpu.assume_multiple %add3A_187, 8 : i32
        %dma_start3A_189 = arith.constant 0 : i32
        %dma_start3A_190 = tpu.memref_slice %arg7[%multiple_of3A_188, %dma_start3A_189] : memref<80000x256xf32, #tpu.memory_space<hbm>> -> memref<40x256xf32, #tpu.memory_space<hbm>>
        %dma_start3A_191 = arith.constant 0 : i32
        %dma_start3A_192 = tpu.memref_slice %arg7[%multiple_of3A_188, %dma_start3A_191] : memref<80000x256xf32, #tpu.memory_space<hbm>> -> memref<40x256xf32, #tpu.memory_space<hbm>>
        tpu.enqueue_dma source(%arg12 : memref<40x256xf32, #tpu.memory_space<vmem>>) target(%dma_start3A_192 : memref<40x256xf32, #tpu.memory_space<hbm>>) target_semaphore(%arg20 : memref<!tpu.dma_semaphore, #tpu.memory_space<semaphore_mem>>)
      } else {
      }
      %eq3A_135 = arith.constant 1 : i32
      %eq3A_136 = arith.cmpi eq, %and3A_129, %eq3A_135 : i32
      %convert_element_type3A_137 = arith.extui %eq3A_136 : i1 to i32
      %cond3A_138 = arith.constant 0 : i32
      %cond3A_139 = arith.cmpi ne, %convert_element_type3A_137, %cond3A_138 : i32
      scf.if %cond3A_139 {
        %dma_wait3A = arith.constant 0 : i32
        %dma_wait3A_168 = arith.constant 0 : i32
        %dma_wait3A_169 = tpu.memref_slice %arg2[%dma_wait3A, %dma_wait3A_168] : memref<80000x256xf32, #tpu.memory_space<hbm>> -> memref<40x256xf32, #tpu.memory_space<hbm>>
        %dma_wait3A_170 = arith.constant 0 : i32
        %dma_wait3A_171 = arith.constant 0 : i32
        %dma_wait3A_172 = tpu.memref_slice %arg2[%dma_wait3A_170, %dma_wait3A_171] : memref<80000x256xf32, #tpu.memory_space<hbm>> -> memref<40x256xf32, #tpu.memory_space<hbm>>
        tpu.wait_dma2 semaphore(%arg17 : memref<!tpu.dma_semaphore, #tpu.memory_space<semaphore_mem>>) src(%dma_wait3A_172 : memref<40x256xf32, #tpu.memory_space<hbm>>) dst(%arg13 : memref<40x256xf32, #tpu.memory_space<vmem>>)
        %gt3A = arith.constant 1 : i32
        %gt3A_173 = arith.cmpi sgt, %while3A_124, %gt3A : i32
        %convert_element_type3A_174 = arith.extui %gt3A_173 : i1 to i32
        %cond3A_175 = arith.constant 0 : i32
        %cond3A_176 = arith.cmpi ne, %convert_element_type3A_174, %cond3A_175 : i32
        scf.if %cond3A_176 {
          %dma_wait3A_193 = arith.constant 0 : i32
          %dma_wait3A_194 = arith.constant 0 : i32
          %dma_wait3A_195 = tpu.memref_slice %arg7[%dma_wait3A_193, %dma_wait3A_194] : memref<80000x256xf32, #tpu.memory_space<hbm>> -> memref<40x256xf32, #tpu.memory_space<hbm>>
          %dma_wait3A_196 = arith.constant 0 : i32
          %dma_wait3A_197 = arith.constant 0 : i32
          %dma_wait3A_198 = tpu.memref_slice %arg7[%dma_wait3A_196, %dma_wait3A_197] : memref<80000x256xf32, #tpu.memory_space<hbm>> -> memref<40x256xf32, #tpu.memory_space<hbm>>
          tpu.wait_dma2 semaphore(%arg23 : memref<!tpu.dma_semaphore, #tpu.memory_space<semaphore_mem>>) src(%arg15 : memref<40x256xf32, #tpu.memory_space<vmem>>) dst(%dma_wait3A_198 : memref<40x256xf32, #tpu.memory_space<hbm>>)
        } else {
        }
        %add3A_177 = arith.constant 2 : i32
        %add3A_178 = arith.addi %while3A_124, %add3A_177 : i32
        %lt3A = arith.cmpi slt, %add3A_178, %squeeze3A_5 : i32
        %convert_element_type3A_179 = arith.extui %lt3A : i1 to i32
        %cond3A_180 = arith.constant 0 : i32
        %cond3A_181 = arith.cmpi ne, %convert_element_type3A_179, %cond3A_180 : i32
        scf.if %cond3A_181 {
          %add3A_193 = arith.constant 2 : i32
          %add3A_194 = arith.addi %while3A_124, %add3A_193 : i32
          %mul3A_195 = arith.constant 40 : i32
          %mul3A_196 = arith.muli %add3A_194, %mul3A_195 : i32
          %add3A_197 = arith.addi %squeeze3A, %mul3A_196 : i32
          %multiple_of3A_198 = tpu.assume_multiple %add3A_197, 8 : i32
          %dma_start3A_199 = arith.constant 0 : i32
          %dma_start3A_200 = tpu.memref_slice %arg2[%multiple_of3A_198, %dma_start3A_199] : memref<80000x256xf32, #tpu.memory_space<hbm>> -> memref<40x256xf32, #tpu.memory_space<hbm>>
          %dma_start3A_201 = arith.constant 0 : i32
          %dma_start3A_202 = tpu.memref_slice %arg2[%multiple_of3A_198, %dma_start3A_201] : memref<80000x256xf32, #tpu.memory_space<hbm>> -> memref<40x256xf32, #tpu.memory_space<hbm>>
          tpu.enqueue_dma source(%dma_start3A_202 : memref<40x256xf32, #tpu.memory_space<hbm>>) target(%arg15 : memref<40x256xf32, #tpu.memory_space<vmem>>) target_semaphore(%arg19 : memref<!tpu.dma_semaphore, #tpu.memory_space<semaphore_mem>>)
        } else {
        }
        %parallel_loop3A_182 = arith.constant 0 : i32
        %parallel_loop3A_183 = arith.constant 40 : i32
        %parallel_loop3A_184 = arith.constant 1 : i32
        scf.for %parallel_loop3A_193 = %parallel_loop3A_182 to %parallel_loop3A_183 step %parallel_loop3A_184  : i32 {
          %parallel_loop3A_194 = arith.addi %while3A_127, %parallel_loop3A_193 : i32
          %parallel_loop3A_195 = arith.index_cast %parallel_loop3A_194 : i32 to index
          %parallel_loop3A_196 = arith.constant 0 : index
          %parallel_loop3A_197 = tpu.vector_load %arg8[%parallel_loop3A_195, %parallel_loop3A_196] {strides = array<i32>} : memref<200x256xf32, #tpu.memory_space<vmem>>, vector<1x16xf32>,
          %parallel_loop3A_198 = vector.shape_cast %parallel_loop3A_197 : vector<1x16xf32> to vector<16xf32>
          %parallel_loop3A_199 = arith.index_cast %parallel_loop3A_193 : i32 to index
          %parallel_loop3A_200 = arith.constant 0 : index
          %parallel_loop3A_201 = tpu.vector_load %arg13[%parallel_loop3A_199, %parallel_loop3A_200] {strides = array<i32>} : memref<40x256xf32, #tpu.memory_space<vmem>>, vector<1x16xf32>,
          %parallel_loop3A_202 = vector.shape_cast %parallel_loop3A_201 : vector<1x16xf32> to vector<16xf32>
          %parallel_loop3A_203 = vector.shape_cast %parallel_loop3A_198 : vector<16xf32> to vector<1x16xf32>
          tpu.vector_store %arg13[%parallel_loop3A_199, %parallel_loop3A_200], %parallel_loop3A_203 {add = true, strides = array<i32>} : memref<40x256xf32, #tpu.memory_space<vmem>>, vector<1x16xf32>,
          %parallel_loop3A_204 = arith.addi %while3A_127, %parallel_loop3A_193 : i32
          %parallel_loop3A_205 = arith.index_cast %parallel_loop3A_204 : i32 to index
          %parallel_loop3A_206 = arith.constant 16 : index
          %parallel_loop3A_207 = tpu.vector_load %arg8[%parallel_loop3A_205, %parallel_loop3A_206] {strides = array<i32>} : memref<200x256xf32, #tpu.memory_space<vmem>>, vector<1x16xf32>,
          %parallel_loop3A_208 = vector.shape_cast %parallel_loop3A_207 : vector<1x16xf32> to vector<16xf32>
          %parallel_loop3A_209 = arith.index_cast %parallel_loop3A_193 : i32 to index
          %parallel_loop3A_210 = arith.constant 16 : index
          %parallel_loop3A_211 = tpu.vector_load %arg13[%parallel_loop3A_209, %parallel_loop3A_210] {strides = array<i32>} : memref<40x256xf32, #tpu.memory_space<vmem>>, vector<1x16xf32>,
          %parallel_loop3A_212 = vector.shape_cast %parallel_loop3A_211 : vector<1x16xf32> to vector<16xf32>
          %parallel_loop3A_213 = vector.shape_cast %parallel_loop3A_208 : vector<16xf32> to vector<1x16xf32>
          tpu.vector_store %arg13[%parallel_loop3A_209, %parallel_loop3A_210], %parallel_loop3A_213 {add = true, strides = array<i32>} : memref<40x256xf32, #tpu.memory_space<vmem>>, vector<1x16xf32>,
          %parallel_loop3A_214 = arith.addi %while3A_127, %parallel_loop3A_193 : i32
          %parallel_loop3A_215 = arith.index_cast %parallel_loop3A_214 : i32 to index
          %parallel_loop3A_216 = arith.constant 32 : index
          %parallel_loop3A_217 = tpu.vector_load %arg8[%parallel_loop3A_215, %parallel_loop3A_216] {strides = array<i32>} : memref<200x256xf32, #tpu.memory_space<vmem>>, vector<1x16xf32>,
          %parallel_loop3A_218 = vector.shape_cast %parallel_loop3A_217 : vector<1x16xf32> to vector<16xf32>
          %parallel_loop3A_219 = arith.index_cast %parallel_loop3A_193 : i32 to index
          %parallel_loop3A_220 = arith.constant 32 : index
          %parallel_loop3A_221 = tpu.vector_load %arg13[%parallel_loop3A_219, %parallel_loop3A_220] {strides = array<i32>} : memref<40x256xf32, #tpu.memory_space<vmem>>, vector<1x16xf32>,
          %parallel_loop3A_222 = vector.shape_cast %parallel_loop3A_221 : vector<1x16xf32> to vector<16xf32>
          %parallel_loop3A_223 = vector.shape_cast %parallel_loop3A_218 : vector<16xf32> to vector<1x16xf32>
          tpu.vector_store %arg13[%parallel_loop3A_219, %parallel_loop3A_220], %parallel_loop3A_223 {add = true, strides = array<i32>} : memref<40x256xf32, #tpu.memory_space<vmem>>, vector<1x16xf32>,
          %parallel_loop3A_224 = arith.addi %while3A_127, %parallel_loop3A_193 : i32
          %parallel_loop3A_225 = arith.index_cast %parallel_loop3A_224 : i32 to index
          %parallel_loop3A_226 = arith.constant 48 : index
          %parallel_loop3A_227 = tpu.vector_load %arg8[%parallel_loop3A_225, %parallel_loop3A_226] {strides = array<i32>} : memref<200x256xf32, #tpu.memory_space<vmem>>, vector<1x16xf32>,
          %parallel_loop3A_228 = vector.shape_cast %parallel_loop3A_227 : vector<1x16xf32> to vector<16xf32>
          %parallel_loop3A_229 = arith.index_cast %parallel_loop3A_193 : i32 to index
          %parallel_loop3A_230 = arith.constant 48 : index
          %parallel_loop3A_231 = tpu.vector_load %arg13[%parallel_loop3A_229, %parallel_loop3A_230] {strides = array<i32>} : memref<40x256xf32, #tpu.memory_space<vmem>>, vector<1x16xf32>,
          %parallel_loop3A_232 = vector.shape_cast %parallel_loop3A_231 : vector<1x16xf32> to vector<16xf32>
          %parallel_loop3A_233 = vector.shape_cast %parallel_loop3A_228 : vector<16xf32> to vector<1x16xf32>
          tpu.vector_store %arg13[%parallel_loop3A_229, %parallel_loop3A_230], %parallel_loop3A_233 {add = true, strides = array<i32>} : memref<40x256xf32, #tpu.memory_space<vmem>>, vector<1x16xf32>,
          %parallel_loop3A_234 = arith.addi %while3A_127, %parallel_loop3A_193 : i32
          %parallel_loop3A_235 = arith.index_cast %parallel_loop3A_234 : i32 to index
          %parallel_loop3A_236 = arith.constant 64 : index
          %parallel_loop3A_237 = tpu.vector_load %arg8[%parallel_loop3A_235, %parallel_loop3A_236] {strides = array<i32>} : memref<200x256xf32, #tpu.memory_space<vmem>>, vector<1x16xf32>,
          %parallel_loop3A_238 = vector.shape_cast %parallel_loop3A_237 : vector<1x16xf32> to vector<16xf32>
          %parallel_loop3A_239 = arith.index_cast %parallel_loop3A_193 : i32 to index
          %parallel_loop3A_240 = arith.constant 64 : index
          %parallel_loop3A_241 = tpu.vector_load %arg13[%parallel_loop3A_239, %parallel_loop3A_240] {strides = array<i32>} : memref<40x256xf32, #tpu.memory_space<vmem>>, vector<1x16xf32>,
          %parallel_loop3A_242 = vector.shape_cast %parallel_loop3A_241 : vector<1x16xf32> to vector<16xf32>
          %parallel_loop3A_243 = vector.shape_cast %parallel_loop3A_238 : vector<16xf32> to vector<1x16xf32>
          tpu.vector_store %arg13[%parallel_loop3A_239, %parallel_loop3A_240], %parallel_loop3A_243 {add = true, strides = array<i32>} : memref<40x256xf32, #tpu.memory_space<vmem>>, vector<1x16xf32>,
          %parallel_loop3A_244 = arith.addi %while3A_127, %parallel_loop3A_193 : i32
          %parallel_loop3A_245 = arith.index_cast %parallel_loop3A_244 : i32 to index
          %parallel_loop3A_246 = arith.constant 80 : index
          %parallel_loop3A_247 = tpu.vector_load %arg8[%parallel_loop3A_245, %parallel_loop3A_246] {strides = array<i32>} : memref<200x256xf32, #tpu.memory_space<vmem>>, vector<1x16xf32>,
          %parallel_loop3A_248 = vector.shape_cast %parallel_loop3A_247 : vector<1x16xf32> to vector<16xf32>
          %parallel_loop3A_249 = arith.index_cast %parallel_loop3A_193 : i32 to index
          %parallel_loop3A_250 = arith.constant 80 : index
          %parallel_loop3A_251 = tpu.vector_load %arg13[%parallel_loop3A_249, %parallel_loop3A_250] {strides = array<i32>} : memref<40x256xf32, #tpu.memory_space<vmem>>, vector<1x16xf32>,
          %parallel_loop3A_252 = vector.shape_cast %parallel_loop3A_251 : vector<1x16xf32> to vector<16xf32>
          %parallel_loop3A_253 = vector.shape_cast %parallel_loop3A_248 : vector<16xf32> to vector<1x16xf32>
          tpu.vector_store %arg13[%parallel_loop3A_249, %parallel_loop3A_250], %parallel_loop3A_253 {add = true, strides = array<i32>} : memref<40x256xf32, #tpu.memory_space<vmem>>, vector<1x16xf32>,
          %parallel_loop3A_254 = arith.addi %while3A_127, %parallel_loop3A_193 : i32
          %parallel_loop3A_255 = arith.index_cast %parallel_loop3A_254 : i32 to index
          %parallel_loop3A_256 = arith.constant 96 : index
          %parallel_loop3A_257 = tpu.vector_load %arg8[%parallel_loop3A_255, %parallel_loop3A_256] {strides = array<i32>} : memref<200x256xf32, #tpu.memory_space<vmem>>, vector<1x16xf32>,
          %parallel_loop3A_258 = vector.shape_cast %parallel_loop3A_257 : vector<1x16xf32> to vector<16xf32>
          %parallel_loop3A_259 = arith.index_cast %parallel_loop3A_193 : i32 to index
          %parallel_loop3A_260 = arith.constant 96 : index
          %parallel_loop3A_261 = tpu.vector_load %arg13[%parallel_loop3A_259, %parallel_loop3A_260] {strides = array<i32>} : memref<40x256xf32, #tpu.memory_space<vmem>>, vector<1x16xf32>,
          %parallel_loop3A_262 = vector.shape_cast %parallel_loop3A_261 : vector<1x16xf32> to vector<16xf32>
          %parallel_loop3A_263 = vector.shape_cast %parallel_loop3A_258 : vector<16xf32> to vector<1x16xf32>
          tpu.vector_store %arg13[%parallel_loop3A_259, %parallel_loop3A_260], %parallel_loop3A_263 {add = true, strides = array<i32>} : memref<40x256xf32, #tpu.memory_space<vmem>>, vector<1x16xf32>,
          %parallel_loop3A_264 = arith.addi %while3A_127, %parallel_loop3A_193 : i32
          %parallel_loop3A_265 = arith.index_cast %parallel_loop3A_264 : i32 to index
          %parallel_loop3A_266 = arith.constant 112 : index
          %parallel_loop3A_267 = tpu.vector_load %arg8[%parallel_loop3A_265, %parallel_loop3A_266] {strides = array<i32>} : memref<200x256xf32, #tpu.memory_space<vmem>>, vector<1x16xf32>,
          %parallel_loop3A_268 = vector.shape_cast %parallel_loop3A_267 : vector<1x16xf32> to vector<16xf32>
          %parallel_loop3A_269 = arith.index_cast %parallel_loop3A_193 : i32 to index
          %parallel_loop3A_270 = arith.constant 112 : index
          %parallel_loop3A_271 = tpu.vector_load %arg13[%parallel_loop3A_269, %parallel_loop3A_270] {strides = array<i32>} : memref<40x256xf32, #tpu.memory_space<vmem>>, vector<1x16xf32>,
          %parallel_loop3A_272 = vector.shape_cast %parallel_loop3A_271 : vector<1x16xf32> to vector<16xf32>
          %parallel_loop3A_273 = vector.shape_cast %parallel_loop3A_268 : vector<16xf32> to vector<1x16xf32>
          tpu.vector_store %arg13[%parallel_loop3A_269, %parallel_loop3A_270], %parallel_loop3A_273 {add = true, strides = array<i32>} : memref<40x256xf32, #tpu.memory_space<vmem>>, vector<1x16xf32>,
          %parallel_loop3A_274 = arith.addi %while3A_127, %parallel_loop3A_193 : i32
          %parallel_loop3A_275 = arith.index_cast %parallel_loop3A_274 : i32 to index
          %parallel_loop3A_276 = arith.constant 128 : index
          %parallel_loop3A_277 = tpu.vector_load %arg8[%parallel_loop3A_275, %parallel_loop3A_276] {strides = array<i32>} : memref<200x256xf32, #tpu.memory_space<vmem>>, vector<1x16xf32>,
          %parallel_loop3A_278 = vector.shape_cast %parallel_loop3A_277 : vector<1x16xf32> to vector<16xf32>
          %parallel_loop3A_279 = arith.index_cast %parallel_loop3A_193 : i32 to index
          %parallel_loop3A_280 = arith.constant 128 : index
          %parallel_loop3A_281 = tpu.vector_load %arg13[%parallel_loop3A_279, %parallel_loop3A_280] {strides = array<i32>} : memref<40x256xf32, #tpu.memory_space<vmem>>, vector<1x16xf32>,
          %parallel_loop3A_282 = vector.shape_cast %parallel_loop3A_281 : vector<1x16xf32> to vector<16xf32>
          %parallel_loop3A_283 = vector.shape_cast %parallel_loop3A_278 : vector<16xf32> to vector<1x16xf32>
          tpu.vector_store %arg13[%parallel_loop3A_279, %parallel_loop3A_280], %parallel_loop3A_283 {add = true, strides = array<i32>} : memref<40x256xf32, #tpu.memory_space<vmem>>, vector<1x16xf32>,
          %parallel_loop3A_284 = arith.addi %while3A_127, %parallel_loop3A_193 : i32
          %parallel_loop3A_285 = arith.index_cast %parallel_loop3A_284 : i32 to index
          %parallel_loop3A_286 = arith.constant 144 : index
          %parallel_loop3A_287 = tpu.vector_load %arg8[%parallel_loop3A_285, %parallel_loop3A_286] {strides = array<i32>} : memref<200x256xf32, #tpu.memory_space<vmem>>, vector<1x16xf32>,
          %parallel_loop3A_288 = vector.shape_cast %parallel_loop3A_287 : vector<1x16xf32> to vector<16xf32>
          %parallel_loop3A_289 = arith.index_cast %parallel_loop3A_193 : i32 to index
          %parallel_loop3A_290 = arith.constant 144 : index
          %parallel_loop3A_291 = tpu.vector_load %arg13[%parallel_loop3A_289, %parallel_loop3A_290] {strides = array<i32>} : memref<40x256xf32, #tpu.memory_space<vmem>>, vector<1x16xf32>,
          %parallel_loop3A_292 = vector.shape_cast %parallel_loop3A_291 : vector<1x16xf32> to vector<16xf32>
          %parallel_loop3A_293 = vector.shape_cast %parallel_loop3A_288 : vector<16xf32> to vector<1x16xf32>
          tpu.vector_store %arg13[%parallel_loop3A_289, %parallel_loop3A_290], %parallel_loop3A_293 {add = true, strides = array<i32>} : memref<40x256xf32, #tpu.memory_space<vmem>>, vector<1x16xf32>,
          %parallel_loop3A_294 = arith.addi %while3A_127, %parallel_loop3A_193 : i32
          %parallel_loop3A_295 = arith.index_cast %parallel_loop3A_294 : i32 to index
          %parallel_loop3A_296 = arith.constant 160 : index
          %parallel_loop3A_297 = tpu.vector_load %arg8[%parallel_loop3A_295, %parallel_loop3A_296] {strides = array<i32>} : memref<200x256xf32, #tpu.memory_space<vmem>>, vector<1x16xf32>,
          %parallel_loop3A_298 = vector.shape_cast %parallel_loop3A_297 : vector<1x16xf32> to vector<16xf32>
          %parallel_loop3A_299 = arith.index_cast %parallel_loop3A_193 : i32 to index
          %parallel_loop3A_300 = arith.constant 160 : index
          %parallel_loop3A_301 = tpu.vector_load %arg13[%parallel_loop3A_299, %parallel_loop3A_300] {strides = array<i32>} : memref<40x256xf32, #tpu.memory_space<vmem>>, vector<1x16xf32>,
          %parallel_loop3A_302 = vector.shape_cast %parallel_loop3A_301 : vector<1x16xf32> to vector<16xf32>
          %parallel_loop3A_303 = vector.shape_cast %parallel_loop3A_298 : vector<16xf32> to vector<1x16xf32>
          tpu.vector_store %arg13[%parallel_loop3A_299, %parallel_loop3A_300], %parallel_loop3A_303 {add = true, strides = array<i32>} : memref<40x256xf32, #tpu.memory_space<vmem>>, vector<1x16xf32>,
          %parallel_loop3A_304 = arith.addi %while3A_127, %parallel_loop3A_193 : i32
          %parallel_loop3A_305 = arith.index_cast %parallel_loop3A_304 : i32 to index
          %parallel_loop3A_306 = arith.constant 176 : index
          %parallel_loop3A_307 = tpu.vector_load %arg8[%parallel_loop3A_305, %parallel_loop3A_306] {strides = array<i32>} : memref<200x256xf32, #tpu.memory_space<vmem>>, vector<1x16xf32>,
          %parallel_loop3A_308 = vector.shape_cast %parallel_loop3A_307 : vector<1x16xf32> to vector<16xf32>
          %parallel_loop3A_309 = arith.index_cast %parallel_loop3A_193 : i32 to index
          %parallel_loop3A_310 = arith.constant 176 : index
          %parallel_loop3A_311 = tpu.vector_load %arg13[%parallel_loop3A_309, %parallel_loop3A_310] {strides = array<i32>} : memref<40x256xf32, #tpu.memory_space<vmem>>, vector<1x16xf32>,
          %parallel_loop3A_312 = vector.shape_cast %parallel_loop3A_311 : vector<1x16xf32> to vector<16xf32>
          %parallel_loop3A_313 = vector.shape_cast %parallel_loop3A_308 : vector<16xf32> to vector<1x16xf32>
          tpu.vector_store %arg13[%parallel_loop3A_309, %parallel_loop3A_310], %parallel_loop3A_313 {add = true, strides = array<i32>} : memref<40x256xf32, #tpu.memory_space<vmem>>, vector<1x16xf32>,
          %parallel_loop3A_314 = arith.addi %while3A_127, %parallel_loop3A_193 : i32
          %parallel_loop3A_315 = arith.index_cast %parallel_loop3A_314 : i32 to index
          %parallel_loop3A_316 = arith.constant 192 : index
          %parallel_loop3A_317 = tpu.vector_load %arg8[%parallel_loop3A_315, %parallel_loop3A_316] {strides = array<i32>} : memref<200x256xf32, #tpu.memory_space<vmem>>, vector<1x16xf32>,
          %parallel_loop3A_318 = vector.shape_cast %parallel_loop3A_317 : vector<1x16xf32> to vector<16xf32>
          %parallel_loop3A_319 = arith.index_cast %parallel_loop3A_193 : i32 to index
          %parallel_loop3A_320 = arith.constant 192 : index
          %parallel_loop3A_321 = tpu.vector_load %arg13[%parallel_loop3A_319, %parallel_loop3A_320] {strides = array<i32>} : memref<40x256xf32, #tpu.memory_space<vmem>>, vector<1x16xf32>,
          %parallel_loop3A_322 = vector.shape_cast %parallel_loop3A_321 : vector<1x16xf32> to vector<16xf32>
          %parallel_loop3A_323 = vector.shape_cast %parallel_loop3A_318 : vector<16xf32> to vector<1x16xf32>
          tpu.vector_store %arg13[%parallel_loop3A_319, %parallel_loop3A_320], %parallel_loop3A_323 {add = true, strides = array<i32>} : memref<40x256xf32, #tpu.memory_space<vmem>>, vector<1x16xf32>,
          %parallel_loop3A_324 = arith.addi %while3A_127, %parallel_loop3A_193 : i32
          %parallel_loop3A_325 = arith.index_cast %parallel_loop3A_324 : i32 to index
          %parallel_loop3A_326 = arith.constant 208 : index
          %parallel_loop3A_327 = tpu.vector_load %arg8[%parallel_loop3A_325, %parallel_loop3A_326] {strides = array<i32>} : memref<200x256xf32, #tpu.memory_space<vmem>>, vector<1x16xf32>,
          %parallel_loop3A_328 = vector.shape_cast %parallel_loop3A_327 : vector<1x16xf32> to vector<16xf32>
          %parallel_loop3A_329 = arith.index_cast %parallel_loop3A_193 : i32 to index
          %parallel_loop3A_330 = arith.constant 208 : index
          %parallel_loop3A_331 = tpu.vector_load %arg13[%parallel_loop3A_329, %parallel_loop3A_330] {strides = array<i32>} : memref<40x256xf32, #tpu.memory_space<vmem>>, vector<1x16xf32>,
          %parallel_loop3A_332 = vector.shape_cast %parallel_loop3A_331 : vector<1x16xf32> to vector<16xf32>
          %parallel_loop3A_333 = vector.shape_cast %parallel_loop3A_328 : vector<16xf32> to vector<1x16xf32>
          tpu.vector_store %arg13[%parallel_loop3A_329, %parallel_loop3A_330], %parallel_loop3A_333 {add = true, strides = array<i32>} : memref<40x256xf32, #tpu.memory_space<vmem>>, vector<1x16xf32>,
          %parallel_loop3A_334 = arith.addi %while3A_127, %parallel_loop3A_193 : i32
          %parallel_loop3A_335 = arith.index_cast %parallel_loop3A_334 : i32 to index
          %parallel_loop3A_336 = arith.constant 224 : index
          %parallel_loop3A_337 = tpu.vector_load %arg8[%parallel_loop3A_335, %parallel_loop3A_336] {strides = array<i32>} : memref<200x256xf32, #tpu.memory_space<vmem>>, vector<1x16xf32>,
          %parallel_loop3A_338 = vector.shape_cast %parallel_loop3A_337 : vector<1x16xf32> to vector<16xf32>
          %parallel_loop3A_339 = arith.index_cast %parallel_loop3A_193 : i32 to index
          %parallel_loop3A_340 = arith.constant 224 : index
          %parallel_loop3A_341 = tpu.vector_load %arg13[%parallel_loop3A_339, %parallel_loop3A_340] {strides = array<i32>} : memref<40x256xf32, #tpu.memory_space<vmem>>, vector<1x16xf32>,
          %parallel_loop3A_342 = vector.shape_cast %parallel_loop3A_341 : vector<1x16xf32> to vector<16xf32>
          %parallel_loop3A_343 = vector.shape_cast %parallel_loop3A_338 : vector<16xf32> to vector<1x16xf32>
          tpu.vector_store %arg13[%parallel_loop3A_339, %parallel_loop3A_340], %parallel_loop3A_343 {add = true, strides = array<i32>} : memref<40x256xf32, #tpu.memory_space<vmem>>, vector<1x16xf32>,
          %parallel_loop3A_344 = arith.addi %while3A_127, %parallel_loop3A_193 : i32
          %parallel_loop3A_345 = arith.index_cast %parallel_loop3A_344 : i32 to index
          %parallel_loop3A_346 = arith.constant 240 : index
          %parallel_loop3A_347 = tpu.vector_load %arg8[%parallel_loop3A_345, %parallel_loop3A_346] {strides = array<i32>} : memref<200x256xf32, #tpu.memory_space<vmem>>, vector<1x16xf32>,
          %parallel_loop3A_348 = vector.shape_cast %parallel_loop3A_347 : vector<1x16xf32> to vector<16xf32>
          %parallel_loop3A_349 = arith.index_cast %parallel_loop3A_193 : i32 to index
          %parallel_loop3A_350 = arith.constant 240 : index
          %parallel_loop3A_351 = tpu.vector_load %arg13[%parallel_loop3A_349, %parallel_loop3A_350] {strides = array<i32>} : memref<40x256xf32, #tpu.memory_space<vmem>>, vector<1x16xf32>,
          %parallel_loop3A_352 = vector.shape_cast %parallel_loop3A_351 : vector<1x16xf32> to vector<16xf32>
          %parallel_loop3A_353 = vector.shape_cast %parallel_loop3A_348 : vector<16xf32> to vector<1x16xf32>
          tpu.vector_store %arg13[%parallel_loop3A_349, %parallel_loop3A_350], %parallel_loop3A_353 {add = true, strides = array<i32>} : memref<40x256xf32, #tpu.memory_space<vmem>>, vector<1x16xf32>,
        } {sc.loop_unroll_factor = 2 : i64, sc.parallel_access}
        %mul3A_185 = arith.constant 40 : i32
        %mul3A_186 = arith.muli %while3A_124, %mul3A_185 : i32
        %add3A_187 = arith.addi %squeeze3A, %mul3A_186 : i32
        %multiple_of3A_188 = tpu.assume_multiple %add3A_187, 8 : i32
        %dma_start3A_189 = arith.constant 0 : i32
        %dma_start3A_190 = tpu.memref_slice %arg7[%multiple_of3A_188, %dma_start3A_189] : memref<80000x256xf32, #tpu.memory_space<hbm>> -> memref<40x256xf32, #tpu.memory_space<hbm>>
        %dma_start3A_191 = arith.constant 0 : i32
        %dma_start3A_192 = tpu.memref_slice %arg7[%multiple_of3A_188, %dma_start3A_191] : memref<80000x256xf32, #tpu.memory_space<hbm>> -> memref<40x256xf32, #tpu.memory_space<hbm>>
        tpu.enqueue_dma source(%arg13 : memref<40x256xf32, #tpu.memory_space<vmem>>) target(%dma_start3A_192 : memref<40x256xf32, #tpu.memory_space<hbm>>) target_semaphore(%arg21 : memref<!tpu.dma_semaphore, #tpu.memory_space<semaphore_mem>>)
      } else {
      }
      %eq3A_140 = arith.constant 2 : i32
      %eq3A_141 = arith.cmpi eq, %and3A_129, %eq3A_140 : i32
      %convert_element_type3A_142 = arith.extui %eq3A_141 : i1 to i32
      %cond3A_143 = arith.constant 0 : i32
      %cond3A_144 = arith.cmpi ne, %convert_element_type3A_142, %cond3A_143 : i32
      scf.if %cond3A_144 {
        %dma_wait3A = arith.constant 0 : i32
        %dma_wait3A_168 = arith.constant 0 : i32
        %dma_wait3A_169 = tpu.memref_slice %arg2[%dma_wait3A, %dma_wait3A_168] : memref<80000x256xf32, #tpu.memory_space<hbm>> -> memref<40x256xf32, #tpu.memory_space<hbm>>
        %dma_wait3A_170 = arith.constant 0 : i32
        %dma_wait3A_171 = arith.constant 0 : i32
        %dma_wait3A_172 = tpu.memref_slice %arg2[%dma_wait3A_170, %dma_wait3A_171] : memref<80000x256xf32, #tpu.memory_space<hbm>> -> memref<40x256xf32, #tpu.memory_space<hbm>>
        tpu.wait_dma2 semaphore(%arg18 : memref<!tpu.dma_semaphore, #tpu.memory_space<semaphore_mem>>) src(%dma_wait3A_172 : memref<40x256xf32, #tpu.memory_space<hbm>>) dst(%arg14 : memref<40x256xf32, #tpu.memory_space<vmem>>)
        %gt3A = arith.constant 1 : i32
        %gt3A_173 = arith.cmpi sgt, %while3A_124, %gt3A : i32
        %convert_element_type3A_174 = arith.extui %gt3A_173 : i1 to i32
        %cond3A_175 = arith.constant 0 : i32
        %cond3A_176 = arith.cmpi ne, %convert_element_type3A_174, %cond3A_175 : i32
        scf.if %cond3A_176 {
          %dma_wait3A_193 = arith.constant 0 : i32
          %dma_wait3A_194 = arith.constant 0 : i32
          %dma_wait3A_195 = tpu.memref_slice %arg7[%dma_wait3A_193, %dma_wait3A_194] : memref<80000x256xf32, #tpu.memory_space<hbm>> -> memref<40x256xf32, #tpu.memory_space<hbm>>
          %dma_wait3A_196 = arith.constant 0 : i32
          %dma_wait3A_197 = arith.constant 0 : i32
          %dma_wait3A_198 = tpu.memref_slice %arg7[%dma_wait3A_196, %dma_wait3A_197] : memref<80000x256xf32, #tpu.memory_space<hbm>> -> memref<40x256xf32, #tpu.memory_space<hbm>>
          tpu.wait_dma2 semaphore(%arg20 : memref<!tpu.dma_semaphore, #tpu.memory_space<semaphore_mem>>) src(%arg12 : memref<40x256xf32, #tpu.memory_space<vmem>>) dst(%dma_wait3A_198 : memref<40x256xf32, #tpu.memory_space<hbm>>)
        } else {
        }
        %add3A_177 = arith.constant 2 : i32
        %add3A_178 = arith.addi %while3A_124, %add3A_177 : i32
        %lt3A = arith.cmpi slt, %add3A_178, %squeeze3A_5 : i32
        %convert_element_type3A_179 = arith.extui %lt3A : i1 to i32
        %cond3A_180 = arith.constant 0 : i32
        %cond3A_181 = arith.cmpi ne, %convert_element_type3A_179, %cond3A_180 : i32
        scf.if %cond3A_181 {
          %add3A_193 = arith.constant 2 : i32
          %add3A_194 = arith.addi %while3A_124, %add3A_193 : i32
          %mul3A_195 = arith.constant 40 : i32
          %mul3A_196 = arith.muli %add3A_194, %mul3A_195 : i32
          %add3A_197 = arith.addi %squeeze3A, %mul3A_196 : i32
          %multiple_of3A_198 = tpu.assume_multiple %add3A_197, 8 : i32
          %dma_start3A_199 = arith.constant 0 : i32
          %dma_start3A_200 = tpu.memref_slice %arg2[%multiple_of3A_198, %dma_start3A_199] : memref<80000x256xf32, #tpu.memory_space<hbm>> -> memref<40x256xf32, #tpu.memory_space<hbm>>
          %dma_start3A_201 = arith.constant 0 : i32
          %dma_start3A_202 = tpu.memref_slice %arg2[%multiple_of3A_198, %dma_start3A_201] : memref<80000x256xf32, #tpu.memory_space<hbm>> -> memref<40x256xf32, #tpu.memory_space<hbm>>
          tpu.enqueue_dma source(%dma_start3A_202 : memref<40x256xf32, #tpu.memory_space<hbm>>) target(%arg12 : memref<40x256xf32, #tpu.memory_space<vmem>>) target_semaphore(%arg16 : memref<!tpu.dma_semaphore, #tpu.memory_space<semaphore_mem>>)
        } else {
        }
        %parallel_loop3A_182 = arith.constant 0 : i32
        %parallel_loop3A_183 = arith.constant 40 : i32
        %parallel_loop3A_184 = arith.constant 1 : i32
        scf.for %parallel_loop3A_193 = %parallel_loop3A_182 to %parallel_loop3A_183 step %parallel_loop3A_184  : i32 {
          %parallel_loop3A_194 = arith.addi %while3A_127, %parallel_loop3A_193 : i32
          %parallel_loop3A_195 = arith.index_cast %parallel_loop3A_194 : i32 to index
          %parallel_loop3A_196 = arith.constant 0 : index
          %parallel_loop3A_197 = tpu.vector_load %arg8[%parallel_loop3A_195, %parallel_loop3A_196] {strides = array<i32>} : memref<200x256xf32, #tpu.memory_space<vmem>>, vector<1x16xf32>,
          %parallel_loop3A_198 = vector.shape_cast %parallel_loop3A_197 : vector<1x16xf32> to vector<16xf32>
          %parallel_loop3A_199 = arith.index_cast %parallel_loop3A_193 : i32 to index
          %parallel_loop3A_200 = arith.constant 0 : index
          %parallel_loop3A_201 = tpu.vector_load %arg14[%parallel_loop3A_199, %parallel_loop3A_200] {strides = array<i32>} : memref<40x256xf32, #tpu.memory_space<vmem>>, vector<1x16xf32>,
          %parallel_loop3A_202 = vector.shape_cast %parallel_loop3A_201 : vector<1x16xf32> to vector<16xf32>
          %parallel_loop3A_203 = vector.shape_cast %parallel_loop3A_198 : vector<16xf32> to vector<1x16xf32>
          tpu.vector_store %arg14[%parallel_loop3A_199, %parallel_loop3A_200], %parallel_loop3A_203 {add = true, strides = array<i32>} : memref<40x256xf32, #tpu.memory_space<vmem>>, vector<1x16xf32>,
          %parallel_loop3A_204 = arith.addi %while3A_127, %parallel_loop3A_193 : i32
          %parallel_loop3A_205 = arith.index_cast %parallel_loop3A_204 : i32 to index
          %parallel_loop3A_206 = arith.constant 16 : index
          %parallel_loop3A_207 = tpu.vector_load %arg8[%parallel_loop3A_205, %parallel_loop3A_206] {strides = array<i32>} : memref<200x256xf32, #tpu.memory_space<vmem>>, vector<1x16xf32>,
          %parallel_loop3A_208 = vector.shape_cast %parallel_loop3A_207 : vector<1x16xf32> to vector<16xf32>
          %parallel_loop3A_209 = arith.index_cast %parallel_loop3A_193 : i32 to index
          %parallel_loop3A_210 = arith.constant 16 : index
          %parallel_loop3A_211 = tpu.vector_load %arg14[%parallel_loop3A_209, %parallel_loop3A_210] {strides = array<i32>} : memref<40x256xf32, #tpu.memory_space<vmem>>, vector<1x16xf32>,
          %parallel_loop3A_212 = vector.shape_cast %parallel_loop3A_211 : vector<1x16xf32> to vector<16xf32>
          %parallel_loop3A_213 = vector.shape_cast %parallel_loop3A_208 : vector<16xf32> to vector<1x16xf32>
          tpu.vector_store %arg14[%parallel_loop3A_209, %parallel_loop3A_210], %parallel_loop3A_213 {add = true, strides = array<i32>} : memref<40x256xf32, #tpu.memory_space<vmem>>, vector<1x16xf32>,
          %parallel_loop3A_214 = arith.addi %while3A_127, %parallel_loop3A_193 : i32
          %parallel_loop3A_215 = arith.index_cast %parallel_loop3A_214 : i32 to index
          %parallel_loop3A_216 = arith.constant 32 : index
          %parallel_loop3A_217 = tpu.vector_load %arg8[%parallel_loop3A_215, %parallel_loop3A_216] {strides = array<i32>} : memref<200x256xf32, #tpu.memory_space<vmem>>, vector<1x16xf32>,
          %parallel_loop3A_218 = vector.shape_cast %parallel_loop3A_217 : vector<1x16xf32> to vector<16xf32>
          %parallel_loop3A_219 = arith.index_cast %parallel_loop3A_193 : i32 to index
          %parallel_loop3A_220 = arith.constant 32 : index
          %parallel_loop3A_221 = tpu.vector_load %arg14[%parallel_loop3A_219, %parallel_loop3A_220] {strides = array<i32>} : memref<40x256xf32, #tpu.memory_space<vmem>>, vector<1x16xf32>,
          %parallel_loop3A_222 = vector.shape_cast %parallel_loop3A_221 : vector<1x16xf32> to vector<16xf32>
          %parallel_loop3A_223 = vector.shape_cast %parallel_loop3A_218 : vector<16xf32> to vector<1x16xf32>
          tpu.vector_store %arg14[%parallel_loop3A_219, %parallel_loop3A_220], %parallel_loop3A_223 {add = true, strides = array<i32>} : memref<40x256xf32, #tpu.memory_space<vmem>>, vector<1x16xf32>,
          %parallel_loop3A_224 = arith.addi %while3A_127, %parallel_loop3A_193 : i32
          %parallel_loop3A_225 = arith.index_cast %parallel_loop3A_224 : i32 to index
          %parallel_loop3A_226 = arith.constant 48 : index
          %parallel_loop3A_227 = tpu.vector_load %arg8[%parallel_loop3A_225, %parallel_loop3A_226] {strides = array<i32>} : memref<200x256xf32, #tpu.memory_space<vmem>>, vector<1x16xf32>,
          %parallel_loop3A_228 = vector.shape_cast %parallel_loop3A_227 : vector<1x16xf32> to vector<16xf32>
          %parallel_loop3A_229 = arith.index_cast %parallel_loop3A_193 : i32 to index
          %parallel_loop3A_230 = arith.constant 48 : index
          %parallel_loop3A_231 = tpu.vector_load %arg14[%parallel_loop3A_229, %parallel_loop3A_230] {strides = array<i32>} : memref<40x256xf32, #tpu.memory_space<vmem>>, vector<1x16xf32>,
          %parallel_loop3A_232 = vector.shape_cast %parallel_loop3A_231 : vector<1x16xf32> to vector<16xf32>
          %parallel_loop3A_233 = vector.shape_cast %parallel_loop3A_228 : vector<16xf32> to vector<1x16xf32>
          tpu.vector_store %arg14[%parallel_loop3A_229, %parallel_loop3A_230], %parallel_loop3A_233 {add = true, strides = array<i32>} : memref<40x256xf32, #tpu.memory_space<vmem>>, vector<1x16xf32>,
          %parallel_loop3A_234 = arith.addi %while3A_127, %parallel_loop3A_193 : i32
          %parallel_loop3A_235 = arith.index_cast %parallel_loop3A_234 : i32 to index
          %parallel_loop3A_236 = arith.constant 64 : index
          %parallel_loop3A_237 = tpu.vector_load %arg8[%parallel_loop3A_235, %parallel_loop3A_236] {strides = array<i32>} : memref<200x256xf32, #tpu.memory_space<vmem>>, vector<1x16xf32>,
          %parallel_loop3A_238 = vector.shape_cast %parallel_loop3A_237 : vector<1x16xf32> to vector<16xf32>
          %parallel_loop3A_239 = arith.index_cast %parallel_loop3A_193 : i32 to index
          %parallel_loop3A_240 = arith.constant 64 : index
          %parallel_loop3A_241 = tpu.vector_load %arg14[%parallel_loop3A_239, %parallel_loop3A_240] {strides = array<i32>} : memref<40x256xf32, #tpu.memory_space<vmem>>, vector<1x16xf32>,
          %parallel_loop3A_242 = vector.shape_cast %parallel_loop3A_241 : vector<1x16xf32> to vector<16xf32>
          %parallel_loop3A_243 = vector.shape_cast %parallel_loop3A_238 : vector<16xf32> to vector<1x16xf32>
          tpu.vector_store %arg14[%parallel_loop3A_239, %parallel_loop3A_240], %parallel_loop3A_243 {add = true, strides = array<i32>} : memref<40x256xf32, #tpu.memory_space<vmem>>, vector<1x16xf32>,
          %parallel_loop3A_244 = arith.addi %while3A_127, %parallel_loop3A_193 : i32
          %parallel_loop3A_245 = arith.index_cast %parallel_loop3A_244 : i32 to index
          %parallel_loop3A_246 = arith.constant 80 : index
          %parallel_loop3A_247 = tpu.vector_load %arg8[%parallel_loop3A_245, %parallel_loop3A_246] {strides = array<i32>} : memref<200x256xf32, #tpu.memory_space<vmem>>, vector<1x16xf32>,
          %parallel_loop3A_248 = vector.shape_cast %parallel_loop3A_247 : vector<1x16xf32> to vector<16xf32>
          %parallel_loop3A_249 = arith.index_cast %parallel_loop3A_193 : i32 to index
          %parallel_loop3A_250 = arith.constant 80 : index
          %parallel_loop3A_251 = tpu.vector_load %arg14[%parallel_loop3A_249, %parallel_loop3A_250] {strides = array<i32>} : memref<40x256xf32, #tpu.memory_space<vmem>>, vector<1x16xf32>,
          %parallel_loop3A_252 = vector.shape_cast %parallel_loop3A_251 : vector<1x16xf32> to vector<16xf32>
          %parallel_loop3A_253 = vector.shape_cast %parallel_loop3A_248 : vector<16xf32> to vector<1x16xf32>
          tpu.vector_store %arg14[%parallel_loop3A_249, %parallel_loop3A_250], %parallel_loop3A_253 {add = true, strides = array<i32>} : memref<40x256xf32, #tpu.memory_space<vmem>>, vector<1x16xf32>,
          %parallel_loop3A_254 = arith.addi %while3A_127, %parallel_loop3A_193 : i32
          %parallel_loop3A_255 = arith.index_cast %parallel_loop3A_254 : i32 to index
          %parallel_loop3A_256 = arith.constant 96 : index
          %parallel_loop3A_257 = tpu.vector_load %arg8[%parallel_loop3A_255, %parallel_loop3A_256] {strides = array<i32>} : memref<200x256xf32, #tpu.memory_space<vmem>>, vector<1x16xf32>,
          %parallel_loop3A_258 = vector.shape_cast %parallel_loop3A_257 : vector<1x16xf32> to vector<16xf32>
          %parallel_loop3A_259 = arith.index_cast %parallel_loop3A_193 : i32 to index
          %parallel_loop3A_260 = arith.constant 96 : index
          %parallel_loop3A_261 = tpu.vector_load %arg14[%parallel_loop3A_259, %parallel_loop3A_260] {strides = array<i32>} : memref<40x256xf32, #tpu.memory_space<vmem>>, vector<1x16xf32>,
          %parallel_loop3A_262 = vector.shape_cast %parallel_loop3A_261 : vector<1x16xf32> to vector<16xf32>
          %parallel_loop3A_263 = vector.shape_cast %parallel_loop3A_258 : vector<16xf32> to vector<1x16xf32>
          tpu.vector_store %arg14[%parallel_loop3A_259, %parallel_loop3A_260], %parallel_loop3A_263 {add = true, strides = array<i32>} : memref<40x256xf32, #tpu.memory_space<vmem>>, vector<1x16xf32>,
          %parallel_loop3A_264 = arith.addi %while3A_127, %parallel_loop3A_193 : i32
          %parallel_loop3A_265 = arith.index_cast %parallel_loop3A_264 : i32 to index
          %parallel_loop3A_266 = arith.constant 112 : index
          %parallel_loop3A_267 = tpu.vector_load %arg8[%parallel_loop3A_265, %parallel_loop3A_266] {strides = array<i32>} : memref<200x256xf32, #tpu.memory_space<vmem>>, vector<1x16xf32>,
          %parallel_loop3A_268 = vector.shape_cast %parallel_loop3A_267 : vector<1x16xf32> to vector<16xf32>
          %parallel_loop3A_269 = arith.index_cast %parallel_loop3A_193 : i32 to index
          %parallel_loop3A_270 = arith.constant 112 : index
          %parallel_loop3A_271 = tpu.vector_load %arg14[%parallel_loop3A_269, %parallel_loop3A_270] {strides = array<i32>} : memref<40x256xf32, #tpu.memory_space<vmem>>, vector<1x16xf32>,
          %parallel_loop3A_272 = vector.shape_cast %parallel_loop3A_271 : vector<1x16xf32> to vector<16xf32>
          %parallel_loop3A_273 = vector.shape_cast %parallel_loop3A_268 : vector<16xf32> to vector<1x16xf32>
          tpu.vector_store %arg14[%parallel_loop3A_269, %parallel_loop3A_270], %parallel_loop3A_273 {add = true, strides = array<i32>} : memref<40x256xf32, #tpu.memory_space<vmem>>, vector<1x16xf32>,
          %parallel_loop3A_274 = arith.addi %while3A_127, %parallel_loop3A_193 : i32
          %parallel_loop3A_275 = arith.index_cast %parallel_loop3A_274 : i32 to index
          %parallel_loop3A_276 = arith.constant 128 : index
          %parallel_loop3A_277 = tpu.vector_load %arg8[%parallel_loop3A_275, %parallel_loop3A_276] {strides = array<i32>} : memref<200x256xf32, #tpu.memory_space<vmem>>, vector<1x16xf32>,
          %parallel_loop3A_278 = vector.shape_cast %parallel_loop3A_277 : vector<1x16xf32> to vector<16xf32>
          %parallel_loop3A_279 = arith.index_cast %parallel_loop3A_193 : i32 to index
          %parallel_loop3A_280 = arith.constant 128 : index
          %parallel_loop3A_281 = tpu.vector_load %arg14[%parallel_loop3A_279, %parallel_loop3A_280] {strides = array<i32>} : memref<40x256xf32, #tpu.memory_space<vmem>>, vector<1x16xf32>,
          %parallel_loop3A_282 = vector.shape_cast %parallel_loop3A_281 : vector<1x16xf32> to vector<16xf32>
          %parallel_loop3A_283 = vector.shape_cast %parallel_loop3A_278 : vector<16xf32> to vector<1x16xf32>
          tpu.vector_store %arg14[%parallel_loop3A_279, %parallel_loop3A_280], %parallel_loop3A_283 {add = true, strides = array<i32>} : memref<40x256xf32, #tpu.memory_space<vmem>>, vector<1x16xf32>,
          %parallel_loop3A_284 = arith.addi %while3A_127, %parallel_loop3A_193 : i32
          %parallel_loop3A_285 = arith.index_cast %parallel_loop3A_284 : i32 to index
          %parallel_loop3A_286 = arith.constant 144 : index
          %parallel_loop3A_287 = tpu.vector_load %arg8[%parallel_loop3A_285, %parallel_loop3A_286] {strides = array<i32>} : memref<200x256xf32, #tpu.memory_space<vmem>>, vector<1x16xf32>,
          %parallel_loop3A_288 = vector.shape_cast %parallel_loop3A_287 : vector<1x16xf32> to vector<16xf32>
          %parallel_loop3A_289 = arith.index_cast %parallel_loop3A_193 : i32 to index
          %parallel_loop3A_290 = arith.constant 144 : index
          %parallel_loop3A_291 = tpu.vector_load %arg14[%parallel_loop3A_289, %parallel_loop3A_290] {strides = array<i32>} : memref<40x256xf32, #tpu.memory_space<vmem>>, vector<1x16xf32>,
          %parallel_loop3A_292 = vector.shape_cast %parallel_loop3A_291 : vector<1x16xf32> to vector<16xf32>
          %parallel_loop3A_293 = vector.shape_cast %parallel_loop3A_288 : vector<16xf32> to vector<1x16xf32>
          tpu.vector_store %arg14[%parallel_loop3A_289, %parallel_loop3A_290], %parallel_loop3A_293 {add = true, strides = array<i32>} : memref<40x256xf32, #tpu.memory_space<vmem>>, vector<1x16xf32>,
          %parallel_loop3A_294 = arith.addi %while3A_127, %parallel_loop3A_193 : i32
          %parallel_loop3A_295 = arith.index_cast %parallel_loop3A_294 : i32 to index
          %parallel_loop3A_296 = arith.constant 160 : index
          %parallel_loop3A_297 = tpu.vector_load %arg8[%parallel_loop3A_295, %parallel_loop3A_296] {strides = array<i32>} : memref<200x256xf32, #tpu.memory_space<vmem>>, vector<1x16xf32>,
          %parallel_loop3A_298 = vector.shape_cast %parallel_loop3A_297 : vector<1x16xf32> to vector<16xf32>
          %parallel_loop3A_299 = arith.index_cast %parallel_loop3A_193 : i32 to index
          %parallel_loop3A_300 = arith.constant 160 : index
          %parallel_loop3A_301 = tpu.vector_load %arg14[%parallel_loop3A_299, %parallel_loop3A_300] {strides = array<i32>} : memref<40x256xf32, #tpu.memory_space<vmem>>, vector<1x16xf32>,
          %parallel_loop3A_302 = vector.shape_cast %parallel_loop3A_301 : vector<1x16xf32> to vector<16xf32>
          %parallel_loop3A_303 = vector.shape_cast %parallel_loop3A_298 : vector<16xf32> to vector<1x16xf32>
          tpu.vector_store %arg14[%parallel_loop3A_299, %parallel_loop3A_300], %parallel_loop3A_303 {add = true, strides = array<i32>} : memref<40x256xf32, #tpu.memory_space<vmem>>, vector<1x16xf32>,
          %parallel_loop3A_304 = arith.addi %while3A_127, %parallel_loop3A_193 : i32
          %parallel_loop3A_305 = arith.index_cast %parallel_loop3A_304 : i32 to index
          %parallel_loop3A_306 = arith.constant 176 : index
          %parallel_loop3A_307 = tpu.vector_load %arg8[%parallel_loop3A_305, %parallel_loop3A_306] {strides = array<i32>} : memref<200x256xf32, #tpu.memory_space<vmem>>, vector<1x16xf32>,
          %parallel_loop3A_308 = vector.shape_cast %parallel_loop3A_307 : vector<1x16xf32> to vector<16xf32>
          %parallel_loop3A_309 = arith.index_cast %parallel_loop3A_193 : i32 to index
          %parallel_loop3A_310 = arith.constant 176 : index
          %parallel_loop3A_311 = tpu.vector_load %arg14[%parallel_loop3A_309, %parallel_loop3A_310] {strides = array<i32>} : memref<40x256xf32, #tpu.memory_space<vmem>>, vector<1x16xf32>,
          %parallel_loop3A_312 = vector.shape_cast %parallel_loop3A_311 : vector<1x16xf32> to vector<16xf32>
          %parallel_loop3A_313 = vector.shape_cast %parallel_loop3A_308 : vector<16xf32> to vector<1x16xf32>
          tpu.vector_store %arg14[%parallel_loop3A_309, %parallel_loop3A_310], %parallel_loop3A_313 {add = true, strides = array<i32>} : memref<40x256xf32, #tpu.memory_space<vmem>>, vector<1x16xf32>,
          %parallel_loop3A_314 = arith.addi %while3A_127, %parallel_loop3A_193 : i32
          %parallel_loop3A_315 = arith.index_cast %parallel_loop3A_314 : i32 to index
          %parallel_loop3A_316 = arith.constant 192 : index
          %parallel_loop3A_317 = tpu.vector_load %arg8[%parallel_loop3A_315, %parallel_loop3A_316] {strides = array<i32>} : memref<200x256xf32, #tpu.memory_space<vmem>>, vector<1x16xf32>,
          %parallel_loop3A_318 = vector.shape_cast %parallel_loop3A_317 : vector<1x16xf32> to vector<16xf32>
          %parallel_loop3A_319 = arith.index_cast %parallel_loop3A_193 : i32 to index
          %parallel_loop3A_320 = arith.constant 192 : index
          %parallel_loop3A_321 = tpu.vector_load %arg14[%parallel_loop3A_319, %parallel_loop3A_320] {strides = array<i32>} : memref<40x256xf32, #tpu.memory_space<vmem>>, vector<1x16xf32>,
          %parallel_loop3A_322 = vector.shape_cast %parallel_loop3A_321 : vector<1x16xf32> to vector<16xf32>
          %parallel_loop3A_323 = vector.shape_cast %parallel_loop3A_318 : vector<16xf32> to vector<1x16xf32>
          tpu.vector_store %arg14[%parallel_loop3A_319, %parallel_loop3A_320], %parallel_loop3A_323 {add = true, strides = array<i32>} : memref<40x256xf32, #tpu.memory_space<vmem>>, vector<1x16xf32>,
          %parallel_loop3A_324 = arith.addi %while3A_127, %parallel_loop3A_193 : i32
          %parallel_loop3A_325 = arith.index_cast %parallel_loop3A_324 : i32 to index
          %parallel_loop3A_326 = arith.constant 208 : index
          %parallel_loop3A_327 = tpu.vector_load %arg8[%parallel_loop3A_325, %parallel_loop3A_326] {strides = array<i32>} : memref<200x256xf32, #tpu.memory_space<vmem>>, vector<1x16xf32>,
          %parallel_loop3A_328 = vector.shape_cast %parallel_loop3A_327 : vector<1x16xf32> to vector<16xf32>
          %parallel_loop3A_329 = arith.index_cast %parallel_loop3A_193 : i32 to index
          %parallel_loop3A_330 = arith.constant 208 : index
          %parallel_loop3A_331 = tpu.vector_load %arg14[%parallel_loop3A_329, %parallel_loop3A_330] {strides = array<i32>} : memref<40x256xf32, #tpu.memory_space<vmem>>, vector<1x16xf32>,
          %parallel_loop3A_332 = vector.shape_cast %parallel_loop3A_331 : vector<1x16xf32> to vector<16xf32>
          %parallel_loop3A_333 = vector.shape_cast %parallel_loop3A_328 : vector<16xf32> to vector<1x16xf32>
          tpu.vector_store %arg14[%parallel_loop3A_329, %parallel_loop3A_330], %parallel_loop3A_333 {add = true, strides = array<i32>} : memref<40x256xf32, #tpu.memory_space<vmem>>, vector<1x16xf32>,
          %parallel_loop3A_334 = arith.addi %while3A_127, %parallel_loop3A_193 : i32
          %parallel_loop3A_335 = arith.index_cast %parallel_loop3A_334 : i32 to index
          %parallel_loop3A_336 = arith.constant 224 : index
          %parallel_loop3A_337 = tpu.vector_load %arg8[%parallel_loop3A_335, %parallel_loop3A_336] {strides = array<i32>} : memref<200x256xf32, #tpu.memory_space<vmem>>, vector<1x16xf32>,
          %parallel_loop3A_338 = vector.shape_cast %parallel_loop3A_337 : vector<1x16xf32> to vector<16xf32>
          %parallel_loop3A_339 = arith.index_cast %parallel_loop3A_193 : i32 to index
          %parallel_loop3A_340 = arith.constant 224 : index
          %parallel_loop3A_341 = tpu.vector_load %arg14[%parallel_loop3A_339, %parallel_loop3A_340] {strides = array<i32>} : memref<40x256xf32, #tpu.memory_space<vmem>>, vector<1x16xf32>,
          %parallel_loop3A_342 = vector.shape_cast %parallel_loop3A_341 : vector<1x16xf32> to vector<16xf32>
          %parallel_loop3A_343 = vector.shape_cast %parallel_loop3A_338 : vector<16xf32> to vector<1x16xf32>
          tpu.vector_store %arg14[%parallel_loop3A_339, %parallel_loop3A_340], %parallel_loop3A_343 {add = true, strides = array<i32>} : memref<40x256xf32, #tpu.memory_space<vmem>>, vector<1x16xf32>,
          %parallel_loop3A_344 = arith.addi %while3A_127, %parallel_loop3A_193 : i32
          %parallel_loop3A_345 = arith.index_cast %parallel_loop3A_344 : i32 to index
          %parallel_loop3A_346 = arith.constant 240 : index
          %parallel_loop3A_347 = tpu.vector_load %arg8[%parallel_loop3A_345, %parallel_loop3A_346] {strides = array<i32>} : memref<200x256xf32, #tpu.memory_space<vmem>>, vector<1x16xf32>,
          %parallel_loop3A_348 = vector.shape_cast %parallel_loop3A_347 : vector<1x16xf32> to vector<16xf32>
          %parallel_loop3A_349 = arith.index_cast %parallel_loop3A_193 : i32 to index
          %parallel_loop3A_350 = arith.constant 240 : index
          %parallel_loop3A_351 = tpu.vector_load %arg14[%parallel_loop3A_349, %parallel_loop3A_350] {strides = array<i32>} : memref<40x256xf32, #tpu.memory_space<vmem>>, vector<1x16xf32>,
          %parallel_loop3A_352 = vector.shape_cast %parallel_loop3A_351 : vector<1x16xf32> to vector<16xf32>
          %parallel_loop3A_353 = vector.shape_cast %parallel_loop3A_348 : vector<16xf32> to vector<1x16xf32>
          tpu.vector_store %arg14[%parallel_loop3A_349, %parallel_loop3A_350], %parallel_loop3A_353 {add = true, strides = array<i32>} : memref<40x256xf32, #tpu.memory_space<vmem>>, vector<1x16xf32>,
        } {sc.loop_unroll_factor = 2 : i64, sc.parallel_access}
        %mul3A_185 = arith.constant 40 : i32
        %mul3A_186 = arith.muli %while3A_124, %mul3A_185 : i32
        %add3A_187 = arith.addi %squeeze3A, %mul3A_186 : i32
        %multiple_of3A_188 = tpu.assume_multiple %add3A_187, 8 : i32
        %dma_start3A_189 = arith.constant 0 : i32
        %dma_start3A_190 = tpu.memref_slice %arg7[%multiple_of3A_188, %dma_start3A_189] : memref<80000x256xf32, #tpu.memory_space<hbm>> -> memref<40x256xf32, #tpu.memory_space<hbm>>
        %dma_start3A_191 = arith.constant 0 : i32
        %dma_start3A_192 = tpu.memref_slice %arg7[%multiple_of3A_188, %dma_start3A_191] : memref<80000x256xf32, #tpu.memory_space<hbm>> -> memref<40x256xf32, #tpu.memory_space<hbm>>
        tpu.enqueue_dma source(%arg14 : memref<40x256xf32, #tpu.memory_space<vmem>>) target(%dma_start3A_192 : memref<40x256xf32, #tpu.memory_space<hbm>>) target_semaphore(%arg22 : memref<!tpu.dma_semaphore, #tpu.memory_space<semaphore_mem>>)
      } else {
      }
      %eq3A_145 = arith.constant 3 : i32
      %eq3A_146 = arith.cmpi eq, %and3A_129, %eq3A_145 : i32
      %convert_element_type3A_147 = arith.extui %eq3A_146 : i1 to i32
      %cond3A_148 = arith.constant 0 : i32
      %cond3A_149 = arith.cmpi ne, %convert_element_type3A_147, %cond3A_148 : i32
      scf.if %cond3A_149 {
        %dma_wait3A = arith.constant 0 : i32
        %dma_wait3A_168 = arith.constant 0 : i32
        %dma_wait3A_169 = tpu.memref_slice %arg2[%dma_wait3A, %dma_wait3A_168] : memref<80000x256xf32, #tpu.memory_space<hbm>> -> memref<40x256xf32, #tpu.memory_space<hbm>>
        %dma_wait3A_170 = arith.constant 0 : i32
        %dma_wait3A_171 = arith.constant 0 : i32
        %dma_wait3A_172 = tpu.memref_slice %arg2[%dma_wait3A_170, %dma_wait3A_171] : memref<80000x256xf32, #tpu.memory_space<hbm>> -> memref<40x256xf32, #tpu.memory_space<hbm>>
        tpu.wait_dma2 semaphore(%arg19 : memref<!tpu.dma_semaphore, #tpu.memory_space<semaphore_mem>>) src(%dma_wait3A_172 : memref<40x256xf32, #tpu.memory_space<hbm>>) dst(%arg15 : memref<40x256xf32, #tpu.memory_space<vmem>>)
        %gt3A = arith.constant 1 : i32
        %gt3A_173 = arith.cmpi sgt, %while3A_124, %gt3A : i32
        %convert_element_type3A_174 = arith.extui %gt3A_173 : i1 to i32
        %cond3A_175 = arith.constant 0 : i32
        %cond3A_176 = arith.cmpi ne, %convert_element_type3A_174, %cond3A_175 : i32
        scf.if %cond3A_176 {
          %dma_wait3A_193 = arith.constant 0 : i32
          %dma_wait3A_194 = arith.constant 0 : i32
          %dma_wait3A_195 = tpu.memref_slice %arg7[%dma_wait3A_193, %dma_wait3A_194] : memref<80000x256xf32, #tpu.memory_space<hbm>> -> memref<40x256xf32, #tpu.memory_space<hbm>>
          %dma_wait3A_196 = arith.constant 0 : i32
          %dma_wait3A_197 = arith.constant 0 : i32
          %dma_wait3A_198 = tpu.memref_slice %arg7[%dma_wait3A_196, %dma_wait3A_197] : memref<80000x256xf32, #tpu.memory_space<hbm>> -> memref<40x256xf32, #tpu.memory_space<hbm>>
          tpu.wait_dma2 semaphore(%arg21 : memref<!tpu.dma_semaphore, #tpu.memory_space<semaphore_mem>>) src(%arg13 : memref<40x256xf32, #tpu.memory_space<vmem>>) dst(%dma_wait3A_198 : memref<40x256xf32, #tpu.memory_space<hbm>>)
        } else {
        }
        %add3A_177 = arith.constant 2 : i32
        %add3A_178 = arith.addi %while3A_124, %add3A_177 : i32
        %lt3A = arith.cmpi slt, %add3A_178, %squeeze3A_5 : i32
        %convert_element_type3A_179 = arith.extui %lt3A : i1 to i32
        %cond3A_180 = arith.constant 0 : i32
        %cond3A_181 = arith.cmpi ne, %convert_element_type3A_179, %cond3A_180 : i32
        scf.if %cond3A_181 {
          %add3A_193 = arith.constant 2 : i32
          %add3A_194 = arith.addi %while3A_124, %add3A_193 : i32
          %mul3A_195 = arith.constant 40 : i32
          %mul3A_196 = arith.muli %add3A_194, %mul3A_195 : i32
          %add3A_197 = arith.addi %squeeze3A, %mul3A_196 : i32
          %multiple_of3A_198 = tpu.assume_multiple %add3A_197, 8 : i32
          %dma_start3A_199 = arith.constant 0 : i32
          %dma_start3A_200 = tpu.memref_slice %arg2[%multiple_of3A_198, %dma_start3A_199] : memref<80000x256xf32, #tpu.memory_space<hbm>> -> memref<40x256xf32, #tpu.memory_space<hbm>>
          %dma_start3A_201 = arith.constant 0 : i32
          %dma_start3A_202 = tpu.memref_slice %arg2[%multiple_of3A_198, %dma_start3A_201] : memref<80000x256xf32, #tpu.memory_space<hbm>> -> memref<40x256xf32, #tpu.memory_space<hbm>>
          tpu.enqueue_dma source(%dma_start3A_202 : memref<40x256xf32, #tpu.memory_space<hbm>>) target(%arg13 : memref<40x256xf32, #tpu.memory_space<vmem>>) target_semaphore(%arg17 : memref<!tpu.dma_semaphore, #tpu.memory_space<semaphore_mem>>)
        } else {
        }
        %parallel_loop3A_182 = arith.constant 0 : i32
        %parallel_loop3A_183 = arith.constant 40 : i32
        %parallel_loop3A_184 = arith.constant 1 : i32
        scf.for %parallel_loop3A_193 = %parallel_loop3A_182 to %parallel_loop3A_183 step %parallel_loop3A_184  : i32 {
          %parallel_loop3A_194 = arith.addi %while3A_127, %parallel_loop3A_193 : i32
          %parallel_loop3A_195 = arith.index_cast %parallel_loop3A_194 : i32 to index
          %parallel_loop3A_196 = arith.constant 0 : index
          %parallel_loop3A_197 = tpu.vector_load %arg8[%parallel_loop3A_195, %parallel_loop3A_196] {strides = array<i32>} : memref<200x256xf32, #tpu.memory_space<vmem>>, vector<1x16xf32>,
          %parallel_loop3A_198 = vector.shape_cast %parallel_loop3A_197 : vector<1x16xf32> to vector<16xf32>
          %parallel_loop3A_199 = arith.index_cast %parallel_loop3A_193 : i32 to index
          %parallel_loop3A_200 = arith.constant 0 : index
          %parallel_loop3A_201 = tpu.vector_load %arg15[%parallel_loop3A_199, %parallel_loop3A_200] {strides = array<i32>} : memref<40x256xf32, #tpu.memory_space<vmem>>, vector<1x16xf32>,
          %parallel_loop3A_202 = vector.shape_cast %parallel_loop3A_201 : vector<1x16xf32> to vector<16xf32>
          %parallel_loop3A_203 = vector.shape_cast %parallel_loop3A_198 : vector<16xf32> to vector<1x16xf32>
          tpu.vector_store %arg15[%parallel_loop3A_199, %parallel_loop3A_200], %parallel_loop3A_203 {add = true, strides = array<i32>} : memref<40x256xf32, #tpu.memory_space<vmem>>, vector<1x16xf32>,
          %parallel_loop3A_204 = arith.addi %while3A_127, %parallel_loop3A_193 : i32
          %parallel_loop3A_205 = arith.index_cast %parallel_loop3A_204 : i32 to index
          %parallel_loop3A_206 = arith.constant 16 : index
          %parallel_loop3A_207 = tpu.vector_load %arg8[%parallel_loop3A_205, %parallel_loop3A_206] {strides = array<i32>} : memref<200x256xf32, #tpu.memory_space<vmem>>, vector<1x16xf32>,
          %parallel_loop3A_208 = vector.shape_cast %parallel_loop3A_207 : vector<1x16xf32> to vector<16xf32>
          %parallel_loop3A_209 = arith.index_cast %parallel_loop3A_193 : i32 to index
          %parallel_loop3A_210 = arith.constant 16 : index
          %parallel_loop3A_211 = tpu.vector_load %arg15[%parallel_loop3A_209, %parallel_loop3A_210] {strides = array<i32>} : memref<40x256xf32, #tpu.memory_space<vmem>>, vector<1x16xf32>,
          %parallel_loop3A_212 = vector.shape_cast %parallel_loop3A_211 : vector<1x16xf32> to vector<16xf32>
          %parallel_loop3A_213 = vector.shape_cast %parallel_loop3A_208 : vector<16xf32> to vector<1x16xf32>
          tpu.vector_store %arg15[%parallel_loop3A_209, %parallel_loop3A_210], %parallel_loop3A_213 {add = true, strides = array<i32>} : memref<40x256xf32, #tpu.memory_space<vmem>>, vector<1x16xf32>,
          %parallel_loop3A_214 = arith.addi %while3A_127, %parallel_loop3A_193 : i32
          %parallel_loop3A_215 = arith.index_cast %parallel_loop3A_214 : i32 to index
          %parallel_loop3A_216 = arith.constant 32 : index
          %parallel_loop3A_217 = tpu.vector_load %arg8[%parallel_loop3A_215, %parallel_loop3A_216] {strides = array<i32>} : memref<200x256xf32, #tpu.memory_space<vmem>>, vector<1x16xf32>,
          %parallel_loop3A_218 = vector.shape_cast %parallel_loop3A_217 : vector<1x16xf32> to vector<16xf32>
          %parallel_loop3A_219 = arith.index_cast %parallel_loop3A_193 : i32 to index
          %parallel_loop3A_220 = arith.constant 32 : index
          %parallel_loop3A_221 = tpu.vector_load %arg15[%parallel_loop3A_219, %parallel_loop3A_220] {strides = array<i32>} : memref<40x256xf32, #tpu.memory_space<vmem>>, vector<1x16xf32>,
          %parallel_loop3A_222 = vector.shape_cast %parallel_loop3A_221 : vector<1x16xf32> to vector<16xf32>
          %parallel_loop3A_223 = vector.shape_cast %parallel_loop3A_218 : vector<16xf32> to vector<1x16xf32>
          tpu.vector_store %arg15[%parallel_loop3A_219, %parallel_loop3A_220], %parallel_loop3A_223 {add = true, strides = array<i32>} : memref<40x256xf32, #tpu.memory_space<vmem>>, vector<1x16xf32>,
          %parallel_loop3A_224 = arith.addi %while3A_127, %parallel_loop3A_193 : i32
          %parallel_loop3A_225 = arith.index_cast %parallel_loop3A_224 : i32 to index
          %parallel_loop3A_226 = arith.constant 48 : index
          %parallel_loop3A_227 = tpu.vector_load %arg8[%parallel_loop3A_225, %parallel_loop3A_226] {strides = array<i32>} : memref<200x256xf32, #tpu.memory_space<vmem>>, vector<1x16xf32>,
          %parallel_loop3A_228 = vector.shape_cast %parallel_loop3A_227 : vector<1x16xf32> to vector<16xf32>
          %parallel_loop3A_229 = arith.index_cast %parallel_loop3A_193 : i32 to index
          %parallel_loop3A_230 = arith.constant 48 : index
          %parallel_loop3A_231 = tpu.vector_load %arg15[%parallel_loop3A_229, %parallel_loop3A_230] {strides = array<i32>} : memref<40x256xf32, #tpu.memory_space<vmem>>, vector<1x16xf32>,
          %parallel_loop3A_232 = vector.shape_cast %parallel_loop3A_231 : vector<1x16xf32> to vector<16xf32>
          %parallel_loop3A_233 = vector.shape_cast %parallel_loop3A_228 : vector<16xf32> to vector<1x16xf32>
          tpu.vector_store %arg15[%parallel_loop3A_229, %parallel_loop3A_230], %parallel_loop3A_233 {add = true, strides = array<i32>} : memref<40x256xf32, #tpu.memory_space<vmem>>, vector<1x16xf32>,
          %parallel_loop3A_234 = arith.addi %while3A_127, %parallel_loop3A_193 : i32
          %parallel_loop3A_235 = arith.index_cast %parallel_loop3A_234 : i32 to index
          %parallel_loop3A_236 = arith.constant 64 : index
          %parallel_loop3A_237 = tpu.vector_load %arg8[%parallel_loop3A_235, %parallel_loop3A_236] {strides = array<i32>} : memref<200x256xf32, #tpu.memory_space<vmem>>, vector<1x16xf32>,
          %parallel_loop3A_238 = vector.shape_cast %parallel_loop3A_237 : vector<1x16xf32> to vector<16xf32>
          %parallel_loop3A_239 = arith.index_cast %parallel_loop3A_193 : i32 to index
          %parallel_loop3A_240 = arith.constant 64 : index
          %parallel_loop3A_241 = tpu.vector_load %arg15[%parallel_loop3A_239, %parallel_loop3A_240] {strides = array<i32>} : memref<40x256xf32, #tpu.memory_space<vmem>>, vector<1x16xf32>,
          %parallel_loop3A_242 = vector.shape_cast %parallel_loop3A_241 : vector<1x16xf32> to vector<16xf32>
          %parallel_loop3A_243 = vector.shape_cast %parallel_loop3A_238 : vector<16xf32> to vector<1x16xf32>
          tpu.vector_store %arg15[%parallel_loop3A_239, %parallel_loop3A_240], %parallel_loop3A_243 {add = true, strides = array<i32>} : memref<40x256xf32, #tpu.memory_space<vmem>>, vector<1x16xf32>,
          %parallel_loop3A_244 = arith.addi %while3A_127, %parallel_loop3A_193 : i32
          %parallel_loop3A_245 = arith.index_cast %parallel_loop3A_244 : i32 to index
          %parallel_loop3A_246 = arith.constant 80 : index
          %parallel_loop3A_247 = tpu.vector_load %arg8[%parallel_loop3A_245, %parallel_loop3A_246] {strides = array<i32>} : memref<200x256xf32, #tpu.memory_space<vmem>>, vector<1x16xf32>,
          %parallel_loop3A_248 = vector.shape_cast %parallel_loop3A_247 : vector<1x16xf32> to vector<16xf32>
          %parallel_loop3A_249 = arith.index_cast %parallel_loop3A_193 : i32 to index
          %parallel_loop3A_250 = arith.constant 80 : index
          %parallel_loop3A_251 = tpu.vector_load %arg15[%parallel_loop3A_249, %parallel_loop3A_250] {strides = array<i32>} : memref<40x256xf32, #tpu.memory_space<vmem>>, vector<1x16xf32>,
          %parallel_loop3A_252 = vector.shape_cast %parallel_loop3A_251 : vector<1x16xf32> to vector<16xf32>
          %parallel_loop3A_253 = vector.shape_cast %parallel_loop3A_248 : vector<16xf32> to vector<1x16xf32>
          tpu.vector_store %arg15[%parallel_loop3A_249, %parallel_loop3A_250], %parallel_loop3A_253 {add = true, strides = array<i32>} : memref<40x256xf32, #tpu.memory_space<vmem>>, vector<1x16xf32>,
          %parallel_loop3A_254 = arith.addi %while3A_127, %parallel_loop3A_193 : i32
          %parallel_loop3A_255 = arith.index_cast %parallel_loop3A_254 : i32 to index
          %parallel_loop3A_256 = arith.constant 96 : index
          %parallel_loop3A_257 = tpu.vector_load %arg8[%parallel_loop3A_255, %parallel_loop3A_256] {strides = array<i32>} : memref<200x256xf32, #tpu.memory_space<vmem>>, vector<1x16xf32>,
          %parallel_loop3A_258 = vector.shape_cast %parallel_loop3A_257 : vector<1x16xf32> to vector<16xf32>
          %parallel_loop3A_259 = arith.index_cast %parallel_loop3A_193 : i32 to index
          %parallel_loop3A_260 = arith.constant 96 : index
          %parallel_loop3A_261 = tpu.vector_load %arg15[%parallel_loop3A_259, %parallel_loop3A_260] {strides = array<i32>} : memref<40x256xf32, #tpu.memory_space<vmem>>, vector<1x16xf32>,
          %parallel_loop3A_262 = vector.shape_cast %parallel_loop3A_261 : vector<1x16xf32> to vector<16xf32>
          %parallel_loop3A_263 = vector.shape_cast %parallel_loop3A_258 : vector<16xf32> to vector<1x16xf32>
          tpu.vector_store %arg15[%parallel_loop3A_259, %parallel_loop3A_260], %parallel_loop3A_263 {add = true, strides = array<i32>} : memref<40x256xf32, #tpu.memory_space<vmem>>, vector<1x16xf32>,
          %parallel_loop3A_264 = arith.addi %while3A_127, %parallel_loop3A_193 : i32
          %parallel_loop3A_265 = arith.index_cast %parallel_loop3A_264 : i32 to index
          %parallel_loop3A_266 = arith.constant 112 : index
          %parallel_loop3A_267 = tpu.vector_load %arg8[%parallel_loop3A_265, %parallel_loop3A_266] {strides = array<i32>} : memref<200x256xf32, #tpu.memory_space<vmem>>, vector<1x16xf32>,
          %parallel_loop3A_268 = vector.shape_cast %parallel_loop3A_267 : vector<1x16xf32> to vector<16xf32>
          %parallel_loop3A_269 = arith.index_cast %parallel_loop3A_193 : i32 to index
          %parallel_loop3A_270 = arith.constant 112 : index
          %parallel_loop3A_271 = tpu.vector_load %arg15[%parallel_loop3A_269, %parallel_loop3A_270] {strides = array<i32>} : memref<40x256xf32, #tpu.memory_space<vmem>>, vector<1x16xf32>,
          %parallel_loop3A_272 = vector.shape_cast %parallel_loop3A_271 : vector<1x16xf32> to vector<16xf32>
          %parallel_loop3A_273 = vector.shape_cast %parallel_loop3A_268 : vector<16xf32> to vector<1x16xf32>
          tpu.vector_store %arg15[%parallel_loop3A_269, %parallel_loop3A_270], %parallel_loop3A_273 {add = true, strides = array<i32>} : memref<40x256xf32, #tpu.memory_space<vmem>>, vector<1x16xf32>,
          %parallel_loop3A_274 = arith.addi %while3A_127, %parallel_loop3A_193 : i32
          %parallel_loop3A_275 = arith.index_cast %parallel_loop3A_274 : i32 to index
          %parallel_loop3A_276 = arith.constant 128 : index
          %parallel_loop3A_277 = tpu.vector_load %arg8[%parallel_loop3A_275, %parallel_loop3A_276] {strides = array<i32>} : memref<200x256xf32, #tpu.memory_space<vmem>>, vector<1x16xf32>,
          %parallel_loop3A_278 = vector.shape_cast %parallel_loop3A_277 : vector<1x16xf32> to vector<16xf32>
          %parallel_loop3A_279 = arith.index_cast %parallel_loop3A_193 : i32 to index
          %parallel_loop3A_280 = arith.constant 128 : index
          %parallel_loop3A_281 = tpu.vector_load %arg15[%parallel_loop3A_279, %parallel_loop3A_280] {strides = array<i32>} : memref<40x256xf32, #tpu.memory_space<vmem>>, vector<1x16xf32>,
          %parallel_loop3A_282 = vector.shape_cast %parallel_loop3A_281 : vector<1x16xf32> to vector<16xf32>
          %parallel_loop3A_283 = vector.shape_cast %parallel_loop3A_278 : vector<16xf32> to vector<1x16xf32>
          tpu.vector_store %arg15[%parallel_loop3A_279, %parallel_loop3A_280], %parallel_loop3A_283 {add = true, strides = array<i32>} : memref<40x256xf32, #tpu.memory_space<vmem>>, vector<1x16xf32>,
          %parallel_loop3A_284 = arith.addi %while3A_127, %parallel_loop3A_193 : i32
          %parallel_loop3A_285 = arith.index_cast %parallel_loop3A_284 : i32 to index
          %parallel_loop3A_286 = arith.constant 144 : index
          %parallel_loop3A_287 = tpu.vector_load %arg8[%parallel_loop3A_285, %parallel_loop3A_286] {strides = array<i32>} : memref<200x256xf32, #tpu.memory_space<vmem>>, vector<1x16xf32>,
          %parallel_loop3A_288 = vector.shape_cast %parallel_loop3A_287 : vector<1x16xf32> to vector<16xf32>
          %parallel_loop3A_289 = arith.index_cast %parallel_loop3A_193 : i32 to index
          %parallel_loop3A_290 = arith.constant 144 : index
          %parallel_loop3A_291 = tpu.vector_load %arg15[%parallel_loop3A_289, %parallel_loop3A_290] {strides = array<i32>} : memref<40x256xf32, #tpu.memory_space<vmem>>, vector<1x16xf32>,
          %parallel_loop3A_292 = vector.shape_cast %parallel_loop3A_291 : vector<1x16xf32> to vector<16xf32>
          %parallel_loop3A_293 = vector.shape_cast %parallel_loop3A_288 : vector<16xf32> to vector<1x16xf32>
          tpu.vector_store %arg15[%parallel_loop3A_289, %parallel_loop3A_290], %parallel_loop3A_293 {add = true, strides = array<i32>} : memref<40x256xf32, #tpu.memory_space<vmem>>, vector<1x16xf32>,
          %parallel_loop3A_294 = arith.addi %while3A_127, %parallel_loop3A_193 : i32
          %parallel_loop3A_295 = arith.index_cast %parallel_loop3A_294 : i32 to index
          %parallel_loop3A_296 = arith.constant 160 : index
          %parallel_loop3A_297 = tpu.vector_load %arg8[%parallel_loop3A_295, %parallel_loop3A_296] {strides = array<i32>} : memref<200x256xf32, #tpu.memory_space<vmem>>, vector<1x16xf32>,
          %parallel_loop3A_298 = vector.shape_cast %parallel_loop3A_297 : vector<1x16xf32> to vector<16xf32>
          %parallel_loop3A_299 = arith.index_cast %parallel_loop3A_193 : i32 to index
          %parallel_loop3A_300 = arith.constant 160 : index
          %parallel_loop3A_301 = tpu.vector_load %arg15[%parallel_loop3A_299, %parallel_loop3A_300] {strides = array<i32>} : memref<40x256xf32, #tpu.memory_space<vmem>>, vector<1x16xf32>,
          %parallel_loop3A_302 = vector.shape_cast %parallel_loop3A_301 : vector<1x16xf32> to vector<16xf32>
          %parallel_loop3A_303 = vector.shape_cast %parallel_loop3A_298 : vector<16xf32> to vector<1x16xf32>
          tpu.vector_store %arg15[%parallel_loop3A_299, %parallel_loop3A_300], %parallel_loop3A_303 {add = true, strides = array<i32>} : memref<40x256xf32, #tpu.memory_space<vmem>>, vector<1x16xf32>,
          %parallel_loop3A_304 = arith.addi %while3A_127, %parallel_loop3A_193 : i32
          %parallel_loop3A_305 = arith.index_cast %parallel_loop3A_304 : i32 to index
          %parallel_loop3A_306 = arith.constant 176 : index
          %parallel_loop3A_307 = tpu.vector_load %arg8[%parallel_loop3A_305, %parallel_loop3A_306] {strides = array<i32>} : memref<200x256xf32, #tpu.memory_space<vmem>>, vector<1x16xf32>,
          %parallel_loop3A_308 = vector.shape_cast %parallel_loop3A_307 : vector<1x16xf32> to vector<16xf32>
          %parallel_loop3A_309 = arith.index_cast %parallel_loop3A_193 : i32 to index
          %parallel_loop3A_310 = arith.constant 176 : index
          %parallel_loop3A_311 = tpu.vector_load %arg15[%parallel_loop3A_309, %parallel_loop3A_310] {strides = array<i32>} : memref<40x256xf32, #tpu.memory_space<vmem>>, vector<1x16xf32>,
          %parallel_loop3A_312 = vector.shape_cast %parallel_loop3A_311 : vector<1x16xf32> to vector<16xf32>
          %parallel_loop3A_313 = vector.shape_cast %parallel_loop3A_308 : vector<16xf32> to vector<1x16xf32>
          tpu.vector_store %arg15[%parallel_loop3A_309, %parallel_loop3A_310], %parallel_loop3A_313 {add = true, strides = array<i32>} : memref<40x256xf32, #tpu.memory_space<vmem>>, vector<1x16xf32>,
          %parallel_loop3A_314 = arith.addi %while3A_127, %parallel_loop3A_193 : i32
          %parallel_loop3A_315 = arith.index_cast %parallel_loop3A_314 : i32 to index
          %parallel_loop3A_316 = arith.constant 192 : index
          %parallel_loop3A_317 = tpu.vector_load %arg8[%parallel_loop3A_315, %parallel_loop3A_316] {strides = array<i32>} : memref<200x256xf32, #tpu.memory_space<vmem>>, vector<1x16xf32>,
          %parallel_loop3A_318 = vector.shape_cast %parallel_loop3A_317 : vector<1x16xf32> to vector<16xf32>
          %parallel_loop3A_319 = arith.index_cast %parallel_loop3A_193 : i32 to index
          %parallel_loop3A_320 = arith.constant 192 : index
          %parallel_loop3A_321 = tpu.vector_load %arg15[%parallel_loop3A_319, %parallel_loop3A_320] {strides = array<i32>} : memref<40x256xf32, #tpu.memory_space<vmem>>, vector<1x16xf32>,
          %parallel_loop3A_322 = vector.shape_cast %parallel_loop3A_321 : vector<1x16xf32> to vector<16xf32>
          %parallel_loop3A_323 = vector.shape_cast %parallel_loop3A_318 : vector<16xf32> to vector<1x16xf32>
          tpu.vector_store %arg15[%parallel_loop3A_319, %parallel_loop3A_320], %parallel_loop3A_323 {add = true, strides = array<i32>} : memref<40x256xf32, #tpu.memory_space<vmem>>, vector<1x16xf32>,
          %parallel_loop3A_324 = arith.addi %while3A_127, %parallel_loop3A_193 : i32
          %parallel_loop3A_325 = arith.index_cast %parallel_loop3A_324 : i32 to index
          %parallel_loop3A_326 = arith.constant 208 : index
          %parallel_loop3A_327 = tpu.vector_load %arg8[%parallel_loop3A_325, %parallel_loop3A_326] {strides = array<i32>} : memref<200x256xf32, #tpu.memory_space<vmem>>, vector<1x16xf32>,
          %parallel_loop3A_328 = vector.shape_cast %parallel_loop3A_327 : vector<1x16xf32> to vector<16xf32>
          %parallel_loop3A_329 = arith.index_cast %parallel_loop3A_193 : i32 to index
          %parallel_loop3A_330 = arith.constant 208 : index
          %parallel_loop3A_331 = tpu.vector_load %arg15[%parallel_loop3A_329, %parallel_loop3A_330] {strides = array<i32>} : memref<40x256xf32, #tpu.memory_space<vmem>>, vector<1x16xf32>,
          %parallel_loop3A_332 = vector.shape_cast %parallel_loop3A_331 : vector<1x16xf32> to vector<16xf32>
          %parallel_loop3A_333 = vector.shape_cast %parallel_loop3A_328 : vector<16xf32> to vector<1x16xf32>
          tpu.vector_store %arg15[%parallel_loop3A_329, %parallel_loop3A_330], %parallel_loop3A_333 {add = true, strides = array<i32>} : memref<40x256xf32, #tpu.memory_space<vmem>>, vector<1x16xf32>,
          %parallel_loop3A_334 = arith.addi %while3A_127, %parallel_loop3A_193 : i32
          %parallel_loop3A_335 = arith.index_cast %parallel_loop3A_334 : i32 to index
          %parallel_loop3A_336 = arith.constant 224 : index
          %parallel_loop3A_337 = tpu.vector_load %arg8[%parallel_loop3A_335, %parallel_loop3A_336] {strides = array<i32>} : memref<200x256xf32, #tpu.memory_space<vmem>>, vector<1x16xf32>,
          %parallel_loop3A_338 = vector.shape_cast %parallel_loop3A_337 : vector<1x16xf32> to vector<16xf32>
          %parallel_loop3A_339 = arith.index_cast %parallel_loop3A_193 : i32 to index
          %parallel_loop3A_340 = arith.constant 224 : index
          %parallel_loop3A_341 = tpu.vector_load %arg15[%parallel_loop3A_339, %parallel_loop3A_340] {strides = array<i32>} : memref<40x256xf32, #tpu.memory_space<vmem>>, vector<1x16xf32>,
          %parallel_loop3A_342 = vector.shape_cast %parallel_loop3A_341 : vector<1x16xf32> to vector<16xf32>
          %parallel_loop3A_343 = vector.shape_cast %parallel_loop3A_338 : vector<16xf32> to vector<1x16xf32>
          tpu.vector_store %arg15[%parallel_loop3A_339, %parallel_loop3A_340], %parallel_loop3A_343 {add = true, strides = array<i32>} : memref<40x256xf32, #tpu.memory_space<vmem>>, vector<1x16xf32>,
          %parallel_loop3A_344 = arith.addi %while3A_127, %parallel_loop3A_193 : i32
          %parallel_loop3A_345 = arith.index_cast %parallel_loop3A_344 : i32 to index
          %parallel_loop3A_346 = arith.constant 240 : index
          %parallel_loop3A_347 = tpu.vector_load %arg8[%parallel_loop3A_345, %parallel_loop3A_346] {strides = array<i32>} : memref<200x256xf32, #tpu.memory_space<vmem>>, vector<1x16xf32>,
          %parallel_loop3A_348 = vector.shape_cast %parallel_loop3A_347 : vector<1x16xf32> to vector<16xf32>
          %parallel_loop3A_349 = arith.index_cast %parallel_loop3A_193 : i32 to index
          %parallel_loop3A_350 = arith.constant 240 : index
          %parallel_loop3A_351 = tpu.vector_load %arg15[%parallel_loop3A_349, %parallel_loop3A_350] {strides = array<i32>} : memref<40x256xf32, #tpu.memory_space<vmem>>, vector<1x16xf32>,
          %parallel_loop3A_352 = vector.shape_cast %parallel_loop3A_351 : vector<1x16xf32> to vector<16xf32>
          %parallel_loop3A_353 = vector.shape_cast %parallel_loop3A_348 : vector<16xf32> to vector<1x16xf32>
          tpu.vector_store %arg15[%parallel_loop3A_349, %parallel_loop3A_350], %parallel_loop3A_353 {add = true, strides = array<i32>} : memref<40x256xf32, #tpu.memory_space<vmem>>, vector<1x16xf32>,
        } {sc.loop_unroll_factor = 2 : i64, sc.parallel_access}
        %mul3A_185 = arith.constant 40 : i32
        %mul3A_186 = arith.muli %while3A_124, %mul3A_185 : i32
        %add3A_187 = arith.addi %squeeze3A, %mul3A_186 : i32
        %multiple_of3A_188 = tpu.assume_multiple %add3A_187, 8 : i32
        %dma_start3A_189 = arith.constant 0 : i32
        %dma_start3A_190 = tpu.memref_slice %arg7[%multiple_of3A_188, %dma_start3A_189] : memref<80000x256xf32, #tpu.memory_space<hbm>> -> memref<40x256xf32, #tpu.memory_space<hbm>>
        %dma_start3A_191 = arith.constant 0 : i32
        %dma_start3A_192 = tpu.memref_slice %arg7[%multiple_of3A_188, %dma_start3A_191] : memref<80000x256xf32, #tpu.memory_space<hbm>> -> memref<40x256xf32, #tpu.memory_space<hbm>>
        tpu.enqueue_dma source(%arg15 : memref<40x256xf32, #tpu.memory_space<vmem>>) target(%dma_start3A_192 : memref<40x256xf32, #tpu.memory_space<hbm>>) target_semaphore(%arg23 : memref<!tpu.dma_semaphore, #tpu.memory_space<semaphore_mem>>)
      } else {
      }
      %add3A_150 = arith.constant 40 : i32
      %add3A_151 = arith.addi %while3A_127, %add3A_150 : i32
      %eq3A_152 = arith.constant 200 : i32
      %eq3A_153 = arith.cmpi eq, %add3A_151, %eq3A_152 : i32
      %add3A_154 = arith.constant 40 : i32
      %add3A_155 = arith.addi %while3A_127, %add3A_154 : i32
      %jit3A = arith.constant 0 : i32
      %select_n3A = arith.select %eq3A_153, %jit3A, %add3A_155 : i32
      %add3A_156 = arith.constant 1 : i32
      %add3A_157 = arith.addi %while3A_126, %add3A_156 : i32
      %eq3A_158 = arith.constant 100 : i32
      %eq3A_159 = arith.cmpi eq, %add3A_157, %eq3A_158 : i32
      %convert_element_type3A_160 = arith.extui %eq3A_159 : i1 to i32
      %cond3A_161 = arith.constant 0 : i32
      %cond3A_162 = arith.cmpi ne, %convert_element_type3A_160, %cond3A_161 : i32
      scf.if %cond3A_162 {
        %get3A_168 = arith.index_cast %while3A_125 : i32 to index
        %get3A_169 = arith.constant 0 : index
        %get3A_170 = tpu.vector_load %arg10[%get3A_168, %get3A_169] {strides = array<i32>} : memref<32x16xi32, #tpu.memory_space<vmem>>, vector<1x16xi32>,
        %get3A_171 = vector.shape_cast %get3A_170 : vector<1x16xi32> to vector<16xi32>
        %slice3A_172 = vector.extract_strided_slice %get3A_171 {offsets = [0], sizes = [1], strides = [1]} : vector<16xi32> to vector<1xi32>
        %squeeze3A_173 = vector.extract %slice3A_172[0] : i32 from vector<1xi32>
        %get3A_174 = arith.index_cast %squeeze3A_173 : i32 to index
        %get3A_175 = arith.constant 0 : index
        %get3A_176 = tpu.vector_load %arg9[%get3A_174, %get3A_175] {strides = array<i32>} : memref<32x256xf32, #tpu.memory_space<vmem>>, vector<1x16xf32>,
        %get3A_177 = vector.shape_cast %get3A_176 : vector<1x16xf32> to vector<16xf32>
        %get3A_178 = arith.index_cast %squeeze3A_173 : i32 to index
        %get3A_179 = arith.constant 16 : index
        %get3A_180 = tpu.vector_load %arg9[%get3A_178, %get3A_179] {strides = array<i32>} : memref<32x256xf32, #tpu.memory_space<vmem>>, vector<1x16xf32>,
        %get3A_181 = vector.shape_cast %get3A_180 : vector<1x16xf32> to vector<16xf32>
        %get3A_182 = arith.index_cast %squeeze3A_173 : i32 to index
        %get3A_183 = arith.constant 32 : index
        %get3A_184 = tpu.vector_load %arg9[%get3A_182, %get3A_183] {strides = array<i32>} : memref<32x256xf32, #tpu.memory_space<vmem>>, vector<1x16xf32>,
        %get3A_185 = vector.shape_cast %get3A_184 : vector<1x16xf32> to vector<16xf32>
        %get3A_186 = arith.index_cast %squeeze3A_173 : i32 to index
        %get3A_187 = arith.constant 48 : index
        %get3A_188 = tpu.vector_load %arg9[%get3A_186, %get3A_187] {strides = array<i32>} : memref<32x256xf32, #tpu.memory_space<vmem>>, vector<1x16xf32>,
        %get3A_189 = vector.shape_cast %get3A_188 : vector<1x16xf32> to vector<16xf32>
        %get3A_190 = arith.index_cast %squeeze3A_173 : i32 to index
        %get3A_191 = arith.constant 64 : index
        %get3A_192 = tpu.vector_load %arg9[%get3A_190, %get3A_191] {strides = array<i32>} : memref<32x256xf32, #tpu.memory_space<vmem>>, vector<1x16xf32>,
        %get3A_193 = vector.shape_cast %get3A_192 : vector<1x16xf32> to vector<16xf32>
        %get3A_194 = arith.index_cast %squeeze3A_173 : i32 to index
        %get3A_195 = arith.constant 80 : index
        %get3A_196 = tpu.vector_load %arg9[%get3A_194, %get3A_195] {strides = array<i32>} : memref<32x256xf32, #tpu.memory_space<vmem>>, vector<1x16xf32>,
        %get3A_197 = vector.shape_cast %get3A_196 : vector<1x16xf32> to vector<16xf32>
        %get3A_198 = arith.index_cast %squeeze3A_173 : i32 to index
        %get3A_199 = arith.constant 96 : index
        %get3A_200 = tpu.vector_load %arg9[%get3A_198, %get3A_199] {strides = array<i32>} : memref<32x256xf32, #tpu.memory_space<vmem>>, vector<1x16xf32>,
        %get3A_201 = vector.shape_cast %get3A_200 : vector<1x16xf32> to vector<16xf32>
        %get3A_202 = arith.index_cast %squeeze3A_173 : i32 to index
        %get3A_203 = arith.constant 112 : index
        %get3A_204 = tpu.vector_load %arg9[%get3A_202, %get3A_203] {strides = array<i32>} : memref<32x256xf32, #tpu.memory_space<vmem>>, vector<1x16xf32>,
        %get3A_205 = vector.shape_cast %get3A_204 : vector<1x16xf32> to vector<16xf32>
        %get3A_206 = arith.index_cast %squeeze3A_173 : i32 to index
        %get3A_207 = arith.constant 128 : index
        %get3A_208 = tpu.vector_load %arg9[%get3A_206, %get3A_207] {strides = array<i32>} : memref<32x256xf32, #tpu.memory_space<vmem>>, vector<1x16xf32>,
        %get3A_209 = vector.shape_cast %get3A_208 : vector<1x16xf32> to vector<16xf32>
        %get3A_210 = arith.index_cast %squeeze3A_173 : i32 to index
        %get3A_211 = arith.constant 144 : index
        %get3A_212 = tpu.vector_load %arg9[%get3A_210, %get3A_211] {strides = array<i32>} : memref<32x256xf32, #tpu.memory_space<vmem>>, vector<1x16xf32>,
        %get3A_213 = vector.shape_cast %get3A_212 : vector<1x16xf32> to vector<16xf32>
        %get3A_214 = arith.index_cast %squeeze3A_173 : i32 to index
        %get3A_215 = arith.constant 160 : index
        %get3A_216 = tpu.vector_load %arg9[%get3A_214, %get3A_215] {strides = array<i32>} : memref<32x256xf32, #tpu.memory_space<vmem>>, vector<1x16xf32>,
        %get3A_217 = vector.shape_cast %get3A_216 : vector<1x16xf32> to vector<16xf32>
        %get3A_218 = arith.index_cast %squeeze3A_173 : i32 to index
        %get3A_219 = arith.constant 176 : index
        %get3A_220 = tpu.vector_load %arg9[%get3A_218, %get3A_219] {strides = array<i32>} : memref<32x256xf32, #tpu.memory_space<vmem>>, vector<1x16xf32>,
        %get3A_221 = vector.shape_cast %get3A_220 : vector<1x16xf32> to vector<16xf32>
        %get3A_222 = arith.index_cast %squeeze3A_173 : i32 to index
        %get3A_223 = arith.constant 192 : index
        %get3A_224 = tpu.vector_load %arg9[%get3A_222, %get3A_223] {strides = array<i32>} : memref<32x256xf32, #tpu.memory_space<vmem>>, vector<1x16xf32>,
        %get3A_225 = vector.shape_cast %get3A_224 : vector<1x16xf32> to vector<16xf32>
        %get3A_226 = arith.index_cast %squeeze3A_173 : i32 to index
        %get3A_227 = arith.constant 208 : index
        %get3A_228 = tpu.vector_load %arg9[%get3A_226, %get3A_227] {strides = array<i32>} : memref<32x256xf32, #tpu.memory_space<vmem>>, vector<1x16xf32>,
        %get3A_229 = vector.shape_cast %get3A_228 : vector<1x16xf32> to vector<16xf32>
        %get3A_230 = arith.index_cast %squeeze3A_173 : i32 to index
        %get3A_231 = arith.constant 224 : index
        %get3A_232 = tpu.vector_load %arg9[%get3A_230, %get3A_231] {strides = array<i32>} : memref<32x256xf32, #tpu.memory_space<vmem>>, vector<1x16xf32>,
        %get3A_233 = vector.shape_cast %get3A_232 : vector<1x16xf32> to vector<16xf32>
        %get3A_234 = arith.index_cast %squeeze3A_173 : i32 to index
        %get3A_235 = arith.constant 240 : index
        %get3A_236 = tpu.vector_load %arg9[%get3A_234, %get3A_235] {strides = array<i32>} : memref<32x256xf32, #tpu.memory_space<vmem>>, vector<1x16xf32>,
        %get3A_237 = vector.shape_cast %get3A_236 : vector<1x16xf32> to vector<16xf32>
        %add3A_238 = arith.constant 1 : i32
        %add3A_239 = arith.addi %while3A_125, %add3A_238 : i32
        %get3A_240 = arith.index_cast %add3A_239 : i32 to index
        %get3A_241 = arith.constant 0 : index
        %get3A_242 = tpu.vector_load %arg10[%get3A_240, %get3A_241] {strides = array<i32>} : memref<32x16xi32, #tpu.memory_space<vmem>>, vector<1x16xi32>,
        %get3A_243 = vector.shape_cast %get3A_242 : vector<1x16xi32> to vector<16xi32>
        %slice3A_244 = vector.extract_strided_slice %get3A_243 {offsets = [0], sizes = [1], strides = [1]} : vector<16xi32> to vector<1xi32>
        %squeeze3A_245 = vector.extract %slice3A_244[0] : i32 from vector<1xi32>
        %get3A_246 = arith.index_cast %squeeze3A_245 : i32 to index
        %get3A_247 = arith.constant 0 : index
        %get3A_248 = tpu.vector_load %arg9[%get3A_246, %get3A_247] {strides = array<i32>} : memref<32x256xf32, #tpu.memory_space<vmem>>, vector<1x16xf32>,
        %get3A_249 = vector.shape_cast %get3A_248 : vector<1x16xf32> to vector<16xf32>
        %get3A_250 = arith.index_cast %squeeze3A_245 : i32 to index
        %get3A_251 = arith.constant 16 : index
        %get3A_252 = tpu.vector_load %arg9[%get3A_250, %get3A_251] {strides = array<i32>} : memref<32x256xf32, #tpu.memory_space<vmem>>, vector<1x16xf32>,
        %get3A_253 = vector.shape_cast %get3A_252 : vector<1x16xf32> to vector<16xf32>
        %get3A_254 = arith.index_cast %squeeze3A_245 : i32 to index
        %get3A_255 = arith.constant 32 : index
        %get3A_256 = tpu.vector_load %arg9[%get3A_254, %get3A_255] {strides = array<i32>} : memref<32x256xf32, #tpu.memory_space<vmem>>, vector<1x16xf32>,
        %get3A_257 = vector.shape_cast %get3A_256 : vector<1x16xf32> to vector<16xf32>
        %get3A_258 = arith.index_cast %squeeze3A_245 : i32 to index
        %get3A_259 = arith.constant 48 : index
        %get3A_260 = tpu.vector_load %arg9[%get3A_258, %get3A_259] {strides = array<i32>} : memref<32x256xf32, #tpu.memory_space<vmem>>, vector<1x16xf32>,
        %get3A_261 = vector.shape_cast %get3A_260 : vector<1x16xf32> to vector<16xf32>
        %get3A_262 = arith.index_cast %squeeze3A_245 : i32 to index
        %get3A_263 = arith.constant 64 : index
        %get3A_264 = tpu.vector_load %arg9[%get3A_262, %get3A_263] {strides = array<i32>} : memref<32x256xf32, #tpu.memory_space<vmem>>, vector<1x16xf32>,
        %get3A_265 = vector.shape_cast %get3A_264 : vector<1x16xf32> to vector<16xf32>
        %get3A_266 = arith.index_cast %squeeze3A_245 : i32 to index
        %get3A_267 = arith.constant 80 : index
        %get3A_268 = tpu.vector_load %arg9[%get3A_266, %get3A_267] {strides = array<i32>} : memref<32x256xf32, #tpu.memory_space<vmem>>, vector<1x16xf32>,
        %get3A_269 = vector.shape_cast %get3A_268 : vector<1x16xf32> to vector<16xf32>
        %get3A_270 = arith.index_cast %squeeze3A_245 : i32 to index
        %get3A_271 = arith.constant 96 : index
        %get3A_272 = tpu.vector_load %arg9[%get3A_270, %get3A_271] {strides = array<i32>} : memref<32x256xf32, #tpu.memory_space<vmem>>, vector<1x16xf32>,
        %get3A_273 = vector.shape_cast %get3A_272 : vector<1x16xf32> to vector<16xf32>
        %get3A_274 = arith.index_cast %squeeze3A_245 : i32 to index
        %get3A_275 = arith.constant 112 : index
        %get3A_276 = tpu.vector_load %arg9[%get3A_274, %get3A_275] {strides = array<i32>} : memref<32x256xf32, #tpu.memory_space<vmem>>, vector<1x16xf32>,
        %get3A_277 = vector.shape_cast %get3A_276 : vector<1x16xf32> to vector<16xf32>
        %get3A_278 = arith.index_cast %squeeze3A_245 : i32 to index
        %get3A_279 = arith.constant 128 : index
        %get3A_280 = tpu.vector_load %arg9[%get3A_278, %get3A_279] {strides = array<i32>} : memref<32x256xf32, #tpu.memory_space<vmem>>, vector<1x16xf32>,
        %get3A_281 = vector.shape_cast %get3A_280 : vector<1x16xf32> to vector<16xf32>
        %get3A_282 = arith.index_cast %squeeze3A_245 : i32 to index
        %get3A_283 = arith.constant 144 : index
        %get3A_284 = tpu.vector_load %arg9[%get3A_282, %get3A_283] {strides = array<i32>} : memref<32x256xf32, #tpu.memory_space<vmem>>, vector<1x16xf32>,
        %get3A_285 = vector.shape_cast %get3A_284 : vector<1x16xf32> to vector<16xf32>
        %get3A_286 = arith.index_cast %squeeze3A_245 : i32 to index
        %get3A_287 = arith.constant 160 : index
        %get3A_288 = tpu.vector_load %arg9[%get3A_286, %get3A_287] {strides = array<i32>} : memref<32x256xf32, #tpu.memory_space<vmem>>, vector<1x16xf32>,
        %get3A_289 = vector.shape_cast %get3A_288 : vector<1x16xf32> to vector<16xf32>
        %get3A_290 = arith.index_cast %squeeze3A_245 : i32 to index
        %get3A_291 = arith.constant 176 : index
        %get3A_292 = tpu.vector_load %arg9[%get3A_290, %get3A_291] {strides = array<i32>} : memref<32x256xf32, #tpu.memory_space<vmem>>, vector<1x16xf32>,
        %get3A_293 = vector.shape_cast %get3A_292 : vector<1x16xf32> to vector<16xf32>
        %get3A_294 = arith.index_cast %squeeze3A_245 : i32 to index
        %get3A_295 = arith.constant 192 : index
        %get3A_296 = tpu.vector_load %arg9[%get3A_294, %get3A_295] {strides = array<i32>} : memref<32x256xf32, #tpu.memory_space<vmem>>, vector<1x16xf32>,
        %get3A_297 = vector.shape_cast %get3A_296 : vector<1x16xf32> to vector<16xf32>
        %get3A_298 = arith.index_cast %squeeze3A_245 : i32 to index
        %get3A_299 = arith.constant 208 : index
        %get3A_300 = tpu.vector_load %arg9[%get3A_298, %get3A_299] {strides = array<i32>} : memref<32x256xf32, #tpu.memory_space<vmem>>, vector<1x16xf32>,
        %get3A_301 = vector.shape_cast %get3A_300 : vector<1x16xf32> to vector<16xf32>
        %get3A_302 = arith.index_cast %squeeze3A_245 : i32 to index
        %get3A_303 = arith.constant 224 : index
        %get3A_304 = tpu.vector_load %arg9[%get3A_302, %get3A_303] {strides = array<i32>} : memref<32x256xf32, #tpu.memory_space<vmem>>, vector<1x16xf32>,
        %get3A_305 = vector.shape_cast %get3A_304 : vector<1x16xf32> to vector<16xf32>
        %get3A_306 = arith.index_cast %squeeze3A_245 : i32 to index
        %get3A_307 = arith.constant 240 : index
        %get3A_308 = tpu.vector_load %arg9[%get3A_306, %get3A_307] {strides = array<i32>} : memref<32x256xf32, #tpu.memory_space<vmem>>, vector<1x16xf32>,
        %get3A_309 = vector.shape_cast %get3A_308 : vector<1x16xf32> to vector<16xf32>
        %sub3A = arith.subf %get3A_249, %get3A_177 : vector<16xf32>
        %sub3A_310 = arith.subf %get3A_253, %get3A_181 : vector<16xf32>
        %sub3A_311 = arith.subf %get3A_257, %get3A_185 : vector<16xf32>
        %sub3A_312 = arith.subf %get3A_261, %get3A_189 : vector<16xf32>
        %sub3A_313 = arith.subf %get3A_265, %get3A_193 : vector<16xf32>
        %sub3A_314 = arith.subf %get3A_269, %get3A_197 : vector<16xf32>
        %sub3A_315 = arith.subf %get3A_273, %get3A_201 : vector<16xf32>
        %sub3A_316 = arith.subf %get3A_277, %get3A_205 : vector<16xf32>
        %sub3A_317 = arith.subf %get3A_281, %get3A_209 : vector<16xf32>
        %sub3A_318 = arith.subf %get3A_285, %get3A_213 : vector<16xf32>
        %sub3A_319 = arith.subf %get3A_289, %get3A_217 : vector<16xf32>
        %sub3A_320 = arith.subf %get3A_293, %get3A_221 : vector<16xf32>
        %sub3A_321 = arith.subf %get3A_297, %get3A_225 : vector<16xf32>
        %sub3A_322 = arith.subf %get3A_301, %get3A_229 : vector<16xf32>
        %sub3A_323 = arith.subf %get3A_305, %get3A_233 : vector<16xf32>
        %sub3A_324 = arith.subf %get3A_309, %get3A_237 : vector<16xf32>
        %parallel_loop3A_325 = arith.constant 0 : i32
        %parallel_loop3A_326 = arith.constant 200 : i32
        %parallel_loop3A_327 = arith.constant 1 : i32
        scf.for %parallel_loop3A_328 = %parallel_loop3A_325 to %parallel_loop3A_326 step %parallel_loop3A_327  : i32 {
          %parallel_loop3A_329 = arith.index_cast %parallel_loop3A_328 : i32 to index
          %parallel_loop3A_330 = arith.constant 0 : index
          %parallel_loop3A_331 = tpu.vector_load %arg8[%parallel_loop3A_329, %parallel_loop3A_330] {strides = array<i32>} : memref<200x256xf32, #tpu.memory_space<vmem>>, vector<1x16xf32>,
          %parallel_loop3A_332 = vector.shape_cast %parallel_loop3A_331 : vector<1x16xf32> to vector<16xf32>
          %parallel_loop3A_333 = vector.shape_cast %sub3A : vector<16xf32> to vector<1x16xf32>
          tpu.vector_store %arg8[%parallel_loop3A_329, %parallel_loop3A_330], %parallel_loop3A_333 {add = true, strides = array<i32>} : memref<200x256xf32, #tpu.memory_space<vmem>>, vector<1x16xf32>,
          %parallel_loop3A_334 = arith.index_cast %parallel_loop3A_328 : i32 to index
          %parallel_loop3A_335 = arith.constant 16 : index
          %parallel_loop3A_336 = tpu.vector_load %arg8[%parallel_loop3A_334, %parallel_loop3A_335] {strides = array<i32>} : memref<200x256xf32, #tpu.memory_space<vmem>>, vector<1x16xf32>,
          %parallel_loop3A_337 = vector.shape_cast %parallel_loop3A_336 : vector<1x16xf32> to vector<16xf32>
          %parallel_loop3A_338 = vector.shape_cast %sub3A_310 : vector<16xf32> to vector<1x16xf32>
          tpu.vector_store %arg8[%parallel_loop3A_334, %parallel_loop3A_335], %parallel_loop3A_338 {add = true, strides = array<i32>} : memref<200x256xf32, #tpu.memory_space<vmem>>, vector<1x16xf32>,
          %parallel_loop3A_339 = arith.index_cast %parallel_loop3A_328 : i32 to index
          %parallel_loop3A_340 = arith.constant 32 : index
          %parallel_loop3A_341 = tpu.vector_load %arg8[%parallel_loop3A_339, %parallel_loop3A_340] {strides = array<i32>} : memref<200x256xf32, #tpu.memory_space<vmem>>, vector<1x16xf32>,
          %parallel_loop3A_342 = vector.shape_cast %parallel_loop3A_341 : vector<1x16xf32> to vector<16xf32>
          %parallel_loop3A_343 = vector.shape_cast %sub3A_311 : vector<16xf32> to vector<1x16xf32>
          tpu.vector_store %arg8[%parallel_loop3A_339, %parallel_loop3A_340], %parallel_loop3A_343 {add = true, strides = array<i32>} : memref<200x256xf32, #tpu.memory_space<vmem>>, vector<1x16xf32>,
          %parallel_loop3A_344 = arith.index_cast %parallel_loop3A_328 : i32 to index
          %parallel_loop3A_345 = arith.constant 48 : index
          %parallel_loop3A_346 = tpu.vector_load %arg8[%parallel_loop3A_344, %parallel_loop3A_345] {strides = array<i32>} : memref<200x256xf32, #tpu.memory_space<vmem>>, vector<1x16xf32>,
          %parallel_loop3A_347 = vector.shape_cast %parallel_loop3A_346 : vector<1x16xf32> to vector<16xf32>
          %parallel_loop3A_348 = vector.shape_cast %sub3A_312 : vector<16xf32> to vector<1x16xf32>
          tpu.vector_store %arg8[%parallel_loop3A_344, %parallel_loop3A_345], %parallel_loop3A_348 {add = true, strides = array<i32>} : memref<200x256xf32, #tpu.memory_space<vmem>>, vector<1x16xf32>,
          %parallel_loop3A_349 = arith.index_cast %parallel_loop3A_328 : i32 to index
          %parallel_loop3A_350 = arith.constant 64 : index
          %parallel_loop3A_351 = tpu.vector_load %arg8[%parallel_loop3A_349, %parallel_loop3A_350] {strides = array<i32>} : memref<200x256xf32, #tpu.memory_space<vmem>>, vector<1x16xf32>,
          %parallel_loop3A_352 = vector.shape_cast %parallel_loop3A_351 : vector<1x16xf32> to vector<16xf32>
          %parallel_loop3A_353 = vector.shape_cast %sub3A_313 : vector<16xf32> to vector<1x16xf32>
          tpu.vector_store %arg8[%parallel_loop3A_349, %parallel_loop3A_350], %parallel_loop3A_353 {add = true, strides = array<i32>} : memref<200x256xf32, #tpu.memory_space<vmem>>, vector<1x16xf32>,
          %parallel_loop3A_354 = arith.index_cast %parallel_loop3A_328 : i32 to index
          %parallel_loop3A_355 = arith.constant 80 : index
          %parallel_loop3A_356 = tpu.vector_load %arg8[%parallel_loop3A_354, %parallel_loop3A_355] {strides = array<i32>} : memref<200x256xf32, #tpu.memory_space<vmem>>, vector<1x16xf32>,
          %parallel_loop3A_357 = vector.shape_cast %parallel_loop3A_356 : vector<1x16xf32> to vector<16xf32>
          %parallel_loop3A_358 = vector.shape_cast %sub3A_314 : vector<16xf32> to vector<1x16xf32>
          tpu.vector_store %arg8[%parallel_loop3A_354, %parallel_loop3A_355], %parallel_loop3A_358 {add = true, strides = array<i32>} : memref<200x256xf32, #tpu.memory_space<vmem>>, vector<1x16xf32>,
          %parallel_loop3A_359 = arith.index_cast %parallel_loop3A_328 : i32 to index
          %parallel_loop3A_360 = arith.constant 96 : index
          %parallel_loop3A_361 = tpu.vector_load %arg8[%parallel_loop3A_359, %parallel_loop3A_360] {strides = array<i32>} : memref<200x256xf32, #tpu.memory_space<vmem>>, vector<1x16xf32>,
          %parallel_loop3A_362 = vector.shape_cast %parallel_loop3A_361 : vector<1x16xf32> to vector<16xf32>
          %parallel_loop3A_363 = vector.shape_cast %sub3A_315 : vector<16xf32> to vector<1x16xf32>
          tpu.vector_store %arg8[%parallel_loop3A_359, %parallel_loop3A_360], %parallel_loop3A_363 {add = true, strides = array<i32>} : memref<200x256xf32, #tpu.memory_space<vmem>>, vector<1x16xf32>,
          %parallel_loop3A_364 = arith.index_cast %parallel_loop3A_328 : i32 to index
          %parallel_loop3A_365 = arith.constant 112 : index
          %parallel_loop3A_366 = tpu.vector_load %arg8[%parallel_loop3A_364, %parallel_loop3A_365] {strides = array<i32>} : memref<200x256xf32, #tpu.memory_space<vmem>>, vector<1x16xf32>,
          %parallel_loop3A_367 = vector.shape_cast %parallel_loop3A_366 : vector<1x16xf32> to vector<16xf32>
          %parallel_loop3A_368 = vector.shape_cast %sub3A_316 : vector<16xf32> to vector<1x16xf32>
          tpu.vector_store %arg8[%parallel_loop3A_364, %parallel_loop3A_365], %parallel_loop3A_368 {add = true, strides = array<i32>} : memref<200x256xf32, #tpu.memory_space<vmem>>, vector<1x16xf32>,
          %parallel_loop3A_369 = arith.index_cast %parallel_loop3A_328 : i32 to index
          %parallel_loop3A_370 = arith.constant 128 : index
          %parallel_loop3A_371 = tpu.vector_load %arg8[%parallel_loop3A_369, %parallel_loop3A_370] {strides = array<i32>} : memref<200x256xf32, #tpu.memory_space<vmem>>, vector<1x16xf32>,
          %parallel_loop3A_372 = vector.shape_cast %parallel_loop3A_371 : vector<1x16xf32> to vector<16xf32>
          %parallel_loop3A_373 = vector.shape_cast %sub3A_317 : vector<16xf32> to vector<1x16xf32>
          tpu.vector_store %arg8[%parallel_loop3A_369, %parallel_loop3A_370], %parallel_loop3A_373 {add = true, strides = array<i32>} : memref<200x256xf32, #tpu.memory_space<vmem>>, vector<1x16xf32>,
          %parallel_loop3A_374 = arith.index_cast %parallel_loop3A_328 : i32 to index
          %parallel_loop3A_375 = arith.constant 144 : index
          %parallel_loop3A_376 = tpu.vector_load %arg8[%parallel_loop3A_374, %parallel_loop3A_375] {strides = array<i32>} : memref<200x256xf32, #tpu.memory_space<vmem>>, vector<1x16xf32>,
          %parallel_loop3A_377 = vector.shape_cast %parallel_loop3A_376 : vector<1x16xf32> to vector<16xf32>
          %parallel_loop3A_378 = vector.shape_cast %sub3A_318 : vector<16xf32> to vector<1x16xf32>
          tpu.vector_store %arg8[%parallel_loop3A_374, %parallel_loop3A_375], %parallel_loop3A_378 {add = true, strides = array<i32>} : memref<200x256xf32, #tpu.memory_space<vmem>>, vector<1x16xf32>,
          %parallel_loop3A_379 = arith.index_cast %parallel_loop3A_328 : i32 to index
          %parallel_loop3A_380 = arith.constant 160 : index
          %parallel_loop3A_381 = tpu.vector_load %arg8[%parallel_loop3A_379, %parallel_loop3A_380] {strides = array<i32>} : memref<200x256xf32, #tpu.memory_space<vmem>>, vector<1x16xf32>,
          %parallel_loop3A_382 = vector.shape_cast %parallel_loop3A_381 : vector<1x16xf32> to vector<16xf32>
          %parallel_loop3A_383 = vector.shape_cast %sub3A_319 : vector<16xf32> to vector<1x16xf32>
          tpu.vector_store %arg8[%parallel_loop3A_379, %parallel_loop3A_380], %parallel_loop3A_383 {add = true, strides = array<i32>} : memref<200x256xf32, #tpu.memory_space<vmem>>, vector<1x16xf32>,
          %parallel_loop3A_384 = arith.index_cast %parallel_loop3A_328 : i32 to index
          %parallel_loop3A_385 = arith.constant 176 : index
          %parallel_loop3A_386 = tpu.vector_load %arg8[%parallel_loop3A_384, %parallel_loop3A_385] {strides = array<i32>} : memref<200x256xf32, #tpu.memory_space<vmem>>, vector<1x16xf32>,
          %parallel_loop3A_387 = vector.shape_cast %parallel_loop3A_386 : vector<1x16xf32> to vector<16xf32>
          %parallel_loop3A_388 = vector.shape_cast %sub3A_320 : vector<16xf32> to vector<1x16xf32>
          tpu.vector_store %arg8[%parallel_loop3A_384, %parallel_loop3A_385], %parallel_loop3A_388 {add = true, strides = array<i32>} : memref<200x256xf32, #tpu.memory_space<vmem>>, vector<1x16xf32>,
          %parallel_loop3A_389 = arith.index_cast %parallel_loop3A_328 : i32 to index
          %parallel_loop3A_390 = arith.constant 192 : index
          %parallel_loop3A_391 = tpu.vector_load %arg8[%parallel_loop3A_389, %parallel_loop3A_390] {strides = array<i32>} : memref<200x256xf32, #tpu.memory_space<vmem>>, vector<1x16xf32>,
          %parallel_loop3A_392 = vector.shape_cast %parallel_loop3A_391 : vector<1x16xf32> to vector<16xf32>
          %parallel_loop3A_393 = vector.shape_cast %sub3A_321 : vector<16xf32> to vector<1x16xf32>
          tpu.vector_store %arg8[%parallel_loop3A_389, %parallel_loop3A_390], %parallel_loop3A_393 {add = true, strides = array<i32>} : memref<200x256xf32, #tpu.memory_space<vmem>>, vector<1x16xf32>,
          %parallel_loop3A_394 = arith.index_cast %parallel_loop3A_328 : i32 to index
          %parallel_loop3A_395 = arith.constant 208 : index
          %parallel_loop3A_396 = tpu.vector_load %arg8[%parallel_loop3A_394, %parallel_loop3A_395] {strides = array<i32>} : memref<200x256xf32, #tpu.memory_space<vmem>>, vector<1x16xf32>,
          %parallel_loop3A_397 = vector.shape_cast %parallel_loop3A_396 : vector<1x16xf32> to vector<16xf32>
          %parallel_loop3A_398 = vector.shape_cast %sub3A_322 : vector<16xf32> to vector<1x16xf32>
          tpu.vector_store %arg8[%parallel_loop3A_394, %parallel_loop3A_395], %parallel_loop3A_398 {add = true, strides = array<i32>} : memref<200x256xf32, #tpu.memory_space<vmem>>, vector<1x16xf32>,
          %parallel_loop3A_399 = arith.index_cast %parallel_loop3A_328 : i32 to index
          %parallel_loop3A_400 = arith.constant 224 : index
          %parallel_loop3A_401 = tpu.vector_load %arg8[%parallel_loop3A_399, %parallel_loop3A_400] {strides = array<i32>} : memref<200x256xf32, #tpu.memory_space<vmem>>, vector<1x16xf32>,
          %parallel_loop3A_402 = vector.shape_cast %parallel_loop3A_401 : vector<1x16xf32> to vector<16xf32>
          %parallel_loop3A_403 = vector.shape_cast %sub3A_323 : vector<16xf32> to vector<1x16xf32>
          tpu.vector_store %arg8[%parallel_loop3A_399, %parallel_loop3A_400], %parallel_loop3A_403 {add = true, strides = array<i32>} : memref<200x256xf32, #tpu.memory_space<vmem>>, vector<1x16xf32>,
          %parallel_loop3A_404 = arith.index_cast %parallel_loop3A_328 : i32 to index
          %parallel_loop3A_405 = arith.constant 240 : index
          %parallel_loop3A_406 = tpu.vector_load %arg8[%parallel_loop3A_404, %parallel_loop3A_405] {strides = array<i32>} : memref<200x256xf32, #tpu.memory_space<vmem>>, vector<1x16xf32>,
          %parallel_loop3A_407 = vector.shape_cast %parallel_loop3A_406 : vector<1x16xf32> to vector<16xf32>
          %parallel_loop3A_408 = vector.shape_cast %sub3A_324 : vector<16xf32> to vector<1x16xf32>
          tpu.vector_store %arg8[%parallel_loop3A_404, %parallel_loop3A_405], %parallel_loop3A_408 {add = true, strides = array<i32>} : memref<200x256xf32, #tpu.memory_space<vmem>>, vector<1x16xf32>,
        } {sc.loop_unroll_factor = 2 : i64, sc.parallel_access}
      } else {
      }
      %add3A_163 = arith.constant 1 : i32
      %add3A_164 = arith.addi %while3A_125, %add3A_163 : i32
      %select_n3A_165 = arith.select %eq3A_159, %add3A_164, %while3A_125 : i32
      %jit3A_166 = arith.constant 0 : i32
      %select_n3A_167 = arith.select %eq3A_159, %jit3A_166, %add3A_157 : i32
      scf.yield %select_n3A_165, %select_n3A_167, %select_n3A : i32, i32, i32
    }
    %while3A_104 = arith.constant 1 : i32
    %while3A_105:3 = scf.for %while3A_124 = %while3A_101 to %while3A_97 step %while3A_104 iter_args(%while3A_125 = %while3A_103#0, %while3A_126 = %while3A_103#1, %while3A_127 = %while3A_103#2) -> (i32, i32, i32)  : i32 {
      %and3A_128 = arith.constant 3 : i32
      %and3A_129 = arith.andi %while3A_124, %and3A_128 : i32
      %eq3A_130 = arith.constant 0 : i32
      %eq3A_131 = arith.cmpi eq, %and3A_129, %eq3A_130 : i32
      %convert_element_type3A_132 = arith.extui %eq3A_131 : i1 to i32
      %cond3A_133 = arith.constant 0 : i32
      %cond3A_134 = arith.cmpi ne, %convert_element_type3A_132, %cond3A_133 : i32
      scf.if %cond3A_134 {
        %dma_wait3A = arith.constant 0 : i32
        %dma_wait3A_168 = arith.constant 0 : i32
        %dma_wait3A_169 = tpu.memref_slice %arg2[%dma_wait3A, %dma_wait3A_168] : memref<80000x256xf32, #tpu.memory_space<hbm>> -> memref<40x256xf32, #tpu.memory_space<hbm>>
        %dma_wait3A_170 = arith.constant 0 : i32
        %dma_wait3A_171 = arith.constant 0 : i32
        %dma_wait3A_172 = tpu.memref_slice %arg2[%dma_wait3A_170, %dma_wait3A_171] : memref<80000x256xf32, #tpu.memory_space<hbm>> -> memref<40x256xf32, #tpu.memory_space<hbm>>
        tpu.wait_dma2 semaphore(%arg16 : memref<!tpu.dma_semaphore, #tpu.memory_space<semaphore_mem>>) src(%dma_wait3A_172 : memref<40x256xf32, #tpu.memory_space<hbm>>) dst(%arg12 : memref<40x256xf32, #tpu.memory_space<vmem>>)
        %gt3A = arith.constant 1 : i32
        %gt3A_173 = arith.cmpi sgt, %while3A_124, %gt3A : i32
        %convert_element_type3A_174 = arith.extui %gt3A_173 : i1 to i32
        %cond3A_175 = arith.constant 0 : i32
        %cond3A_176 = arith.cmpi ne, %convert_element_type3A_174, %cond3A_175 : i32
        scf.if %cond3A_176 {
          %dma_wait3A_193 = arith.constant 0 : i32
          %dma_wait3A_194 = arith.constant 0 : i32
          %dma_wait3A_195 = tpu.memref_slice %arg7[%dma_wait3A_193, %dma_wait3A_194] : memref<80000x256xf32, #tpu.memory_space<hbm>> -> memref<40x256xf32, #tpu.memory_space<hbm>>
          %dma_wait3A_196 = arith.constant 0 : i32
          %dma_wait3A_197 = arith.constant 0 : i32
          %dma_wait3A_198 = tpu.memref_slice %arg7[%dma_wait3A_196, %dma_wait3A_197] : memref<80000x256xf32, #tpu.memory_space<hbm>> -> memref<40x256xf32, #tpu.memory_space<hbm>>
          tpu.wait_dma2 semaphore(%arg22 : memref<!tpu.dma_semaphore, #tpu.memory_space<semaphore_mem>>) src(%arg14 : memref<40x256xf32, #tpu.memory_space<vmem>>) dst(%dma_wait3A_198 : memref<40x256xf32, #tpu.memory_space<hbm>>)
        } else {
        }
        %add3A_177 = arith.constant 2 : i32
        %add3A_178 = arith.addi %while3A_124, %add3A_177 : i32
        %lt3A = arith.cmpi slt, %add3A_178, %squeeze3A_5 : i32
        %convert_element_type3A_179 = arith.extui %lt3A : i1 to i32
        %cond3A_180 = arith.constant 0 : i32
        %cond3A_181 = arith.cmpi ne, %convert_element_type3A_179, %cond3A_180 : i32
        scf.if %cond3A_181 {
          %add3A_193 = arith.constant 2 : i32
          %add3A_194 = arith.addi %while3A_124, %add3A_193 : i32
          %mul3A_195 = arith.constant 40 : i32
          %mul3A_196 = arith.muli %add3A_194, %mul3A_195 : i32
          %add3A_197 = arith.addi %squeeze3A, %mul3A_196 : i32
          %multiple_of3A_198 = tpu.assume_multiple %add3A_197, 8 : i32
          %dma_start3A_199 = arith.constant 0 : i32
          %dma_start3A_200 = tpu.memref_slice %arg2[%multiple_of3A_198, %dma_start3A_199] : memref<80000x256xf32, #tpu.memory_space<hbm>> -> memref<40x256xf32, #tpu.memory_space<hbm>>
          %dma_start3A_201 = arith.constant 0 : i32
          %dma_start3A_202 = tpu.memref_slice %arg2[%multiple_of3A_198, %dma_start3A_201] : memref<80000x256xf32, #tpu.memory_space<hbm>> -> memref<40x256xf32, #tpu.memory_space<hbm>>
          tpu.enqueue_dma source(%dma_start3A_202 : memref<40x256xf32, #tpu.memory_space<hbm>>) target(%arg14 : memref<40x256xf32, #tpu.memory_space<vmem>>) target_semaphore(%arg18 : memref<!tpu.dma_semaphore, #tpu.memory_space<semaphore_mem>>)
        } else {
        }
        %parallel_loop3A_182 = arith.constant 0 : i32
        %parallel_loop3A_183 = arith.constant 40 : i32
        %parallel_loop3A_184 = arith.constant 1 : i32
        scf.for %parallel_loop3A_193 = %parallel_loop3A_182 to %parallel_loop3A_183 step %parallel_loop3A_184  : i32 {
          %parallel_loop3A_194 = arith.addi %while3A_127, %parallel_loop3A_193 : i32
          %parallel_loop3A_195 = arith.index_cast %parallel_loop3A_194 : i32 to index
          %parallel_loop3A_196 = arith.constant 0 : index
          %parallel_loop3A_197 = tpu.vector_load %arg8[%parallel_loop3A_195, %parallel_loop3A_196] {strides = array<i32>} : memref<200x256xf32, #tpu.memory_space<vmem>>, vector<1x16xf32>,
          %parallel_loop3A_198 = vector.shape_cast %parallel_loop3A_197 : vector<1x16xf32> to vector<16xf32>
          %parallel_loop3A_199 = arith.index_cast %parallel_loop3A_193 : i32 to index
          %parallel_loop3A_200 = arith.constant 0 : index
          %parallel_loop3A_201 = tpu.vector_load %arg12[%parallel_loop3A_199, %parallel_loop3A_200] {strides = array<i32>} : memref<40x256xf32, #tpu.memory_space<vmem>>, vector<1x16xf32>,
          %parallel_loop3A_202 = vector.shape_cast %parallel_loop3A_201 : vector<1x16xf32> to vector<16xf32>
          %parallel_loop3A_203 = vector.shape_cast %parallel_loop3A_198 : vector<16xf32> to vector<1x16xf32>
          tpu.vector_store %arg12[%parallel_loop3A_199, %parallel_loop3A_200], %parallel_loop3A_203 {add = true, strides = array<i32>} : memref<40x256xf32, #tpu.memory_space<vmem>>, vector<1x16xf32>,
          %parallel_loop3A_204 = arith.addi %while3A_127, %parallel_loop3A_193 : i32
          %parallel_loop3A_205 = arith.index_cast %parallel_loop3A_204 : i32 to index
          %parallel_loop3A_206 = arith.constant 16 : index
          %parallel_loop3A_207 = tpu.vector_load %arg8[%parallel_loop3A_205, %parallel_loop3A_206] {strides = array<i32>} : memref<200x256xf32, #tpu.memory_space<vmem>>, vector<1x16xf32>,
          %parallel_loop3A_208 = vector.shape_cast %parallel_loop3A_207 : vector<1x16xf32> to vector<16xf32>
          %parallel_loop3A_209 = arith.index_cast %parallel_loop3A_193 : i32 to index
          %parallel_loop3A_210 = arith.constant 16 : index
          %parallel_loop3A_211 = tpu.vector_load %arg12[%parallel_loop3A_209, %parallel_loop3A_210] {strides = array<i32>} : memref<40x256xf32, #tpu.memory_space<vmem>>, vector<1x16xf32>,
          %parallel_loop3A_212 = vector.shape_cast %parallel_loop3A_211 : vector<1x16xf32> to vector<16xf32>
          %parallel_loop3A_213 = vector.shape_cast %parallel_loop3A_208 : vector<16xf32> to vector<1x16xf32>
          tpu.vector_store %arg12[%parallel_loop3A_209, %parallel_loop3A_210], %parallel_loop3A_213 {add = true, strides = array<i32>} : memref<40x256xf32, #tpu.memory_space<vmem>>, vector<1x16xf32>,
          %parallel_loop3A_214 = arith.addi %while3A_127, %parallel_loop3A_193 : i32
          %parallel_loop3A_215 = arith.index_cast %parallel_loop3A_214 : i32 to index
          %parallel_loop3A_216 = arith.constant 32 : index
          %parallel_loop3A_217 = tpu.vector_load %arg8[%parallel_loop3A_215, %parallel_loop3A_216] {strides = array<i32>} : memref<200x256xf32, #tpu.memory_space<vmem>>, vector<1x16xf32>,
          %parallel_loop3A_218 = vector.shape_cast %parallel_loop3A_217 : vector<1x16xf32> to vector<16xf32>
          %parallel_loop3A_219 = arith.index_cast %parallel_loop3A_193 : i32 to index
          %parallel_loop3A_220 = arith.constant 32 : index
          %parallel_loop3A_221 = tpu.vector_load %arg12[%parallel_loop3A_219, %parallel_loop3A_220] {strides = array<i32>} : memref<40x256xf32, #tpu.memory_space<vmem>>, vector<1x16xf32>,
          %parallel_loop3A_222 = vector.shape_cast %parallel_loop3A_221 : vector<1x16xf32> to vector<16xf32>
          %parallel_loop3A_223 = vector.shape_cast %parallel_loop3A_218 : vector<16xf32> to vector<1x16xf32>
          tpu.vector_store %arg12[%parallel_loop3A_219, %parallel_loop3A_220], %parallel_loop3A_223 {add = true, strides = array<i32>} : memref<40x256xf32, #tpu.memory_space<vmem>>, vector<1x16xf32>,
          %parallel_loop3A_224 = arith.addi %while3A_127, %parallel_loop3A_193 : i32
          %parallel_loop3A_225 = arith.index_cast %parallel_loop3A_224 : i32 to index
          %parallel_loop3A_226 = arith.constant 48 : index
          %parallel_loop3A_227 = tpu.vector_load %arg8[%parallel_loop3A_225, %parallel_loop3A_226] {strides = array<i32>} : memref<200x256xf32, #tpu.memory_space<vmem>>, vector<1x16xf32>,
          %parallel_loop3A_228 = vector.shape_cast %parallel_loop3A_227 : vector<1x16xf32> to vector<16xf32>
          %parallel_loop3A_229 = arith.index_cast %parallel_loop3A_193 : i32 to index
          %parallel_loop3A_230 = arith.constant 48 : index
          %parallel_loop3A_231 = tpu.vector_load %arg12[%parallel_loop3A_229, %parallel_loop3A_230] {strides = array<i32>} : memref<40x256xf32, #tpu.memory_space<vmem>>, vector<1x16xf32>,
          %parallel_loop3A_232 = vector.shape_cast %parallel_loop3A_231 : vector<1x16xf32> to vector<16xf32>
          %parallel_loop3A_233 = vector.shape_cast %parallel_loop3A_228 : vector<16xf32> to vector<1x16xf32>
          tpu.vector_store %arg12[%parallel_loop3A_229, %parallel_loop3A_230], %parallel_loop3A_233 {add = true, strides = array<i32>} : memref<40x256xf32, #tpu.memory_space<vmem>>, vector<1x16xf32>,
          %parallel_loop3A_234 = arith.addi %while3A_127, %parallel_loop3A_193 : i32
          %parallel_loop3A_235 = arith.index_cast %parallel_loop3A_234 : i32 to index
          %parallel_loop3A_236 = arith.constant 64 : index
          %parallel_loop3A_237 = tpu.vector_load %arg8[%parallel_loop3A_235, %parallel_loop3A_236] {strides = array<i32>} : memref<200x256xf32, #tpu.memory_space<vmem>>, vector<1x16xf32>,
          %parallel_loop3A_238 = vector.shape_cast %parallel_loop3A_237 : vector<1x16xf32> to vector<16xf32>
          %parallel_loop3A_239 = arith.index_cast %parallel_loop3A_193 : i32 to index
          %parallel_loop3A_240 = arith.constant 64 : index
          %parallel_loop3A_241 = tpu.vector_load %arg12[%parallel_loop3A_239, %parallel_loop3A_240] {strides = array<i32>} : memref<40x256xf32, #tpu.memory_space<vmem>>, vector<1x16xf32>,
          %parallel_loop3A_242 = vector.shape_cast %parallel_loop3A_241 : vector<1x16xf32> to vector<16xf32>
          %parallel_loop3A_243 = vector.shape_cast %parallel_loop3A_238 : vector<16xf32> to vector<1x16xf32>
          tpu.vector_store %arg12[%parallel_loop3A_239, %parallel_loop3A_240], %parallel_loop3A_243 {add = true, strides = array<i32>} : memref<40x256xf32, #tpu.memory_space<vmem>>, vector<1x16xf32>,
          %parallel_loop3A_244 = arith.addi %while3A_127, %parallel_loop3A_193 : i32
          %parallel_loop3A_245 = arith.index_cast %parallel_loop3A_244 : i32 to index
          %parallel_loop3A_246 = arith.constant 80 : index
          %parallel_loop3A_247 = tpu.vector_load %arg8[%parallel_loop3A_245, %parallel_loop3A_246] {strides = array<i32>} : memref<200x256xf32, #tpu.memory_space<vmem>>, vector<1x16xf32>,
          %parallel_loop3A_248 = vector.shape_cast %parallel_loop3A_247 : vector<1x16xf32> to vector<16xf32>
          %parallel_loop3A_249 = arith.index_cast %parallel_loop3A_193 : i32 to index
          %parallel_loop3A_250 = arith.constant 80 : index
          %parallel_loop3A_251 = tpu.vector_load %arg12[%parallel_loop3A_249, %parallel_loop3A_250] {strides = array<i32>} : memref<40x256xf32, #tpu.memory_space<vmem>>, vector<1x16xf32>,
          %parallel_loop3A_252 = vector.shape_cast %parallel_loop3A_251 : vector<1x16xf32> to vector<16xf32>
          %parallel_loop3A_253 = vector.shape_cast %parallel_loop3A_248 : vector<16xf32> to vector<1x16xf32>
          tpu.vector_store %arg12[%parallel_loop3A_249, %parallel_loop3A_250], %parallel_loop3A_253 {add = true, strides = array<i32>} : memref<40x256xf32, #tpu.memory_space<vmem>>, vector<1x16xf32>,
          %parallel_loop3A_254 = arith.addi %while3A_127, %parallel_loop3A_193 : i32
          %parallel_loop3A_255 = arith.index_cast %parallel_loop3A_254 : i32 to index
          %parallel_loop3A_256 = arith.constant 96 : index
          %parallel_loop3A_257 = tpu.vector_load %arg8[%parallel_loop3A_255, %parallel_loop3A_256] {strides = array<i32>} : memref<200x256xf32, #tpu.memory_space<vmem>>, vector<1x16xf32>,
          %parallel_loop3A_258 = vector.shape_cast %parallel_loop3A_257 : vector<1x16xf32> to vector<16xf32>
          %parallel_loop3A_259 = arith.index_cast %parallel_loop3A_193 : i32 to index
          %parallel_loop3A_260 = arith.constant 96 : index
          %parallel_loop3A_261 = tpu.vector_load %arg12[%parallel_loop3A_259, %parallel_loop3A_260] {strides = array<i32>} : memref<40x256xf32, #tpu.memory_space<vmem>>, vector<1x16xf32>,
          %parallel_loop3A_262 = vector.shape_cast %parallel_loop3A_261 : vector<1x16xf32> to vector<16xf32>
          %parallel_loop3A_263 = vector.shape_cast %parallel_loop3A_258 : vector<16xf32> to vector<1x16xf32>
          tpu.vector_store %arg12[%parallel_loop3A_259, %parallel_loop3A_260], %parallel_loop3A_263 {add = true, strides = array<i32>} : memref<40x256xf32, #tpu.memory_space<vmem>>, vector<1x16xf32>,
          %parallel_loop3A_264 = arith.addi %while3A_127, %parallel_loop3A_193 : i32
          %parallel_loop3A_265 = arith.index_cast %parallel_loop3A_264 : i32 to index
          %parallel_loop3A_266 = arith.constant 112 : index
          %parallel_loop3A_267 = tpu.vector_load %arg8[%parallel_loop3A_265, %parallel_loop3A_266] {strides = array<i32>} : memref<200x256xf32, #tpu.memory_space<vmem>>, vector<1x16xf32>,
          %parallel_loop3A_268 = vector.shape_cast %parallel_loop3A_267 : vector<1x16xf32> to vector<16xf32>
          %parallel_loop3A_269 = arith.index_cast %parallel_loop3A_193 : i32 to index
          %parallel_loop3A_270 = arith.constant 112 : index
          %parallel_loop3A_271 = tpu.vector_load %arg12[%parallel_loop3A_269, %parallel_loop3A_270] {strides = array<i32>} : memref<40x256xf32, #tpu.memory_space<vmem>>, vector<1x16xf32>,
          %parallel_loop3A_272 = vector.shape_cast %parallel_loop3A_271 : vector<1x16xf32> to vector<16xf32>
          %parallel_loop3A_273 = vector.shape_cast %parallel_loop3A_268 : vector<16xf32> to vector<1x16xf32>
          tpu.vector_store %arg12[%parallel_loop3A_269, %parallel_loop3A_270], %parallel_loop3A_273 {add = true, strides = array<i32>} : memref<40x256xf32, #tpu.memory_space<vmem>>, vector<1x16xf32>,
          %parallel_loop3A_274 = arith.addi %while3A_127, %parallel_loop3A_193 : i32
          %parallel_loop3A_275 = arith.index_cast %parallel_loop3A_274 : i32 to index
          %parallel_loop3A_276 = arith.constant 128 : index
          %parallel_loop3A_277 = tpu.vector_load %arg8[%parallel_loop3A_275, %parallel_loop3A_276] {strides = array<i32>} : memref<200x256xf32, #tpu.memory_space<vmem>>, vector<1x16xf32>,
          %parallel_loop3A_278 = vector.shape_cast %parallel_loop3A_277 : vector<1x16xf32> to vector<16xf32>
          %parallel_loop3A_279 = arith.index_cast %parallel_loop3A_193 : i32 to index
          %parallel_loop3A_280 = arith.constant 128 : index
          %parallel_loop3A_281 = tpu.vector_load %arg12[%parallel_loop3A_279, %parallel_loop3A_280] {strides = array<i32>} : memref<40x256xf32, #tpu.memory_space<vmem>>, vector<1x16xf32>,
          %parallel_loop3A_282 = vector.shape_cast %parallel_loop3A_281 : vector<1x16xf32> to vector<16xf32>
          %parallel_loop3A_283 = vector.shape_cast %parallel_loop3A_278 : vector<16xf32> to vector<1x16xf32>
          tpu.vector_store %arg12[%parallel_loop3A_279, %parallel_loop3A_280], %parallel_loop3A_283 {add = true, strides = array<i32>} : memref<40x256xf32, #tpu.memory_space<vmem>>, vector<1x16xf32>,
          %parallel_loop3A_284 = arith.addi %while3A_127, %parallel_loop3A_193 : i32
          %parallel_loop3A_285 = arith.index_cast %parallel_loop3A_284 : i32 to index
          %parallel_loop3A_286 = arith.constant 144 : index
          %parallel_loop3A_287 = tpu.vector_load %arg8[%parallel_loop3A_285, %parallel_loop3A_286] {strides = array<i32>} : memref<200x256xf32, #tpu.memory_space<vmem>>, vector<1x16xf32>,
          %parallel_loop3A_288 = vector.shape_cast %parallel_loop3A_287 : vector<1x16xf32> to vector<16xf32>
          %parallel_loop3A_289 = arith.index_cast %parallel_loop3A_193 : i32 to index
          %parallel_loop3A_290 = arith.constant 144 : index
          %parallel_loop3A_291 = tpu.vector_load %arg12[%parallel_loop3A_289, %parallel_loop3A_290] {strides = array<i32>} : memref<40x256xf32, #tpu.memory_space<vmem>>, vector<1x16xf32>,
          %parallel_loop3A_292 = vector.shape_cast %parallel_loop3A_291 : vector<1x16xf32> to vector<16xf32>
          %parallel_loop3A_293 = vector.shape_cast %parallel_loop3A_288 : vector<16xf32> to vector<1x16xf32>
          tpu.vector_store %arg12[%parallel_loop3A_289, %parallel_loop3A_290], %parallel_loop3A_293 {add = true, strides = array<i32>} : memref<40x256xf32, #tpu.memory_space<vmem>>, vector<1x16xf32>,
          %parallel_loop3A_294 = arith.addi %while3A_127, %parallel_loop3A_193 : i32
          %parallel_loop3A_295 = arith.index_cast %parallel_loop3A_294 : i32 to index
          %parallel_loop3A_296 = arith.constant 160 : index
          %parallel_loop3A_297 = tpu.vector_load %arg8[%parallel_loop3A_295, %parallel_loop3A_296] {strides = array<i32>} : memref<200x256xf32, #tpu.memory_space<vmem>>, vector<1x16xf32>,
          %parallel_loop3A_298 = vector.shape_cast %parallel_loop3A_297 : vector<1x16xf32> to vector<16xf32>
          %parallel_loop3A_299 = arith.index_cast %parallel_loop3A_193 : i32 to index
          %parallel_loop3A_300 = arith.constant 160 : index
          %parallel_loop3A_301 = tpu.vector_load %arg12[%parallel_loop3A_299, %parallel_loop3A_300] {strides = array<i32>} : memref<40x256xf32, #tpu.memory_space<vmem>>, vector<1x16xf32>,
          %parallel_loop3A_302 = vector.shape_cast %parallel_loop3A_301 : vector<1x16xf32> to vector<16xf32>
          %parallel_loop3A_303 = vector.shape_cast %parallel_loop3A_298 : vector<16xf32> to vector<1x16xf32>
          tpu.vector_store %arg12[%parallel_loop3A_299, %parallel_loop3A_300], %parallel_loop3A_303 {add = true, strides = array<i32>} : memref<40x256xf32, #tpu.memory_space<vmem>>, vector<1x16xf32>,
          %parallel_loop3A_304 = arith.addi %while3A_127, %parallel_loop3A_193 : i32
          %parallel_loop3A_305 = arith.index_cast %parallel_loop3A_304 : i32 to index
          %parallel_loop3A_306 = arith.constant 176 : index
          %parallel_loop3A_307 = tpu.vector_load %arg8[%parallel_loop3A_305, %parallel_loop3A_306] {strides = array<i32>} : memref<200x256xf32, #tpu.memory_space<vmem>>, vector<1x16xf32>,
          %parallel_loop3A_308 = vector.shape_cast %parallel_loop3A_307 : vector<1x16xf32> to vector<16xf32>
          %parallel_loop3A_309 = arith.index_cast %parallel_loop3A_193 : i32 to index
          %parallel_loop3A_310 = arith.constant 176 : index
          %parallel_loop3A_311 = tpu.vector_load %arg12[%parallel_loop3A_309, %parallel_loop3A_310] {strides = array<i32>} : memref<40x256xf32, #tpu.memory_space<vmem>>, vector<1x16xf32>,
          %parallel_loop3A_312 = vector.shape_cast %parallel_loop3A_311 : vector<1x16xf32> to vector<16xf32>
          %parallel_loop3A_313 = vector.shape_cast %parallel_loop3A_308 : vector<16xf32> to vector<1x16xf32>
          tpu.vector_store %arg12[%parallel_loop3A_309, %parallel_loop3A_310], %parallel_loop3A_313 {add = true, strides = array<i32>} : memref<40x256xf32, #tpu.memory_space<vmem>>, vector<1x16xf32>,
          %parallel_loop3A_314 = arith.addi %while3A_127, %parallel_loop3A_193 : i32
          %parallel_loop3A_315 = arith.index_cast %parallel_loop3A_314 : i32 to index
          %parallel_loop3A_316 = arith.constant 192 : index
          %parallel_loop3A_317 = tpu.vector_load %arg8[%parallel_loop3A_315, %parallel_loop3A_316] {strides = array<i32>} : memref<200x256xf32, #tpu.memory_space<vmem>>, vector<1x16xf32>,
          %parallel_loop3A_318 = vector.shape_cast %parallel_loop3A_317 : vector<1x16xf32> to vector<16xf32>
          %parallel_loop3A_319 = arith.index_cast %parallel_loop3A_193 : i32 to index
          %parallel_loop3A_320 = arith.constant 192 : index
          %parallel_loop3A_321 = tpu.vector_load %arg12[%parallel_loop3A_319, %parallel_loop3A_320] {strides = array<i32>} : memref<40x256xf32, #tpu.memory_space<vmem>>, vector<1x16xf32>,
          %parallel_loop3A_322 = vector.shape_cast %parallel_loop3A_321 : vector<1x16xf32> to vector<16xf32>
          %parallel_loop3A_323 = vector.shape_cast %parallel_loop3A_318 : vector<16xf32> to vector<1x16xf32>
          tpu.vector_store %arg12[%parallel_loop3A_319, %parallel_loop3A_320], %parallel_loop3A_323 {add = true, strides = array<i32>} : memref<40x256xf32, #tpu.memory_space<vmem>>, vector<1x16xf32>,
          %parallel_loop3A_324 = arith.addi %while3A_127, %parallel_loop3A_193 : i32
          %parallel_loop3A_325 = arith.index_cast %parallel_loop3A_324 : i32 to index
          %parallel_loop3A_326 = arith.constant 208 : index
          %parallel_loop3A_327 = tpu.vector_load %arg8[%parallel_loop3A_325, %parallel_loop3A_326] {strides = array<i32>} : memref<200x256xf32, #tpu.memory_space<vmem>>, vector<1x16xf32>,
          %parallel_loop3A_328 = vector.shape_cast %parallel_loop3A_327 : vector<1x16xf32> to vector<16xf32>
          %parallel_loop3A_329 = arith.index_cast %parallel_loop3A_193 : i32 to index
          %parallel_loop3A_330 = arith.constant 208 : index
          %parallel_loop3A_331 = tpu.vector_load %arg12[%parallel_loop3A_329, %parallel_loop3A_330] {strides = array<i32>} : memref<40x256xf32, #tpu.memory_space<vmem>>, vector<1x16xf32>,
          %parallel_loop3A_332 = vector.shape_cast %parallel_loop3A_331 : vector<1x16xf32> to vector<16xf32>
          %parallel_loop3A_333 = vector.shape_cast %parallel_loop3A_328 : vector<16xf32> to vector<1x16xf32>
          tpu.vector_store %arg12[%parallel_loop3A_329, %parallel_loop3A_330], %parallel_loop3A_333 {add = true, strides = array<i32>} : memref<40x256xf32, #tpu.memory_space<vmem>>, vector<1x16xf32>,
          %parallel_loop3A_334 = arith.addi %while3A_127, %parallel_loop3A_193 : i32
          %parallel_loop3A_335 = arith.index_cast %parallel_loop3A_334 : i32 to index
          %parallel_loop3A_336 = arith.constant 224 : index
          %parallel_loop3A_337 = tpu.vector_load %arg8[%parallel_loop3A_335, %parallel_loop3A_336] {strides = array<i32>} : memref<200x256xf32, #tpu.memory_space<vmem>>, vector<1x16xf32>,
          %parallel_loop3A_338 = vector.shape_cast %parallel_loop3A_337 : vector<1x16xf32> to vector<16xf32>
          %parallel_loop3A_339 = arith.index_cast %parallel_loop3A_193 : i32 to index
          %parallel_loop3A_340 = arith.constant 224 : index
          %parallel_loop3A_341 = tpu.vector_load %arg12[%parallel_loop3A_339, %parallel_loop3A_340] {strides = array<i32>} : memref<40x256xf32, #tpu.memory_space<vmem>>, vector<1x16xf32>,
          %parallel_loop3A_342 = vector.shape_cast %parallel_loop3A_341 : vector<1x16xf32> to vector<16xf32>
          %parallel_loop3A_343 = vector.shape_cast %parallel_loop3A_338 : vector<16xf32> to vector<1x16xf32>
          tpu.vector_store %arg12[%parallel_loop3A_339, %parallel_loop3A_340], %parallel_loop3A_343 {add = true, strides = array<i32>} : memref<40x256xf32, #tpu.memory_space<vmem>>, vector<1x16xf32>,
          %parallel_loop3A_344 = arith.addi %while3A_127, %parallel_loop3A_193 : i32
          %parallel_loop3A_345 = arith.index_cast %parallel_loop3A_344 : i32 to index
          %parallel_loop3A_346 = arith.constant 240 : index
          %parallel_loop3A_347 = tpu.vector_load %arg8[%parallel_loop3A_345, %parallel_loop3A_346] {strides = array<i32>} : memref<200x256xf32, #tpu.memory_space<vmem>>, vector<1x16xf32>,
          %parallel_loop3A_348 = vector.shape_cast %parallel_loop3A_347 : vector<1x16xf32> to vector<16xf32>
          %parallel_loop3A_349 = arith.index_cast %parallel_loop3A_193 : i32 to index
          %parallel_loop3A_350 = arith.constant 240 : index
          %parallel_loop3A_351 = tpu.vector_load %arg12[%parallel_loop3A_349, %parallel_loop3A_350] {strides = array<i32>} : memref<40x256xf32, #tpu.memory_space<vmem>>, vector<1x16xf32>,
          %parallel_loop3A_352 = vector.shape_cast %parallel_loop3A_351 : vector<1x16xf32> to vector<16xf32>
          %parallel_loop3A_353 = vector.shape_cast %parallel_loop3A_348 : vector<16xf32> to vector<1x16xf32>
          tpu.vector_store %arg12[%parallel_loop3A_349, %parallel_loop3A_350], %parallel_loop3A_353 {add = true, strides = array<i32>} : memref<40x256xf32, #tpu.memory_space<vmem>>, vector<1x16xf32>,
        } {sc.loop_unroll_factor = 2 : i64, sc.parallel_access}
        %mul3A_185 = arith.constant 40 : i32
        %mul3A_186 = arith.muli %while3A_124, %mul3A_185 : i32
        %add3A_187 = arith.addi %squeeze3A, %mul3A_186 : i32
        %multiple_of3A_188 = tpu.assume_multiple %add3A_187, 8 : i32
        %dma_start3A_189 = arith.constant 0 : i32
        %dma_start3A_190 = tpu.memref_slice %arg7[%multiple_of3A_188, %dma_start3A_189] : memref<80000x256xf32, #tpu.memory_space<hbm>> -> memref<40x256xf32, #tpu.memory_space<hbm>>
        %dma_start3A_191 = arith.constant 0 : i32
        %dma_start3A_192 = tpu.memref_slice %arg7[%multiple_of3A_188, %dma_start3A_191] : memref<80000x256xf32, #tpu.memory_space<hbm>> -> memref<40x256xf32, #tpu.memory_space<hbm>>
        tpu.enqueue_dma source(%arg12 : memref<40x256xf32, #tpu.memory_space<vmem>>) target(%dma_start3A_192 : memref<40x256xf32, #tpu.memory_space<hbm>>) target_semaphore(%arg20 : memref<!tpu.dma_semaphore, #tpu.memory_space<semaphore_mem>>)
      } else {
      }
      %eq3A_135 = arith.constant 1 : i32
      %eq3A_136 = arith.cmpi eq, %and3A_129, %eq3A_135 : i32
      %convert_element_type3A_137 = arith.extui %eq3A_136 : i1 to i32
      %cond3A_138 = arith.constant 0 : i32
      %cond3A_139 = arith.cmpi ne, %convert_element_type3A_137, %cond3A_138 : i32
      scf.if %cond3A_139 {
        %dma_wait3A = arith.constant 0 : i32
        %dma_wait3A_168 = arith.constant 0 : i32
        %dma_wait3A_169 = tpu.memref_slice %arg2[%dma_wait3A, %dma_wait3A_168] : memref<80000x256xf32, #tpu.memory_space<hbm>> -> memref<40x256xf32, #tpu.memory_space<hbm>>
        %dma_wait3A_170 = arith.constant 0 : i32
        %dma_wait3A_171 = arith.constant 0 : i32
        %dma_wait3A_172 = tpu.memref_slice %arg2[%dma_wait3A_170, %dma_wait3A_171] : memref<80000x256xf32, #tpu.memory_space<hbm>> -> memref<40x256xf32, #tpu.memory_space<hbm>>
        tpu.wait_dma2 semaphore(%arg17 : memref<!tpu.dma_semaphore, #tpu.memory_space<semaphore_mem>>) src(%dma_wait3A_172 : memref<40x256xf32, #tpu.memory_space<hbm>>) dst(%arg13 : memref<40x256xf32, #tpu.memory_space<vmem>>)
        %gt3A = arith.constant 1 : i32
        %gt3A_173 = arith.cmpi sgt, %while3A_124, %gt3A : i32
        %convert_element_type3A_174 = arith.extui %gt3A_173 : i1 to i32
        %cond3A_175 = arith.constant 0 : i32
        %cond3A_176 = arith.cmpi ne, %convert_element_type3A_174, %cond3A_175 : i32
        scf.if %cond3A_176 {
          %dma_wait3A_193 = arith.constant 0 : i32
          %dma_wait3A_194 = arith.constant 0 : i32
          %dma_wait3A_195 = tpu.memref_slice %arg7[%dma_wait3A_193, %dma_wait3A_194] : memref<80000x256xf32, #tpu.memory_space<hbm>> -> memref<40x256xf32, #tpu.memory_space<hbm>>
          %dma_wait3A_196 = arith.constant 0 : i32
          %dma_wait3A_197 = arith.constant 0 : i32
          %dma_wait3A_198 = tpu.memref_slice %arg7[%dma_wait3A_196, %dma_wait3A_197] : memref<80000x256xf32, #tpu.memory_space<hbm>> -> memref<40x256xf32, #tpu.memory_space<hbm>>
          tpu.wait_dma2 semaphore(%arg23 : memref<!tpu.dma_semaphore, #tpu.memory_space<semaphore_mem>>) src(%arg15 : memref<40x256xf32, #tpu.memory_space<vmem>>) dst(%dma_wait3A_198 : memref<40x256xf32, #tpu.memory_space<hbm>>)
        } else {
        }
        %add3A_177 = arith.constant 2 : i32
        %add3A_178 = arith.addi %while3A_124, %add3A_177 : i32
        %lt3A = arith.cmpi slt, %add3A_178, %squeeze3A_5 : i32
        %convert_element_type3A_179 = arith.extui %lt3A : i1 to i32
        %cond3A_180 = arith.constant 0 : i32
        %cond3A_181 = arith.cmpi ne, %convert_element_type3A_179, %cond3A_180 : i32
        scf.if %cond3A_181 {
          %add3A_193 = arith.constant 2 : i32
          %add3A_194 = arith.addi %while3A_124, %add3A_193 : i32
          %mul3A_195 = arith.constant 40 : i32
          %mul3A_196 = arith.muli %add3A_194, %mul3A_195 : i32
          %add3A_197 = arith.addi %squeeze3A, %mul3A_196 : i32
          %multiple_of3A_198 = tpu.assume_multiple %add3A_197, 8 : i32
          %dma_start3A_199 = arith.constant 0 : i32
          %dma_start3A_200 = tpu.memref_slice %arg2[%multiple_of3A_198, %dma_start3A_199] : memref<80000x256xf32, #tpu.memory_space<hbm>> -> memref<40x256xf32, #tpu.memory_space<hbm>>
          %dma_start3A_201 = arith.constant 0 : i32
          %dma_start3A_202 = tpu.memref_slice %arg2[%multiple_of3A_198, %dma_start3A_201] : memref<80000x256xf32, #tpu.memory_space<hbm>> -> memref<40x256xf32, #tpu.memory_space<hbm>>
          tpu.enqueue_dma source(%dma_start3A_202 : memref<40x256xf32, #tpu.memory_space<hbm>>) target(%arg15 : memref<40x256xf32, #tpu.memory_space<vmem>>) target_semaphore(%arg19 : memref<!tpu.dma_semaphore, #tpu.memory_space<semaphore_mem>>)
        } else {
        }
        %parallel_loop3A_182 = arith.constant 0 : i32
        %parallel_loop3A_183 = arith.constant 40 : i32
        %parallel_loop3A_184 = arith.constant 1 : i32
        scf.for %parallel_loop3A_193 = %parallel_loop3A_182 to %parallel_loop3A_183 step %parallel_loop3A_184  : i32 {
          %parallel_loop3A_194 = arith.addi %while3A_127, %parallel_loop3A_193 : i32
          %parallel_loop3A_195 = arith.index_cast %parallel_loop3A_194 : i32 to index
          %parallel_loop3A_196 = arith.constant 0 : index
          %parallel_loop3A_197 = tpu.vector_load %arg8[%parallel_loop3A_195, %parallel_loop3A_196] {strides = array<i32>} : memref<200x256xf32, #tpu.memory_space<vmem>>, vector<1x16xf32>,
          %parallel_loop3A_198 = vector.shape_cast %parallel_loop3A_197 : vector<1x16xf32> to vector<16xf32>
          %parallel_loop3A_199 = arith.index_cast %parallel_loop3A_193 : i32 to index
          %parallel_loop3A_200 = arith.constant 0 : index
          %parallel_loop3A_201 = tpu.vector_load %arg13[%parallel_loop3A_199, %parallel_loop3A_200] {strides = array<i32>} : memref<40x256xf32, #tpu.memory_space<vmem>>, vector<1x16xf32>,
          %parallel_loop3A_202 = vector.shape_cast %parallel_loop3A_201 : vector<1x16xf32> to vector<16xf32>
          %parallel_loop3A_203 = vector.shape_cast %parallel_loop3A_198 : vector<16xf32> to vector<1x16xf32>
          tpu.vector_store %arg13[%parallel_loop3A_199, %parallel_loop3A_200], %parallel_loop3A_203 {add = true, strides = array<i32>} : memref<40x256xf32, #tpu.memory_space<vmem>>, vector<1x16xf32>,
          %parallel_loop3A_204 = arith.addi %while3A_127, %parallel_loop3A_193 : i32
          %parallel_loop3A_205 = arith.index_cast %parallel_loop3A_204 : i32 to index
          %parallel_loop3A_206 = arith.constant 16 : index
          %parallel_loop3A_207 = tpu.vector_load %arg8[%parallel_loop3A_205, %parallel_loop3A_206] {strides = array<i32>} : memref<200x256xf32, #tpu.memory_space<vmem>>, vector<1x16xf32>,
          %parallel_loop3A_208 = vector.shape_cast %parallel_loop3A_207 : vector<1x16xf32> to vector<16xf32>
          %parallel_loop3A_209 = arith.index_cast %parallel_loop3A_193 : i32 to index
          %parallel_loop3A_210 = arith.constant 16 : index
          %parallel_loop3A_211 = tpu.vector_load %arg13[%parallel_loop3A_209, %parallel_loop3A_210] {strides = array<i32>} : memref<40x256xf32, #tpu.memory_space<vmem>>, vector<1x16xf32>,
          %parallel_loop3A_212 = vector.shape_cast %parallel_loop3A_211 : vector<1x16xf32> to vector<16xf32>
          %parallel_loop3A_213 = vector.shape_cast %parallel_loop3A_208 : vector<16xf32> to vector<1x16xf32>
          tpu.vector_store %arg13[%parallel_loop3A_209, %parallel_loop3A_210], %parallel_loop3A_213 {add = true, strides = array<i32>} : memref<40x256xf32, #tpu.memory_space<vmem>>, vector<1x16xf32>,
          %parallel_loop3A_214 = arith.addi %while3A_127, %parallel_loop3A_193 : i32
          %parallel_loop3A_215 = arith.index_cast %parallel_loop3A_214 : i32 to index
          %parallel_loop3A_216 = arith.constant 32 : index
          %parallel_loop3A_217 = tpu.vector_load %arg8[%parallel_loop3A_215, %parallel_loop3A_216] {strides = array<i32>} : memref<200x256xf32, #tpu.memory_space<vmem>>, vector<1x16xf32>,
          %parallel_loop3A_218 = vector.shape_cast %parallel_loop3A_217 : vector<1x16xf32> to vector<16xf32>
          %parallel_loop3A_219 = arith.index_cast %parallel_loop3A_193 : i32 to index
          %parallel_loop3A_220 = arith.constant 32 : index
          %parallel_loop3A_221 = tpu.vector_load %arg13[%parallel_loop3A_219, %parallel_loop3A_220] {strides = array<i32>} : memref<40x256xf32, #tpu.memory_space<vmem>>, vector<1x16xf32>,
          %parallel_loop3A_222 = vector.shape_cast %parallel_loop3A_221 : vector<1x16xf32> to vector<16xf32>
          %parallel_loop3A_223 = vector.shape_cast %parallel_loop3A_218 : vector<16xf32> to vector<1x16xf32>
          tpu.vector_store %arg13[%parallel_loop3A_219, %parallel_loop3A_220], %parallel_loop3A_223 {add = true, strides = array<i32>} : memref<40x256xf32, #tpu.memory_space<vmem>>, vector<1x16xf32>,
          %parallel_loop3A_224 = arith.addi %while3A_127, %parallel_loop3A_193 : i32
          %parallel_loop3A_225 = arith.index_cast %parallel_loop3A_224 : i32 to index
          %parallel_loop3A_226 = arith.constant 48 : index
          %parallel_loop3A_227 = tpu.vector_load %arg8[%parallel_loop3A_225, %parallel_loop3A_226] {strides = array<i32>} : memref<200x256xf32, #tpu.memory_space<vmem>>, vector<1x16xf32>,
          %parallel_loop3A_228 = vector.shape_cast %parallel_loop3A_227 : vector<1x16xf32> to vector<16xf32>
          %parallel_loop3A_229 = arith.index_cast %parallel_loop3A_193 : i32 to index
          %parallel_loop3A_230 = arith.constant 48 : index
          %parallel_loop3A_231 = tpu.vector_load %arg13[%parallel_loop3A_229, %parallel_loop3A_230] {strides = array<i32>} : memref<40x256xf32, #tpu.memory_space<vmem>>, vector<1x16xf32>,
          %parallel_loop3A_232 = vector.shape_cast %parallel_loop3A_231 : vector<1x16xf32> to vector<16xf32>
          %parallel_loop3A_233 = vector.shape_cast %parallel_loop3A_228 : vector<16xf32> to vector<1x16xf32>
          tpu.vector_store %arg13[%parallel_loop3A_229, %parallel_loop3A_230], %parallel_loop3A_233 {add = true, strides = array<i32>} : memref<40x256xf32, #tpu.memory_space<vmem>>, vector<1x16xf32>,
          %parallel_loop3A_234 = arith.addi %while3A_127, %parallel_loop3A_193 : i32
          %parallel_loop3A_235 = arith.index_cast %parallel_loop3A_234 : i32 to index
          %parallel_loop3A_236 = arith.constant 64 : index
          %parallel_loop3A_237 = tpu.vector_load %arg8[%parallel_loop3A_235, %parallel_loop3A_236] {strides = array<i32>} : memref<200x256xf32, #tpu.memory_space<vmem>>, vector<1x16xf32>,
          %parallel_loop3A_238 = vector.shape_cast %parallel_loop3A_237 : vector<1x16xf32> to vector<16xf32>
          %parallel_loop3A_239 = arith.index_cast %parallel_loop3A_193 : i32 to index
          %parallel_loop3A_240 = arith.constant 64 : index
          %parallel_loop3A_241 = tpu.vector_load %arg13[%parallel_loop3A_239, %parallel_loop3A_240] {strides = array<i32>} : memref<40x256xf32, #tpu.memory_space<vmem>>, vector<1x16xf32>,
          %parallel_loop3A_242 = vector.shape_cast %parallel_loop3A_241 : vector<1x16xf32> to vector<16xf32>
          %parallel_loop3A_243 = vector.shape_cast %parallel_loop3A_238 : vector<16xf32> to vector<1x16xf32>
          tpu.vector_store %arg13[%parallel_loop3A_239, %parallel_loop3A_240], %parallel_loop3A_243 {add = true, strides = array<i32>} : memref<40x256xf32, #tpu.memory_space<vmem>>, vector<1x16xf32>,
          %parallel_loop3A_244 = arith.addi %while3A_127, %parallel_loop3A_193 : i32
          %parallel_loop3A_245 = arith.index_cast %parallel_loop3A_244 : i32 to index
          %parallel_loop3A_246 = arith.constant 80 : index
          %parallel_loop3A_247 = tpu.vector_load %arg8[%parallel_loop3A_245, %parallel_loop3A_246] {strides = array<i32>} : memref<200x256xf32, #tpu.memory_space<vmem>>, vector<1x16xf32>,
          %parallel_loop3A_248 = vector.shape_cast %parallel_loop3A_247 : vector<1x16xf32> to vector<16xf32>
          %parallel_loop3A_249 = arith.index_cast %parallel_loop3A_193 : i32 to index
          %parallel_loop3A_250 = arith.constant 80 : index
          %parallel_loop3A_251 = tpu.vector_load %arg13[%parallel_loop3A_249, %parallel_loop3A_250] {strides = array<i32>} : memref<40x256xf32, #tpu.memory_space<vmem>>, vector<1x16xf32>,
          %parallel_loop3A_252 = vector.shape_cast %parallel_loop3A_251 : vector<1x16xf32> to vector<16xf32>
          %parallel_loop3A_253 = vector.shape_cast %parallel_loop3A_248 : vector<16xf32> to vector<1x16xf32>
          tpu.vector_store %arg13[%parallel_loop3A_249, %parallel_loop3A_250], %parallel_loop3A_253 {add = true, strides = array<i32>} : memref<40x256xf32, #tpu.memory_space<vmem>>, vector<1x16xf32>,
          %parallel_loop3A_254 = arith.addi %while3A_127, %parallel_loop3A_193 : i32
          %parallel_loop3A_255 = arith.index_cast %parallel_loop3A_254 : i32 to index
          %parallel_loop3A_256 = arith.constant 96 : index
          %parallel_loop3A_257 = tpu.vector_load %arg8[%parallel_loop3A_255, %parallel_loop3A_256] {strides = array<i32>} : memref<200x256xf32, #tpu.memory_space<vmem>>, vector<1x16xf32>,
          %parallel_loop3A_258 = vector.shape_cast %parallel_loop3A_257 : vector<1x16xf32> to vector<16xf32>
          %parallel_loop3A_259 = arith.index_cast %parallel_loop3A_193 : i32 to index
          %parallel_loop3A_260 = arith.constant 96 : index
          %parallel_loop3A_261 = tpu.vector_load %arg13[%parallel_loop3A_259, %parallel_loop3A_260] {strides = array<i32>} : memref<40x256xf32, #tpu.memory_space<vmem>>, vector<1x16xf32>,
          %parallel_loop3A_262 = vector.shape_cast %parallel_loop3A_261 : vector<1x16xf32> to vector<16xf32>
          %parallel_loop3A_263 = vector.shape_cast %parallel_loop3A_258 : vector<16xf32> to vector<1x16xf32>
          tpu.vector_store %arg13[%parallel_loop3A_259, %parallel_loop3A_260], %parallel_loop3A_263 {add = true, strides = array<i32>} : memref<40x256xf32, #tpu.memory_space<vmem>>, vector<1x16xf32>,
          %parallel_loop3A_264 = arith.addi %while3A_127, %parallel_loop3A_193 : i32
          %parallel_loop3A_265 = arith.index_cast %parallel_loop3A_264 : i32 to index
          %parallel_loop3A_266 = arith.constant 112 : index
          %parallel_loop3A_267 = tpu.vector_load %arg8[%parallel_loop3A_265, %parallel_loop3A_266] {strides = array<i32>} : memref<200x256xf32, #tpu.memory_space<vmem>>, vector<1x16xf32>,
          %parallel_loop3A_268 = vector.shape_cast %parallel_loop3A_267 : vector<1x16xf32> to vector<16xf32>
          %parallel_loop3A_269 = arith.index_cast %parallel_loop3A_193 : i32 to index
          %parallel_loop3A_270 = arith.constant 112 : index
          %parallel_loop3A_271 = tpu.vector_load %arg13[%parallel_loop3A_269, %parallel_loop3A_270] {strides = array<i32>} : memref<40x256xf32, #tpu.memory_space<vmem>>, vector<1x16xf32>,
          %parallel_loop3A_272 = vector.shape_cast %parallel_loop3A_271 : vector<1x16xf32> to vector<16xf32>
          %parallel_loop3A_273 = vector.shape_cast %parallel_loop3A_268 : vector<16xf32> to vector<1x16xf32>
          tpu.vector_store %arg13[%parallel_loop3A_269, %parallel_loop3A_270], %parallel_loop3A_273 {add = true, strides = array<i32>} : memref<40x256xf32, #tpu.memory_space<vmem>>, vector<1x16xf32>,
          %parallel_loop3A_274 = arith.addi %while3A_127, %parallel_loop3A_193 : i32
          %parallel_loop3A_275 = arith.index_cast %parallel_loop3A_274 : i32 to index
          %parallel_loop3A_276 = arith.constant 128 : index
          %parallel_loop3A_277 = tpu.vector_load %arg8[%parallel_loop3A_275, %parallel_loop3A_276] {strides = array<i32>} : memref<200x256xf32, #tpu.memory_space<vmem>>, vector<1x16xf32>,
          %parallel_loop3A_278 = vector.shape_cast %parallel_loop3A_277 : vector<1x16xf32> to vector<16xf32>
          %parallel_loop3A_279 = arith.index_cast %parallel_loop3A_193 : i32 to index
          %parallel_loop3A_280 = arith.constant 128 : index
          %parallel_loop3A_281 = tpu.vector_load %arg13[%parallel_loop3A_279, %parallel_loop3A_280] {strides = array<i32>} : memref<40x256xf32, #tpu.memory_space<vmem>>, vector<1x16xf32>,
          %parallel_loop3A_282 = vector.shape_cast %parallel_loop3A_281 : vector<1x16xf32> to vector<16xf32>
          %parallel_loop3A_283 = vector.shape_cast %parallel_loop3A_278 : vector<16xf32> to vector<1x16xf32>
          tpu.vector_store %arg13[%parallel_loop3A_279, %parallel_loop3A_280], %parallel_loop3A_283 {add = true, strides = array<i32>} : memref<40x256xf32, #tpu.memory_space<vmem>>, vector<1x16xf32>,
          %parallel_loop3A_284 = arith.addi %while3A_127, %parallel_loop3A_193 : i32
          %parallel_loop3A_285 = arith.index_cast %parallel_loop3A_284 : i32 to index
          %parallel_loop3A_286 = arith.constant 144 : index
          %parallel_loop3A_287 = tpu.vector_load %arg8[%parallel_loop3A_285, %parallel_loop3A_286] {strides = array<i32>} : memref<200x256xf32, #tpu.memory_space<vmem>>, vector<1x16xf32>,
          %parallel_loop3A_288 = vector.shape_cast %parallel_loop3A_287 : vector<1x16xf32> to vector<16xf32>
          %parallel_loop3A_289 = arith.index_cast %parallel_loop3A_193 : i32 to index
          %parallel_loop3A_290 = arith.constant 144 : index
          %parallel_loop3A_291 = tpu.vector_load %arg13[%parallel_loop3A_289, %parallel_loop3A_290] {strides = array<i32>} : memref<40x256xf32, #tpu.memory_space<vmem>>, vector<1x16xf32>,
          %parallel_loop3A_292 = vector.shape_cast %parallel_loop3A_291 : vector<1x16xf32> to vector<16xf32>
          %parallel_loop3A_293 = vector.shape_cast %parallel_loop3A_288 : vector<16xf32> to vector<1x16xf32>
          tpu.vector_store %arg13[%parallel_loop3A_289, %parallel_loop3A_290], %parallel_loop3A_293 {add = true, strides = array<i32>} : memref<40x256xf32, #tpu.memory_space<vmem>>, vector<1x16xf32>,
          %parallel_loop3A_294 = arith.addi %while3A_127, %parallel_loop3A_193 : i32
          %parallel_loop3A_295 = arith.index_cast %parallel_loop3A_294 : i32 to index
          %parallel_loop3A_296 = arith.constant 160 : index
          %parallel_loop3A_297 = tpu.vector_load %arg8[%parallel_loop3A_295, %parallel_loop3A_296] {strides = array<i32>} : memref<200x256xf32, #tpu.memory_space<vmem>>, vector<1x16xf32>,
          %parallel_loop3A_298 = vector.shape_cast %parallel_loop3A_297 : vector<1x16xf32> to vector<16xf32>
          %parallel_loop3A_299 = arith.index_cast %parallel_loop3A_193 : i32 to index
          %parallel_loop3A_300 = arith.constant 160 : index
          %parallel_loop3A_301 = tpu.vector_load %arg13[%parallel_loop3A_299, %parallel_loop3A_300] {strides = array<i32>} : memref<40x256xf32, #tpu.memory_space<vmem>>, vector<1x16xf32>,
          %parallel_loop3A_302 = vector.shape_cast %parallel_loop3A_301 : vector<1x16xf32> to vector<16xf32>
          %parallel_loop3A_303 = vector.shape_cast %parallel_loop3A_298 : vector<16xf32> to vector<1x16xf32>
          tpu.vector_store %arg13[%parallel_loop3A_299, %parallel_loop3A_300], %parallel_loop3A_303 {add = true, strides = array<i32>} : memref<40x256xf32, #tpu.memory_space<vmem>>, vector<1x16xf32>,
          %parallel_loop3A_304 = arith.addi %while3A_127, %parallel_loop3A_193 : i32
          %parallel_loop3A_305 = arith.index_cast %parallel_loop3A_304 : i32 to index
          %parallel_loop3A_306 = arith.constant 176 : index
          %parallel_loop3A_307 = tpu.vector_load %arg8[%parallel_loop3A_305, %parallel_loop3A_306] {strides = array<i32>} : memref<200x256xf32, #tpu.memory_space<vmem>>, vector<1x16xf32>,
          %parallel_loop3A_308 = vector.shape_cast %parallel_loop3A_307 : vector<1x16xf32> to vector<16xf32>
          %parallel_loop3A_309 = arith.index_cast %parallel_loop3A_193 : i32 to index
          %parallel_loop3A_310 = arith.constant 176 : index
          %parallel_loop3A_311 = tpu.vector_load %arg13[%parallel_loop3A_309, %parallel_loop3A_310] {strides = array<i32>} : memref<40x256xf32, #tpu.memory_space<vmem>>, vector<1x16xf32>,
          %parallel_loop3A_312 = vector.shape_cast %parallel_loop3A_311 : vector<1x16xf32> to vector<16xf32>
          %parallel_loop3A_313 = vector.shape_cast %parallel_loop3A_308 : vector<16xf32> to vector<1x16xf32>
          tpu.vector_store %arg13[%parallel_loop3A_309, %parallel_loop3A_310], %parallel_loop3A_313 {add = true, strides = array<i32>} : memref<40x256xf32, #tpu.memory_space<vmem>>, vector<1x16xf32>,
          %parallel_loop3A_314 = arith.addi %while3A_127, %parallel_loop3A_193 : i32
          %parallel_loop3A_315 = arith.index_cast %parallel_loop3A_314 : i32 to index
          %parallel_loop3A_316 = arith.constant 192 : index
          %parallel_loop3A_317 = tpu.vector_load %arg8[%parallel_loop3A_315, %parallel_loop3A_316] {strides = array<i32>} : memref<200x256xf32, #tpu.memory_space<vmem>>, vector<1x16xf32>,
          %parallel_loop3A_318 = vector.shape_cast %parallel_loop3A_317 : vector<1x16xf32> to vector<16xf32>
          %parallel_loop3A_319 = arith.index_cast %parallel_loop3A_193 : i32 to index
          %parallel_loop3A_320 = arith.constant 192 : index
          %parallel_loop3A_321 = tpu.vector_load %arg13[%parallel_loop3A_319, %parallel_loop3A_320] {strides = array<i32>} : memref<40x256xf32, #tpu.memory_space<vmem>>, vector<1x16xf32>,
          %parallel_loop3A_322 = vector.shape_cast %parallel_loop3A_321 : vector<1x16xf32> to vector<16xf32>
          %parallel_loop3A_323 = vector.shape_cast %parallel_loop3A_318 : vector<16xf32> to vector<1x16xf32>
          tpu.vector_store %arg13[%parallel_loop3A_319, %parallel_loop3A_320], %parallel_loop3A_323 {add = true, strides = array<i32>} : memref<40x256xf32, #tpu.memory_space<vmem>>, vector<1x16xf32>,
          %parallel_loop3A_324 = arith.addi %while3A_127, %parallel_loop3A_193 : i32
          %parallel_loop3A_325 = arith.index_cast %parallel_loop3A_324 : i32 to index
          %parallel_loop3A_326 = arith.constant 208 : index
          %parallel_loop3A_327 = tpu.vector_load %arg8[%parallel_loop3A_325, %parallel_loop3A_326] {strides = array<i32>} : memref<200x256xf32, #tpu.memory_space<vmem>>, vector<1x16xf32>,
          %parallel_loop3A_328 = vector.shape_cast %parallel_loop3A_327 : vector<1x16xf32> to vector<16xf32>
          %parallel_loop3A_329 = arith.index_cast %parallel_loop3A_193 : i32 to index
          %parallel_loop3A_330 = arith.constant 208 : index
          %parallel_loop3A_331 = tpu.vector_load %arg13[%parallel_loop3A_329, %parallel_loop3A_330] {strides = array<i32>} : memref<40x256xf32, #tpu.memory_space<vmem>>, vector<1x16xf32>,
          %parallel_loop3A_332 = vector.shape_cast %parallel_loop3A_331 : vector<1x16xf32> to vector<16xf32>
          %parallel_loop3A_333 = vector.shape_cast %parallel_loop3A_328 : vector<16xf32> to vector<1x16xf32>
          tpu.vector_store %arg13[%parallel_loop3A_329, %parallel_loop3A_330], %parallel_loop3A_333 {add = true, strides = array<i32>} : memref<40x256xf32, #tpu.memory_space<vmem>>, vector<1x16xf32>,
          %parallel_loop3A_334 = arith.addi %while3A_127, %parallel_loop3A_193 : i32
          %parallel_loop3A_335 = arith.index_cast %parallel_loop3A_334 : i32 to index
          %parallel_loop3A_336 = arith.constant 224 : index
          %parallel_loop3A_337 = tpu.vector_load %arg8[%parallel_loop3A_335, %parallel_loop3A_336] {strides = array<i32>} : memref<200x256xf32, #tpu.memory_space<vmem>>, vector<1x16xf32>,
          %parallel_loop3A_338 = vector.shape_cast %parallel_loop3A_337 : vector<1x16xf32> to vector<16xf32>
          %parallel_loop3A_339 = arith.index_cast %parallel_loop3A_193 : i32 to index
          %parallel_loop3A_340 = arith.constant 224 : index
          %parallel_loop3A_341 = tpu.vector_load %arg13[%parallel_loop3A_339, %parallel_loop3A_340] {strides = array<i32>} : memref<40x256xf32, #tpu.memory_space<vmem>>, vector<1x16xf32>,
          %parallel_loop3A_342 = vector.shape_cast %parallel_loop3A_341 : vector<1x16xf32> to vector<16xf32>
          %parallel_loop3A_343 = vector.shape_cast %parallel_loop3A_338 : vector<16xf32> to vector<1x16xf32>
          tpu.vector_store %arg13[%parallel_loop3A_339, %parallel_loop3A_340], %parallel_loop3A_343 {add = true, strides = array<i32>} : memref<40x256xf32, #tpu.memory_space<vmem>>, vector<1x16xf32>,
          %parallel_loop3A_344 = arith.addi %while3A_127, %parallel_loop3A_193 : i32
          %parallel_loop3A_345 = arith.index_cast %parallel_loop3A_344 : i32 to index
          %parallel_loop3A_346 = arith.constant 240 : index
          %parallel_loop3A_347 = tpu.vector_load %arg8[%parallel_loop3A_345, %parallel_loop3A_346] {strides = array<i32>} : memref<200x256xf32, #tpu.memory_space<vmem>>, vector<1x16xf32>,
          %parallel_loop3A_348 = vector.shape_cast %parallel_loop3A_347 : vector<1x16xf32> to vector<16xf32>
          %parallel_loop3A_349 = arith.index_cast %parallel_loop3A_193 : i32 to index
          %parallel_loop3A_350 = arith.constant 240 : index
          %parallel_loop3A_351 = tpu.vector_load %arg13[%parallel_loop3A_349, %parallel_loop3A_350] {strides = array<i32>} : memref<40x256xf32, #tpu.memory_space<vmem>>, vector<1x16xf32>,
          %parallel_loop3A_352 = vector.shape_cast %parallel_loop3A_351 : vector<1x16xf32> to vector<16xf32>
          %parallel_loop3A_353 = vector.shape_cast %parallel_loop3A_348 : vector<16xf32> to vector<1x16xf32>
          tpu.vector_store %arg13[%parallel_loop3A_349, %parallel_loop3A_350], %parallel_loop3A_353 {add = true, strides = array<i32>} : memref<40x256xf32, #tpu.memory_space<vmem>>, vector<1x16xf32>,
        } {sc.loop_unroll_factor = 2 : i64, sc.parallel_access}
        %mul3A_185 = arith.constant 40 : i32
        %mul3A_186 = arith.muli %while3A_124, %mul3A_185 : i32
        %add3A_187 = arith.addi %squeeze3A, %mul3A_186 : i32
        %multiple_of3A_188 = tpu.assume_multiple %add3A_187, 8 : i32
        %dma_start3A_189 = arith.constant 0 : i32
        %dma_start3A_190 = tpu.memref_slice %arg7[%multiple_of3A_188, %dma_start3A_189] : memref<80000x256xf32, #tpu.memory_space<hbm>> -> memref<40x256xf32, #tpu.memory_space<hbm>>
        %dma_start3A_191 = arith.constant 0 : i32
        %dma_start3A_192 = tpu.memref_slice %arg7[%multiple_of3A_188, %dma_start3A_191] : memref<80000x256xf32, #tpu.memory_space<hbm>> -> memref<40x256xf32, #tpu.memory_space<hbm>>
        tpu.enqueue_dma source(%arg13 : memref<40x256xf32, #tpu.memory_space<vmem>>) target(%dma_start3A_192 : memref<40x256xf32, #tpu.memory_space<hbm>>) target_semaphore(%arg21 : memref<!tpu.dma_semaphore, #tpu.memory_space<semaphore_mem>>)
      } else {
      }
      %eq3A_140 = arith.constant 2 : i32
      %eq3A_141 = arith.cmpi eq, %and3A_129, %eq3A_140 : i32
      %convert_element_type3A_142 = arith.extui %eq3A_141 : i1 to i32
      %cond3A_143 = arith.constant 0 : i32
      %cond3A_144 = arith.cmpi ne, %convert_element_type3A_142, %cond3A_143 : i32
      scf.if %cond3A_144 {
        %dma_wait3A = arith.constant 0 : i32
        %dma_wait3A_168 = arith.constant 0 : i32
        %dma_wait3A_169 = tpu.memref_slice %arg2[%dma_wait3A, %dma_wait3A_168] : memref<80000x256xf32, #tpu.memory_space<hbm>> -> memref<40x256xf32, #tpu.memory_space<hbm>>
        %dma_wait3A_170 = arith.constant 0 : i32
        %dma_wait3A_171 = arith.constant 0 : i32
        %dma_wait3A_172 = tpu.memref_slice %arg2[%dma_wait3A_170, %dma_wait3A_171] : memref<80000x256xf32, #tpu.memory_space<hbm>> -> memref<40x256xf32, #tpu.memory_space<hbm>>
        tpu.wait_dma2 semaphore(%arg18 : memref<!tpu.dma_semaphore, #tpu.memory_space<semaphore_mem>>) src(%dma_wait3A_172 : memref<40x256xf32, #tpu.memory_space<hbm>>) dst(%arg14 : memref<40x256xf32, #tpu.memory_space<vmem>>)
        %gt3A = arith.constant 1 : i32
        %gt3A_173 = arith.cmpi sgt, %while3A_124, %gt3A : i32
        %convert_element_type3A_174 = arith.extui %gt3A_173 : i1 to i32
        %cond3A_175 = arith.constant 0 : i32
        %cond3A_176 = arith.cmpi ne, %convert_element_type3A_174, %cond3A_175 : i32
        scf.if %cond3A_176 {
          %dma_wait3A_193 = arith.constant 0 : i32
          %dma_wait3A_194 = arith.constant 0 : i32
          %dma_wait3A_195 = tpu.memref_slice %arg7[%dma_wait3A_193, %dma_wait3A_194] : memref<80000x256xf32, #tpu.memory_space<hbm>> -> memref<40x256xf32, #tpu.memory_space<hbm>>
          %dma_wait3A_196 = arith.constant 0 : i32
          %dma_wait3A_197 = arith.constant 0 : i32
          %dma_wait3A_198 = tpu.memref_slice %arg7[%dma_wait3A_196, %dma_wait3A_197] : memref<80000x256xf32, #tpu.memory_space<hbm>> -> memref<40x256xf32, #tpu.memory_space<hbm>>
          tpu.wait_dma2 semaphore(%arg20 : memref<!tpu.dma_semaphore, #tpu.memory_space<semaphore_mem>>) src(%arg12 : memref<40x256xf32, #tpu.memory_space<vmem>>) dst(%dma_wait3A_198 : memref<40x256xf32, #tpu.memory_space<hbm>>)
        } else {
        }
        %add3A_177 = arith.constant 2 : i32
        %add3A_178 = arith.addi %while3A_124, %add3A_177 : i32
        %lt3A = arith.cmpi slt, %add3A_178, %squeeze3A_5 : i32
        %convert_element_type3A_179 = arith.extui %lt3A : i1 to i32
        %cond3A_180 = arith.constant 0 : i32
        %cond3A_181 = arith.cmpi ne, %convert_element_type3A_179, %cond3A_180 : i32
        scf.if %cond3A_181 {
          %add3A_193 = arith.constant 2 : i32
          %add3A_194 = arith.addi %while3A_124, %add3A_193 : i32
          %mul3A_195 = arith.constant 40 : i32
          %mul3A_196 = arith.muli %add3A_194, %mul3A_195 : i32
          %add3A_197 = arith.addi %squeeze3A, %mul3A_196 : i32
          %multiple_of3A_198 = tpu.assume_multiple %add3A_197, 8 : i32
          %dma_start3A_199 = arith.constant 0 : i32
          %dma_start3A_200 = tpu.memref_slice %arg2[%multiple_of3A_198, %dma_start3A_199] : memref<80000x256xf32, #tpu.memory_space<hbm>> -> memref<40x256xf32, #tpu.memory_space<hbm>>
          %dma_start3A_201 = arith.constant 0 : i32
          %dma_start3A_202 = tpu.memref_slice %arg2[%multiple_of3A_198, %dma_start3A_201] : memref<80000x256xf32, #tpu.memory_space<hbm>> -> memref<40x256xf32, #tpu.memory_space<hbm>>
          tpu.enqueue_dma source(%dma_start3A_202 : memref<40x256xf32, #tpu.memory_space<hbm>>) target(%arg12 : memref<40x256xf32, #tpu.memory_space<vmem>>) target_semaphore(%arg16 : memref<!tpu.dma_semaphore, #tpu.memory_space<semaphore_mem>>)
        } else {
        }
        %parallel_loop3A_182 = arith.constant 0 : i32
        %parallel_loop3A_183 = arith.constant 40 : i32
        %parallel_loop3A_184 = arith.constant 1 : i32
        scf.for %parallel_loop3A_193 = %parallel_loop3A_182 to %parallel_loop3A_183 step %parallel_loop3A_184  : i32 {
          %parallel_loop3A_194 = arith.addi %while3A_127, %parallel_loop3A_193 : i32
          %parallel_loop3A_195 = arith.index_cast %parallel_loop3A_194 : i32 to index
          %parallel_loop3A_196 = arith.constant 0 : index
          %parallel_loop3A_197 = tpu.vector_load %arg8[%parallel_loop3A_195, %parallel_loop3A_196] {strides = array<i32>} : memref<200x256xf32, #tpu.memory_space<vmem>>, vector<1x16xf32>,
          %parallel_loop3A_198 = vector.shape_cast %parallel_loop3A_197 : vector<1x16xf32> to vector<16xf32>
          %parallel_loop3A_199 = arith.index_cast %parallel_loop3A_193 : i32 to index
          %parallel_loop3A_200 = arith.constant 0 : index
          %parallel_loop3A_201 = tpu.vector_load %arg14[%parallel_loop3A_199, %parallel_loop3A_200] {strides = array<i32>} : memref<40x256xf32, #tpu.memory_space<vmem>>, vector<1x16xf32>,
          %parallel_loop3A_202 = vector.shape_cast %parallel_loop3A_201 : vector<1x16xf32> to vector<16xf32>
          %parallel_loop3A_203 = vector.shape_cast %parallel_loop3A_198 : vector<16xf32> to vector<1x16xf32>
          tpu.vector_store %arg14[%parallel_loop3A_199, %parallel_loop3A_200], %parallel_loop3A_203 {add = true, strides = array<i32>} : memref<40x256xf32, #tpu.memory_space<vmem>>, vector<1x16xf32>,
          %parallel_loop3A_204 = arith.addi %while3A_127, %parallel_loop3A_193 : i32
          %parallel_loop3A_205 = arith.index_cast %parallel_loop3A_204 : i32 to index
          %parallel_loop3A_206 = arith.constant 16 : index
          %parallel_loop3A_207 = tpu.vector_load %arg8[%parallel_loop3A_205, %parallel_loop3A_206] {strides = array<i32>} : memref<200x256xf32, #tpu.memory_space<vmem>>, vector<1x16xf32>,
          %parallel_loop3A_208 = vector.shape_cast %parallel_loop3A_207 : vector<1x16xf32> to vector<16xf32>
          %parallel_loop3A_209 = arith.index_cast %parallel_loop3A_193 : i32 to index
          %parallel_loop3A_210 = arith.constant 16 : index
          %parallel_loop3A_211 = tpu.vector_load %arg14[%parallel_loop3A_209, %parallel_loop3A_210] {strides = array<i32>} : memref<40x256xf32, #tpu.memory_space<vmem>>, vector<1x16xf32>,
          %parallel_loop3A_212 = vector.shape_cast %parallel_loop3A_211 : vector<1x16xf32> to vector<16xf32>
          %parallel_loop3A_213 = vector.shape_cast %parallel_loop3A_208 : vector<16xf32> to vector<1x16xf32>
          tpu.vector_store %arg14[%parallel_loop3A_209, %parallel_loop3A_210], %parallel_loop3A_213 {add = true, strides = array<i32>} : memref<40x256xf32, #tpu.memory_space<vmem>>, vector<1x16xf32>,
          %parallel_loop3A_214 = arith.addi %while3A_127, %parallel_loop3A_193 : i32
          %parallel_loop3A_215 = arith.index_cast %parallel_loop3A_214 : i32 to index
          %parallel_loop3A_216 = arith.constant 32 : index
          %parallel_loop3A_217 = tpu.vector_load %arg8[%parallel_loop3A_215, %parallel_loop3A_216] {strides = array<i32>} : memref<200x256xf32, #tpu.memory_space<vmem>>, vector<1x16xf32>,
          %parallel_loop3A_218 = vector.shape_cast %parallel_loop3A_217 : vector<1x16xf32> to vector<16xf32>
          %parallel_loop3A_219 = arith.index_cast %parallel_loop3A_193 : i32 to index
          %parallel_loop3A_220 = arith.constant 32 : index
          %parallel_loop3A_221 = tpu.vector_load %arg14[%parallel_loop3A_219, %parallel_loop3A_220] {strides = array<i32>} : memref<40x256xf32, #tpu.memory_space<vmem>>, vector<1x16xf32>,
          %parallel_loop3A_222 = vector.shape_cast %parallel_loop3A_221 : vector<1x16xf32> to vector<16xf32>
          %parallel_loop3A_223 = vector.shape_cast %parallel_loop3A_218 : vector<16xf32> to vector<1x16xf32>
          tpu.vector_store %arg14[%parallel_loop3A_219, %parallel_loop3A_220], %parallel_loop3A_223 {add = true, strides = array<i32>} : memref<40x256xf32, #tpu.memory_space<vmem>>, vector<1x16xf32>,
          %parallel_loop3A_224 = arith.addi %while3A_127, %parallel_loop3A_193 : i32
          %parallel_loop3A_225 = arith.index_cast %parallel_loop3A_224 : i32 to index
          %parallel_loop3A_226 = arith.constant 48 : index
          %parallel_loop3A_227 = tpu.vector_load %arg8[%parallel_loop3A_225, %parallel_loop3A_226] {strides = array<i32>} : memref<200x256xf32, #tpu.memory_space<vmem>>, vector<1x16xf32>,
          %parallel_loop3A_228 = vector.shape_cast %parallel_loop3A_227 : vector<1x16xf32> to vector<16xf32>
          %parallel_loop3A_229 = arith.index_cast %parallel_loop3A_193 : i32 to index
          %parallel_loop3A_230 = arith.constant 48 : index
          %parallel_loop3A_231 = tpu.vector_load %arg14[%parallel_loop3A_229, %parallel_loop3A_230] {strides = array<i32>} : memref<40x256xf32, #tpu.memory_space<vmem>>, vector<1x16xf32>,
          %parallel_loop3A_232 = vector.shape_cast %parallel_loop3A_231 : vector<1x16xf32> to vector<16xf32>
          %parallel_loop3A_233 = vector.shape_cast %parallel_loop3A_228 : vector<16xf32> to vector<1x16xf32>
          tpu.vector_store %arg14[%parallel_loop3A_229, %parallel_loop3A_230], %parallel_loop3A_233 {add = true, strides = array<i32>} : memref<40x256xf32, #tpu.memory_space<vmem>>, vector<1x16xf32>,
          %parallel_loop3A_234 = arith.addi %while3A_127, %parallel_loop3A_193 : i32
          %parallel_loop3A_235 = arith.index_cast %parallel_loop3A_234 : i32 to index
          %parallel_loop3A_236 = arith.constant 64 : index
          %parallel_loop3A_237 = tpu.vector_load %arg8[%parallel_loop3A_235, %parallel_loop3A_236] {strides = array<i32>} : memref<200x256xf32, #tpu.memory_space<vmem>>, vector<1x16xf32>,
          %parallel_loop3A_238 = vector.shape_cast %parallel_loop3A_237 : vector<1x16xf32> to vector<16xf32>
          %parallel_loop3A_239 = arith.index_cast %parallel_loop3A_193 : i32 to index
          %parallel_loop3A_240 = arith.constant 64 : index
          %parallel_loop3A_241 = tpu.vector_load %arg14[%parallel_loop3A_239, %parallel_loop3A_240] {strides = array<i32>} : memref<40x256xf32, #tpu.memory_space<vmem>>, vector<1x16xf32>,
          %parallel_loop3A_242 = vector.shape_cast %parallel_loop3A_241 : vector<1x16xf32> to vector<16xf32>
          %parallel_loop3A_243 = vector.shape_cast %parallel_loop3A_238 : vector<16xf32> to vector<1x16xf32>
          tpu.vector_store %arg14[%parallel_loop3A_239, %parallel_loop3A_240], %parallel_loop3A_243 {add = true, strides = array<i32>} : memref<40x256xf32, #tpu.memory_space<vmem>>, vector<1x16xf32>,
          %parallel_loop3A_244 = arith.addi %while3A_127, %parallel_loop3A_193 : i32
          %parallel_loop3A_245 = arith.index_cast %parallel_loop3A_244 : i32 to index
          %parallel_loop3A_246 = arith.constant 80 : index
          %parallel_loop3A_247 = tpu.vector_load %arg8[%parallel_loop3A_245, %parallel_loop3A_246] {strides = array<i32>} : memref<200x256xf32, #tpu.memory_space<vmem>>, vector<1x16xf32>,
          %parallel_loop3A_248 = vector.shape_cast %parallel_loop3A_247 : vector<1x16xf32> to vector<16xf32>
          %parallel_loop3A_249 = arith.index_cast %parallel_loop3A_193 : i32 to index
          %parallel_loop3A_250 = arith.constant 80 : index
          %parallel_loop3A_251 = tpu.vector_load %arg14[%parallel_loop3A_249, %parallel_loop3A_250] {strides = array<i32>} : memref<40x256xf32, #tpu.memory_space<vmem>>, vector<1x16xf32>,
          %parallel_loop3A_252 = vector.shape_cast %parallel_loop3A_251 : vector<1x16xf32> to vector<16xf32>
          %parallel_loop3A_253 = vector.shape_cast %parallel_loop3A_248 : vector<16xf32> to vector<1x16xf32>
          tpu.vector_store %arg14[%parallel_loop3A_249, %parallel_loop3A_250], %parallel_loop3A_253 {add = true, strides = array<i32>} : memref<40x256xf32, #tpu.memory_space<vmem>>, vector<1x16xf32>,
          %parallel_loop3A_254 = arith.addi %while3A_127, %parallel_loop3A_193 : i32
          %parallel_loop3A_255 = arith.index_cast %parallel_loop3A_254 : i32 to index
          %parallel_loop3A_256 = arith.constant 96 : index
          %parallel_loop3A_257 = tpu.vector_load %arg8[%parallel_loop3A_255, %parallel_loop3A_256] {strides = array<i32>} : memref<200x256xf32, #tpu.memory_space<vmem>>, vector<1x16xf32>,
          %parallel_loop3A_258 = vector.shape_cast %parallel_loop3A_257 : vector<1x16xf32> to vector<16xf32>
          %parallel_loop3A_259 = arith.index_cast %parallel_loop3A_193 : i32 to index
          %parallel_loop3A_260 = arith.constant 96 : index
          %parallel_loop3A_261 = tpu.vector_load %arg14[%parallel_loop3A_259, %parallel_loop3A_260] {strides = array<i32>} : memref<40x256xf32, #tpu.memory_space<vmem>>, vector<1x16xf32>,
          %parallel_loop3A_262 = vector.shape_cast %parallel_loop3A_261 : vector<1x16xf32> to vector<16xf32>
          %parallel_loop3A_263 = vector.shape_cast %parallel_loop3A_258 : vector<16xf32> to vector<1x16xf32>
          tpu.vector_store %arg14[%parallel_loop3A_259, %parallel_loop3A_260], %parallel_loop3A_263 {add = true, strides = array<i32>} : memref<40x256xf32, #tpu.memory_space<vmem>>, vector<1x16xf32>,
          %parallel_loop3A_264 = arith.addi %while3A_127, %parallel_loop3A_193 : i32
          %parallel_loop3A_265 = arith.index_cast %parallel_loop3A_264 : i32 to index
          %parallel_loop3A_266 = arith.constant 112 : index
          %parallel_loop3A_267 = tpu.vector_load %arg8[%parallel_loop3A_265, %parallel_loop3A_266] {strides = array<i32>} : memref<200x256xf32, #tpu.memory_space<vmem>>, vector<1x16xf32>,
          %parallel_loop3A_268 = vector.shape_cast %parallel_loop3A_267 : vector<1x16xf32> to vector<16xf32>
          %parallel_loop3A_269 = arith.index_cast %parallel_loop3A_193 : i32 to index
          %parallel_loop3A_270 = arith.constant 112 : index
          %parallel_loop3A_271 = tpu.vector_load %arg14[%parallel_loop3A_269, %parallel_loop3A_270] {strides = array<i32>} : memref<40x256xf32, #tpu.memory_space<vmem>>, vector<1x16xf32>,
          %parallel_loop3A_272 = vector.shape_cast %parallel_loop3A_271 : vector<1x16xf32> to vector<16xf32>
          %parallel_loop3A_273 = vector.shape_cast %parallel_loop3A_268 : vector<16xf32> to vector<1x16xf32>
          tpu.vector_store %arg14[%parallel_loop3A_269, %parallel_loop3A_270], %parallel_loop3A_273 {add = true, strides = array<i32>} : memref<40x256xf32, #tpu.memory_space<vmem>>, vector<1x16xf32>,
          %parallel_loop3A_274 = arith.addi %while3A_127, %parallel_loop3A_193 : i32
          %parallel_loop3A_275 = arith.index_cast %parallel_loop3A_274 : i32 to index
          %parallel_loop3A_276 = arith.constant 128 : index
          %parallel_loop3A_277 = tpu.vector_load %arg8[%parallel_loop3A_275, %parallel_loop3A_276] {strides = array<i32>} : memref<200x256xf32, #tpu.memory_space<vmem>>, vector<1x16xf32>,
          %parallel_loop3A_278 = vector.shape_cast %parallel_loop3A_277 : vector<1x16xf32> to vector<16xf32>
          %parallel_loop3A_279 = arith.index_cast %parallel_loop3A_193 : i32 to index
          %parallel_loop3A_280 = arith.constant 128 : index
          %parallel_loop3A_281 = tpu.vector_load %arg14[%parallel_loop3A_279, %parallel_loop3A_280] {strides = array<i32>} : memref<40x256xf32, #tpu.memory_space<vmem>>, vector<1x16xf32>,
          %parallel_loop3A_282 = vector.shape_cast %parallel_loop3A_281 : vector<1x16xf32> to vector<16xf32>
          %parallel_loop3A_283 = vector.shape_cast %parallel_loop3A_278 : vector<16xf32> to vector<1x16xf32>
          tpu.vector_store %arg14[%parallel_loop3A_279, %parallel_loop3A_280], %parallel_loop3A_283 {add = true, strides = array<i32>} : memref<40x256xf32, #tpu.memory_space<vmem>>, vector<1x16xf32>,
          %parallel_loop3A_284 = arith.addi %while3A_127, %parallel_loop3A_193 : i32
          %parallel_loop3A_285 = arith.index_cast %parallel_loop3A_284 : i32 to index
          %parallel_loop3A_286 = arith.constant 144 : index
          %parallel_loop3A_287 = tpu.vector_load %arg8[%parallel_loop3A_285, %parallel_loop3A_286] {strides = array<i32>} : memref<200x256xf32, #tpu.memory_space<vmem>>, vector<1x16xf32>,
          %parallel_loop3A_288 = vector.shape_cast %parallel_loop3A_287 : vector<1x16xf32> to vector<16xf32>
          %parallel_loop3A_289 = arith.index_cast %parallel_loop3A_193 : i32 to index
          %parallel_loop3A_290 = arith.constant 144 : index
          %parallel_loop3A_291 = tpu.vector_load %arg14[%parallel_loop3A_289, %parallel_loop3A_290] {strides = array<i32>} : memref<40x256xf32, #tpu.memory_space<vmem>>, vector<1x16xf32>,
          %parallel_loop3A_292 = vector.shape_cast %parallel_loop3A_291 : vector<1x16xf32> to vector<16xf32>
          %parallel_loop3A_293 = vector.shape_cast %parallel_loop3A_288 : vector<16xf32> to vector<1x16xf32>
          tpu.vector_store %arg14[%parallel_loop3A_289, %parallel_loop3A_290], %parallel_loop3A_293 {add = true, strides = array<i32>} : memref<40x256xf32, #tpu.memory_space<vmem>>, vector<1x16xf32>,
          %parallel_loop3A_294 = arith.addi %while3A_127, %parallel_loop3A_193 : i32
          %parallel_loop3A_295 = arith.index_cast %parallel_loop3A_294 : i32 to index
          %parallel_loop3A_296 = arith.constant 160 : index
          %parallel_loop3A_297 = tpu.vector_load %arg8[%parallel_loop3A_295, %parallel_loop3A_296] {strides = array<i32>} : memref<200x256xf32, #tpu.memory_space<vmem>>, vector<1x16xf32>,
          %parallel_loop3A_298 = vector.shape_cast %parallel_loop3A_297 : vector<1x16xf32> to vector<16xf32>
          %parallel_loop3A_299 = arith.index_cast %parallel_loop3A_193 : i32 to index
          %parallel_loop3A_300 = arith.constant 160 : index
          %parallel_loop3A_301 = tpu.vector_load %arg14[%parallel_loop3A_299, %parallel_loop3A_300] {strides = array<i32>} : memref<40x256xf32, #tpu.memory_space<vmem>>, vector<1x16xf32>,
          %parallel_loop3A_302 = vector.shape_cast %parallel_loop3A_301 : vector<1x16xf32> to vector<16xf32>
          %parallel_loop3A_303 = vector.shape_cast %parallel_loop3A_298 : vector<16xf32> to vector<1x16xf32>
          tpu.vector_store %arg14[%parallel_loop3A_299, %parallel_loop3A_300], %parallel_loop3A_303 {add = true, strides = array<i32>} : memref<40x256xf32, #tpu.memory_space<vmem>>, vector<1x16xf32>,
          %parallel_loop3A_304 = arith.addi %while3A_127, %parallel_loop3A_193 : i32
          %parallel_loop3A_305 = arith.index_cast %parallel_loop3A_304 : i32 to index
          %parallel_loop3A_306 = arith.constant 176 : index
          %parallel_loop3A_307 = tpu.vector_load %arg8[%parallel_loop3A_305, %parallel_loop3A_306] {strides = array<i32>} : memref<200x256xf32, #tpu.memory_space<vmem>>, vector<1x16xf32>,
          %parallel_loop3A_308 = vector.shape_cast %parallel_loop3A_307 : vector<1x16xf32> to vector<16xf32>
          %parallel_loop3A_309 = arith.index_cast %parallel_loop3A_193 : i32 to index
          %parallel_loop3A_310 = arith.constant 176 : index
          %parallel_loop3A_311 = tpu.vector_load %arg14[%parallel_loop3A_309, %parallel_loop3A_310] {strides = array<i32>} : memref<40x256xf32, #tpu.memory_space<vmem>>, vector<1x16xf32>,
          %parallel_loop3A_312 = vector.shape_cast %parallel_loop3A_311 : vector<1x16xf32> to vector<16xf32>
          %parallel_loop3A_313 = vector.shape_cast %parallel_loop3A_308 : vector<16xf32> to vector<1x16xf32>
          tpu.vector_store %arg14[%parallel_loop3A_309, %parallel_loop3A_310], %parallel_loop3A_313 {add = true, strides = array<i32>} : memref<40x256xf32, #tpu.memory_space<vmem>>, vector<1x16xf32>,
          %parallel_loop3A_314 = arith.addi %while3A_127, %parallel_loop3A_193 : i32
          %parallel_loop3A_315 = arith.index_cast %parallel_loop3A_314 : i32 to index
          %parallel_loop3A_316 = arith.constant 192 : index
          %parallel_loop3A_317 = tpu.vector_load %arg8[%parallel_loop3A_315, %parallel_loop3A_316] {strides = array<i32>} : memref<200x256xf32, #tpu.memory_space<vmem>>, vector<1x16xf32>,
          %parallel_loop3A_318 = vector.shape_cast %parallel_loop3A_317 : vector<1x16xf32> to vector<16xf32>
          %parallel_loop3A_319 = arith.index_cast %parallel_loop3A_193 : i32 to index
          %parallel_loop3A_320 = arith.constant 192 : index
          %parallel_loop3A_321 = tpu.vector_load %arg14[%parallel_loop3A_319, %parallel_loop3A_320] {strides = array<i32>} : memref<40x256xf32, #tpu.memory_space<vmem>>, vector<1x16xf32>,
          %parallel_loop3A_322 = vector.shape_cast %parallel_loop3A_321 : vector<1x16xf32> to vector<16xf32>
          %parallel_loop3A_323 = vector.shape_cast %parallel_loop3A_318 : vector<16xf32> to vector<1x16xf32>
          tpu.vector_store %arg14[%parallel_loop3A_319, %parallel_loop3A_320], %parallel_loop3A_323 {add = true, strides = array<i32>} : memref<40x256xf32, #tpu.memory_space<vmem>>, vector<1x16xf32>,
          %parallel_loop3A_324 = arith.addi %while3A_127, %parallel_loop3A_193 : i32
          %parallel_loop3A_325 = arith.index_cast %parallel_loop3A_324 : i32 to index
          %parallel_loop3A_326 = arith.constant 208 : index
          %parallel_loop3A_327 = tpu.vector_load %arg8[%parallel_loop3A_325, %parallel_loop3A_326] {strides = array<i32>} : memref<200x256xf32, #tpu.memory_space<vmem>>, vector<1x16xf32>,
          %parallel_loop3A_328 = vector.shape_cast %parallel_loop3A_327 : vector<1x16xf32> to vector<16xf32>
          %parallel_loop3A_329 = arith.index_cast %parallel_loop3A_193 : i32 to index
          %parallel_loop3A_330 = arith.constant 208 : index
          %parallel_loop3A_331 = tpu.vector_load %arg14[%parallel_loop3A_329, %parallel_loop3A_330] {strides = array<i32>} : memref<40x256xf32, #tpu.memory_space<vmem>>, vector<1x16xf32>,
          %parallel_loop3A_332 = vector.shape_cast %parallel_loop3A_331 : vector<1x16xf32> to vector<16xf32>
          %parallel_loop3A_333 = vector.shape_cast %parallel_loop3A_328 : vector<16xf32> to vector<1x16xf32>
          tpu.vector_store %arg14[%parallel_loop3A_329, %parallel_loop3A_330], %parallel_loop3A_333 {add = true, strides = array<i32>} : memref<40x256xf32, #tpu.memory_space<vmem>>, vector<1x16xf32>,
          %parallel_loop3A_334 = arith.addi %while3A_127, %parallel_loop3A_193 : i32
          %parallel_loop3A_335 = arith.index_cast %parallel_loop3A_334 : i32 to index
          %parallel_loop3A_336 = arith.constant 224 : index
          %parallel_loop3A_337 = tpu.vector_load %arg8[%parallel_loop3A_335, %parallel_loop3A_336] {strides = array<i32>} : memref<200x256xf32, #tpu.memory_space<vmem>>, vector<1x16xf32>,
          %parallel_loop3A_338 = vector.shape_cast %parallel_loop3A_337 : vector<1x16xf32> to vector<16xf32>
          %parallel_loop3A_339 = arith.index_cast %parallel_loop3A_193 : i32 to index
          %parallel_loop3A_340 = arith.constant 224 : index
          %parallel_loop3A_341 = tpu.vector_load %arg14[%parallel_loop3A_339, %parallel_loop3A_340] {strides = array<i32>} : memref<40x256xf32, #tpu.memory_space<vmem>>, vector<1x16xf32>,
          %parallel_loop3A_342 = vector.shape_cast %parallel_loop3A_341 : vector<1x16xf32> to vector<16xf32>
          %parallel_loop3A_343 = vector.shape_cast %parallel_loop3A_338 : vector<16xf32> to vector<1x16xf32>
          tpu.vector_store %arg14[%parallel_loop3A_339, %parallel_loop3A_340], %parallel_loop3A_343 {add = true, strides = array<i32>} : memref<40x256xf32, #tpu.memory_space<vmem>>, vector<1x16xf32>,
          %parallel_loop3A_344 = arith.addi %while3A_127, %parallel_loop3A_193 : i32
          %parallel_loop3A_345 = arith.index_cast %parallel_loop3A_344 : i32 to index
          %parallel_loop3A_346 = arith.constant 240 : index
          %parallel_loop3A_347 = tpu.vector_load %arg8[%parallel_loop3A_345, %parallel_loop3A_346] {strides = array<i32>} : memref<200x256xf32, #tpu.memory_space<vmem>>, vector<1x16xf32>,
          %parallel_loop3A_348 = vector.shape_cast %parallel_loop3A_347 : vector<1x16xf32> to vector<16xf32>
          %parallel_loop3A_349 = arith.index_cast %parallel_loop3A_193 : i32 to index
          %parallel_loop3A_350 = arith.constant 240 : index
          %parallel_loop3A_351 = tpu.vector_load %arg14[%parallel_loop3A_349, %parallel_loop3A_350] {strides = array<i32>} : memref<40x256xf32, #tpu.memory_space<vmem>>, vector<1x16xf32>,
          %parallel_loop3A_352 = vector.shape_cast %parallel_loop3A_351 : vector<1x16xf32> to vector<16xf32>
          %parallel_loop3A_353 = vector.shape_cast %parallel_loop3A_348 : vector<16xf32> to vector<1x16xf32>
          tpu.vector_store %arg14[%parallel_loop3A_349, %parallel_loop3A_350], %parallel_loop3A_353 {add = true, strides = array<i32>} : memref<40x256xf32, #tpu.memory_space<vmem>>, vector<1x16xf32>,
        } {sc.loop_unroll_factor = 2 : i64, sc.parallel_access}
        %mul3A_185 = arith.constant 40 : i32
        %mul3A_186 = arith.muli %while3A_124, %mul3A_185 : i32
        %add3A_187 = arith.addi %squeeze3A, %mul3A_186 : i32
        %multiple_of3A_188 = tpu.assume_multiple %add3A_187, 8 : i32
        %dma_start3A_189 = arith.constant 0 : i32
        %dma_start3A_190 = tpu.memref_slice %arg7[%multiple_of3A_188, %dma_start3A_189] : memref<80000x256xf32, #tpu.memory_space<hbm>> -> memref<40x256xf32, #tpu.memory_space<hbm>>
        %dma_start3A_191 = arith.constant 0 : i32
        %dma_start3A_192 = tpu.memref_slice %arg7[%multiple_of3A_188, %dma_start3A_191] : memref<80000x256xf32, #tpu.memory_space<hbm>> -> memref<40x256xf32, #tpu.memory_space<hbm>>
        tpu.enqueue_dma source(%arg14 : memref<40x256xf32, #tpu.memory_space<vmem>>) target(%dma_start3A_192 : memref<40x256xf32, #tpu.memory_space<hbm>>) target_semaphore(%arg22 : memref<!tpu.dma_semaphore, #tpu.memory_space<semaphore_mem>>)
      } else {
      }
      %eq3A_145 = arith.constant 3 : i32
      %eq3A_146 = arith.cmpi eq, %and3A_129, %eq3A_145 : i32
      %convert_element_type3A_147 = arith.extui %eq3A_146 : i1 to i32
      %cond3A_148 = arith.constant 0 : i32
      %cond3A_149 = arith.cmpi ne, %convert_element_type3A_147, %cond3A_148 : i32
      scf.if %cond3A_149 {
        %dma_wait3A = arith.constant 0 : i32
        %dma_wait3A_168 = arith.constant 0 : i32
        %dma_wait3A_169 = tpu.memref_slice %arg2[%dma_wait3A, %dma_wait3A_168] : memref<80000x256xf32, #tpu.memory_space<hbm>> -> memref<40x256xf32, #tpu.memory_space<hbm>>
        %dma_wait3A_170 = arith.constant 0 : i32
        %dma_wait3A_171 = arith.constant 0 : i32
        %dma_wait3A_172 = tpu.memref_slice %arg2[%dma_wait3A_170, %dma_wait3A_171] : memref<80000x256xf32, #tpu.memory_space<hbm>> -> memref<40x256xf32, #tpu.memory_space<hbm>>
        tpu.wait_dma2 semaphore(%arg19 : memref<!tpu.dma_semaphore, #tpu.memory_space<semaphore_mem>>) src(%dma_wait3A_172 : memref<40x256xf32, #tpu.memory_space<hbm>>) dst(%arg15 : memref<40x256xf32, #tpu.memory_space<vmem>>)
        %gt3A = arith.constant 1 : i32
        %gt3A_173 = arith.cmpi sgt, %while3A_124, %gt3A : i32
        %convert_element_type3A_174 = arith.extui %gt3A_173 : i1 to i32
        %cond3A_175 = arith.constant 0 : i32
        %cond3A_176 = arith.cmpi ne, %convert_element_type3A_174, %cond3A_175 : i32
        scf.if %cond3A_176 {
          %dma_wait3A_193 = arith.constant 0 : i32
          %dma_wait3A_194 = arith.constant 0 : i32
          %dma_wait3A_195 = tpu.memref_slice %arg7[%dma_wait3A_193, %dma_wait3A_194] : memref<80000x256xf32, #tpu.memory_space<hbm>> -> memref<40x256xf32, #tpu.memory_space<hbm>>
          %dma_wait3A_196 = arith.constant 0 : i32
          %dma_wait3A_197 = arith.constant 0 : i32
          %dma_wait3A_198 = tpu.memref_slice %arg7[%dma_wait3A_196, %dma_wait3A_197] : memref<80000x256xf32, #tpu.memory_space<hbm>> -> memref<40x256xf32, #tpu.memory_space<hbm>>
          tpu.wait_dma2 semaphore(%arg21 : memref<!tpu.dma_semaphore, #tpu.memory_space<semaphore_mem>>) src(%arg13 : memref<40x256xf32, #tpu.memory_space<vmem>>) dst(%dma_wait3A_198 : memref<40x256xf32, #tpu.memory_space<hbm>>)
        } else {
        }
        %add3A_177 = arith.constant 2 : i32
        %add3A_178 = arith.addi %while3A_124, %add3A_177 : i32
        %lt3A = arith.cmpi slt, %add3A_178, %squeeze3A_5 : i32
        %convert_element_type3A_179 = arith.extui %lt3A : i1 to i32
        %cond3A_180 = arith.constant 0 : i32
        %cond3A_181 = arith.cmpi ne, %convert_element_type3A_179, %cond3A_180 : i32
        scf.if %cond3A_181 {
          %add3A_193 = arith.constant 2 : i32
          %add3A_194 = arith.addi %while3A_124, %add3A_193 : i32
          %mul3A_195 = arith.constant 40 : i32
          %mul3A_196 = arith.muli %add3A_194, %mul3A_195 : i32
          %add3A_197 = arith.addi %squeeze3A, %mul3A_196 : i32
          %multiple_of3A_198 = tpu.assume_multiple %add3A_197, 8 : i32
          %dma_start3A_199 = arith.constant 0 : i32
          %dma_start3A_200 = tpu.memref_slice %arg2[%multiple_of3A_198, %dma_start3A_199] : memref<80000x256xf32, #tpu.memory_space<hbm>> -> memref<40x256xf32, #tpu.memory_space<hbm>>
          %dma_start3A_201 = arith.constant 0 : i32
          %dma_start3A_202 = tpu.memref_slice %arg2[%multiple_of3A_198, %dma_start3A_201] : memref<80000x256xf32, #tpu.memory_space<hbm>> -> memref<40x256xf32, #tpu.memory_space<hbm>>
          tpu.enqueue_dma source(%dma_start3A_202 : memref<40x256xf32, #tpu.memory_space<hbm>>) target(%arg13 : memref<40x256xf32, #tpu.memory_space<vmem>>) target_semaphore(%arg17 : memref<!tpu.dma_semaphore, #tpu.memory_space<semaphore_mem>>)
        } else {
        }
        %parallel_loop3A_182 = arith.constant 0 : i32
        %parallel_loop3A_183 = arith.constant 40 : i32
        %parallel_loop3A_184 = arith.constant 1 : i32
        scf.for %parallel_loop3A_193 = %parallel_loop3A_182 to %parallel_loop3A_183 step %parallel_loop3A_184  : i32 {
          %parallel_loop3A_194 = arith.addi %while3A_127, %parallel_loop3A_193 : i32
          %parallel_loop3A_195 = arith.index_cast %parallel_loop3A_194 : i32 to index
          %parallel_loop3A_196 = arith.constant 0 : index
          %parallel_loop3A_197 = tpu.vector_load %arg8[%parallel_loop3A_195, %parallel_loop3A_196] {strides = array<i32>} : memref<200x256xf32, #tpu.memory_space<vmem>>, vector<1x16xf32>,
          %parallel_loop3A_198 = vector.shape_cast %parallel_loop3A_197 : vector<1x16xf32> to vector<16xf32>
          %parallel_loop3A_199 = arith.index_cast %parallel_loop3A_193 : i32 to index
          %parallel_loop3A_200 = arith.constant 0 : index
          %parallel_loop3A_201 = tpu.vector_load %arg15[%parallel_loop3A_199, %parallel_loop3A_200] {strides = array<i32>} : memref<40x256xf32, #tpu.memory_space<vmem>>, vector<1x16xf32>,
          %parallel_loop3A_202 = vector.shape_cast %parallel_loop3A_201 : vector<1x16xf32> to vector<16xf32>
          %parallel_loop3A_203 = vector.shape_cast %parallel_loop3A_198 : vector<16xf32> to vector<1x16xf32>
          tpu.vector_store %arg15[%parallel_loop3A_199, %parallel_loop3A_200], %parallel_loop3A_203 {add = true, strides = array<i32>} : memref<40x256xf32, #tpu.memory_space<vmem>>, vector<1x16xf32>,
          %parallel_loop3A_204 = arith.addi %while3A_127, %parallel_loop3A_193 : i32
          %parallel_loop3A_205 = arith.index_cast %parallel_loop3A_204 : i32 to index
          %parallel_loop3A_206 = arith.constant 16 : index
          %parallel_loop3A_207 = tpu.vector_load %arg8[%parallel_loop3A_205, %parallel_loop3A_206] {strides = array<i32>} : memref<200x256xf32, #tpu.memory_space<vmem>>, vector<1x16xf32>,
          %parallel_loop3A_208 = vector.shape_cast %parallel_loop3A_207 : vector<1x16xf32> to vector<16xf32>
          %parallel_loop3A_209 = arith.index_cast %parallel_loop3A_193 : i32 to index
          %parallel_loop3A_210 = arith.constant 16 : index
          %parallel_loop3A_211 = tpu.vector_load %arg15[%parallel_loop3A_209, %parallel_loop3A_210] {strides = array<i32>} : memref<40x256xf32, #tpu.memory_space<vmem>>, vector<1x16xf32>,
          %parallel_loop3A_212 = vector.shape_cast %parallel_loop3A_211 : vector<1x16xf32> to vector<16xf32>
          %parallel_loop3A_213 = vector.shape_cast %parallel_loop3A_208 : vector<16xf32> to vector<1x16xf32>
          tpu.vector_store %arg15[%parallel_loop3A_209, %parallel_loop3A_210], %parallel_loop3A_213 {add = true, strides = array<i32>} : memref<40x256xf32, #tpu.memory_space<vmem>>, vector<1x16xf32>,
          %parallel_loop3A_214 = arith.addi %while3A_127, %parallel_loop3A_193 : i32
          %parallel_loop3A_215 = arith.index_cast %parallel_loop3A_214 : i32 to index
          %parallel_loop3A_216 = arith.constant 32 : index
          %parallel_loop3A_217 = tpu.vector_load %arg8[%parallel_loop3A_215, %parallel_loop3A_216] {strides = array<i32>} : memref<200x256xf32, #tpu.memory_space<vmem>>, vector<1x16xf32>,
          %parallel_loop3A_218 = vector.shape_cast %parallel_loop3A_217 : vector<1x16xf32> to vector<16xf32>
          %parallel_loop3A_219 = arith.index_cast %parallel_loop3A_193 : i32 to index
          %parallel_loop3A_220 = arith.constant 32 : index
          %parallel_loop3A_221 = tpu.vector_load %arg15[%parallel_loop3A_219, %parallel_loop3A_220] {strides = array<i32>} : memref<40x256xf32, #tpu.memory_space<vmem>>, vector<1x16xf32>,
          %parallel_loop3A_222 = vector.shape_cast %parallel_loop3A_221 : vector<1x16xf32> to vector<16xf32>
          %parallel_loop3A_223 = vector.shape_cast %parallel_loop3A_218 : vector<16xf32> to vector<1x16xf32>
          tpu.vector_store %arg15[%parallel_loop3A_219, %parallel_loop3A_220], %parallel_loop3A_223 {add = true, strides = array<i32>} : memref<40x256xf32, #tpu.memory_space<vmem>>, vector<1x16xf32>,
          %parallel_loop3A_224 = arith.addi %while3A_127, %parallel_loop3A_193 : i32
          %parallel_loop3A_225 = arith.index_cast %parallel_loop3A_224 : i32 to index
          %parallel_loop3A_226 = arith.constant 48 : index
          %parallel_loop3A_227 = tpu.vector_load %arg8[%parallel_loop3A_225, %parallel_loop3A_226] {strides = array<i32>} : memref<200x256xf32, #tpu.memory_space<vmem>>, vector<1x16xf32>,
          %parallel_loop3A_228 = vector.shape_cast %parallel_loop3A_227 : vector<1x16xf32> to vector<16xf32>
          %parallel_loop3A_229 = arith.index_cast %parallel_loop3A_193 : i32 to index
          %parallel_loop3A_230 = arith.constant 48 : index
          %parallel_loop3A_231 = tpu.vector_load %arg15[%parallel_loop3A_229, %parallel_loop3A_230] {strides = array<i32>} : memref<40x256xf32, #tpu.memory_space<vmem>>, vector<1x16xf32>,
          %parallel_loop3A_232 = vector.shape_cast %parallel_loop3A_231 : vector<1x16xf32> to vector<16xf32>
          %parallel_loop3A_233 = vector.shape_cast %parallel_loop3A_228 : vector<16xf32> to vector<1x16xf32>
          tpu.vector_store %arg15[%parallel_loop3A_229, %parallel_loop3A_230], %parallel_loop3A_233 {add = true, strides = array<i32>} : memref<40x256xf32, #tpu.memory_space<vmem>>, vector<1x16xf32>,
          %parallel_loop3A_234 = arith.addi %while3A_127, %parallel_loop3A_193 : i32
          %parallel_loop3A_235 = arith.index_cast %parallel_loop3A_234 : i32 to index
          %parallel_loop3A_236 = arith.constant 64 : index
          %parallel_loop3A_237 = tpu.vector_load %arg8[%parallel_loop3A_235, %parallel_loop3A_236] {strides = array<i32>} : memref<200x256xf32, #tpu.memory_space<vmem>>, vector<1x16xf32>,
          %parallel_loop3A_238 = vector.shape_cast %parallel_loop3A_237 : vector<1x16xf32> to vector<16xf32>
          %parallel_loop3A_239 = arith.index_cast %parallel_loop3A_193 : i32 to index
          %parallel_loop3A_240 = arith.constant 64 : index
          %parallel_loop3A_241 = tpu.vector_load %arg15[%parallel_loop3A_239, %parallel_loop3A_240] {strides = array<i32>} : memref<40x256xf32, #tpu.memory_space<vmem>>, vector<1x16xf32>,
          %parallel_loop3A_242 = vector.shape_cast %parallel_loop3A_241 : vector<1x16xf32> to vector<16xf32>
          %parallel_loop3A_243 = vector.shape_cast %parallel_loop3A_238 : vector<16xf32> to vector<1x16xf32>
          tpu.vector_store %arg15[%parallel_loop3A_239, %parallel_loop3A_240], %parallel_loop3A_243 {add = true, strides = array<i32>} : memref<40x256xf32, #tpu.memory_space<vmem>>, vector<1x16xf32>,
          %parallel_loop3A_244 = arith.addi %while3A_127, %parallel_loop3A_193 : i32
          %parallel_loop3A_245 = arith.index_cast %parallel_loop3A_244 : i32 to index
          %parallel_loop3A_246 = arith.constant 80 : index
          %parallel_loop3A_247 = tpu.vector_load %arg8[%parallel_loop3A_245, %parallel_loop3A_246] {strides = array<i32>} : memref<200x256xf32, #tpu.memory_space<vmem>>, vector<1x16xf32>,
          %parallel_loop3A_248 = vector.shape_cast %parallel_loop3A_247 : vector<1x16xf32> to vector<16xf32>
          %parallel_loop3A_249 = arith.index_cast %parallel_loop3A_193 : i32 to index
          %parallel_loop3A_250 = arith.constant 80 : index
          %parallel_loop3A_251 = tpu.vector_load %arg15[%parallel_loop3A_249, %parallel_loop3A_250] {strides = array<i32>} : memref<40x256xf32, #tpu.memory_space<vmem>>, vector<1x16xf32>,
          %parallel_loop3A_252 = vector.shape_cast %parallel_loop3A_251 : vector<1x16xf32> to vector<16xf32>
          %parallel_loop3A_253 = vector.shape_cast %parallel_loop3A_248 : vector<16xf32> to vector<1x16xf32>
          tpu.vector_store %arg15[%parallel_loop3A_249, %parallel_loop3A_250], %parallel_loop3A_253 {add = true, strides = array<i32>} : memref<40x256xf32, #tpu.memory_space<vmem>>, vector<1x16xf32>,
          %parallel_loop3A_254 = arith.addi %while3A_127, %parallel_loop3A_193 : i32
          %parallel_loop3A_255 = arith.index_cast %parallel_loop3A_254 : i32 to index
          %parallel_loop3A_256 = arith.constant 96 : index
          %parallel_loop3A_257 = tpu.vector_load %arg8[%parallel_loop3A_255, %parallel_loop3A_256] {strides = array<i32>} : memref<200x256xf32, #tpu.memory_space<vmem>>, vector<1x16xf32>,
          %parallel_loop3A_258 = vector.shape_cast %parallel_loop3A_257 : vector<1x16xf32> to vector<16xf32>
          %parallel_loop3A_259 = arith.index_cast %parallel_loop3A_193 : i32 to index
          %parallel_loop3A_260 = arith.constant 96 : index
          %parallel_loop3A_261 = tpu.vector_load %arg15[%parallel_loop3A_259, %parallel_loop3A_260] {strides = array<i32>} : memref<40x256xf32, #tpu.memory_space<vmem>>, vector<1x16xf32>,
          %parallel_loop3A_262 = vector.shape_cast %parallel_loop3A_261 : vector<1x16xf32> to vector<16xf32>
          %parallel_loop3A_263 = vector.shape_cast %parallel_loop3A_258 : vector<16xf32> to vector<1x16xf32>
          tpu.vector_store %arg15[%parallel_loop3A_259, %parallel_loop3A_260], %parallel_loop3A_263 {add = true, strides = array<i32>} : memref<40x256xf32, #tpu.memory_space<vmem>>, vector<1x16xf32>,
          %parallel_loop3A_264 = arith.addi %while3A_127, %parallel_loop3A_193 : i32
          %parallel_loop3A_265 = arith.index_cast %parallel_loop3A_264 : i32 to index
          %parallel_loop3A_266 = arith.constant 112 : index
          %parallel_loop3A_267 = tpu.vector_load %arg8[%parallel_loop3A_265, %parallel_loop3A_266] {strides = array<i32>} : memref<200x256xf32, #tpu.memory_space<vmem>>, vector<1x16xf32>,
          %parallel_loop3A_268 = vector.shape_cast %parallel_loop3A_267 : vector<1x16xf32> to vector<16xf32>
          %parallel_loop3A_269 = arith.index_cast %parallel_loop3A_193 : i32 to index
          %parallel_loop3A_270 = arith.constant 112 : index
          %parallel_loop3A_271 = tpu.vector_load %arg15[%parallel_loop3A_269, %parallel_loop3A_270] {strides = array<i32>} : memref<40x256xf32, #tpu.memory_space<vmem>>, vector<1x16xf32>,
          %parallel_loop3A_272 = vector.shape_cast %parallel_loop3A_271 : vector<1x16xf32> to vector<16xf32>
          %parallel_loop3A_273 = vector.shape_cast %parallel_loop3A_268 : vector<16xf32> to vector<1x16xf32>
          tpu.vector_store %arg15[%parallel_loop3A_269, %parallel_loop3A_270], %parallel_loop3A_273 {add = true, strides = array<i32>} : memref<40x256xf32, #tpu.memory_space<vmem>>, vector<1x16xf32>,
          %parallel_loop3A_274 = arith.addi %while3A_127, %parallel_loop3A_193 : i32
          %parallel_loop3A_275 = arith.index_cast %parallel_loop3A_274 : i32 to index
          %parallel_loop3A_276 = arith.constant 128 : index
          %parallel_loop3A_277 = tpu.vector_load %arg8[%parallel_loop3A_275, %parallel_loop3A_276] {strides = array<i32>} : memref<200x256xf32, #tpu.memory_space<vmem>>, vector<1x16xf32>,
          %parallel_loop3A_278 = vector.shape_cast %parallel_loop3A_277 : vector<1x16xf32> to vector<16xf32>
          %parallel_loop3A_279 = arith.index_cast %parallel_loop3A_193 : i32 to index
          %parallel_loop3A_280 = arith.constant 128 : index
          %parallel_loop3A_281 = tpu.vector_load %arg15[%parallel_loop3A_279, %parallel_loop3A_280] {strides = array<i32>} : memref<40x256xf32, #tpu.memory_space<vmem>>, vector<1x16xf32>,
          %parallel_loop3A_282 = vector.shape_cast %parallel_loop3A_281 : vector<1x16xf32> to vector<16xf32>
          %parallel_loop3A_283 = vector.shape_cast %parallel_loop3A_278 : vector<16xf32> to vector<1x16xf32>
          tpu.vector_store %arg15[%parallel_loop3A_279, %parallel_loop3A_280], %parallel_loop3A_283 {add = true, strides = array<i32>} : memref<40x256xf32, #tpu.memory_space<vmem>>, vector<1x16xf32>,
          %parallel_loop3A_284 = arith.addi %while3A_127, %parallel_loop3A_193 : i32
          %parallel_loop3A_285 = arith.index_cast %parallel_loop3A_284 : i32 to index
          %parallel_loop3A_286 = arith.constant 144 : index
          %parallel_loop3A_287 = tpu.vector_load %arg8[%parallel_loop3A_285, %parallel_loop3A_286] {strides = array<i32>} : memref<200x256xf32, #tpu.memory_space<vmem>>, vector<1x16xf32>,
          %parallel_loop3A_288 = vector.shape_cast %parallel_loop3A_287 : vector<1x16xf32> to vector<16xf32>
          %parallel_loop3A_289 = arith.index_cast %parallel_loop3A_193 : i32 to index
          %parallel_loop3A_290 = arith.constant 144 : index
          %parallel_loop3A_291 = tpu.vector_load %arg15[%parallel_loop3A_289, %parallel_loop3A_290] {strides = array<i32>} : memref<40x256xf32, #tpu.memory_space<vmem>>, vector<1x16xf32>,
          %parallel_loop3A_292 = vector.shape_cast %parallel_loop3A_291 : vector<1x16xf32> to vector<16xf32>
          %parallel_loop3A_293 = vector.shape_cast %parallel_loop3A_288 : vector<16xf32> to vector<1x16xf32>
          tpu.vector_store %arg15[%parallel_loop3A_289, %parallel_loop3A_290], %parallel_loop3A_293 {add = true, strides = array<i32>} : memref<40x256xf32, #tpu.memory_space<vmem>>, vector<1x16xf32>,
          %parallel_loop3A_294 = arith.addi %while3A_127, %parallel_loop3A_193 : i32
          %parallel_loop3A_295 = arith.index_cast %parallel_loop3A_294 : i32 to index
          %parallel_loop3A_296 = arith.constant 160 : index
          %parallel_loop3A_297 = tpu.vector_load %arg8[%parallel_loop3A_295, %parallel_loop3A_296] {strides = array<i32>} : memref<200x256xf32, #tpu.memory_space<vmem>>, vector<1x16xf32>,
          %parallel_loop3A_298 = vector.shape_cast %parallel_loop3A_297 : vector<1x16xf32> to vector<16xf32>
          %parallel_loop3A_299 = arith.index_cast %parallel_loop3A_193 : i32 to index
          %parallel_loop3A_300 = arith.constant 160 : index
          %parallel_loop3A_301 = tpu.vector_load %arg15[%parallel_loop3A_299, %parallel_loop3A_300] {strides = array<i32>} : memref<40x256xf32, #tpu.memory_space<vmem>>, vector<1x16xf32>,
          %parallel_loop3A_302 = vector.shape_cast %parallel_loop3A_301 : vector<1x16xf32> to vector<16xf32>
          %parallel_loop3A_303 = vector.shape_cast %parallel_loop3A_298 : vector<16xf32> to vector<1x16xf32>
          tpu.vector_store %arg15[%parallel_loop3A_299, %parallel_loop3A_300], %parallel_loop3A_303 {add = true, strides = array<i32>} : memref<40x256xf32, #tpu.memory_space<vmem>>, vector<1x16xf32>,
          %parallel_loop3A_304 = arith.addi %while3A_127, %parallel_loop3A_193 : i32
          %parallel_loop3A_305 = arith.index_cast %parallel_loop3A_304 : i32 to index
          %parallel_loop3A_306 = arith.constant 176 : index
          %parallel_loop3A_307 = tpu.vector_load %arg8[%parallel_loop3A_305, %parallel_loop3A_306] {strides = array<i32>} : memref<200x256xf32, #tpu.memory_space<vmem>>, vector<1x16xf32>,
          %parallel_loop3A_308 = vector.shape_cast %parallel_loop3A_307 : vector<1x16xf32> to vector<16xf32>
          %parallel_loop3A_309 = arith.index_cast %parallel_loop3A_193 : i32 to index
          %parallel_loop3A_310 = arith.constant 176 : index
          %parallel_loop3A_311 = tpu.vector_load %arg15[%parallel_loop3A_309, %parallel_loop3A_310] {strides = array<i32>} : memref<40x256xf32, #tpu.memory_space<vmem>>, vector<1x16xf32>,
          %parallel_loop3A_312 = vector.shape_cast %parallel_loop3A_311 : vector<1x16xf32> to vector<16xf32>
          %parallel_loop3A_313 = vector.shape_cast %parallel_loop3A_308 : vector<16xf32> to vector<1x16xf32>
          tpu.vector_store %arg15[%parallel_loop3A_309, %parallel_loop3A_310], %parallel_loop3A_313 {add = true, strides = array<i32>} : memref<40x256xf32, #tpu.memory_space<vmem>>, vector<1x16xf32>,
          %parallel_loop3A_314 = arith.addi %while3A_127, %parallel_loop3A_193 : i32
          %parallel_loop3A_315 = arith.index_cast %parallel_loop3A_314 : i32 to index
          %parallel_loop3A_316 = arith.constant 192 : index
          %parallel_loop3A_317 = tpu.vector_load %arg8[%parallel_loop3A_315, %parallel_loop3A_316] {strides = array<i32>} : memref<200x256xf32, #tpu.memory_space<vmem>>, vector<1x16xf32>,
          %parallel_loop3A_318 = vector.shape_cast %parallel_loop3A_317 : vector<1x16xf32> to vector<16xf32>
          %parallel_loop3A_319 = arith.index_cast %parallel_loop3A_193 : i32 to index
          %parallel_loop3A_320 = arith.constant 192 : index
          %parallel_loop3A_321 = tpu.vector_load %arg15[%parallel_loop3A_319, %parallel_loop3A_320] {strides = array<i32>} : memref<40x256xf32, #tpu.memory_space<vmem>>, vector<1x16xf32>,
          %parallel_loop3A_322 = vector.shape_cast %parallel_loop3A_321 : vector<1x16xf32> to vector<16xf32>
          %parallel_loop3A_323 = vector.shape_cast %parallel_loop3A_318 : vector<16xf32> to vector<1x16xf32>
          tpu.vector_store %arg15[%parallel_loop3A_319, %parallel_loop3A_320], %parallel_loop3A_323 {add = true, strides = array<i32>} : memref<40x256xf32, #tpu.memory_space<vmem>>, vector<1x16xf32>,
          %parallel_loop3A_324 = arith.addi %while3A_127, %parallel_loop3A_193 : i32
          %parallel_loop3A_325 = arith.index_cast %parallel_loop3A_324 : i32 to index
          %parallel_loop3A_326 = arith.constant 208 : index
          %parallel_loop3A_327 = tpu.vector_load %arg8[%parallel_loop3A_325, %parallel_loop3A_326] {strides = array<i32>} : memref<200x256xf32, #tpu.memory_space<vmem>>, vector<1x16xf32>,
          %parallel_loop3A_328 = vector.shape_cast %parallel_loop3A_327 : vector<1x16xf32> to vector<16xf32>
          %parallel_loop3A_329 = arith.index_cast %parallel_loop3A_193 : i32 to index
          %parallel_loop3A_330 = arith.constant 208 : index
          %parallel_loop3A_331 = tpu.vector_load %arg15[%parallel_loop3A_329, %parallel_loop3A_330] {strides = array<i32>} : memref<40x256xf32, #tpu.memory_space<vmem>>, vector<1x16xf32>,
          %parallel_loop3A_332 = vector.shape_cast %parallel_loop3A_331 : vector<1x16xf32> to vector<16xf32>
          %parallel_loop3A_333 = vector.shape_cast %parallel_loop3A_328 : vector<16xf32> to vector<1x16xf32>
          tpu.vector_store %arg15[%parallel_loop3A_329, %parallel_loop3A_330], %parallel_loop3A_333 {add = true, strides = array<i32>} : memref<40x256xf32, #tpu.memory_space<vmem>>, vector<1x16xf32>,
          %parallel_loop3A_334 = arith.addi %while3A_127, %parallel_loop3A_193 : i32
          %parallel_loop3A_335 = arith.index_cast %parallel_loop3A_334 : i32 to index
          %parallel_loop3A_336 = arith.constant 224 : index
          %parallel_loop3A_337 = tpu.vector_load %arg8[%parallel_loop3A_335, %parallel_loop3A_336] {strides = array<i32>} : memref<200x256xf32, #tpu.memory_space<vmem>>, vector<1x16xf32>,
          %parallel_loop3A_338 = vector.shape_cast %parallel_loop3A_337 : vector<1x16xf32> to vector<16xf32>
          %parallel_loop3A_339 = arith.index_cast %parallel_loop3A_193 : i32 to index
          %parallel_loop3A_340 = arith.constant 224 : index
          %parallel_loop3A_341 = tpu.vector_load %arg15[%parallel_loop3A_339, %parallel_loop3A_340] {strides = array<i32>} : memref<40x256xf32, #tpu.memory_space<vmem>>, vector<1x16xf32>,
          %parallel_loop3A_342 = vector.shape_cast %parallel_loop3A_341 : vector<1x16xf32> to vector<16xf32>
          %parallel_loop3A_343 = vector.shape_cast %parallel_loop3A_338 : vector<16xf32> to vector<1x16xf32>
          tpu.vector_store %arg15[%parallel_loop3A_339, %parallel_loop3A_340], %parallel_loop3A_343 {add = true, strides = array<i32>} : memref<40x256xf32, #tpu.memory_space<vmem>>, vector<1x16xf32>,
          %parallel_loop3A_344 = arith.addi %while3A_127, %parallel_loop3A_193 : i32
          %parallel_loop3A_345 = arith.index_cast %parallel_loop3A_344 : i32 to index
          %parallel_loop3A_346 = arith.constant 240 : index
          %parallel_loop3A_347 = tpu.vector_load %arg8[%parallel_loop3A_345, %parallel_loop3A_346] {strides = array<i32>} : memref<200x256xf32, #tpu.memory_space<vmem>>, vector<1x16xf32>,
          %parallel_loop3A_348 = vector.shape_cast %parallel_loop3A_347 : vector<1x16xf32> to vector<16xf32>
          %parallel_loop3A_349 = arith.index_cast %parallel_loop3A_193 : i32 to index
          %parallel_loop3A_350 = arith.constant 240 : index
          %parallel_loop3A_351 = tpu.vector_load %arg15[%parallel_loop3A_349, %parallel_loop3A_350] {strides = array<i32>} : memref<40x256xf32, #tpu.memory_space<vmem>>, vector<1x16xf32>,
          %parallel_loop3A_352 = vector.shape_cast %parallel_loop3A_351 : vector<1x16xf32> to vector<16xf32>
          %parallel_loop3A_353 = vector.shape_cast %parallel_loop3A_348 : vector<16xf32> to vector<1x16xf32>
          tpu.vector_store %arg15[%parallel_loop3A_349, %parallel_loop3A_350], %parallel_loop3A_353 {add = true, strides = array<i32>} : memref<40x256xf32, #tpu.memory_space<vmem>>, vector<1x16xf32>,
        } {sc.loop_unroll_factor = 2 : i64, sc.parallel_access}
        %mul3A_185 = arith.constant 40 : i32
        %mul3A_186 = arith.muli %while3A_124, %mul3A_185 : i32
        %add3A_187 = arith.addi %squeeze3A, %mul3A_186 : i32
        %multiple_of3A_188 = tpu.assume_multiple %add3A_187, 8 : i32
        %dma_start3A_189 = arith.constant 0 : i32
        %dma_start3A_190 = tpu.memref_slice %arg7[%multiple_of3A_188, %dma_start3A_189] : memref<80000x256xf32, #tpu.memory_space<hbm>> -> memref<40x256xf32, #tpu.memory_space<hbm>>
        %dma_start3A_191 = arith.constant 0 : i32
        %dma_start3A_192 = tpu.memref_slice %arg7[%multiple_of3A_188, %dma_start3A_191] : memref<80000x256xf32, #tpu.memory_space<hbm>> -> memref<40x256xf32, #tpu.memory_space<hbm>>
        tpu.enqueue_dma source(%arg15 : memref<40x256xf32, #tpu.memory_space<vmem>>) target(%dma_start3A_192 : memref<40x256xf32, #tpu.memory_space<hbm>>) target_semaphore(%arg23 : memref<!tpu.dma_semaphore, #tpu.memory_space<semaphore_mem>>)
      } else {
      }
      %add3A_150 = arith.constant 40 : i32
      %add3A_151 = arith.addi %while3A_127, %add3A_150 : i32
      %eq3A_152 = arith.constant 200 : i32
      %eq3A_153 = arith.cmpi eq, %add3A_151, %eq3A_152 : i32
      %add3A_154 = arith.constant 40 : i32
      %add3A_155 = arith.addi %while3A_127, %add3A_154 : i32
      %jit3A = arith.constant 0 : i32
      %select_n3A = arith.select %eq3A_153, %jit3A, %add3A_155 : i32
      %add3A_156 = arith.constant 1 : i32
      %add3A_157 = arith.addi %while3A_126, %add3A_156 : i32
      %eq3A_158 = arith.constant 100 : i32
      %eq3A_159 = arith.cmpi eq, %add3A_157, %eq3A_158 : i32
      %convert_element_type3A_160 = arith.extui %eq3A_159 : i1 to i32
      %cond3A_161 = arith.constant 0 : i32
      %cond3A_162 = arith.cmpi ne, %convert_element_type3A_160, %cond3A_161 : i32
      scf.if %cond3A_162 {
        %get3A_168 = arith.index_cast %while3A_125 : i32 to index
        %get3A_169 = arith.constant 0 : index
        %get3A_170 = tpu.vector_load %arg10[%get3A_168, %get3A_169] {strides = array<i32>} : memref<32x16xi32, #tpu.memory_space<vmem>>, vector<1x16xi32>,
        %get3A_171 = vector.shape_cast %get3A_170 : vector<1x16xi32> to vector<16xi32>
        %slice3A_172 = vector.extract_strided_slice %get3A_171 {offsets = [0], sizes = [1], strides = [1]} : vector<16xi32> to vector<1xi32>
        %squeeze3A_173 = vector.extract %slice3A_172[0] : i32 from vector<1xi32>
        %get3A_174 = arith.index_cast %squeeze3A_173 : i32 to index
        %get3A_175 = arith.constant 0 : index
        %get3A_176 = tpu.vector_load %arg9[%get3A_174, %get3A_175] {strides = array<i32>} : memref<32x256xf32, #tpu.memory_space<vmem>>, vector<1x16xf32>,
        %get3A_177 = vector.shape_cast %get3A_176 : vector<1x16xf32> to vector<16xf32>
        %get3A_178 = arith.index_cast %squeeze3A_173 : i32 to index
        %get3A_179 = arith.constant 16 : index
        %get3A_180 = tpu.vector_load %arg9[%get3A_178, %get3A_179] {strides = array<i32>} : memref<32x256xf32, #tpu.memory_space<vmem>>, vector<1x16xf32>,
        %get3A_181 = vector.shape_cast %get3A_180 : vector<1x16xf32> to vector<16xf32>
        %get3A_182 = arith.index_cast %squeeze3A_173 : i32 to index
        %get3A_183 = arith.constant 32 : index
        %get3A_184 = tpu.vector_load %arg9[%get3A_182, %get3A_183] {strides = array<i32>} : memref<32x256xf32, #tpu.memory_space<vmem>>, vector<1x16xf32>,
        %get3A_185 = vector.shape_cast %get3A_184 : vector<1x16xf32> to vector<16xf32>
        %get3A_186 = arith.index_cast %squeeze3A_173 : i32 to index
        %get3A_187 = arith.constant 48 : index
        %get3A_188 = tpu.vector_load %arg9[%get3A_186, %get3A_187] {strides = array<i32>} : memref<32x256xf32, #tpu.memory_space<vmem>>, vector<1x16xf32>,
        %get3A_189 = vector.shape_cast %get3A_188 : vector<1x16xf32> to vector<16xf32>
        %get3A_190 = arith.index_cast %squeeze3A_173 : i32 to index
        %get3A_191 = arith.constant 64 : index
        %get3A_192 = tpu.vector_load %arg9[%get3A_190, %get3A_191] {strides = array<i32>} : memref<32x256xf32, #tpu.memory_space<vmem>>, vector<1x16xf32>,
        %get3A_193 = vector.shape_cast %get3A_192 : vector<1x16xf32> to vector<16xf32>
        %get3A_194 = arith.index_cast %squeeze3A_173 : i32 to index
        %get3A_195 = arith.constant 80 : index
        %get3A_196 = tpu.vector_load %arg9[%get3A_194, %get3A_195] {strides = array<i32>} : memref<32x256xf32, #tpu.memory_space<vmem>>, vector<1x16xf32>,
        %get3A_197 = vector.shape_cast %get3A_196 : vector<1x16xf32> to vector<16xf32>
        %get3A_198 = arith.index_cast %squeeze3A_173 : i32 to index
        %get3A_199 = arith.constant 96 : index
        %get3A_200 = tpu.vector_load %arg9[%get3A_198, %get3A_199] {strides = array<i32>} : memref<32x256xf32, #tpu.memory_space<vmem>>, vector<1x16xf32>,
        %get3A_201 = vector.shape_cast %get3A_200 : vector<1x16xf32> to vector<16xf32>
        %get3A_202 = arith.index_cast %squeeze3A_173 : i32 to index
        %get3A_203 = arith.constant 112 : index
        %get3A_204 = tpu.vector_load %arg9[%get3A_202, %get3A_203] {strides = array<i32>} : memref<32x256xf32, #tpu.memory_space<vmem>>, vector<1x16xf32>,
        %get3A_205 = vector.shape_cast %get3A_204 : vector<1x16xf32> to vector<16xf32>
        %get3A_206 = arith.index_cast %squeeze3A_173 : i32 to index
        %get3A_207 = arith.constant 128 : index
        %get3A_208 = tpu.vector_load %arg9[%get3A_206, %get3A_207] {strides = array<i32>} : memref<32x256xf32, #tpu.memory_space<vmem>>, vector<1x16xf32>,
        %get3A_209 = vector.shape_cast %get3A_208 : vector<1x16xf32> to vector<16xf32>
        %get3A_210 = arith.index_cast %squeeze3A_173 : i32 to index
        %get3A_211 = arith.constant 144 : index
        %get3A_212 = tpu.vector_load %arg9[%get3A_210, %get3A_211] {strides = array<i32>} : memref<32x256xf32, #tpu.memory_space<vmem>>, vector<1x16xf32>,
        %get3A_213 = vector.shape_cast %get3A_212 : vector<1x16xf32> to vector<16xf32>
        %get3A_214 = arith.index_cast %squeeze3A_173 : i32 to index
        %get3A_215 = arith.constant 160 : index
        %get3A_216 = tpu.vector_load %arg9[%get3A_214, %get3A_215] {strides = array<i32>} : memref<32x256xf32, #tpu.memory_space<vmem>>, vector<1x16xf32>,
        %get3A_217 = vector.shape_cast %get3A_216 : vector<1x16xf32> to vector<16xf32>
        %get3A_218 = arith.index_cast %squeeze3A_173 : i32 to index
        %get3A_219 = arith.constant 176 : index
        %get3A_220 = tpu.vector_load %arg9[%get3A_218, %get3A_219] {strides = array<i32>} : memref<32x256xf32, #tpu.memory_space<vmem>>, vector<1x16xf32>,
        %get3A_221 = vector.shape_cast %get3A_220 : vector<1x16xf32> to vector<16xf32>
        %get3A_222 = arith.index_cast %squeeze3A_173 : i32 to index
        %get3A_223 = arith.constant 192 : index
        %get3A_224 = tpu.vector_load %arg9[%get3A_222, %get3A_223] {strides = array<i32>} : memref<32x256xf32, #tpu.memory_space<vmem>>, vector<1x16xf32>,
        %get3A_225 = vector.shape_cast %get3A_224 : vector<1x16xf32> to vector<16xf32>
        %get3A_226 = arith.index_cast %squeeze3A_173 : i32 to index
        %get3A_227 = arith.constant 208 : index
        %get3A_228 = tpu.vector_load %arg9[%get3A_226, %get3A_227] {strides = array<i32>} : memref<32x256xf32, #tpu.memory_space<vmem>>, vector<1x16xf32>,
        %get3A_229 = vector.shape_cast %get3A_228 : vector<1x16xf32> to vector<16xf32>
        %get3A_230 = arith.index_cast %squeeze3A_173 : i32 to index
        %get3A_231 = arith.constant 224 : index
        %get3A_232 = tpu.vector_load %arg9[%get3A_230, %get3A_231] {strides = array<i32>} : memref<32x256xf32, #tpu.memory_space<vmem>>, vector<1x16xf32>,
        %get3A_233 = vector.shape_cast %get3A_232 : vector<1x16xf32> to vector<16xf32>
        %get3A_234 = arith.index_cast %squeeze3A_173 : i32 to index
        %get3A_235 = arith.constant 240 : index
        %get3A_236 = tpu.vector_load %arg9[%get3A_234, %get3A_235] {strides = array<i32>} : memref<32x256xf32, #tpu.memory_space<vmem>>, vector<1x16xf32>,
        %get3A_237 = vector.shape_cast %get3A_236 : vector<1x16xf32> to vector<16xf32>
        %add3A_238 = arith.constant 1 : i32
        %add3A_239 = arith.addi %while3A_125, %add3A_238 : i32
        %get3A_240 = arith.index_cast %add3A_239 : i32 to index
        %get3A_241 = arith.constant 0 : index
        %get3A_242 = tpu.vector_load %arg10[%get3A_240, %get3A_241] {strides = array<i32>} : memref<32x16xi32, #tpu.memory_space<vmem>>, vector<1x16xi32>,
        %get3A_243 = vector.shape_cast %get3A_242 : vector<1x16xi32> to vector<16xi32>
        %slice3A_244 = vector.extract_strided_slice %get3A_243 {offsets = [0], sizes = [1], strides = [1]} : vector<16xi32> to vector<1xi32>
        %squeeze3A_245 = vector.extract %slice3A_244[0] : i32 from vector<1xi32>
        %get3A_246 = arith.index_cast %squeeze3A_245 : i32 to index
        %get3A_247 = arith.constant 0 : index
        %get3A_248 = tpu.vector_load %arg9[%get3A_246, %get3A_247] {strides = array<i32>} : memref<32x256xf32, #tpu.memory_space<vmem>>, vector<1x16xf32>,
        %get3A_249 = vector.shape_cast %get3A_248 : vector<1x16xf32> to vector<16xf32>
        %get3A_250 = arith.index_cast %squeeze3A_245 : i32 to index
        %get3A_251 = arith.constant 16 : index
        %get3A_252 = tpu.vector_load %arg9[%get3A_250, %get3A_251] {strides = array<i32>} : memref<32x256xf32, #tpu.memory_space<vmem>>, vector<1x16xf32>,
        %get3A_253 = vector.shape_cast %get3A_252 : vector<1x16xf32> to vector<16xf32>
        %get3A_254 = arith.index_cast %squeeze3A_245 : i32 to index
        %get3A_255 = arith.constant 32 : index
        %get3A_256 = tpu.vector_load %arg9[%get3A_254, %get3A_255] {strides = array<i32>} : memref<32x256xf32, #tpu.memory_space<vmem>>, vector<1x16xf32>,
        %get3A_257 = vector.shape_cast %get3A_256 : vector<1x16xf32> to vector<16xf32>
        %get3A_258 = arith.index_cast %squeeze3A_245 : i32 to index
        %get3A_259 = arith.constant 48 : index
        %get3A_260 = tpu.vector_load %arg9[%get3A_258, %get3A_259] {strides = array<i32>} : memref<32x256xf32, #tpu.memory_space<vmem>>, vector<1x16xf32>,
        %get3A_261 = vector.shape_cast %get3A_260 : vector<1x16xf32> to vector<16xf32>
        %get3A_262 = arith.index_cast %squeeze3A_245 : i32 to index
        %get3A_263 = arith.constant 64 : index
        %get3A_264 = tpu.vector_load %arg9[%get3A_262, %get3A_263] {strides = array<i32>} : memref<32x256xf32, #tpu.memory_space<vmem>>, vector<1x16xf32>,
        %get3A_265 = vector.shape_cast %get3A_264 : vector<1x16xf32> to vector<16xf32>
        %get3A_266 = arith.index_cast %squeeze3A_245 : i32 to index
        %get3A_267 = arith.constant 80 : index
        %get3A_268 = tpu.vector_load %arg9[%get3A_266, %get3A_267] {strides = array<i32>} : memref<32x256xf32, #tpu.memory_space<vmem>>, vector<1x16xf32>,
        %get3A_269 = vector.shape_cast %get3A_268 : vector<1x16xf32> to vector<16xf32>
        %get3A_270 = arith.index_cast %squeeze3A_245 : i32 to index
        %get3A_271 = arith.constant 96 : index
        %get3A_272 = tpu.vector_load %arg9[%get3A_270, %get3A_271] {strides = array<i32>} : memref<32x256xf32, #tpu.memory_space<vmem>>, vector<1x16xf32>,
        %get3A_273 = vector.shape_cast %get3A_272 : vector<1x16xf32> to vector<16xf32>
        %get3A_274 = arith.index_cast %squeeze3A_245 : i32 to index
        %get3A_275 = arith.constant 112 : index
        %get3A_276 = tpu.vector_load %arg9[%get3A_274, %get3A_275] {strides = array<i32>} : memref<32x256xf32, #tpu.memory_space<vmem>>, vector<1x16xf32>,
        %get3A_277 = vector.shape_cast %get3A_276 : vector<1x16xf32> to vector<16xf32>
        %get3A_278 = arith.index_cast %squeeze3A_245 : i32 to index
        %get3A_279 = arith.constant 128 : index
        %get3A_280 = tpu.vector_load %arg9[%get3A_278, %get3A_279] {strides = array<i32>} : memref<32x256xf32, #tpu.memory_space<vmem>>, vector<1x16xf32>,
        %get3A_281 = vector.shape_cast %get3A_280 : vector<1x16xf32> to vector<16xf32>
        %get3A_282 = arith.index_cast %squeeze3A_245 : i32 to index
        %get3A_283 = arith.constant 144 : index
        %get3A_284 = tpu.vector_load %arg9[%get3A_282, %get3A_283] {strides = array<i32>} : memref<32x256xf32, #tpu.memory_space<vmem>>, vector<1x16xf32>,
        %get3A_285 = vector.shape_cast %get3A_284 : vector<1x16xf32> to vector<16xf32>
        %get3A_286 = arith.index_cast %squeeze3A_245 : i32 to index
        %get3A_287 = arith.constant 160 : index
        %get3A_288 = tpu.vector_load %arg9[%get3A_286, %get3A_287] {strides = array<i32>} : memref<32x256xf32, #tpu.memory_space<vmem>>, vector<1x16xf32>,
        %get3A_289 = vector.shape_cast %get3A_288 : vector<1x16xf32> to vector<16xf32>
        %get3A_290 = arith.index_cast %squeeze3A_245 : i32 to index
        %get3A_291 = arith.constant 176 : index
        %get3A_292 = tpu.vector_load %arg9[%get3A_290, %get3A_291] {strides = array<i32>} : memref<32x256xf32, #tpu.memory_space<vmem>>, vector<1x16xf32>,
        %get3A_293 = vector.shape_cast %get3A_292 : vector<1x16xf32> to vector<16xf32>
        %get3A_294 = arith.index_cast %squeeze3A_245 : i32 to index
        %get3A_295 = arith.constant 192 : index
        %get3A_296 = tpu.vector_load %arg9[%get3A_294, %get3A_295] {strides = array<i32>} : memref<32x256xf32, #tpu.memory_space<vmem>>, vector<1x16xf32>,
        %get3A_297 = vector.shape_cast %get3A_296 : vector<1x16xf32> to vector<16xf32>
        %get3A_298 = arith.index_cast %squeeze3A_245 : i32 to index
        %get3A_299 = arith.constant 208 : index
        %get3A_300 = tpu.vector_load %arg9[%get3A_298, %get3A_299] {strides = array<i32>} : memref<32x256xf32, #tpu.memory_space<vmem>>, vector<1x16xf32>,
        %get3A_301 = vector.shape_cast %get3A_300 : vector<1x16xf32> to vector<16xf32>
        %get3A_302 = arith.index_cast %squeeze3A_245 : i32 to index
        %get3A_303 = arith.constant 224 : index
        %get3A_304 = tpu.vector_load %arg9[%get3A_302, %get3A_303] {strides = array<i32>} : memref<32x256xf32, #tpu.memory_space<vmem>>, vector<1x16xf32>,
        %get3A_305 = vector.shape_cast %get3A_304 : vector<1x16xf32> to vector<16xf32>
        %get3A_306 = arith.index_cast %squeeze3A_245 : i32 to index
        %get3A_307 = arith.constant 240 : index
        %get3A_308 = tpu.vector_load %arg9[%get3A_306, %get3A_307] {strides = array<i32>} : memref<32x256xf32, #tpu.memory_space<vmem>>, vector<1x16xf32>,
        %get3A_309 = vector.shape_cast %get3A_308 : vector<1x16xf32> to vector<16xf32>
        %sub3A = arith.subf %get3A_249, %get3A_177 : vector<16xf32>
        %sub3A_310 = arith.subf %get3A_253, %get3A_181 : vector<16xf32>
        %sub3A_311 = arith.subf %get3A_257, %get3A_185 : vector<16xf32>
        %sub3A_312 = arith.subf %get3A_261, %get3A_189 : vector<16xf32>
        %sub3A_313 = arith.subf %get3A_265, %get3A_193 : vector<16xf32>
        %sub3A_314 = arith.subf %get3A_269, %get3A_197 : vector<16xf32>
        %sub3A_315 = arith.subf %get3A_273, %get3A_201 : vector<16xf32>
        %sub3A_316 = arith.subf %get3A_277, %get3A_205 : vector<16xf32>
        %sub3A_317 = arith.subf %get3A_281, %get3A_209 : vector<16xf32>
        %sub3A_318 = arith.subf %get3A_285, %get3A_213 : vector<16xf32>
        %sub3A_319 = arith.subf %get3A_289, %get3A_217 : vector<16xf32>
        %sub3A_320 = arith.subf %get3A_293, %get3A_221 : vector<16xf32>
        %sub3A_321 = arith.subf %get3A_297, %get3A_225 : vector<16xf32>
        %sub3A_322 = arith.subf %get3A_301, %get3A_229 : vector<16xf32>
        %sub3A_323 = arith.subf %get3A_305, %get3A_233 : vector<16xf32>
        %sub3A_324 = arith.subf %get3A_309, %get3A_237 : vector<16xf32>
        %parallel_loop3A_325 = arith.constant 0 : i32
        %parallel_loop3A_326 = arith.constant 200 : i32
        %parallel_loop3A_327 = arith.constant 1 : i32
        scf.for %parallel_loop3A_328 = %parallel_loop3A_325 to %parallel_loop3A_326 step %parallel_loop3A_327  : i32 {
          %parallel_loop3A_329 = arith.index_cast %parallel_loop3A_328 : i32 to index
          %parallel_loop3A_330 = arith.constant 0 : index
          %parallel_loop3A_331 = tpu.vector_load %arg8[%parallel_loop3A_329, %parallel_loop3A_330] {strides = array<i32>} : memref<200x256xf32, #tpu.memory_space<vmem>>, vector<1x16xf32>,
          %parallel_loop3A_332 = vector.shape_cast %parallel_loop3A_331 : vector<1x16xf32> to vector<16xf32>
          %parallel_loop3A_333 = vector.shape_cast %sub3A : vector<16xf32> to vector<1x16xf32>
          tpu.vector_store %arg8[%parallel_loop3A_329, %parallel_loop3A_330], %parallel_loop3A_333 {add = true, strides = array<i32>} : memref<200x256xf32, #tpu.memory_space<vmem>>, vector<1x16xf32>,
          %parallel_loop3A_334 = arith.index_cast %parallel_loop3A_328 : i32 to index
          %parallel_loop3A_335 = arith.constant 16 : index
          %parallel_loop3A_336 = tpu.vector_load %arg8[%parallel_loop3A_334, %parallel_loop3A_335] {strides = array<i32>} : memref<200x256xf32, #tpu.memory_space<vmem>>, vector<1x16xf32>,
          %parallel_loop3A_337 = vector.shape_cast %parallel_loop3A_336 : vector<1x16xf32> to vector<16xf32>
          %parallel_loop3A_338 = vector.shape_cast %sub3A_310 : vector<16xf32> to vector<1x16xf32>
          tpu.vector_store %arg8[%parallel_loop3A_334, %parallel_loop3A_335], %parallel_loop3A_338 {add = true, strides = array<i32>} : memref<200x256xf32, #tpu.memory_space<vmem>>, vector<1x16xf32>,
          %parallel_loop3A_339 = arith.index_cast %parallel_loop3A_328 : i32 to index
          %parallel_loop3A_340 = arith.constant 32 : index
          %parallel_loop3A_341 = tpu.vector_load %arg8[%parallel_loop3A_339, %parallel_loop3A_340] {strides = array<i32>} : memref<200x256xf32, #tpu.memory_space<vmem>>, vector<1x16xf32>,
          %parallel_loop3A_342 = vector.shape_cast %parallel_loop3A_341 : vector<1x16xf32> to vector<16xf32>
          %parallel_loop3A_343 = vector.shape_cast %sub3A_311 : vector<16xf32> to vector<1x16xf32>
          tpu.vector_store %arg8[%parallel_loop3A_339, %parallel_loop3A_340], %parallel_loop3A_343 {add = true, strides = array<i32>} : memref<200x256xf32, #tpu.memory_space<vmem>>, vector<1x16xf32>,
          %parallel_loop3A_344 = arith.index_cast %parallel_loop3A_328 : i32 to index
          %parallel_loop3A_345 = arith.constant 48 : index
          %parallel_loop3A_346 = tpu.vector_load %arg8[%parallel_loop3A_344, %parallel_loop3A_345] {strides = array<i32>} : memref<200x256xf32, #tpu.memory_space<vmem>>, vector<1x16xf32>,
          %parallel_loop3A_347 = vector.shape_cast %parallel_loop3A_346 : vector<1x16xf32> to vector<16xf32>
          %parallel_loop3A_348 = vector.shape_cast %sub3A_312 : vector<16xf32> to vector<1x16xf32>
          tpu.vector_store %arg8[%parallel_loop3A_344, %parallel_loop3A_345], %parallel_loop3A_348 {add = true, strides = array<i32>} : memref<200x256xf32, #tpu.memory_space<vmem>>, vector<1x16xf32>,
          %parallel_loop3A_349 = arith.index_cast %parallel_loop3A_328 : i32 to index
          %parallel_loop3A_350 = arith.constant 64 : index
          %parallel_loop3A_351 = tpu.vector_load %arg8[%parallel_loop3A_349, %parallel_loop3A_350] {strides = array<i32>} : memref<200x256xf32, #tpu.memory_space<vmem>>, vector<1x16xf32>,
          %parallel_loop3A_352 = vector.shape_cast %parallel_loop3A_351 : vector<1x16xf32> to vector<16xf32>
          %parallel_loop3A_353 = vector.shape_cast %sub3A_313 : vector<16xf32> to vector<1x16xf32>
          tpu.vector_store %arg8[%parallel_loop3A_349, %parallel_loop3A_350], %parallel_loop3A_353 {add = true, strides = array<i32>} : memref<200x256xf32, #tpu.memory_space<vmem>>, vector<1x16xf32>,
          %parallel_loop3A_354 = arith.index_cast %parallel_loop3A_328 : i32 to index
          %parallel_loop3A_355 = arith.constant 80 : index
          %parallel_loop3A_356 = tpu.vector_load %arg8[%parallel_loop3A_354, %parallel_loop3A_355] {strides = array<i32>} : memref<200x256xf32, #tpu.memory_space<vmem>>, vector<1x16xf32>,
          %parallel_loop3A_357 = vector.shape_cast %parallel_loop3A_356 : vector<1x16xf32> to vector<16xf32>
          %parallel_loop3A_358 = vector.shape_cast %sub3A_314 : vector<16xf32> to vector<1x16xf32>
          tpu.vector_store %arg8[%parallel_loop3A_354, %parallel_loop3A_355], %parallel_loop3A_358 {add = true, strides = array<i32>} : memref<200x256xf32, #tpu.memory_space<vmem>>, vector<1x16xf32>,
          %parallel_loop3A_359 = arith.index_cast %parallel_loop3A_328 : i32 to index
          %parallel_loop3A_360 = arith.constant 96 : index
          %parallel_loop3A_361 = tpu.vector_load %arg8[%parallel_loop3A_359, %parallel_loop3A_360] {strides = array<i32>} : memref<200x256xf32, #tpu.memory_space<vmem>>, vector<1x16xf32>,
          %parallel_loop3A_362 = vector.shape_cast %parallel_loop3A_361 : vector<1x16xf32> to vector<16xf32>
          %parallel_loop3A_363 = vector.shape_cast %sub3A_315 : vector<16xf32> to vector<1x16xf32>
          tpu.vector_store %arg8[%parallel_loop3A_359, %parallel_loop3A_360], %parallel_loop3A_363 {add = true, strides = array<i32>} : memref<200x256xf32, #tpu.memory_space<vmem>>, vector<1x16xf32>,
          %parallel_loop3A_364 = arith.index_cast %parallel_loop3A_328 : i32 to index
          %parallel_loop3A_365 = arith.constant 112 : index
          %parallel_loop3A_366 = tpu.vector_load %arg8[%parallel_loop3A_364, %parallel_loop3A_365] {strides = array<i32>} : memref<200x256xf32, #tpu.memory_space<vmem>>, vector<1x16xf32>,
          %parallel_loop3A_367 = vector.shape_cast %parallel_loop3A_366 : vector<1x16xf32> to vector<16xf32>
          %parallel_loop3A_368 = vector.shape_cast %sub3A_316 : vector<16xf32> to vector<1x16xf32>
          tpu.vector_store %arg8[%parallel_loop3A_364, %parallel_loop3A_365], %parallel_loop3A_368 {add = true, strides = array<i32>} : memref<200x256xf32, #tpu.memory_space<vmem>>, vector<1x16xf32>,
          %parallel_loop3A_369 = arith.index_cast %parallel_loop3A_328 : i32 to index
          %parallel_loop3A_370 = arith.constant 128 : index
          %parallel_loop3A_371 = tpu.vector_load %arg8[%parallel_loop3A_369, %parallel_loop3A_370] {strides = array<i32>} : memref<200x256xf32, #tpu.memory_space<vmem>>, vector<1x16xf32>,
          %parallel_loop3A_372 = vector.shape_cast %parallel_loop3A_371 : vector<1x16xf32> to vector<16xf32>
          %parallel_loop3A_373 = vector.shape_cast %sub3A_317 : vector<16xf32> to vector<1x16xf32>
          tpu.vector_store %arg8[%parallel_loop3A_369, %parallel_loop3A_370], %parallel_loop3A_373 {add = true, strides = array<i32>} : memref<200x256xf32, #tpu.memory_space<vmem>>, vector<1x16xf32>,
          %parallel_loop3A_374 = arith.index_cast %parallel_loop3A_328 : i32 to index
          %parallel_loop3A_375 = arith.constant 144 : index
          %parallel_loop3A_376 = tpu.vector_load %arg8[%parallel_loop3A_374, %parallel_loop3A_375] {strides = array<i32>} : memref<200x256xf32, #tpu.memory_space<vmem>>, vector<1x16xf32>,
          %parallel_loop3A_377 = vector.shape_cast %parallel_loop3A_376 : vector<1x16xf32> to vector<16xf32>
          %parallel_loop3A_378 = vector.shape_cast %sub3A_318 : vector<16xf32> to vector<1x16xf32>
          tpu.vector_store %arg8[%parallel_loop3A_374, %parallel_loop3A_375], %parallel_loop3A_378 {add = true, strides = array<i32>} : memref<200x256xf32, #tpu.memory_space<vmem>>, vector<1x16xf32>,
          %parallel_loop3A_379 = arith.index_cast %parallel_loop3A_328 : i32 to index
          %parallel_loop3A_380 = arith.constant 160 : index
          %parallel_loop3A_381 = tpu.vector_load %arg8[%parallel_loop3A_379, %parallel_loop3A_380] {strides = array<i32>} : memref<200x256xf32, #tpu.memory_space<vmem>>, vector<1x16xf32>,
          %parallel_loop3A_382 = vector.shape_cast %parallel_loop3A_381 : vector<1x16xf32> to vector<16xf32>
          %parallel_loop3A_383 = vector.shape_cast %sub3A_319 : vector<16xf32> to vector<1x16xf32>
          tpu.vector_store %arg8[%parallel_loop3A_379, %parallel_loop3A_380], %parallel_loop3A_383 {add = true, strides = array<i32>} : memref<200x256xf32, #tpu.memory_space<vmem>>, vector<1x16xf32>,
          %parallel_loop3A_384 = arith.index_cast %parallel_loop3A_328 : i32 to index
          %parallel_loop3A_385 = arith.constant 176 : index
          %parallel_loop3A_386 = tpu.vector_load %arg8[%parallel_loop3A_384, %parallel_loop3A_385] {strides = array<i32>} : memref<200x256xf32, #tpu.memory_space<vmem>>, vector<1x16xf32>,
          %parallel_loop3A_387 = vector.shape_cast %parallel_loop3A_386 : vector<1x16xf32> to vector<16xf32>
          %parallel_loop3A_388 = vector.shape_cast %sub3A_320 : vector<16xf32> to vector<1x16xf32>
          tpu.vector_store %arg8[%parallel_loop3A_384, %parallel_loop3A_385], %parallel_loop3A_388 {add = true, strides = array<i32>} : memref<200x256xf32, #tpu.memory_space<vmem>>, vector<1x16xf32>,
          %parallel_loop3A_389 = arith.index_cast %parallel_loop3A_328 : i32 to index
          %parallel_loop3A_390 = arith.constant 192 : index
          %parallel_loop3A_391 = tpu.vector_load %arg8[%parallel_loop3A_389, %parallel_loop3A_390] {strides = array<i32>} : memref<200x256xf32, #tpu.memory_space<vmem>>, vector<1x16xf32>,
          %parallel_loop3A_392 = vector.shape_cast %parallel_loop3A_391 : vector<1x16xf32> to vector<16xf32>
          %parallel_loop3A_393 = vector.shape_cast %sub3A_321 : vector<16xf32> to vector<1x16xf32>
          tpu.vector_store %arg8[%parallel_loop3A_389, %parallel_loop3A_390], %parallel_loop3A_393 {add = true, strides = array<i32>} : memref<200x256xf32, #tpu.memory_space<vmem>>, vector<1x16xf32>,
          %parallel_loop3A_394 = arith.index_cast %parallel_loop3A_328 : i32 to index
          %parallel_loop3A_395 = arith.constant 208 : index
          %parallel_loop3A_396 = tpu.vector_load %arg8[%parallel_loop3A_394, %parallel_loop3A_395] {strides = array<i32>} : memref<200x256xf32, #tpu.memory_space<vmem>>, vector<1x16xf32>,
          %parallel_loop3A_397 = vector.shape_cast %parallel_loop3A_396 : vector<1x16xf32> to vector<16xf32>
          %parallel_loop3A_398 = vector.shape_cast %sub3A_322 : vector<16xf32> to vector<1x16xf32>
          tpu.vector_store %arg8[%parallel_loop3A_394, %parallel_loop3A_395], %parallel_loop3A_398 {add = true, strides = array<i32>} : memref<200x256xf32, #tpu.memory_space<vmem>>, vector<1x16xf32>,
          %parallel_loop3A_399 = arith.index_cast %parallel_loop3A_328 : i32 to index
          %parallel_loop3A_400 = arith.constant 224 : index
          %parallel_loop3A_401 = tpu.vector_load %arg8[%parallel_loop3A_399, %parallel_loop3A_400] {strides = array<i32>} : memref<200x256xf32, #tpu.memory_space<vmem>>, vector<1x16xf32>,
          %parallel_loop3A_402 = vector.shape_cast %parallel_loop3A_401 : vector<1x16xf32> to vector<16xf32>
          %parallel_loop3A_403 = vector.shape_cast %sub3A_323 : vector<16xf32> to vector<1x16xf32>
          tpu.vector_store %arg8[%parallel_loop3A_399, %parallel_loop3A_400], %parallel_loop3A_403 {add = true, strides = array<i32>} : memref<200x256xf32, #tpu.memory_space<vmem>>, vector<1x16xf32>,
          %parallel_loop3A_404 = arith.index_cast %parallel_loop3A_328 : i32 to index
          %parallel_loop3A_405 = arith.constant 240 : index
          %parallel_loop3A_406 = tpu.vector_load %arg8[%parallel_loop3A_404, %parallel_loop3A_405] {strides = array<i32>} : memref<200x256xf32, #tpu.memory_space<vmem>>, vector<1x16xf32>,
          %parallel_loop3A_407 = vector.shape_cast %parallel_loop3A_406 : vector<1x16xf32> to vector<16xf32>
          %parallel_loop3A_408 = vector.shape_cast %sub3A_324 : vector<16xf32> to vector<1x16xf32>
          tpu.vector_store %arg8[%parallel_loop3A_404, %parallel_loop3A_405], %parallel_loop3A_408 {add = true, strides = array<i32>} : memref<200x256xf32, #tpu.memory_space<vmem>>, vector<1x16xf32>,
        } {sc.loop_unroll_factor = 2 : i64, sc.parallel_access}
      } else {
      }
      %add3A_163 = arith.constant 1 : i32
      %add3A_164 = arith.addi %while3A_125, %add3A_163 : i32
      %select_n3A_165 = arith.select %eq3A_159, %add3A_164, %while3A_125 : i32
      %jit3A_166 = arith.constant 0 : i32
      %select_n3A_167 = arith.select %eq3A_159, %jit3A_166, %add3A_157 : i32
      scf.yield %select_n3A_165, %select_n3A_167, %select_n3A : i32, i32, i32
    }
    %and3A = arith.constant 3 : i32
    %and3A_106 = arith.andi %squeeze3A_5, %and3A : i32
    %eq3A = arith.constant 0 : i32
    %eq3A_107 = arith.cmpi eq, %and3A_106, %eq3A : i32
    %convert_element_type3A = arith.extui %eq3A_107 : i1 to i32
    %cond3A = arith.constant 0 : i32
    %cond3A_108 = arith.cmpi ne, %convert_element_type3A, %cond3A : i32
    scf.if %cond3A_108 {
      %dma_wait3A = arith.constant 0 : i32
      %dma_wait3A_124 = arith.constant 0 : i32
      %dma_wait3A_125 = tpu.memref_slice %arg7[%dma_wait3A, %dma_wait3A_124] : memref<80000x256xf32, #tpu.memory_space<hbm>> -> memref<40x256xf32, #tpu.memory_space<hbm>>
      %dma_wait3A_126 = arith.constant 0 : i32
      %dma_wait3A_127 = arith.constant 0 : i32
      %dma_wait3A_128 = tpu.memref_slice %arg7[%dma_wait3A_126, %dma_wait3A_127] : memref<80000x256xf32, #tpu.memory_space<hbm>> -> memref<40x256xf32, #tpu.memory_space<hbm>>
      tpu.wait_dma2 semaphore(%arg22 : memref<!tpu.dma_semaphore, #tpu.memory_space<semaphore_mem>>) src(%arg14 : memref<40x256xf32, #tpu.memory_space<vmem>>) dst(%dma_wait3A_128 : memref<40x256xf32, #tpu.memory_space<hbm>>)
      %dma_wait3A_129 = arith.constant 0 : i32
      %dma_wait3A_130 = arith.constant 0 : i32
      %dma_wait3A_131 = tpu.memref_slice %arg7[%dma_wait3A_129, %dma_wait3A_130] : memref<80000x256xf32, #tpu.memory_space<hbm>> -> memref<40x256xf32, #tpu.memory_space<hbm>>
      %dma_wait3A_132 = arith.constant 0 : i32
      %dma_wait3A_133 = arith.constant 0 : i32
      %dma_wait3A_134 = tpu.memref_slice %arg7[%dma_wait3A_132, %dma_wait3A_133] : memref<80000x256xf32, #tpu.memory_space<hbm>> -> memref<40x256xf32, #tpu.memory_space<hbm>>
      tpu.wait_dma2 semaphore(%arg23 : memref<!tpu.dma_semaphore, #tpu.memory_space<semaphore_mem>>) src(%arg15 : memref<40x256xf32, #tpu.memory_space<vmem>>) dst(%dma_wait3A_134 : memref<40x256xf32, #tpu.memory_space<hbm>>)
    } else {
    }
    %eq3A_109 = arith.constant 1 : i32
    %eq3A_110 = arith.cmpi eq, %and3A_106, %eq3A_109 : i32
    %convert_element_type3A_111 = arith.extui %eq3A_110 : i1 to i32
    %cond3A_112 = arith.constant 0 : i32
    %cond3A_113 = arith.cmpi ne, %convert_element_type3A_111, %cond3A_112 : i32
    scf.if %cond3A_113 {
      %dma_wait3A = arith.constant 0 : i32
      %dma_wait3A_124 = arith.constant 0 : i32
      %dma_wait3A_125 = tpu.memref_slice %arg7[%dma_wait3A, %dma_wait3A_124] : memref<80000x256xf32, #tpu.memory_space<hbm>> -> memref<40x256xf32, #tpu.memory_space<hbm>>
      %dma_wait3A_126 = arith.constant 0 : i32
      %dma_wait3A_127 = arith.constant 0 : i32
      %dma_wait3A_128 = tpu.memref_slice %arg7[%dma_wait3A_126, %dma_wait3A_127] : memref<80000x256xf32, #tpu.memory_space<hbm>> -> memref<40x256xf32, #tpu.memory_space<hbm>>
      tpu.wait_dma2 semaphore(%arg23 : memref<!tpu.dma_semaphore, #tpu.memory_space<semaphore_mem>>) src(%arg15 : memref<40x256xf32, #tpu.memory_space<vmem>>) dst(%dma_wait3A_128 : memref<40x256xf32, #tpu.memory_space<hbm>>)
      %dma_wait3A_129 = arith.constant 0 : i32
      %dma_wait3A_130 = arith.constant 0 : i32
      %dma_wait3A_131 = tpu.memref_slice %arg7[%dma_wait3A_129, %dma_wait3A_130] : memref<80000x256xf32, #tpu.memory_space<hbm>> -> memref<40x256xf32, #tpu.memory_space<hbm>>
      %dma_wait3A_132 = arith.constant 0 : i32
      %dma_wait3A_133 = arith.constant 0 : i32
      %dma_wait3A_134 = tpu.memref_slice %arg7[%dma_wait3A_132, %dma_wait3A_133] : memref<80000x256xf32, #tpu.memory_space<hbm>> -> memref<40x256xf32, #tpu.memory_space<hbm>>
      tpu.wait_dma2 semaphore(%arg20 : memref<!tpu.dma_semaphore, #tpu.memory_space<semaphore_mem>>) src(%arg12 : memref<40x256xf32, #tpu.memory_space<vmem>>) dst(%dma_wait3A_134 : memref<40x256xf32, #tpu.memory_space<hbm>>)
    } else {
    }
    %eq3A_114 = arith.constant 2 : i32
    %eq3A_115 = arith.cmpi eq, %and3A_106, %eq3A_114 : i32
    %convert_element_type3A_116 = arith.extui %eq3A_115 : i1 to i32
    %cond3A_117 = arith.constant 0 : i32
    %cond3A_118 = arith.cmpi ne, %convert_element_type3A_116, %cond3A_117 : i32
    scf.if %cond3A_118 {
      %dma_wait3A = arith.constant 0 : i32
      %dma_wait3A_124 = arith.constant 0 : i32
      %dma_wait3A_125 = tpu.memref_slice %arg7[%dma_wait3A, %dma_wait3A_124] : memref<80000x256xf32, #tpu.memory_space<hbm>> -> memref<40x256xf32, #tpu.memory_space<hbm>>
      %dma_wait3A_126 = arith.constant 0 : i32
      %dma_wait3A_127 = arith.constant 0 : i32
      %dma_wait3A_128 = tpu.memref_slice %arg7[%dma_wait3A_126, %dma_wait3A_127] : memref<80000x256xf32, #tpu.memory_space<hbm>> -> memref<40x256xf32, #tpu.memory_space<hbm>>
      tpu.wait_dma2 semaphore(%arg20 : memref<!tpu.dma_semaphore, #tpu.memory_space<semaphore_mem>>) src(%arg12 : memref<40x256xf32, #tpu.memory_space<vmem>>) dst(%dma_wait3A_128 : memref<40x256xf32, #tpu.memory_space<hbm>>)
      %dma_wait3A_129 = arith.constant 0 : i32
      %dma_wait3A_130 = arith.constant 0 : i32
      %dma_wait3A_131 = tpu.memref_slice %arg7[%dma_wait3A_129, %dma_wait3A_130] : memref<80000x256xf32, #tpu.memory_space<hbm>> -> memref<40x256xf32, #tpu.memory_space<hbm>>
      %dma_wait3A_132 = arith.constant 0 : i32
      %dma_wait3A_133 = arith.constant 0 : i32
      %dma_wait3A_134 = tpu.memref_slice %arg7[%dma_wait3A_132, %dma_wait3A_133] : memref<80000x256xf32, #tpu.memory_space<hbm>> -> memref<40x256xf32, #tpu.memory_space<hbm>>
      tpu.wait_dma2 semaphore(%arg21 : memref<!tpu.dma_semaphore, #tpu.memory_space<semaphore_mem>>) src(%arg13 : memref<40x256xf32, #tpu.memory_space<vmem>>) dst(%dma_wait3A_134 : memref<40x256xf32, #tpu.memory_space<hbm>>)
    } else {
    }
    %eq3A_119 = arith.constant 3 : i32
    %eq3A_120 = arith.cmpi eq, %and3A_106, %eq3A_119 : i32
    %convert_element_type3A_121 = arith.extui %eq3A_120 : i1 to i32
    %cond3A_122 = arith.constant 0 : i32
    %cond3A_123 = arith.cmpi ne, %convert_element_type3A_121, %cond3A_122 : i32
    scf.if %cond3A_123 {
      %dma_wait3A = arith.constant 0 : i32
      %dma_wait3A_124 = arith.constant 0 : i32
      %dma_wait3A_125 = tpu.memref_slice %arg7[%dma_wait3A, %dma_wait3A_124] : memref<80000x256xf32, #tpu.memory_space<hbm>> -> memref<40x256xf32, #tpu.memory_space<hbm>>
      %dma_wait3A_126 = arith.constant 0 : i32
      %dma_wait3A_127 = arith.constant 0 : i32
      %dma_wait3A_128 = tpu.memref_slice %arg7[%dma_wait3A_126, %dma_wait3A_127] : memref<80000x256xf32, #tpu.memory_space<hbm>> -> memref<40x256xf32, #tpu.memory_space<hbm>>
      tpu.wait_dma2 semaphore(%arg21 : memref<!tpu.dma_semaphore, #tpu.memory_space<semaphore_mem>>) src(%arg13 : memref<40x256xf32, #tpu.memory_space<vmem>>) dst(%dma_wait3A_128 : memref<40x256xf32, #tpu.memory_space<hbm>>)
      %dma_wait3A_129 = arith.constant 0 : i32
      %dma_wait3A_130 = arith.constant 0 : i32
      %dma_wait3A_131 = tpu.memref_slice %arg7[%dma_wait3A_129, %dma_wait3A_130] : memref<80000x256xf32, #tpu.memory_space<hbm>> -> memref<40x256xf32, #tpu.memory_space<hbm>>
      %dma_wait3A_132 = arith.constant 0 : i32
      %dma_wait3A_133 = arith.constant 0 : i32
      %dma_wait3A_134 = tpu.memref_slice %arg7[%dma_wait3A_132, %dma_wait3A_133] : memref<80000x256xf32, #tpu.memory_space<hbm>> -> memref<40x256xf32, #tpu.memory_space<hbm>>
      tpu.wait_dma2 semaphore(%arg22 : memref<!tpu.dma_semaphore, #tpu.memory_space<semaphore_mem>>) src(%arg14 : memref<40x256xf32, #tpu.memory_space<vmem>>) dst(%dma_wait3A_134 : memref<40x256xf32, #tpu.memory_space<hbm>>)
    } else {
    }
    return
  }
}

</mosaic_0001>

<sc_bundles>
// kernel: kernel.3.cloned.1.call-start
scs
__scs_entry_jumppad:
0x0: {  	(pc) =	sbr.rel $0x88, $3  }
0x1: {  	(tag) =	ssettag $0x0;
	lr =	simm.s32 $0x1  }
0x2: {  	[smem:$0x3F9D] =	sst lr;
	_ =	strace $0xD0000000  }
0x3: {  	_ = 	snop  }
0x4: {  	_ = 	snop  }
0x5: {  	_ = 	snop  }
0x6: {  	_ = 	snop  }
0x7: {  	_ = 	snop  }
__scs_overlays_trampoline_lowered:
0x8: {  	[smem:$0x3FAC] =	sst s0  }
0x9: {  	[smem:$0x3FAD] =	sst s1  }
0xa: {  	[smem:$0x3FAE] =	sst s2  }
0xb: {  	[smem:$0x3FAF] =	sst s3  }
0xc: {  	[smem:$0x3FB0] =	sst s4  }
0xd: {  	[smem:$0x3FB1] =	sst s5  }
0xe: {  	[smem:$0x3FB2] =	sst s6  }
0xf: {  	[smem:$0x3FB3] =	sst s7  }
0x10: {  	[smem:$0x3FB4] =	sst s8  }
0x11: {  	[smem:$0x3FB5] =	sst s9;
	s0 =	simm.s32 @!p0 $0x0  }
0x12: {  	s1 =	sld [smem:$0x3F9B];
	s0 =	simm.s32 @p0 $0x1  }
0x13: {  	[smem:$0x3FB6] =	sst s0;
	s0 =	simm.s32 @!p1 $0x0  }
0x14: {  	s2 =	sld [smem:$0x3F9A];
	s0 =	simm.s32 @p1 $0x1  }
0x15: {  	[smem:$0x3FB7] =	sst s0;
	s0 =	simm.s32 @!p2 $0x0  }
0x16: {  	s3 =	sld [smem:$0x3FDB];
	s0 =	simm.s32 @p2 $0x1  }
0x17: {  	s4 =	simm.s32 $0x1BF5;
	[smem:$0x3FB9] =	sst s0  }
0x18: {  	s0 =	sld [smem:$0x3F9C];
	_ =	swait.ge [sflag:s4], $0x0  }
0x19: {  	s7 =	sld [smem:$0x3F9D]  }
0x1a: {  	s8 =	sadd.s32 $0xFFFFE003, lr  }
0x1b: {  	s9 =	sadd.s32 $0xFFFFFEF7, lr;
	s5 =	simm.s32 $0xFFFFFFFF;
	p2 =	slt.u32 s8, $0xFFFFF086  }
0x1c: {  	p1 =	slt.u32 s9, $0xF7A;
	s5 =	simm.s32 @!p2 $0x0  }
0x1d: {  	s5 =	simm.s32 @p1 $0x1;
	p0 =	seq.s32 s7, s2  }
0x1e: {  	s7 =	smul.u32 @!p0 $0xF7A, s2;
	p2 =	seq.s32 @!p0 s5, $0x0  }
0x1f: {  	s9 =	smul.u32 $0xF7A, s1;
	s8 =	simm.s32 @!p0 $0x1BF5;
	p2 =	por !p2, p0  }
0x20: {  	[sflag:s8] =	ssyncset.s32 @!p0 $0xFFFFF086;
	s6 =	sadd.s32 @!p0 s3, s7;
	s7 =	simm.s32 @!p0 $0x108  }
0x21: {  	s3 =	sadd.s32 s3, s9;
	s6 =	sadd.s32 @!p0 $0x88, s6;
	s7 =	simm.s32 @p2 $0x1082  }
0x22: {  	[simem:s7], [sflag:s8] =	dma.local @!p0 [hbm:s6], $0xF7A  }
0x23: {  	s9 =	sor.u32 $0xD0000000, s2;
	s6 =	simm.s32 $0x108;
	_ =	swait.ge @!p0 [sflag:s8], $0x0  }
0x24: {  	s3 =	sadd.s32 $0x88, s3;
	s6 =	simm.s32 @!p1 $0x1082;
	[sflag:s4] =	ssyncset.s32 $0xFFFFF086  }
0x25: {  	[simem:s6], [sflag:s4] =	dma.local [hbm:s3], $0xF7A  }
0x26: {  	[smem:$0x3F9D] =	sst s1;
	(tag) =	ssettag s2;
	_ =	strace s9  }
0x27: {  	s1 =	sld [smem:$0x3FAD]  }
0x28: {  	s2 =	sld [smem:$0x3FAE]  }
0x29: {  	s4 =	sld [smem:$0x3FB0]  }
0x2a: {  	p0 =	seq.s32 s5, $0x0;
	s5 =	sld [smem:$0x3FB1]  }
0x2b: {  	s6 =	sld [smem:$0x3FB2]  }
0x2c: {  	s7 =	sld [smem:$0x3FB3]  }
0x2d: {  	s3 =	simm.s32 $0x108;
	s8 =	sld [smem:$0x3FB4]  }
0x2e: {  	s3 =	simm.s32 @!p0 $0x1082;
	s9 =	sld [smem:$0x3FB5]  }
0x2f: {  	lr =	sadd.s32 s0, s3;
	s0 =	sld [smem:$0x3FAC]  }
0x30: {  	s3 =	sld [smem:$0x3FAF]  }
0x31: {  	[smem:$0x3FB8] =	sst s10  }
0x32: {  	s10 =	sld [smem:$0x3FB6];
	_ =	sdelay $0x3  }
0x33: {  	p0 =	seq.s32 s10, $0x1;
	s10 =	sld [smem:$0x3FB8];
	_ =	sdelay $0x3  }
0x34: {  	[smem:$0x3FB8] =	sst s10  }
0x35: {  	s10 =	sld [smem:$0x3FB7];
	_ =	sdelay $0x3  }
0x36: {  	p1 =	seq.s32 s10, $0x1;
	s10 =	sld [smem:$0x3FB8];
	_ =	sdelay $0x3  }
0x37: {  	[smem:$0x3FB8] =	sst s10  }
0x38: {  	s10 =	sld [smem:$0x3FB9]  }
0x39: {  	_ = 	snop;
	(pc) =	sbr.ind lr, $3  }
0x3a: {  	_ = 	snop  }
0x3b: {  	_ = 	snop  }
0x3c: {  	p2 =	seq.s32 s10, $0x1;
	s10 =	sld [smem:$0x3FB8]  }
0x3d: {  	_ =	shalt  }
0x3e: {  	_ =	shalt  }
0x3f: {  	_ =	shalt  }
0x40: {  	_ =	shalt  }
0x41: {  	_ =	shalt  }
0x42: {  	_ =	shalt  }
0x43: {  	_ =	shalt  }
0x44: {  	_ =	shalt  }
0x45: {  	_ =	shalt  }
0x46: {  	_ =	shalt  }
0x47: {  	_ =	shalt  }
0x48: {  	_ =	shalt  }
0x49: {  	_ =	shalt  }
0x4a: {  	_ =	shalt  }
0x4b: {  	_ =	shalt  }
0x4c: {  	_ =	shalt  }
0x4d: {  	_ =	shalt  }
0x4e: {  	_ =	shalt  }
0x4f: {  	_ =	shalt  }
0x50: {  	_ =	shalt  }
0x51: {  	_ =	shalt  }
0x52: {  	_ =	shalt  }
0x53: {  	_ =	shalt  }
0x54: {  	_ =	shalt  }
0x55: {  	_ =	shalt  }
0x56: {  	_ =	shalt  }
0x57: {  	_ =	shalt  }
0x58: {  	_ =	shalt  }
0x59: {  	_ =	shalt  }
0x5a: {  	_ =	shalt  }
0x5b: {  	_ =	shalt  }
0x5c: {  	_ =	shalt  }
0x5d: {  	_ =	shalt  }
0x5e: {  	_ =	shalt  }
0x5f: {  	_ =	shalt  }
0x60: {  	_ =	shalt  }
0x61: {  	_ =	shalt  }
0x62: {  	_ =	shalt  }
0x63: {  	_ =	shalt  }
0x64: {  	_ =	shalt  }
0x65: {  	_ =	shalt  }
0x66: {  	_ =	shalt  }
0x67: {  	_ =	shalt  }
0x68: {  	_ =	shalt  }
0x69: {  	_ =	shalt  }
0x6a: {  	_ =	shalt  }
0x6b: {  	_ =	shalt  }
0x6c: {  	_ =	shalt  }
0x6d: {  	_ =	shalt  }
0x6e: {  	_ =	shalt  }
0x6f: {  	_ =	shalt  }
0x70: {  	_ =	shalt  }
0x71: {  	_ =	shalt  }
0x72: {  	_ =	shalt  }
0x73: {  	_ =	shalt  }
0x74: {  	_ =	shalt  }
0x75: {  	_ =	shalt  }
0x76: {  	_ =	shalt  }
0x77: {  	_ =	shalt  }
0x78: {  	_ =	shalt  }
0x79: {  	_ =	shalt  }
0x7a: {  	_ =	shalt  }
0x7b: {  	_ =	shalt  }
0x7c: {  	_ =	shalt  }
0x7d: {  	_ =	shalt  }
0x7e: {  	_ =	shalt  }
0x7f: {  	_ =	shalt  }
0x80: {  	_ =	shalt  }
0x81: {  	_ =	shalt  }
0x82: {  	_ =	shalt  }
0x83: {  	_ =	shalt  }
0x84: {  	_ =	shalt  }
0x85: {  	_ =	shalt  }
0x86: {  	_ =	shalt  }
0x87: {  	_ =	shalt  }
.Lfunc_end0:
.L_simem_size_0:
called_computation_lowered:
.L_overlay_start_0:
0x88: {  	s2 =	sld [smem:$0x3FD9]  }
0x89: {  	s3 =	sld [smem:$0x3FFE];
	_ =	sdelay $0x1  }
0x8a: {  	s1 =	srdreg.scid  }
0x8b: {  	s0 =	sand.u32 $0x1, s1  }
0x8c: {  	s17 =	sshll.u32 s0, $0xA;
	s2 =	sadd.s32 s3, s2  }
0x8d: {  	s2 =	sadd.s32 s2, s17  }
0x8e: {  	[smem:$0x3FC4] =	sst s2  }
0x8f: {  	_ = 	snop  }
0x90: {  	s2 =	sld [smem:$0x3FC9]  }
0x91: {  	s18 =	sld [smem:$0x3FC8]  }
0x92: {  	s4 =	sld [smem:$0x3FD0];
	(tm) =	ssettm $0x1  }
0x93: {  	s5 =	sld [smem:$0x3FFB];
	_ =	sdelay $0x3  }
0x94: {  	_ =	strace s5  }
0x95: {  	s5 =	sld [smem:$0x3FFC];
	_ =	sdelay $0x3  }
0x96: {  	_ =	strace s5  }
0x97: {  	s5 =	sld [smem:$0x3FFD];
	_ =	sdelay $0x3  }
0x98: {  	_ =	strace s5  }
0x99: {  	_ =	strace $0x8FFFFFFF  }
0x9a: {  	s19 =	sld [smem:$0x3FDB];
	_ =	sdelay $0x1  }
0x9b: {  	s6 =	simm.s32 $_scs_section_size  }
0x9c: {  	s7 =	simm.s32 $_size__tile_overlayer_lowered;
	s8 =	simm.s32 $_tile_overlayer_lowered  }
0x9d: {  	s22 =	simm.s32 $0x1BFF;
	s21 =	sshll.u32 s8, $0x1;
	s5 =	sadd.s32 s6, s19  }
0x9e: {  	s9 =	simm.s32 $0x0;
	s20 =	sshll.u32 s7, $0x1;
	s7 =	sadd.s32 s21, s5  }
0x9f: {  	[timem:s9], [sflag:s22] =	dma.local [hbm:s7], s20  }
0xa0: {  	_ =	swait.ge [sflag:s22], s20  }
0xa1: {  	s6 =	ssub.s32 $0x0, s20;
	[sflag:s22] =	ssyncset.done $0x0  }
0xa2: {  	[sflag:s22] =	ssyncadd.s32 s6;
	_ =	sdelay $0x1  }
0xa3: {  	s23 =	simm.s32 $0x1B8B  }
0xa4: {  	_ =	swait.ge [sflag:s23], $0x1  }
0xa5: {  	[sflag:s23] =	ssyncset.done $0x0  }
0xa6: {  	s25 =	simm.s32 $0x1B8E;
	s24 =	sld [smem:$0x3FFE];
	[sflag:s23] =	ssyncadd.s32 $0xFFFFFFFF  }
0xa7: {  	s26 =	simm.s32 $execute0_lowered;
	[smem:$0x3FD2] =	sst s25  }
0xa8: {  	s7 =	sshll.u32 s26, $0x1;
	_ =	strace $0x80000046;
	[dreg:$0x1] =	wrdreg $0xFFFFFFFF  }
0xa9: {  	s28 =	simm.s32 $_size_execute0_lowered;
	s5 =	sadd.s32 s5, s7;
	[dreg:$0x0] =	wrdreg $0x0  }
0xaa: {  	s7 =	sshll.u32 s28, $0x1;
	[dreg:$0x2] =	wrdreg s5  }
0xab: {  	[dreg:$0x3] =	wrdreg s7  }
0xac: {  	[dreg:$0x4] =	wrdreg $0xC0  }
0xad: {  	_ =	task [dreg:s9], $0x5FFFF  }
0xae: {  	[dreg:$0x1] =	wrdreg $0xFFFFFFFF  }
0xaf: {  	[dreg:$0x0] =	wrdreg $0x60  }
0xb0: {  	[dreg:$0x2] =	wrdreg s2  }
0xb1: {  	[dreg:$0x3] =	wrdreg s18  }
0xb2: {  	[dreg:$0x4] =	wrdreg s24  }
0xb3: {  	[dreg:$0x5] =	wrdreg s4  }
0xb4: {  	[dreg:$0x6] =	wrdreg $0x9  }
0xb5: {  	_ =	task.clear_ibuf [dreg:s9], $0x7FFFF;
	_ =	strace $0x90000046  }
0xb6: {  	s29 =	simm.s32 $0x9;
	_ =	strace $0x80000048  }
0xb7: {  	_ =	swait.ge [sflag:s29], $0x1  }
0xb8: {  	[sflag:s29] =	ssyncadd.s32 $0xFFFFFFFF  }
0xb9: {  	_ =	strace $0x90000048  }
0xba: {  	_ =	sfence  }
0xbb: {  	s30 =	sld [smem:$0x0];
	_ =	sdelay $0x2  }
0xbc: {  	s31 =	sshll.u32 s1, $0xD;
	s1 =	sshrl.u32 s1, $0x2  }
0xbd: {  	s3 =	sand.u32 $0x4000, s31;
	s1 =	sadd.s32 s1, s30  }
0xbe: {  	s0 =	sor.u32 s3, s0;
	s1 =	sshll.u32 s1, $0x11  }
0xbf: {  	s0 =	sor.u32 s1, s0  }
0xc0: {  	s0 =	sadd.s32 $0x8F2B, s0  }
0xc1: {  	[sflag:s0] =	ssyncadd.remote.s32 $0x1  }
0xc2: {  	_ =	sfence.sel $0xFFFF  }
0xc3: {  	[dreg:$0x0] =	wrdreg $0xFFFFFFFF;
	(pc) =	sbr.abs _section_cstart, $3  }
0xc4: {  	[dreg:$0x1] =	wrdreg $0xFFFFFFFF  }
0xc5: {  	_ =	task.clear_ibuf [dreg:s9], $0x2FFFF;
	_ =	strace $0x9FFFFFFF  }
0xc6: {  	(tm) =	ssettm $0x7FFFFFFF  }
0xc7: {  	_ =	shalt  }
tec
execute0_lowered:
.L_overlay_start_1:
0x0: {  	(tag) =	ssettag $0x1  }
0x1: {  	s0 =	rddreg [dreg:$0x2]  }
0x2: {  	s21 =	simm.s32 $0x0;
	s1 =	srdreg.scid;
	s4 =	stileid.u32  }
0x3: {  	[smem:$0x7FF] =	sst s21;
	s1 =	sand.u32 $0x1, s1;
	s2 =	sadd.s32 $0x400, s0  }
0x4: {  	s3 =	sadd.s32 $0x800, s0;
	s0 =	sadd.s32 $0xA00, s0;
	s30 =	sshll.u32 s4, $0x8  }
0x5: {  	_ =	strace $0x80000047;
	[dreg:$0x11] =	wrdreg s2;
	s26 =	ssub.s32 $0x2, s1  }
.Ltmp0:
0x6: {  	[dreg:$0x12] =	wrdreg s3;
	s28 =	sshrl.u32 s26, $0x1;
	(pc) =	sbr.rel .LBB2_1-.Ltmp0, $4  }
0x7: {  	[dreg:$0x13] =	wrdreg s0;
	s1 =	sshll.u32 s1, $0x9;
	s29 =	ssub.s32 s26, s28  }
0x8: {  	s2 =	sadd.s32 $0xF800, s30;
	s31 =	sshrl.u32 s1, $0x2;
	s0 =	smax.u32 s29, $0x1  }
0x9: {  	[dreg:$0x14] =	wrdreg s0;
	s0 =	sadd.s32 s31, s2  }
0xa: {  	s1 =	simm.s32 $0x0;
	[dreg:$0x15] =	wrdreg s0  }
.LBB2_25:
0xb: {  	s0 =	sand.u32 $0x3, s2  }
0xc: {  	p0 =	sgt.s32 s0, $0x1  }
0xd: {  	p1 =	seq.s32 @p0 s0, $0x2  }
0xe: {  	p2 =	seq.s32 @!p0 s0, $0x0;
	p1 =	por !p1, !p0  }
0xf: {  	s1 =	simm.s32 $0x7;
	p2 =	por !p2, p0;
	s0 =	simm.s32 @!p1 $0x5  }
0x10: {  	s1 =	simm.s32 @p2 $0x8;
	s0 =	simm.s32 @p1 $0x6  }
0x11: {  	s1 =	smov.u32 @p0 s0  }
0x12: {  	s2 =	simm.s32 $0x8;
	s0 =	simm.s32 @!p1 $0x6;
	_ =	swait.ge [sflag:s1], $0x2800  }
0x13: {  	s2 =	simm.s32 @p2 $0x5;
	s0 =	simm.s32 @p1 $0x7;
	[sflag:s1] =	ssyncset.done $0x0  }
0x14: {  	s2 =	smov.u32 @p0 s0;
	[sflag:s1] =	ssyncadd.s32 $0xFFFFD800  }
0x15: {  	_ =	swait.ge [sflag:s2], $0x2800  }
0x16: {  	s30 =	rddreg [dreg:$0x16]  }
0x17: {  	s31 =	rddreg [dreg:$0x14];
	s1 =	sadd.s32 $0x1, s30  }
0x18: {  	p0 =	sne.s32 s1, s31  }
.Ltmp1:
0x19: {  	_ = 	snop;
	(pc) =	sbr.rel @!p0 .LBB2_26-.Ltmp1, $3  }
0x1a: {  	_ =	sdelay $0x1  }
0x1b: {  	[sflag:s2] =	ssyncset.done $0x0  }
0x1c: {  	[sflag:s2] =	ssyncadd.s32 $0xFFFFD800  }
.LBB2_1:
0x1d: {  	[dreg:$0x16] =	wrdreg s1  }
0x1e: {  	s0 =	rddreg [dreg:$0x13];
	s11 =	simm.s32 $0xF800;
	s2 =	simm.s32 $0x9  }
0x1f: {  	[tilespmem:s11], [sflag:$0x9] =	stream.linear.gather [hbm4b:s0+s21], $0x1000, $0x38;
	[tilespmem:$0x1A800] =	vst v63  }
0x20: {  	_ =	swait.ge [sflag:s2], $0x1000  }
0x21: {  	[sflag:s2] =	ssyncset.done $0x0  }
0x22: {  	s12 =	rddreg [dreg:$0x15];
	[sflag:s2] =	ssyncadd.s32 $0xFFFFF000  }
0x23: {  	v0 =	vld [tilespmem:s12+$0x0];
	_ =	sdelay $0x4  }
0x24: {  	(v2sf) =	vpush v0, $0x0;
	_ =	sdelay $0x9  }
0x25: {  	(v2sf) =	vpush v0, $0x2;
	_ =	sdelay $0x4  }
0x26: {  	s22 =	spop (v2sf)  }
0x27: {  	s13 =	sshll.u32 s22, $0x5  }
0x28: {  	s14 =	rddreg [dreg:$0x0];
	s0 =	sand.u32 $0xFFFFF00, s13  }
0x29: {  	s3 =	simm.s32 $0x10800;
	s15 =	sshll.u32 s22, $0x8;
	s0 =	sadd.s32 s14, s0  }
0x2a: {  	[tilespmem:s3], [sflag:$0x1] =	stream.linear.gather [hbm4b:s0+s21], $0x2800, $0x38;
	[tilespmem:$0x1A800] =	vst v63  }
0x2b: {  	s0 =	sand.u32 $0xFFFFF800, s15  }
0x2c: {  	s0 =	sadd.s32 $0x2800, s0  }
0x2d: {  	s0 =	sshrl.u32 s0, $0x3  }
0x2e: {  	s16 =	simm.s32 $0x13000;
	s0 =	sadd.s32 s14, s0  }
0x2f: {  	[tilespmem:s16], [sflag:$0x2] =	stream.linear.gather [hbm4b:s0+s21], $0x2800, $0x38;
	[tilespmem:$0x1A800] =	vst v63  }
0x30: {  	s18 =	simm.s32 $0xE800;
	s17 =	rddreg [dreg:$0x12];
	s23 =	spop (v2sf)  }
0x31: {  	[tilespmem:s18], [sflag:$0x9] =	stream.linear.gather [hbm4b:s17+s21], $0x1000, $0x38;
	[tilespmem:$0x1A800] =	vst v63  }
0x32: {  	_ =	swait.ge [sflag:s2], $0x1000  }
0x33: {  	[sflag:s2] =	ssyncset.done $0x0  }
0x34: {  	s20 =	simm.s32 $0xC800;
	s19 =	rddreg [dreg:$0x11];
	[sflag:s2] =	ssyncadd.s32 $0xFFFFF000  }
0x35: {  	[tilespmem:s20], [sflag:$0x9] =	stream.linear.gather [hbm4b:s19+s21], $0x2000, $0x38;
	[tilespmem:$0x1A800] =	vst v63  }
0x36: {  	_ =	swait.ge [sflag:s2], $0x2000  }
0x37: {  	[sflag:s2] =	ssyncset.done $0x0  }
0x38: {  	[sflag:s2] =	ssyncadd.s32 $0xFFFFE000  }
0x39: {  	s24 =	rddreg [dreg:$0x1]  }
0x3a: {  	[tilespmem:s21], [sflag:$0x9] =	stream.linear.gather [hbm4b:s24+s21], $0xC800, $0x38;
	[tilespmem:$0x1A800] =	vst v63  }
0x3b: {  	_ =	swait.ge [sflag:s2], $0xC800  }
0x3c: {  	s25 =	sshll.u32 s23, $0x9;
	[sflag:s2] =	ssyncset.done $0x0  }
0x3d: {  	s0 =	sshra.s32 s25, $0x2;
	[sflag:s2] =	ssyncadd.s32 $0xFFFF3800  }
0x3e: {  	v1 =	vld [tilespmem:s0+$0xE800];
	_ =	sdelay $0x4  }
0x3f: {  	(v2sf) =	vpush v1, $0x0;
	_ =	sdelay $0xe  }
0x40: {  	s26 =	spop (v2sf)  }
0x41: {  	s28 =	sshll.u32 s26, $0x8;
	s0 =	sshll.u32 s26, $0x7  }
0x42: {  	s1 =	sand.u32 $0xFFFFF800, s28;
	s0 =	sand.u32 $0x380, s0  }
0x43: {  	s0 =	sor.u32 s0, s1  }
0x44: {  	v1 =	vld [tilespmem:s0+$0xC800]  }
0x45: {  	v2 =	vld [tilespmem:s0+$0xC810]  }
0x46: {  	v3 =	vld [tilespmem:s0+$0xC820]  }
0x47: {  	v4 =	vld [tilespmem:s0+$0xC830]  }
0x48: {  	v5 =	vld [tilespmem:s0+$0xC840]  }
0x49: {  	v6 =	vld [tilespmem:s0+$0xC850]  }
0x4a: {  	v7 =	vld [tilespmem:s0+$0xC860]  }
0x4b: {  	v8 =	vld [tilespmem:s0+$0xC870]  }
0x4c: {  	v9 =	vld [tilespmem:s0+$0xCC00]  }
0x4d: {  	v10 =	vld [tilespmem:s0+$0xCC10]  }
0x4e: {  	v11 =	vld [tilespmem:s0+$0xCC20]  }
0x4f: {  	v12 =	vld [tilespmem:s0+$0xCC30]  }
0x50: {  	v13 =	vld [tilespmem:s0+$0xCC40]  }
0x51: {  	v16 =	vld [tilespmem:s0+$0xCC50]  }
0x52: {  	s29 =	sand.u32 $0xF800, s21;
	s30 =	sand.u32 $0x300, s21;
	v14 =	vld [tilespmem:s0+$0xCC60]  }
0x53: {  	v15 =	vld [tilespmem:s0+$0xCC70];
	s0 =	sor.u32 s30, s29  }
0x54: {  	s1 =	sor.u32 $0x80, s0;
	[tilespmem:s0+$0x0] =	vst.add.f32.msk $0xffff, v1  }
0x55: {  	s31 =	sor.u32 $0x90, s0;
	[tilespmem:s1+$0x0] =	vst.add.f32.msk $0xffff, v1  }
0x56: {  	s16 =	sor.u32 $0x10, s0;
	[tilespmem:s31+$0x0] =	vst.add.f32.msk $0xffff, v2  }
0x57: {  	s2 =	sor.u32 $0xA0, s0;
	[tilespmem:s16+$0x0] =	vst.add.f32.msk $0xffff, v2  }
0x58: {  	s17 =	sor.u32 $0x20, s0;
	[tilespmem:s2+$0x0] =	vst.add.f32.msk $0xffff, v3  }
0x59: {  	s3 =	sor.u32 $0xB0, s0;
	[tilespmem:s17+$0x0] =	vst.add.f32.msk $0xffff, v3  }
0x5a: {  	s18 =	sor.u32 $0x30, s0;
	[tilespmem:s3+$0x0] =	vst.add.f32.msk $0xffff, v4  }
0x5b: {  	s4 =	sor.u32 $0xC0, s0;
	[tilespmem:s18+$0x0] =	vst.add.f32.msk $0xffff, v4  }
0x5c: {  	s19 =	sor.u32 $0x40, s0;
	[tilespmem:s4+$0x0] =	vst.add.f32.msk $0xffff, v5  }
0x5d: {  	s5 =	sor.u32 $0xD0, s0;
	[tilespmem:s19+$0x0] =	vst.add.f32.msk $0xffff, v5  }
0x5e: {  	s20 =	sor.u32 $0x50, s0;
	[tilespmem:s5+$0x0] =	vst.add.f32.msk $0xffff, v6  }
0x5f: {  	s6 =	sor.u32 $0xE0, s0;
	[tilespmem:s20+$0x0] =	vst.add.f32.msk $0xffff, v6  }
0x60: {  	s24 =	sor.u32 $0x60, s0;
	[tilespmem:s6+$0x0] =	vst.add.f32.msk $0xffff, v7  }
0x61: {  	s7 =	sor.u32 $0xF0, s0;
	[tilespmem:s24+$0x0] =	vst.add.f32.msk $0xffff, v7  }
0x62: {  	s25 =	sor.u32 $0x70, s0;
	[tilespmem:s7+$0x0] =	vst.add.f32.msk $0xffff, v8  }
0x63: {  	s8 =	sor.u32 $0x480, s0;
	[tilespmem:s25+$0x0] =	vst.add.f32.msk $0xffff, v8  }
0x64: {  	s26 =	sor.u32 $0x400, s0;
	[tilespmem:s8+$0x0] =	vst.add.f32.msk $0xffff, v9  }
0x65: {  	s9 =	sor.u32 $0x490, s0;
	[tilespmem:s26+$0x0] =	vst.add.f32.msk $0xffff, v9  }
0x66: {  	s28 =	sor.u32 $0x410, s0;
	[tilespmem:s9+$0x0] =	vst.add.f32.msk $0xffff, v10  }
0x67: {  	s10 =	sor.u32 $0x4A0, s0;
	[tilespmem:s28+$0x0] =	vst.add.f32.msk $0xffff, v10  }
0x68: {  	s29 =	sor.u32 $0x420, s0;
	[tilespmem:s10+$0x0] =	vst.add.f32.msk $0xffff, v11  }
0x69: {  	s11 =	sor.u32 $0x4B0, s0;
	[tilespmem:s29+$0x0] =	vst.add.f32.msk $0xffff, v11  }
0x6a: {  	s30 =	sor.u32 $0x430, s0;
	[tilespmem:s11+$0x0] =	vst.add.f32.msk $0xffff, v12  }
0x6b: {  	s12 =	sor.u32 $0x4C0, s0;
	[tilespmem:s30+$0x0] =	vst.add.f32.msk $0xffff, v12  }
0x6c: {  	s4 =	sor.u32 $0x440, s0;
	[tilespmem:s12+$0x0] =	vst.add.f32.msk $0xffff, v13  }
0x6d: {  	s13 =	sor.u32 $0x4D0, s0;
	[tilespmem:s4+$0x0] =	vst.add.f32.msk $0xffff, v13  }
0x6e: {  	s31 =	sor.u32 $0x450, s0;
	[tilespmem:s13+$0x0] =	vst.add.f32.msk $0xffff, v16  }
0x6f: {  	s14 =	sor.u32 $0x4E0, s0;
	[tilespmem:s31+$0x0] =	vst.add.f32.msk $0xffff, v16  }
0x70: {  	s15 =	sor.u32 $0x4F0, s0;
	s1 =	sor.u32 $0x460, s0;
	s2 =	simm.s32 $0x100;
	[tilespmem:s14+$0x0] =	vst.add.f32.msk $0xffff, v14  }
0x71: {  	s3 =	sor.u32 $0x470, s0;
	s0 =	simm.s32 $0x0;
	s5 =	simm.s32 $0x200;
	[tilespmem:s15+$0x0] =	vst.add.f32.msk $0xffff, v15  }
.LBB2_2:
0x72: {  	s4 =	sand.u32 $0xF800, s5;
	s6 =	sand.u32 $0x300, s2;
	[tilespmem:s1+$0x0] =	vst.add.f32.msk $0xffff, v14  }
0x73: {  	s7 =	sor.u32 s6, s4;
	[tilespmem:s3+$0x0] =	vst.add.f32.msk $0xffff, v15  }
0x74: {  	[tilespmem:s7+$0x0] =	vst.add.f32.msk $0xffff, v1;
	s8 =	sor.u32 $0x10, s7;
	s4 =	sor.u32 $0x20, s7;
	s1 =	sor.u32 $0x80, s7  }
0x75: {  	s9 =	sor.u32 $0x30, s7;
	s6 =	sor.u32 $0x40, s7;
	[tilespmem:s1+$0x0] =	vst.add.f32.msk $0xffff, v1;
	s1 =	sor.u32 $0x90, s7  }
0x76: {  	s11 =	sor.u32 $0x50, s7;
	s10 =	sor.u32 $0x60, s7;
	[tilespmem:s1+$0x0] =	vst.add.f32.msk $0xffff, v2;
	s1 =	sor.u32 $0xA0, s7  }
0x77: {  	s13 =	sor.u32 $0x70, s7;
	s12 =	sor.u32 $0x400, s7;
	[tilespmem:s1+$0x0] =	vst.add.f32.msk $0xffff, v3;
	s1 =	sor.u32 $0xB0, s7  }
0x78: {  	s15 =	sor.u32 $0x410, s7;
	s14 =	sor.u32 $0x420, s7;
	[tilespmem:s1+$0x0] =	vst.add.f32.msk $0xffff, v4;
	s1 =	sor.u32 $0xC0, s7  }
0x79: {  	s17 =	sor.u32 $0x430, s7;
	s16 =	sor.u32 $0x440, s7;
	s3 =	sor.u32 $0xD0, s7;
	[tilespmem:s1+$0x0] =	vst.add.f32.msk $0xffff, v5  }
0x7a: {  	s18 =	sor.u32 $0x450, s7;
	s19 =	sor.u32 $0xE0, s7;
	s1 =	sor.u32 $0x460, s7;
	[tilespmem:s3+$0x0] =	vst.add.f32.msk $0xffff, v6  }
0x7b: {  	s3 =	sor.u32 $0x470, s7;
	[tilespmem:s19+$0x0] =	vst.add.f32.msk $0xffff, v7;
	s19 =	sor.u32 $0xF0, s7  }
0x7c: {  	[tilespmem:s19+$0x0] =	vst.add.f32.msk $0xffff, v8;
	s19 =	sor.u32 $0x480, s7  }
0x7d: {  	[tilespmem:s19+$0x0] =	vst.add.f32.msk $0xffff, v9;
	s19 =	sor.u32 $0x490, s7  }
0x7e: {  	[tilespmem:s19+$0x0] =	vst.add.f32.msk $0xffff, v10;
	s19 =	sor.u32 $0x4A0, s7  }
0x7f: {  	[tilespmem:s19+$0x0] =	vst.add.f32.msk $0xffff, v11;
	s19 =	sor.u32 $0x4B0, s7  }
0x80: {  	[tilespmem:s19+$0x0] =	vst.add.f32.msk $0xffff, v12;
	s19 =	sor.u32 $0x4C0, s7  }
0x81: {  	s0 =	sadd.s32 $0x2, s0;
	[tilespmem:s19+$0x0] =	vst.add.f32.msk $0xffff, v13;
	s19 =	sor.u32 $0x4D0, s7  }
0x82: {  	p0 =	slt.u32 s0, $0xC6;
	[tilespmem:s19+$0x0] =	vst.add.f32.msk $0xffff, v16;
	s19 =	sor.u32 $0x4E0, s7  }
0x83: {  	s7 =	sor.u32 $0x4F0, s7;
	[tilespmem:s19+$0x0] =	vst.add.f32.msk $0xffff, v14  }
0x84: {  	[tilespmem:s7+$0x0] =	vst.add.f32.msk $0xffff, v15  }
0x85: {  	[tilespmem:s8+$0x0] =	vst.add.f32.msk $0xffff, v2  }
0x86: {  	[tilespmem:s4+$0x0] =	vst.add.f32.msk $0xffff, v3  }
0x87: {  	[tilespmem:s9+$0x0] =	vst.add.f32.msk $0xffff, v4  }
0x88: {  	[tilespmem:s6+$0x0] =	vst.add.f32.msk $0xffff, v5  }
0x89: {  	[tilespmem:s11+$0x0] =	vst.add.f32.msk $0xffff, v6  }
0x8a: {  	[tilespmem:s10+$0x0] =	vst.add.f32.msk $0xffff, v7  }
0x8b: {  	[tilespmem:s13+$0x0] =	vst.add.f32.msk $0xffff, v8  }
0x8c: {  	[tilespmem:s12+$0x0] =	vst.add.f32.msk $0xffff, v9  }
.Ltmp2:
0x8d: {  	[tilespmem:s15+$0x0] =	vst.add.f32.msk $0xffff, v10;
	(pc) =	sbr.rel @p0 .LBB2_2-.Ltmp2, $4  }
0x8e: {  	[tilespmem:s14+$0x0] =	vst.add.f32.msk $0xffff, v11  }
0x8f: {  	[tilespmem:s17+$0x0] =	vst.add.f32.msk $0xffff, v12  }
0x90: {  	[tilespmem:s16+$0x0] =	vst.add.f32.msk $0xffff, v13  }
0x91: {  	s2 =	sadd.s32 $0x100, s2;
	s5 =	sadd.s32 $0x200, s5;
	[tilespmem:s18+$0x0] =	vst.add.f32.msk $0xffff, v16  }
0x92: {  	(v2sf) =	vpush v0, $0x1;
	_ =	sdelay $0xe  }
0x93: {  	s2 =	spop (v2sf)  }
0x94: {  	p0 =	slt.s32 s2, $0x1  }
.Ltmp3:
0x95: {  	_ = 	snop;
	(pc) =	sbr.rel @p0 .LBB2_25-.Ltmp3, $3  }
0x96: {  	_ =	sdelay $0x1  }
0x97: {  	[tilespmem:s1+$0x0] =	vst.add.f32.msk $0xffff, v14  }
0x98: {  	[tilespmem:s3+$0x0] =	vst.add.f32.msk $0xffff, v15  }
0x99: {  	(v2sf) =	vpush v0, $0x4  }
0x9a: {  	(v2sf) =	vpush v0, $0x3;
	_ =	sdelay $0xa  }
.Ltmp4:
0x9b: {  	_ = 	snop;
	(pc) =	sbr.rel .LBB2_5-.Ltmp4, $3  }
0x9c: {  	_ =	sdelay $0x1  }
0x9d: {  	[dreg:$0x17] =	wrdreg s22;
	s3 =	spop (v2sf)  }
0x9e: {  	s24 =	simm.s32 $0x0;
	[dreg:$0x19] =	wrdreg s2;
	s25 =	spop (v2sf)  }
.LBB2_24:
0x9f: {  	p0 =	seq.s32 s0, $0x64  }
0xa0: {  	s0 =	simm.s32 $0x1;
	s24 =	sadd.s32 $0x1, s24;
	s2 =	rddreg [dreg:$0x19]  }
0xa1: {  	s0 =	simm.s32 @!p0 $0x0;
	p0 =	sne.s32 s24, s2  }
.Ltmp5:
0xa2: {  	_ = 	snop;
	(pc) =	sbr.rel @!p0 .LBB2_25-.Ltmp5, $4  }
0xa3: {  	s3 =	rddreg [dreg:$0x1a]  }
0xa4: {  	s3 =	sadd.s32 $0x28, s3  }
0xa5: {  	p1 =	seq.s32 s3, $0xC8  }
0xa6: {  	s23 =	sadd.s32 s0, s23;
	s3 =	simm.s32 @p1 $0x0  }
.LBB2_5:
0xa7: {  	s0 =	sand.u32 $0x3, s24  }
0xa8: {  	p0 =	sgt.s32 s0, $0x1  }
.Ltmp6:
0xa9: {  	_ = 	snop;
	(pc) =	sbr.rel @p0 .LBB2_16-.Ltmp6, $4  }
0xaa: {  	[dreg:$0x18] =	wrdreg s23  }
0xab: {  	[dreg:$0x1a] =	wrdreg s3  }
0xac: {  	[dreg:$0x1b] =	wrdreg s24  }
0xad: {  	[dreg:$0x1c] =	wrdreg s25  }
0xae: {  	p0 =	seq.s32 s0, $0x0  }
.Ltmp7:
0xaf: {  	_ = 	snop;
	(pc) =	sbr.rel @!p0 .LBB2_10-.Ltmp7, $1  }
0xb0: {  	_ =	sdelay $0x3  }
0xb1: {  	s1 =	simm.s32 $0x1  }
0xb2: {  	s0 =	sadd.s32 $0x2, s24;
	p1 =	slt.u32 s24, $0x2;
	_ =	swait.ge [sflag:s1], $0x2800  }
0xb3: {  	s15 =	sshll.u32 s3, $0x7;
	s16 =	sshll.u32 s3, $0x8;
	[sflag:s1] =	ssyncset.done $0x0  }
0xb4: {  	p0 =	sge.s32 s0, s2;
	[sflag:s1] =	ssyncadd.s32 $0xFFFFD800;
	s1 =	simm.s32 @!p1 $0x7  }
0xb5: {  	s0 =	smul.u32 @!p0 $0x28, s0;
	_ =	swait.ge @!p1 [sflag:s1], $0x2800;
	[dreg:$0xc] =	wrdreg s15  }
0xb6: {  	s2 =	simm.s32 @!p0 $0x0;
	s3 =	simm.s32 @!p0 $0x15800;
	[dreg:$0xb] =	wrdreg s16  }
0xb7: {  	s0 =	sadd.s32 @!p0 s22, s0;
	[sflag:s1] =	ssyncset.done @!p1 $0x0;
	s17 =	rddreg [dreg:$0xb]  }
0xb8: {  	s0 =	sshll.u32 @!p0 s0, $0x5;
	s4 =	rddreg [dreg:$0xc];
	[sflag:s1] =	ssyncadd.s32 @!p1 $0xFFFFD800  }
0xb9: {  	s0 =	sand.u32 @!p0 $0xFFFFF00, s0;
	s18 =	sadd.s32 $0x0, s17;
	s1 =	rddreg [dreg:$0x0]  }
0xba: {  	s19 =	sadd.s32 $0x80, s4;
	s20 =	sadd.s32 $0x100, s18;
	s0 =	sadd.s32 @!p0 s1, s0  }
0xbb: {  	[tilespmem:s3], [sflag:$0x3] =	stream.linear.gather @!p0 [hbm4b:s0+s2], $0x2800, $0x38;
	[tilespmem:$0x1A800] =	vst v63  }
0xbc: {  	s21 =	sand.u32 $0x380, s19;
	s2 =	sand.u32 $0xFFFFF800, s20  }
0xbd: {  	s7 =	sor.u32 s21, s2  }
0xbe: {  	v0 =	vld [tilespmem:s7+$0x0]  }
0xbf: {  	s23 =	simm.s32 $0x80;
	s22 =	simm.s32 $0x0;
	s1 =	sadd.s32 $0xFFFFFF80, s19  }
0xc0: {  	s0 =	sand.u32 $0xFFFFF800, s18;
	s1 =	sand.u32 $0x380, s1;
	s2 =	sand.u32 $0x3800, s22  }
0xc1: {  	s3 =	sand.u32 $0x380, s23;
	s31 =	sor.u32 s1, s0;
	s2 =	sadd.s32 $0x10800, s2  }
0xc2: {  	v1 =	vld [tilespmem:s31+$0x0];
	s8 =	sor.u32 s3, s2  }
0xc3: {  	[tilespmem:s8+$0x0] =	vst.add.f32.msk $0xffff, v0  }
0xc4: {  	s24 =	simm.s32 $0x0;
	v0 =	vld [tilespmem:s7+$0x10]  }
0xc5: {  	s0 =	sand.u32 $0x300, s24  }
0xc6: {  	s6 =	sor.u32 s0, s2  }
0xc7: {  	[tilespmem:s6+$0x0] =	vst.add.f32.msk $0xffff, v1  }
0xc8: {  	s25 =	sor.u32 $0x10, s8;
	v1 =	vld [tilespmem:s31+$0x10]  }
0xc9: {  	[tilespmem:s25+$0x0] =	vst.add.f32.msk $0xffff, v0  }
0xca: {  	v0 =	vld [tilespmem:s7+$0x20];
	_ =	sdelay $0x1  }
0xcb: {  	s28 =	sor.u32 $0x10, s6  }
0xcc: {  	[tilespmem:s28+$0x0] =	vst.add.f32.msk $0xffff, v1  }
0xcd: {  	s26 =	sor.u32 $0x20, s8;
	v1 =	vld [tilespmem:s31+$0x20]  }
0xce: {  	[tilespmem:s26+$0x0] =	vst.add.f32.msk $0xffff, v0  }
0xcf: {  	v0 =	vld [tilespmem:s7+$0x30];
	_ =	sdelay $0x1  }
0xd0: {  	s30 =	sor.u32 $0x20, s6  }
0xd1: {  	[tilespmem:s30+$0x0] =	vst.add.f32.msk $0xffff, v1  }
0xd2: {  	s29 =	sor.u32 $0x30, s8;
	v1 =	vld [tilespmem:s31+$0x30]  }
0xd3: {  	[tilespmem:s29+$0x0] =	vst.add.f32.msk $0xffff, v0  }
0xd4: {  	v0 =	vld [tilespmem:s7+$0x40];
	_ =	sdelay $0x1  }
0xd5: {  	s2 =	sor.u32 $0x30, s6  }
0xd6: {  	[tilespmem:s2+$0x0] =	vst.add.f32.msk $0xffff, v1  }
0xd7: {  	s1 =	sor.u32 $0x40, s8;
	v1 =	vld [tilespmem:s31+$0x40]  }
0xd8: {  	[tilespmem:s1+$0x0] =	vst.add.f32.msk $0xffff, v0  }
0xd9: {  	v0 =	vld [tilespmem:s7+$0x50];
	_ =	sdelay $0x1  }
0xda: {  	s4 =	sor.u32 $0x40, s6  }
0xdb: {  	[tilespmem:s4+$0x0] =	vst.add.f32.msk $0xffff, v1  }
0xdc: {  	s3 =	sor.u32 $0x50, s8;
	v1 =	vld [tilespmem:s31+$0x50]  }
0xdd: {  	[tilespmem:s3+$0x0] =	vst.add.f32.msk $0xffff, v0  }
0xde: {  	v0 =	vld [tilespmem:s7+$0x60];
	_ =	sdelay $0x1  }
0xdf: {  	s9 =	sor.u32 $0x50, s6  }
0xe0: {  	[tilespmem:s9+$0x0] =	vst.add.f32.msk $0xffff, v1  }
0xe1: {  	s5 =	sor.u32 $0x60, s8;
	v1 =	vld [tilespmem:s31+$0x60]  }
0xe2: {  	[tilespmem:s5+$0x0] =	vst.add.f32.msk $0xffff, v0  }
0xe3: {  	v0 =	vld [tilespmem:s7+$0x70];
	_ =	sdelay $0x1  }
0xe4: {  	s11 =	sor.u32 $0x60, s6  }
0xe5: {  	s14 =	rddreg [dreg:$0xb];
	[tilespmem:s11+$0x0] =	vst.add.f32.msk $0xffff, v1  }
0xe6: {  	s15 =	rddreg [dreg:$0xc];
	s18 =	sadd.s32 $0x200, s14;
	s10 =	sor.u32 $0x70, s8;
	v1 =	vld [tilespmem:s31+$0x70]  }
0xe7: {  	s0 =	sadd.s32 $0x100, s18;
	s1 =	sadd.s32 $0x180, s15;
	[tilespmem:s10+$0x0] =	vst.add.f32.msk $0xffff, v0  }
0xe8: {  	s0 =	sand.u32 $0xFFFFF800, s0;
	s19 =	sand.u32 $0x380, s1;
	v0 =	vld [tilespmem:s7+$0x400]  }
0xe9: {  	s0 =	sor.u32 s19, s0  }
0xea: {  	s13 =	sor.u32 $0x70, s6;
	v2 =	vld [tilespmem:s0+$0x0]  }
0xeb: {  	[tilespmem:s13+$0x0] =	vst.add.f32.msk $0xffff, v1;
	s10 =	simm.s32 $0x200  }
0xec: {  	s12 =	sor.u32 $0x400, s8;
	s15 =	simm.s32 $0x180;
	v1 =	vld [tilespmem:s31+$0x400];
	s22 =	sand.u32 $0x3800, s10  }
0xed: {  	s24 =	sand.u32 $0x380, s15;
	s23 =	sadd.s32 $0x10800, s22;
	[tilespmem:s12+$0x0] =	vst.add.f32.msk $0xffff, v0  }
0xee: {  	s2 =	sor.u32 s24, s23;
	v0 =	vld [tilespmem:s7+$0x410]  }
0xef: {  	[tilespmem:s2+$0x0] =	vst.add.f32.msk $0xffff, v2  }
0xf0: {  	s17 =	sor.u32 $0x400, s6;
	v2 =	vld [tilespmem:s0+$0x10]  }
0xf1: {  	[tilespmem:s17+$0x0] =	vst.add.f32.msk $0xffff, v1  }
0xf2: {  	s16 =	sor.u32 $0x410, s8;
	v1 =	vld [tilespmem:s31+$0x410]  }
0xf3: {  	[tilespmem:s16+$0x0] =	vst.add.f32.msk $0xffff, v0  }
0xf4: {  	s28 =	sor.u32 $0x10, s2;
	v0 =	vld [tilespmem:s7+$0x420]  }
0xf5: {  	s1 =	sadd.s32 $0xFFFFFF80, s1;
	[tilespmem:s28+$0x0] =	vst.add.f32.msk $0xffff, v2  }
0xf6: {  	s20 =	sor.u32 $0x410, s6;
	s1 =	sand.u32 $0x380, s1;
	s3 =	sand.u32 $0xFFFFF800, s18;
	v2 =	vld [tilespmem:s0+$0x20]  }
0xf7: {  	s5 =	sor.u32 s1, s3;
	[tilespmem:s20+$0x0] =	vst.add.f32.msk $0xffff, v1  }
0xf8: {  	s21 =	sor.u32 $0x420, s8;
	v1 =	vld [tilespmem:s5+$0x0]  }
0xf9: {  	[tilespmem:s21+$0x0] =	vst.add.f32.msk $0xffff, v0  }
0xfa: {  	s25 =	simm.s32 $0x100;
	v0 =	vld [tilespmem:s7+$0x430]  }
0xfb: {  	s3 =	sand.u32 $0x300, s25;
	s4 =	sor.u32 $0x20, s2;
	v3 =	vld [tilespmem:s31+$0x420]  }
0xfc: {  	s1 =	sor.u32 s3, s23;
	[tilespmem:s4+$0x0] =	vst.add.f32.msk $0xffff, v2  }
0xfd: {  	[tilespmem:s1+$0x0] =	vst.add.f32.msk $0xffff, v1  }
0xfe: {  	s26 =	sor.u32 $0x430, s8;
	v1 =	vld [tilespmem:s5+$0x10]  }
0xff: {  	[tilespmem:s26+$0x0] =	vst.add.f32.msk $0xffff, v0  }
0x100: {  	v0 =	vld [tilespmem:s7+$0x440]  }
0x101: {  	s20 =	sor.u32 $0x420, s6;
	v2 =	vld [tilespmem:s0+$0x30]  }
0x102: {  	s30 =	sor.u32 $0x10, s1;
	[tilespmem:s20+$0x0] =	vst.add.f32.msk $0xffff, v3  }
0x103: {  	[tilespmem:s30+$0x0] =	vst.add.f32.msk $0xffff, v1  }
0x104: {  	s29 =	sor.u32 $0x440, s8;
	v1 =	vld [tilespmem:s5+$0x20]  }
0x105: {  	[tilespmem:s29+$0x0] =	vst.add.f32.msk $0xffff, v0  }
0x106: {  	s12 =	sor.u32 $0x30, s2;
	v0 =	vld [tilespmem:s7+$0x450]  }
0x107: {  	[tilespmem:s12+$0x0] =	vst.add.f32.msk $0xffff, v2  }
0x108: {  	s11 =	sor.u32 $0x20, s1;
	v2 =	vld [tilespmem:s0+$0x40]  }
0x109: {  	[tilespmem:s11+$0x0] =	vst.add.f32.msk $0xffff, v1  }
0x10a: {  	s9 =	sor.u32 $0x450, s8;
	v1 =	vld [tilespmem:s5+$0x30]  }
0x10b: {  	[tilespmem:s9+$0x0] =	vst.add.f32.msk $0xffff, v0  }
0x10c: {  	s16 =	sor.u32 $0x40, s2;
	v0 =	vld [tilespmem:s7+$0x460]  }
0x10d: {  	[tilespmem:s16+$0x0] =	vst.add.f32.msk $0xffff, v2  }
0x10e: {  	s14 =	sor.u32 $0x30, s1;
	v2 =	vld [tilespmem:s0+$0x50]  }
0x10f: {  	[tilespmem:s14+$0x0] =	vst.add.f32.msk $0xffff, v1  }
0x110: {  	s13 =	sor.u32 $0x460, s8;
	v1 =	vld [tilespmem:s5+$0x40]  }
0x111: {  	[tilespmem:s13+$0x0] =	vst.add.f32.msk $0xffff, v0  }
0x112: {  	s19 =	sor.u32 $0x50, s2;
	v0 =	vld [tilespmem:s7+$0x470]  }
0x113: {  	[tilespmem:s19+$0x0] =	vst.add.f32.msk $0xffff, v2  }
0x114: {  	s18 =	sor.u32 $0x40, s1;
	v2 =	vld [tilespmem:s31+$0x430]  }
0x115: {  	[tilespmem:s18+$0x0] =	vst.add.f32.msk $0xffff, v1  }
0x116: {  	s17 =	sor.u32 $0x470, s8;
	v1 =	vld [tilespmem:s0+$0x60]  }
0x117: {  	[tilespmem:s17+$0x0] =	vst.add.f32.msk $0xffff, v0  }
0x118: {  	s23 =	sor.u32 $0x430, s6;
	v0 =	vld [tilespmem:s5+$0x50]  }
0x119: {  	[tilespmem:s23+$0x0] =	vst.add.f32.msk $0xffff, v2  }
0x11a: {  	s22 =	sor.u32 $0x60, s2;
	v2 =	vld [tilespmem:s31+$0x440]  }
0x11b: {  	[tilespmem:s22+$0x0] =	vst.add.f32.msk $0xffff, v1  }
0x11c: {  	s21 =	sor.u32 $0x50, s1;
	v1 =	vld [tilespmem:s0+$0x70]  }
0x11d: {  	[tilespmem:s21+$0x0] =	vst.add.f32.msk $0xffff, v0  }
0x11e: {  	s26 =	sor.u32 $0x440, s6;
	v0 =	vld [tilespmem:s5+$0x60]  }
0x11f: {  	[tilespmem:s26+$0x0] =	vst.add.f32.msk $0xffff, v2  }
0x120: {  	s25 =	sor.u32 $0x70, s2;
	v4 =	vld [tilespmem:s31+$0x450]  }
0x121: {  	[tilespmem:s25+$0x0] =	vst.add.f32.msk $0xffff, v1  }
0x122: {  	s24 =	sor.u32 $0x60, s1;
	v3 =	vld [tilespmem:s0+$0x400]  }
0x123: {  	[tilespmem:s24+$0x0] =	vst.add.f32.msk $0xffff, v0  }
0x124: {  	v0 =	vld [tilespmem:s5+$0x70];
	_ =	sdelay $0x1  }
0x125: {  	s30 =	sor.u32 $0x450, s6  }
0x126: {  	s29 =	sor.u32 $0x400, s2;
	[tilespmem:s30+$0x0] =	vst.add.f32.msk $0xffff, v4  }
0x127: {  	s28 =	sor.u32 $0x70, s1;
	[tilespmem:s29+$0x0] =	vst.add.f32.msk $0xffff, v3  }
0x128: {  	s8 =	sor.u32 $0x440, s1;
	s20 =	sor.u32 $0x420, s1;
	[tilespmem:s28+$0x0] =	vst.add.f32.msk $0xffff, v0  }
0x129: {  	s12 =	sor.u32 $0x430, s1;
	s11 =	sor.u32 $0x400, s1;
	s14 =	sor.u32 $0x410, s1;
	v1 =	vld [tilespmem:s5+$0x400]  }
0x12a: {  	s9 =	sor.u32 $0x460, s6;
	s23 =	sor.u32 $0x470, s6;
	s6 =	sor.u32 $0x470, s1;
	v2 =	vld [tilespmem:s0+$0x410]  }
0x12b: {  	s13 =	sor.u32 $0x460, s1;
	s7 =	sor.u32 $0x450, s1;
	s22 =	simm.s32 $0x2;
	v0 =	vld [tilespmem:s31+$0x460]  }
.LBB2_8:
0x12c: {  	_ =	sdelay $0x1  }
0x12d: {  	[tilespmem:s11+$0x0] =	vst.add.f32.msk $0xffff, v1  }
0x12e: {  	s4 =	sor.u32 $0x410, s2;
	v1 =	vld [tilespmem:s5+$0x410]  }
0x12f: {  	s1 =	rddreg [dreg:$0xb];
	s10 =	sadd.s32 $0x200, s10;
	[tilespmem:s4+$0x0] =	vst.add.f32.msk $0xffff, v2  }
0x130: {  	s3 =	rddreg [dreg:$0xc];
	s15 =	sadd.s32 $0x100, s15;
	s1 =	sadd.s32 s10, s1;
	v2 =	vld [tilespmem:s0+$0x420]  }
0x131: {  	s3 =	sadd.s32 s15, s3;
	s25 =	sand.u32 $0xFFFFF800, s1;
	s1 =	sadd.s32 $0x100, s1;
	[tilespmem:s9+$0x0] =	vst.add.f32.msk $0xffff, v0  }
0x132: {  	s26 =	sadd.s32 $0xFFFFFF80, s3;
	s3 =	sand.u32 $0x380, s3;
	s1 =	sand.u32 $0xFFFFF800, s1;
	v0 =	vld [tilespmem:s31+$0x470]  }
0x133: {  	s9 =	sand.u32 $0x380, s26;
	s1 =	sor.u32 s3, s1;
	[tilespmem:s14+$0x0] =	vst.add.f32.msk $0xffff, v1  }
0x134: {  	s11 =	sor.u32 $0x420, s2;
	s29 =	sor.u32 s9, s25;
	v1 =	vld [tilespmem:s1+$0x0]  }
0x135: {  	s31 =	smov.u32 s5;
	s5 =	smov.u32 s29;
	[tilespmem:s11+$0x0] =	vst.add.f32.msk $0xffff, v2  }
0x136: {  	s14 =	sand.u32 $0x3800, s10;
	v3 =	vld [tilespmem:s5+$0x0]  }
0x137: {  	s16 =	sand.u32 $0x380, s15;
	s3 =	sadd.s32 $0x10800, s14;
	v2 =	vld [tilespmem:s0+$0x430]  }
0x138: {  	s28 =	sadd.s32 $0xFFFFFF80, s15;
	v4 =	vld [tilespmem:s31+$0x420];
	s4 =	sor.u32 s16, s3  }
0x139: {  	s30 =	sand.u32 $0x300, s28;
	[tilespmem:s4+$0x0] =	vst.add.f32.msk $0xffff, v1  }
0x13a: {  	s26 =	sor.u32 s30, s3;
	v1 =	vld [tilespmem:s1+$0x10]  }
0x13b: {  	s17 =	sor.u32 $0x430, s2;
	[tilespmem:s26+$0x0] =	vst.add.f32.msk $0xffff, v3  }
0x13c: {  	[tilespmem:s17+$0x0] =	vst.add.f32.msk $0xffff, v2  }
0x13d: {  	v3 =	vld [tilespmem:s5+$0x10]  }
0x13e: {  	v2 =	vld [tilespmem:s0+$0x440]  }
0x13f: {  	s16 =	sor.u32 $0x10, s4  }
0x140: {  	[tilespmem:s16+$0x0] =	vst.add.f32.msk $0xffff, v1  }
0x141: {  	s29 =	sor.u32 $0x10, s26;
	v1 =	vld [tilespmem:s1+$0x20]  }
0x142: {  	s16 =	sor.u32 $0x440, s2;
	[tilespmem:s29+$0x0] =	vst.add.f32.msk $0xffff, v3  }
0x143: {  	[tilespmem:s16+$0x0] =	vst.add.f32.msk $0xffff, v2  }
0x144: {  	v3 =	vld [tilespmem:s5+$0x20]  }
0x145: {  	v2 =	vld [tilespmem:s0+$0x450]  }
0x146: {  	s29 =	sor.u32 $0x20, s4  }
0x147: {  	[tilespmem:s29+$0x0] =	vst.add.f32.msk $0xffff, v1  }
0x148: {  	s28 =	sor.u32 $0x20, s26;
	v1 =	vld [tilespmem:s1+$0x30]  }
0x149: {  	s29 =	sor.u32 $0x450, s2;
	[tilespmem:s28+$0x0] =	vst.add.f32.msk $0xffff, v3  }
0x14a: {  	[tilespmem:s29+$0x0] =	vst.add.f32.msk $0xffff, v2  }
0x14b: {  	v3 =	vld [tilespmem:s5+$0x30]  }
0x14c: {  	v2 =	vld [tilespmem:s0+$0x460]  }
0x14d: {  	s29 =	sor.u32 $0x30, s4  }
0x14e: {  	[tilespmem:s29+$0x0] =	vst.add.f32.msk $0xffff, v1  }
0x14f: {  	s25 =	sor.u32 $0x30, s26;
	v1 =	vld [tilespmem:s1+$0x40]  }
0x150: {  	s28 =	sor.u32 $0x460, s2;
	[tilespmem:s25+$0x0] =	vst.add.f32.msk $0xffff, v3  }
0x151: {  	[tilespmem:s28+$0x0] =	vst.add.f32.msk $0xffff, v2  }
0x152: {  	v3 =	vld [tilespmem:s5+$0x40]  }
0x153: {  	v2 =	vld [tilespmem:s0+$0x470]  }
0x154: {  	s29 =	sor.u32 $0x40, s4;
	[tilespmem:s20+$0x0] =	vst.add.f32.msk $0xffff, v4  }
0x155: {  	s0 =	smov.u32 s1;
	[tilespmem:s29+$0x0] =	vst.add.f32.msk $0xffff, v1  }
0x156: {  	s24 =	sor.u32 $0x40, s26;
	v1 =	vld [tilespmem:s0+$0x50]  }
0x157: {  	s16 =	sor.u32 $0x470, s2;
	[tilespmem:s24+$0x0] =	vst.add.f32.msk $0xffff, v3  }
0x158: {  	[tilespmem:s16+$0x0] =	vst.add.f32.msk $0xffff, v2  }
0x159: {  	v2 =	vld [tilespmem:s5+$0x50]  }
0x15a: {  	s2 =	smov.u32 s4;
	v3 =	vld [tilespmem:s31+$0x430]  }
0x15b: {  	s25 =	sor.u32 $0x50, s2;
	[tilespmem:s23+$0x0] =	vst.add.f32.msk $0xffff, v0  }
0x15c: {  	s9 =	smov.u32 s13;
	[tilespmem:s25+$0x0] =	vst.add.f32.msk $0xffff, v1  }
0x15d: {  	s21 =	sor.u32 $0x50, s26;
	s18 =	sor.u32 $0x60, s26;
	s19 =	sor.u32 $0x70, s26;
	v1 =	vld [tilespmem:s0+$0x60]  }
0x15e: {  	s11 =	sor.u32 $0x400, s26;
	s14 =	sor.u32 $0x410, s26;
	s30 =	sor.u32 $0x420, s26;
	[tilespmem:s21+$0x0] =	vst.add.f32.msk $0xffff, v2  }
0x15f: {  	s3 =	sor.u32 $0x430, s26;
	s13 =	sor.u32 $0x460, s26;
	[dreg:$0x10] =	wrdreg s19;
	v0 =	vld [tilespmem:s5+$0x60]  }
0x160: {  	s19 =	sor.u32 $0x440, s26;
	s17 =	sor.u32 $0x450, s26;
	s26 =	sor.u32 $0x470, s26;
	[tilespmem:s12+$0x0] =	vst.add.f32.msk $0xffff, v3  }
0x161: {  	s23 =	smov.u32 s6;
	s6 =	smov.u32 s26;
	s26 =	sor.u32 $0x60, s2;
	v2 =	vld [tilespmem:s31+$0x440]  }
0x162: {  	[tilespmem:s26+$0x0] =	vst.add.f32.msk $0xffff, v1  }
0x163: {  	v1 =	vld [tilespmem:s0+$0x70]  }
0x164: {  	[tilespmem:s18+$0x0] =	vst.add.f32.msk $0xffff, v0  }
0x165: {  	v0 =	vld [tilespmem:s5+$0x70]  }
0x166: {  	[tilespmem:s8+$0x0] =	vst.add.f32.msk $0xffff, v2  }
0x167: {  	s28 =	sor.u32 $0x70, s2;
	v4 =	vld [tilespmem:s31+$0x450]  }
0x168: {  	[tilespmem:s28+$0x0] =	vst.add.f32.msk $0xffff, v1  }
0x169: {  	s22 =	sadd.s32 $0x2, s22;
	s29 =	rddreg [dreg:$0x10];
	v3 =	vld [tilespmem:s0+$0x400]  }
0x16a: {  	p0 =	slt.u32 s22, $0x26;
	[tilespmem:s29+$0x0] =	vst.add.f32.msk $0xffff, v0  }
.Ltmp8:
0x16b: {  	v1 =	vld [tilespmem:s5+$0x400];
	(pc) =	sbr.rel @p0 .LBB2_8-.Ltmp8, $4  }
0x16c: {  	[tilespmem:s7+$0x0] =	vst.add.f32.msk $0xffff, v4  }
0x16d: {  	s20 =	smov.u32 s30;
	s30 =	sor.u32 $0x400, s2;
	v0 =	vld [tilespmem:s31+$0x460]  }
0x16e: {  	[tilespmem:s30+$0x0] =	vst.add.f32.msk $0xffff, v3  }
0x16f: {  	s12 =	smov.u32 s3;
	s8 =	smov.u32 s19;
	s7 =	smov.u32 s17;
	v2 =	vld [tilespmem:s0+$0x410]  }
0x170: {  	[tilespmem:s11+$0x0] =	vst.add.f32.msk $0xffff, v1  }
0x171: {  	v1 =	vld [tilespmem:s5+$0x410];
	_ =	sdelay $0x1  }
0x172: {  	s1 =	sor.u32 $0x410, s2  }
0x173: {  	[tilespmem:s1+$0x0] =	vst.add.f32.msk $0xffff, v2  }
0x174: {  	v2 =	vld [tilespmem:s0+$0x420]  }
0x175: {  	[tilespmem:s14+$0x0] =	vst.add.f32.msk $0xffff, v1  }
0x176: {  	v1 =	vld [tilespmem:s5+$0x420];
	_ =	sdelay $0x1  }
0x177: {  	s21 =	sor.u32 $0x420, s2  }
0x178: {  	[tilespmem:s21+$0x0] =	vst.add.f32.msk $0xffff, v2  }
0x179: {  	v2 =	vld [tilespmem:s0+$0x430]  }
0x17a: {  	[tilespmem:s20+$0x0] =	vst.add.f32.msk $0xffff, v1  }
0x17b: {  	v1 =	vld [tilespmem:s5+$0x430];
	_ =	sdelay $0x1  }
0x17c: {  	s22 =	sor.u32 $0x430, s2  }
0x17d: {  	[tilespmem:s22+$0x0] =	vst.add.f32.msk $0xffff, v2  }
0x17e: {  	v2 =	vld [tilespmem:s0+$0x440]  }
0x17f: {  	[tilespmem:s12+$0x0] =	vst.add.f32.msk $0xffff, v1  }
0x180: {  	v1 =	vld [tilespmem:s5+$0x440];
	_ =	sdelay $0x1  }
0x181: {  	s24 =	sor.u32 $0x440, s2  }
0x182: {  	[tilespmem:s24+$0x0] =	vst.add.f32.msk $0xffff, v2  }
0x183: {  	v2 =	vld [tilespmem:s0+$0x450]  }
0x184: {  	[tilespmem:s8+$0x0] =	vst.add.f32.msk $0xffff, v1  }
0x185: {  	v1 =	vld [tilespmem:s5+$0x450];
	_ =	sdelay $0x1  }
0x186: {  	s25 =	sor.u32 $0x450, s2  }
0x187: {  	[tilespmem:s25+$0x0] =	vst.add.f32.msk $0xffff, v2  }
0x188: {  	v2 =	vld [tilespmem:s0+$0x460]  }
0x189: {  	[tilespmem:s7+$0x0] =	vst.add.f32.msk $0xffff, v1  }
0x18a: {  	v1 =	vld [tilespmem:s5+$0x460];
	_ =	sdelay $0x1  }
0x18b: {  	[tilespmem:s9+$0x0] =	vst.add.f32.msk $0xffff, v0  }
0x18c: {  	s26 =	sor.u32 $0x460, s2;
	v0 =	vld [tilespmem:s31+$0x470]  }
0x18d: {  	[tilespmem:s26+$0x0] =	vst.add.f32.msk $0xffff, v2  }
0x18e: {  	[tilespmem:s13+$0x0] =	vst.add.f32.msk $0xffff, v1  }
0x18f: {  	v2 =	vld [tilespmem:s0+$0x470];
	s24 =	rddreg [dreg:$0x1b]  }
0x190: {  	v1 =	vld [tilespmem:s5+$0x470];
	s28 =	smul.u32 $0x28, s24  }
0x191: {  	s22 =	rddreg [dreg:$0x17]  }
.Ltmp9:
0x192: {  	s0 =	sadd.s32 s22, s28;
	(pc) =	sbr.rel .LBB2_20-.Ltmp9, $4  }
0x193: {  	s29 =	sor.u32 $0x470, s2;
	[tilespmem:s23+$0x0] =	vst.add.f32.msk $0xffff, v0;
	s0 =	sshll.u32 s0, $0x5  }
0x194: {  	s30 =	rddreg [dreg:$0x3];
	[tilespmem:s29+$0x0] =	vst.add.f32.msk $0xffff, v2;
	s0 =	sand.u32 $0xFFFFF00, s0  }
0x195: {  	s31 =	simm.s32 $0x10800;
	s21 =	simm.s32 $0x0;
	[tilespmem:s6+$0x0] =	vst.add.f32.msk $0xffff, v1;
	s0 =	sadd.s32 s30, s0  }
0x196: {  	[hbm4b:s0+s21] =	stream.linear.scatter [tilespmem:s31], [sflag:$0x5], $0x2800, $0x38;
	[tilespmem:$0x1A800] =	vst v63  }
.LBB2_16:
0x197: {  	p1 =	seq.s32 s0, $0x2  }
.Ltmp10:
0x198: {  	_ = 	snop;
	(pc) =	sbr.rel @!p1 .LBB2_17-.Ltmp10, $2  }
0x199: {  	_ =	sdelay $0x2  }
0x19a: {  	p0 =	slt.u32 s24, $0x2;
	s0 =	sadd.s32 $0x2, s24  }
0x19b: {  	s1 =	simm.s32 $0x3  }
0x19c: {  	_ =	swait.ge [sflag:s1], $0x2800  }
0x19d: {  	p1 =	sge.s32 s0, s2;
	s15 =	sshll.u32 s3, $0x7;
	[sflag:s1] =	ssyncset.done $0x0  }
0x19e: {  	s16 =	sshll.u32 s3, $0x8;
	[sflag:s1] =	ssyncadd.s32 $0xFFFFD800;
	s1 =	simm.s32 @!p0 $0x5  }
0x19f: {  	s0 =	smul.u32 @!p1 $0x28, s0;
	_ =	swait.ge @!p0 [sflag:s1], $0x2800;
	[dreg:$0x8] =	wrdreg s15  }
0x1a0: {  	s2 =	simm.s32 @!p1 $0x0;
	s3 =	simm.s32 @!p1 $0x10800;
	[dreg:$0x7] =	wrdreg s16  }
0x1a1: {  	s0 =	sadd.s32 @!p1 s22, s0;
	[sflag:s1] =	ssyncset.done @!p0 $0x0;
	s17 =	rddreg [dreg:$0x7]  }
0x1a2: {  	s0 =	sshll.u32 @!p1 s0, $0x5;
	s4 =	rddreg [dreg:$0x8];
	[sflag:s1] =	ssyncadd.s32 @!p0 $0xFFFFD800  }
0x1a3: {  	s0 =	sand.u32 @!p1 $0xFFFFF00, s0;
	s18 =	sadd.s32 $0x0, s17;
	s1 =	rddreg [dreg:$0x0]  }
0x1a4: {  	s19 =	sadd.s32 $0x80, s4;
	s20 =	sadd.s32 $0x100, s18;
	s0 =	sadd.s32 @!p1 s1, s0  }
0x1a5: {  	[tilespmem:s3], [sflag:$0x1] =	stream.linear.gather @!p1 [hbm4b:s0+s2], $0x2800, $0x38;
	[tilespmem:$0x1A800] =	vst v63  }
0x1a6: {  	s21 =	sand.u32 $0x380, s19;
	s2 =	sand.u32 $0xFFFFF800, s20  }
0x1a7: {  	s7 =	sor.u32 s21, s2  }
0x1a8: {  	v0 =	vld [tilespmem:s7+$0x0]  }
0x1a9: {  	s23 =	simm.s32 $0x80;
	s22 =	simm.s32 $0x0;
	s1 =	sadd.s32 $0xFFFFFF80, s19  }
0x1aa: {  	s0 =	sand.u32 $0xFFFFF800, s18;
	s1 =	sand.u32 $0x380, s1;
	s2 =	sand.u32 $0x3800, s22  }
0x1ab: {  	s3 =	sand.u32 $0x380, s23;
	s31 =	sor.u32 s1, s0;
	s2 =	sadd.s32 $0x15800, s2  }
0x1ac: {  	v1 =	vld [tilespmem:s31+$0x0];
	s8 =	sor.u32 s3, s2  }
0x1ad: {  	[tilespmem:s8+$0x0] =	vst.add.f32.msk $0xffff, v0  }
0x1ae: {  	s24 =	simm.s32 $0x0;
	v0 =	vld [tilespmem:s7+$0x10]  }
0x1af: {  	s0 =	sand.u32 $0x300, s24  }
0x1b0: {  	s6 =	sor.u32 s0, s2  }
0x1b1: {  	[tilespmem:s6+$0x0] =	vst.add.f32.msk $0xffff, v1  }
0x1b2: {  	s25 =	sor.u32 $0x10, s8;
	v1 =	vld [tilespmem:s31+$0x10]  }
0x1b3: {  	[tilespmem:s25+$0x0] =	vst.add.f32.msk $0xffff, v0  }
0x1b4: {  	v0 =	vld [tilespmem:s7+$0x20];
	_ =	sdelay $0x1  }
0x1b5: {  	s28 =	sor.u32 $0x10, s6  }
0x1b6: {  	[tilespmem:s28+$0x0] =	vst.add.f32.msk $0xffff, v1  }
0x1b7: {  	s26 =	sor.u32 $0x20, s8;
	v1 =	vld [tilespmem:s31+$0x20]  }
0x1b8: {  	[tilespmem:s26+$0x0] =	vst.add.f32.msk $0xffff, v0  }
0x1b9: {  	v0 =	vld [tilespmem:s7+$0x30];
	_ =	sdelay $0x1  }
0x1ba: {  	s30 =	sor.u32 $0x20, s6  }
0x1bb: {  	[tilespmem:s30+$0x0] =	vst.add.f32.msk $0xffff, v1  }
0x1bc: {  	s29 =	sor.u32 $0x30, s8;
	v1 =	vld [tilespmem:s31+$0x30]  }
0x1bd: {  	[tilespmem:s29+$0x0] =	vst.add.f32.msk $0xffff, v0  }
0x1be: {  	v0 =	vld [tilespmem:s7+$0x40];
	_ =	sdelay $0x1  }
0x1bf: {  	s2 =	sor.u32 $0x30, s6  }
0x1c0: {  	[tilespmem:s2+$0x0] =	vst.add.f32.msk $0xffff, v1  }
0x1c1: {  	s1 =	sor.u32 $0x40, s8;
	v1 =	vld [tilespmem:s31+$0x40]  }
0x1c2: {  	[tilespmem:s1+$0x0] =	vst.add.f32.msk $0xffff, v0  }
0x1c3: {  	v0 =	vld [tilespmem:s7+$0x50];
	_ =	sdelay $0x1  }
0x1c4: {  	s4 =	sor.u32 $0x40, s6  }
0x1c5: {  	[tilespmem:s4+$0x0] =	vst.add.f32.msk $0xffff, v1  }
0x1c6: {  	s3 =	sor.u32 $0x50, s8;
	v1 =	vld [tilespmem:s31+$0x50]  }
0x1c7: {  	[tilespmem:s3+$0x0] =	vst.add.f32.msk $0xffff, v0  }
0x1c8: {  	v0 =	vld [tilespmem:s7+$0x60];
	_ =	sdelay $0x1  }
0x1c9: {  	s9 =	sor.u32 $0x50, s6  }
0x1ca: {  	[tilespmem:s9+$0x0] =	vst.add.f32.msk $0xffff, v1  }
0x1cb: {  	s5 =	sor.u32 $0x60, s8;
	v1 =	vld [tilespmem:s31+$0x60]  }
0x1cc: {  	[tilespmem:s5+$0x0] =	vst.add.f32.msk $0xffff, v0  }
0x1cd: {  	v0 =	vld [tilespmem:s7+$0x70];
	_ =	sdelay $0x1  }
0x1ce: {  	s11 =	sor.u32 $0x60, s6  }
0x1cf: {  	s14 =	rddreg [dreg:$0x7];
	[tilespmem:s11+$0x0] =	vst.add.f32.msk $0xffff, v1  }
0x1d0: {  	s15 =	rddreg [dreg:$0x8];
	s18 =	sadd.s32 $0x200, s14;
	s10 =	sor.u32 $0x70, s8;
	v1 =	vld [tilespmem:s31+$0x70]  }
0x1d1: {  	s0 =	sadd.s32 $0x100, s18;
	s1 =	sadd.s32 $0x180, s15;
	[tilespmem:s10+$0x0] =	vst.add.f32.msk $0xffff, v0  }
0x1d2: {  	s0 =	sand.u32 $0xFFFFF800, s0;
	s19 =	sand.u32 $0x380, s1;
	v0 =	vld [tilespmem:s7+$0x400]  }
0x1d3: {  	s0 =	sor.u32 s19, s0  }
0x1d4: {  	s13 =	sor.u32 $0x70, s6;
	v2 =	vld [tilespmem:s0+$0x0]  }
0x1d5: {  	[tilespmem:s13+$0x0] =	vst.add.f32.msk $0xffff, v1;
	s10 =	simm.s32 $0x200  }
0x1d6: {  	s12 =	sor.u32 $0x400, s8;
	s15 =	simm.s32 $0x180;
	v1 =	vld [tilespmem:s31+$0x400];
	s22 =	sand.u32 $0x3800, s10  }
0x1d7: {  	s24 =	sand.u32 $0x380, s15;
	s23 =	sadd.s32 $0x15800, s22;
	[tilespmem:s12+$0x0] =	vst.add.f32.msk $0xffff, v0  }
0x1d8: {  	s2 =	sor.u32 s24, s23;
	v0 =	vld [tilespmem:s7+$0x410]  }
0x1d9: {  	[tilespmem:s2+$0x0] =	vst.add.f32.msk $0xffff, v2  }
0x1da: {  	s17 =	sor.u32 $0x400, s6;
	v2 =	vld [tilespmem:s0+$0x10]  }
0x1db: {  	[tilespmem:s17+$0x0] =	vst.add.f32.msk $0xffff, v1  }
0x1dc: {  	s16 =	sor.u32 $0x410, s8;
	v1 =	vld [tilespmem:s31+$0x410]  }
0x1dd: {  	[tilespmem:s16+$0x0] =	vst.add.f32.msk $0xffff, v0  }
0x1de: {  	s28 =	sor.u32 $0x10, s2;
	v0 =	vld [tilespmem:s7+$0x420]  }
0x1df: {  	s1 =	sadd.s32 $0xFFFFFF80, s1;
	[tilespmem:s28+$0x0] =	vst.add.f32.msk $0xffff, v2  }
0x1e0: {  	s20 =	sor.u32 $0x410, s6;
	s1 =	sand.u32 $0x380, s1;
	s3 =	sand.u32 $0xFFFFF800, s18;
	v2 =	vld [tilespmem:s0+$0x20]  }
0x1e1: {  	s5 =	sor.u32 s1, s3;
	[tilespmem:s20+$0x0] =	vst.add.f32.msk $0xffff, v1  }
0x1e2: {  	s21 =	sor.u32 $0x420, s8;
	v1 =	vld [tilespmem:s5+$0x0]  }
0x1e3: {  	[tilespmem:s21+$0x0] =	vst.add.f32.msk $0xffff, v0  }
0x1e4: {  	s25 =	simm.s32 $0x100;
	v0 =	vld [tilespmem:s7+$0x430]  }
0x1e5: {  	s3 =	sand.u32 $0x300, s25;
	s4 =	sor.u32 $0x20, s2;
	v3 =	vld [tilespmem:s31+$0x420]  }
0x1e6: {  	s1 =	sor.u32 s3, s23;
	[tilespmem:s4+$0x0] =	vst.add.f32.msk $0xffff, v2  }
0x1e7: {  	[tilespmem:s1+$0x0] =	vst.add.f32.msk $0xffff, v1  }
0x1e8: {  	s26 =	sor.u32 $0x430, s8;
	v1 =	vld [tilespmem:s5+$0x10]  }
0x1e9: {  	[tilespmem:s26+$0x0] =	vst.add.f32.msk $0xffff, v0  }
0x1ea: {  	v0 =	vld [tilespmem:s7+$0x440]  }
0x1eb: {  	s20 =	sor.u32 $0x420, s6;
	v2 =	vld [tilespmem:s0+$0x30]  }
0x1ec: {  	s30 =	sor.u32 $0x10, s1;
	[tilespmem:s20+$0x0] =	vst.add.f32.msk $0xffff, v3  }
0x1ed: {  	[tilespmem:s30+$0x0] =	vst.add.f32.msk $0xffff, v1  }
0x1ee: {  	s29 =	sor.u32 $0x440, s8;
	v1 =	vld [tilespmem:s5+$0x20]  }
0x1ef: {  	[tilespmem:s29+$0x0] =	vst.add.f32.msk $0xffff, v0  }
0x1f0: {  	s12 =	sor.u32 $0x30, s2;
	v0 =	vld [tilespmem:s7+$0x450]  }
0x1f1: {  	[tilespmem:s12+$0x0] =	vst.add.f32.msk $0xffff, v2  }
0x1f2: {  	s11 =	sor.u32 $0x20, s1;
	v2 =	vld [tilespmem:s0+$0x40]  }
0x1f3: {  	[tilespmem:s11+$0x0] =	vst.add.f32.msk $0xffff, v1  }
0x1f4: {  	s9 =	sor.u32 $0x450, s8;
	v1 =	vld [tilespmem:s5+$0x30]  }
0x1f5: {  	[tilespmem:s9+$0x0] =	vst.add.f32.msk $0xffff, v0  }
0x1f6: {  	s16 =	sor.u32 $0x40, s2;
	v0 =	vld [tilespmem:s7+$0x460]  }
0x1f7: {  	[tilespmem:s16+$0x0] =	vst.add.f32.msk $0xffff, v2  }
0x1f8: {  	s14 =	sor.u32 $0x30, s1;
	v2 =	vld [tilespmem:s0+$0x50]  }
0x1f9: {  	[tilespmem:s14+$0x0] =	vst.add.f32.msk $0xffff, v1  }
0x1fa: {  	s13 =	sor.u32 $0x460, s8;
	v1 =	vld [tilespmem:s5+$0x40]  }
0x1fb: {  	[tilespmem:s13+$0x0] =	vst.add.f32.msk $0xffff, v0  }
0x1fc: {  	s19 =	sor.u32 $0x50, s2;
	v0 =	vld [tilespmem:s7+$0x470]  }
0x1fd: {  	[tilespmem:s19+$0x0] =	vst.add.f32.msk $0xffff, v2  }
0x1fe: {  	s18 =	sor.u32 $0x40, s1;
	v2 =	vld [tilespmem:s31+$0x430]  }
0x1ff: {  	[tilespmem:s18+$0x0] =	vst.add.f32.msk $0xffff, v1  }
0x200: {  	s17 =	sor.u32 $0x470, s8;
	v1 =	vld [tilespmem:s0+$0x60]  }
0x201: {  	[tilespmem:s17+$0x0] =	vst.add.f32.msk $0xffff, v0  }
0x202: {  	s23 =	sor.u32 $0x430, s6;
	v0 =	vld [tilespmem:s5+$0x50]  }
0x203: {  	[tilespmem:s23+$0x0] =	vst.add.f32.msk $0xffff, v2  }
0x204: {  	s22 =	sor.u32 $0x60, s2;
	v2 =	vld [tilespmem:s31+$0x440]  }
0x205: {  	[tilespmem:s22+$0x0] =	vst.add.f32.msk $0xffff, v1  }
0x206: {  	s21 =	sor.u32 $0x50, s1;
	v1 =	vld [tilespmem:s0+$0x70]  }
0x207: {  	[tilespmem:s21+$0x0] =	vst.add.f32.msk $0xffff, v0  }
0x208: {  	s26 =	sor.u32 $0x440, s6;
	v0 =	vld [tilespmem:s5+$0x60]  }
0x209: {  	[tilespmem:s26+$0x0] =	vst.add.f32.msk $0xffff, v2  }
0x20a: {  	s25 =	sor.u32 $0x70, s2;
	v4 =	vld [tilespmem:s31+$0x450]  }
0x20b: {  	[tilespmem:s25+$0x0] =	vst.add.f32.msk $0xffff, v1  }
0x20c: {  	s24 =	sor.u32 $0x60, s1;
	v3 =	vld [tilespmem:s0+$0x400]  }
0x20d: {  	[tilespmem:s24+$0x0] =	vst.add.f32.msk $0xffff, v0  }
0x20e: {  	v0 =	vld [tilespmem:s5+$0x70];
	_ =	sdelay $0x1  }
0x20f: {  	s30 =	sor.u32 $0x450, s6  }
0x210: {  	s29 =	sor.u32 $0x400, s2;
	[tilespmem:s30+$0x0] =	vst.add.f32.msk $0xffff, v4  }
0x211: {  	s28 =	sor.u32 $0x70, s1;
	[tilespmem:s29+$0x0] =	vst.add.f32.msk $0xffff, v3  }
0x212: {  	s8 =	sor.u32 $0x440, s1;
	s20 =	sor.u32 $0x420, s1;
	[tilespmem:s28+$0x0] =	vst.add.f32.msk $0xffff, v0  }
0x213: {  	s12 =	sor.u32 $0x430, s1;
	s11 =	sor.u32 $0x400, s1;
	s14 =	sor.u32 $0x410, s1;
	v1 =	vld [tilespmem:s5+$0x400]  }
0x214: {  	s9 =	sor.u32 $0x460, s6;
	s23 =	sor.u32 $0x470, s6;
	s6 =	sor.u32 $0x470, s1;
	v2 =	vld [tilespmem:s0+$0x410]  }
0x215: {  	s13 =	sor.u32 $0x460, s1;
	s7 =	sor.u32 $0x450, s1;
	s22 =	simm.s32 $0x2;
	v0 =	vld [tilespmem:s31+$0x460]  }
.LBB2_14:
0x216: {  	_ =	sdelay $0x1  }
0x217: {  	[tilespmem:s11+$0x0] =	vst.add.f32.msk $0xffff, v1  }
0x218: {  	s4 =	sor.u32 $0x410, s2;
	v1 =	vld [tilespmem:s5+$0x410]  }
0x219: {  	s1 =	rddreg [dreg:$0x7];
	s10 =	sadd.s32 $0x200, s10;
	[tilespmem:s4+$0x0] =	vst.add.f32.msk $0xffff, v2  }
0x21a: {  	s3 =	rddreg [dreg:$0x8];
	s15 =	sadd.s32 $0x100, s15;
	s1 =	sadd.s32 s10, s1;
	v2 =	vld [tilespmem:s0+$0x420]  }
0x21b: {  	s3 =	sadd.s32 s15, s3;
	s25 =	sand.u32 $0xFFFFF800, s1;
	s1 =	sadd.s32 $0x100, s1;
	[tilespmem:s9+$0x0] =	vst.add.f32.msk $0xffff, v0  }
0x21c: {  	s26 =	sadd.s32 $0xFFFFFF80, s3;
	s3 =	sand.u32 $0x380, s3;
	s1 =	sand.u32 $0xFFFFF800, s1;
	v0 =	vld [tilespmem:s31+$0x470]  }
0x21d: {  	s9 =	sand.u32 $0x380, s26;
	s1 =	sor.u32 s3, s1;
	[tilespmem:s14+$0x0] =	vst.add.f32.msk $0xffff, v1  }
0x21e: {  	s11 =	sor.u32 $0x420, s2;
	s29 =	sor.u32 s9, s25;
	v1 =	vld [tilespmem:s1+$0x0]  }
0x21f: {  	s31 =	smov.u32 s5;
	s5 =	smov.u32 s29;
	[tilespmem:s11+$0x0] =	vst.add.f32.msk $0xffff, v2  }
0x220: {  	s14 =	sand.u32 $0x3800, s10;
	v3 =	vld [tilespmem:s5+$0x0]  }
0x221: {  	s16 =	sand.u32 $0x380, s15;
	s3 =	sadd.s32 $0x15800, s14;
	v2 =	vld [tilespmem:s0+$0x430]  }
0x222: {  	s28 =	sadd.s32 $0xFFFFFF80, s15;
	v4 =	vld [tilespmem:s31+$0x420];
	s4 =	sor.u32 s16, s3  }
0x223: {  	s30 =	sand.u32 $0x300, s28;
	[tilespmem:s4+$0x0] =	vst.add.f32.msk $0xffff, v1  }
0x224: {  	s26 =	sor.u32 s30, s3;
	v1 =	vld [tilespmem:s1+$0x10]  }
0x225: {  	s17 =	sor.u32 $0x430, s2;
	[tilespmem:s26+$0x0] =	vst.add.f32.msk $0xffff, v3  }
0x226: {  	[tilespmem:s17+$0x0] =	vst.add.f32.msk $0xffff, v2  }
0x227: {  	v3 =	vld [tilespmem:s5+$0x10]  }
0x228: {  	v2 =	vld [tilespmem:s0+$0x440]  }
0x229: {  	s16 =	sor.u32 $0x10, s4  }
0x22a: {  	[tilespmem:s16+$0x0] =	vst.add.f32.msk $0xffff, v1  }
0x22b: {  	s28 =	sor.u32 $0x10, s26;
	v1 =	vld [tilespmem:s1+$0x20]  }
0x22c: {  	s16 =	sor.u32 $0x440, s2;
	[tilespmem:s28+$0x0] =	vst.add.f32.msk $0xffff, v3  }
0x22d: {  	[tilespmem:s16+$0x0] =	vst.add.f32.msk $0xffff, v2  }
0x22e: {  	v3 =	vld [tilespmem:s5+$0x20]  }
0x22f: {  	v2 =	vld [tilespmem:s0+$0x450]  }
0x230: {  	s28 =	sor.u32 $0x20, s4  }
0x231: {  	[tilespmem:s28+$0x0] =	vst.add.f32.msk $0xffff, v1  }
0x232: {  	s29 =	sor.u32 $0x20, s26;
	v1 =	vld [tilespmem:s1+$0x30]  }
0x233: {  	s28 =	sor.u32 $0x450, s2;
	[tilespmem:s29+$0x0] =	vst.add.f32.msk $0xffff, v3  }
0x234: {  	[tilespmem:s28+$0x0] =	vst.add.f32.msk $0xffff, v2  }
0x235: {  	v3 =	vld [tilespmem:s5+$0x30]  }
0x236: {  	v2 =	vld [tilespmem:s0+$0x460]  }
0x237: {  	s29 =	sor.u32 $0x30, s4  }
0x238: {  	[tilespmem:s29+$0x0] =	vst.add.f32.msk $0xffff, v1  }
0x239: {  	s25 =	sor.u32 $0x30, s26;
	v1 =	vld [tilespmem:s1+$0x40]  }
0x23a: {  	s28 =	sor.u32 $0x460, s2;
	[tilespmem:s25+$0x0] =	vst.add.f32.msk $0xffff, v3  }
0x23b: {  	[tilespmem:s28+$0x0] =	vst.add.f32.msk $0xffff, v2  }
0x23c: {  	v3 =	vld [tilespmem:s5+$0x40]  }
0x23d: {  	v2 =	vld [tilespmem:s0+$0x470]  }
0x23e: {  	s29 =	sor.u32 $0x40, s4;
	[tilespmem:s20+$0x0] =	vst.add.f32.msk $0xffff, v4  }
0x23f: {  	s0 =	smov.u32 s1;
	[tilespmem:s29+$0x0] =	vst.add.f32.msk $0xffff, v1  }
0x240: {  	s24 =	sor.u32 $0x40, s26;
	v1 =	vld [tilespmem:s0+$0x50]  }
0x241: {  	s16 =	sor.u32 $0x470, s2;
	[tilespmem:s24+$0x0] =	vst.add.f32.msk $0xffff, v3  }
0x242: {  	[tilespmem:s16+$0x0] =	vst.add.f32.msk $0xffff, v2  }
0x243: {  	v2 =	vld [tilespmem:s5+$0x50]  }
0x244: {  	s2 =	smov.u32 s4;
	v3 =	vld [tilespmem:s31+$0x430]  }
0x245: {  	s25 =	sor.u32 $0x50, s2;
	[tilespmem:s23+$0x0] =	vst.add.f32.msk $0xffff, v0  }
0x246: {  	s9 =	smov.u32 s13;
	[tilespmem:s25+$0x0] =	vst.add.f32.msk $0xffff, v1  }
0x247: {  	s21 =	sor.u32 $0x50, s26;
	s18 =	sor.u32 $0x60, s26;
	s19 =	sor.u32 $0x70, s26;
	v1 =	vld [tilespmem:s0+$0x60]  }
0x248: {  	s11 =	sor.u32 $0x400, s26;
	s14 =	sor.u32 $0x410, s26;
	s30 =	sor.u32 $0x420, s26;
	[tilespmem:s21+$0x0] =	vst.add.f32.msk $0xffff, v2  }
0x249: {  	s3 =	sor.u32 $0x430, s26;
	s13 =	sor.u32 $0x460, s26;
	[dreg:$0xe] =	wrdreg s19;
	v0 =	vld [tilespmem:s5+$0x60]  }
0x24a: {  	s19 =	sor.u32 $0x440, s26;
	s17 =	sor.u32 $0x450, s26;
	s26 =	sor.u32 $0x470, s26;
	[tilespmem:s12+$0x0] =	vst.add.f32.msk $0xffff, v3  }
0x24b: {  	s23 =	smov.u32 s6;
	s6 =	smov.u32 s26;
	s26 =	sor.u32 $0x60, s2;
	v2 =	vld [tilespmem:s31+$0x440]  }
0x24c: {  	[tilespmem:s26+$0x0] =	vst.add.f32.msk $0xffff, v1  }
0x24d: {  	v1 =	vld [tilespmem:s0+$0x70]  }
0x24e: {  	[tilespmem:s18+$0x0] =	vst.add.f32.msk $0xffff, v0  }
0x24f: {  	v0 =	vld [tilespmem:s5+$0x70]  }
0x250: {  	[tilespmem:s8+$0x0] =	vst.add.f32.msk $0xffff, v2  }
0x251: {  	s28 =	sor.u32 $0x70, s2;
	v4 =	vld [tilespmem:s31+$0x450]  }
0x252: {  	[tilespmem:s28+$0x0] =	vst.add.f32.msk $0xffff, v1  }
0x253: {  	s22 =	sadd.s32 $0x2, s22;
	s29 =	rddreg [dreg:$0xe];
	v3 =	vld [tilespmem:s0+$0x400]  }
0x254: {  	p0 =	slt.u32 s22, $0x26;
	[tilespmem:s29+$0x0] =	vst.add.f32.msk $0xffff, v0  }
.Ltmp11:
0x255: {  	v1 =	vld [tilespmem:s5+$0x400];
	(pc) =	sbr.rel @p0 .LBB2_14-.Ltmp11, $4  }
0x256: {  	[tilespmem:s7+$0x0] =	vst.add.f32.msk $0xffff, v4  }
0x257: {  	s20 =	smov.u32 s30;
	s30 =	sor.u32 $0x400, s2;
	v0 =	vld [tilespmem:s31+$0x460]  }
0x258: {  	[tilespmem:s30+$0x0] =	vst.add.f32.msk $0xffff, v3  }
0x259: {  	s12 =	smov.u32 s3;
	s8 =	smov.u32 s19;
	s7 =	smov.u32 s17;
	v2 =	vld [tilespmem:s0+$0x410]  }
0x25a: {  	[tilespmem:s11+$0x0] =	vst.add.f32.msk $0xffff, v1  }
0x25b: {  	v1 =	vld [tilespmem:s5+$0x410];
	_ =	sdelay $0x1  }
0x25c: {  	s1 =	sor.u32 $0x410, s2  }
0x25d: {  	[tilespmem:s1+$0x0] =	vst.add.f32.msk $0xffff, v2  }
0x25e: {  	v2 =	vld [tilespmem:s0+$0x420]  }
0x25f: {  	[tilespmem:s14+$0x0] =	vst.add.f32.msk $0xffff, v1  }
0x260: {  	v1 =	vld [tilespmem:s5+$0x420];
	_ =	sdelay $0x1  }
0x261: {  	s21 =	sor.u32 $0x420, s2  }
0x262: {  	[tilespmem:s21+$0x0] =	vst.add.f32.msk $0xffff, v2  }
0x263: {  	v2 =	vld [tilespmem:s0+$0x430]  }
0x264: {  	[tilespmem:s20+$0x0] =	vst.add.f32.msk $0xffff, v1  }
0x265: {  	v1 =	vld [tilespmem:s5+$0x430];
	_ =	sdelay $0x1  }
0x266: {  	s22 =	sor.u32 $0x430, s2  }
0x267: {  	[tilespmem:s22+$0x0] =	vst.add.f32.msk $0xffff, v2  }
0x268: {  	v2 =	vld [tilespmem:s0+$0x440]  }
0x269: {  	[tilespmem:s12+$0x0] =	vst.add.f32.msk $0xffff, v1  }
0x26a: {  	v1 =	vld [tilespmem:s5+$0x440];
	_ =	sdelay $0x1  }
0x26b: {  	s24 =	sor.u32 $0x440, s2  }
0x26c: {  	[tilespmem:s24+$0x0] =	vst.add.f32.msk $0xffff, v2  }
0x26d: {  	v2 =	vld [tilespmem:s0+$0x450]  }
0x26e: {  	[tilespmem:s8+$0x0] =	vst.add.f32.msk $0xffff, v1  }
0x26f: {  	v1 =	vld [tilespmem:s5+$0x450];
	_ =	sdelay $0x1  }
0x270: {  	s25 =	sor.u32 $0x450, s2  }
0x271: {  	[tilespmem:s25+$0x0] =	vst.add.f32.msk $0xffff, v2  }
0x272: {  	v2 =	vld [tilespmem:s0+$0x460]  }
0x273: {  	[tilespmem:s7+$0x0] =	vst.add.f32.msk $0xffff, v1  }
0x274: {  	v1 =	vld [tilespmem:s5+$0x460];
	_ =	sdelay $0x1  }
0x275: {  	[tilespmem:s9+$0x0] =	vst.add.f32.msk $0xffff, v0  }
0x276: {  	s26 =	sor.u32 $0x460, s2;
	v0 =	vld [tilespmem:s31+$0x470]  }
0x277: {  	[tilespmem:s26+$0x0] =	vst.add.f32.msk $0xffff, v2  }
0x278: {  	[tilespmem:s13+$0x0] =	vst.add.f32.msk $0xffff, v1  }
0x279: {  	v2 =	vld [tilespmem:s0+$0x470];
	s24 =	rddreg [dreg:$0x1b]  }
0x27a: {  	v1 =	vld [tilespmem:s5+$0x470];
	s28 =	smul.u32 $0x28, s24  }
0x27b: {  	s22 =	rddreg [dreg:$0x17]  }
.Ltmp12:
0x27c: {  	s0 =	sadd.s32 s22, s28;
	(pc) =	sbr.rel .LBB2_20-.Ltmp12, $4  }
0x27d: {  	s29 =	sor.u32 $0x470, s2;
	[tilespmem:s23+$0x0] =	vst.add.f32.msk $0xffff, v0;
	s0 =	sshll.u32 s0, $0x5  }
0x27e: {  	s30 =	rddreg [dreg:$0x3];
	[tilespmem:s29+$0x0] =	vst.add.f32.msk $0xffff, v2;
	s0 =	sand.u32 $0xFFFFF00, s0  }
0x27f: {  	s31 =	simm.s32 $0x15800;
	s21 =	simm.s32 $0x0;
	[tilespmem:s6+$0x0] =	vst.add.f32.msk $0xffff, v1;
	s0 =	sadd.s32 s30, s0  }
0x280: {  	[hbm4b:s0+s21] =	stream.linear.scatter [tilespmem:s31], [sflag:$0x7], $0x2800, $0x38;
	[tilespmem:$0x1A800] =	vst v63  }
.LBB2_10:
0x281: {  	s1 =	simm.s32 $0x2  }
0x282: {  	s0 =	sadd.s32 $0x2, s24;
	p1 =	slt.u32 s24, $0x2;
	_ =	swait.ge [sflag:s1], $0x2800  }
0x283: {  	s15 =	sshll.u32 s3, $0x7;
	s16 =	sshll.u32 s3, $0x8;
	[sflag:s1] =	ssyncset.done $0x0  }
0x284: {  	p0 =	sge.s32 s0, s2;
	[sflag:s1] =	ssyncadd.s32 $0xFFFFD800;
	s1 =	simm.s32 @!p1 $0x8  }
0x285: {  	s0 =	smul.u32 @!p0 $0x28, s0;
	_ =	swait.ge @!p1 [sflag:s1], $0x2800;
	[dreg:$0xa] =	wrdreg s15  }
0x286: {  	s2 =	simm.s32 @!p0 $0x0;
	s3 =	simm.s32 @!p0 $0x18000;
	[dreg:$0x9] =	wrdreg s16  }
0x287: {  	s0 =	sadd.s32 @!p0 s22, s0;
	[sflag:s1] =	ssyncset.done @!p1 $0x0;
	s17 =	rddreg [dreg:$0x9]  }
0x288: {  	s0 =	sshll.u32 @!p0 s0, $0x5;
	s4 =	rddreg [dreg:$0xa];
	[sflag:s1] =	ssyncadd.s32 @!p1 $0xFFFFD800  }
0x289: {  	s0 =	sand.u32 @!p0 $0xFFFFF00, s0;
	s18 =	sadd.s32 $0x0, s17;
	s1 =	rddreg [dreg:$0x0]  }
0x28a: {  	s19 =	sadd.s32 $0x80, s4;
	s20 =	sadd.s32 $0x100, s18;
	s0 =	sadd.s32 @!p0 s1, s0  }
0x28b: {  	[tilespmem:s3], [sflag:$0x4] =	stream.linear.gather @!p0 [hbm4b:s0+s2], $0x2800, $0x38;
	[tilespmem:$0x1A800] =	vst v63  }
0x28c: {  	s21 =	sand.u32 $0x380, s19;
	s2 =	sand.u32 $0xFFFFF800, s20  }
0x28d: {  	s7 =	sor.u32 s21, s2  }
0x28e: {  	v0 =	vld [tilespmem:s7+$0x0]  }
0x28f: {  	s23 =	simm.s32 $0x80;
	s22 =	simm.s32 $0x0;
	s1 =	sadd.s32 $0xFFFFFF80, s19  }
0x290: {  	s0 =	sand.u32 $0xFFFFF800, s18;
	s1 =	sand.u32 $0x380, s1;
	s2 =	sand.u32 $0x3800, s22  }
0x291: {  	s3 =	sand.u32 $0x380, s23;
	s31 =	sor.u32 s1, s0;
	s2 =	sadd.s32 $0x13000, s2  }
0x292: {  	v1 =	vld [tilespmem:s31+$0x0];
	s8 =	sor.u32 s3, s2  }
0x293: {  	[tilespmem:s8+$0x0] =	vst.add.f32.msk $0xffff, v0  }
0x294: {  	s24 =	simm.s32 $0x0;
	v0 =	vld [tilespmem:s7+$0x10]  }
0x295: {  	s0 =	sand.u32 $0x300, s24  }
0x296: {  	s6 =	sor.u32 s0, s2  }
0x297: {  	[tilespmem:s6+$0x0] =	vst.add.f32.msk $0xffff, v1  }
0x298: {  	s25 =	sor.u32 $0x10, s8;
	v1 =	vld [tilespmem:s31+$0x10]  }
0x299: {  	[tilespmem:s25+$0x0] =	vst.add.f32.msk $0xffff, v0  }
0x29a: {  	v0 =	vld [tilespmem:s7+$0x20];
	_ =	sdelay $0x1  }
0x29b: {  	s28 =	sor.u32 $0x10, s6  }
0x29c: {  	[tilespmem:s28+$0x0] =	vst.add.f32.msk $0xffff, v1  }
0x29d: {  	s26 =	sor.u32 $0x20, s8;
	v1 =	vld [tilespmem:s31+$0x20]  }
0x29e: {  	[tilespmem:s26+$0x0] =	vst.add.f32.msk $0xffff, v0  }
0x29f: {  	v0 =	vld [tilespmem:s7+$0x30];
	_ =	sdelay $0x1  }
0x2a0: {  	s30 =	sor.u32 $0x20, s6  }
0x2a1: {  	[tilespmem:s30+$0x0] =	vst.add.f32.msk $0xffff, v1  }
0x2a2: {  	s29 =	sor.u32 $0x30, s8;
	v1 =	vld [tilespmem:s31+$0x30]  }
0x2a3: {  	[tilespmem:s29+$0x0] =	vst.add.f32.msk $0xffff, v0  }
0x2a4: {  	v0 =	vld [tilespmem:s7+$0x40];
	_ =	sdelay $0x1  }
0x2a5: {  	s2 =	sor.u32 $0x30, s6  }
0x2a6: {  	[tilespmem:s2+$0x0] =	vst.add.f32.msk $0xffff, v1  }
0x2a7: {  	s1 =	sor.u32 $0x40, s8;
	v1 =	vld [tilespmem:s31+$0x40]  }
0x2a8: {  	[tilespmem:s1+$0x0] =	vst.add.f32.msk $0xffff, v0  }
0x2a9: {  	v0 =	vld [tilespmem:s7+$0x50];
	_ =	sdelay $0x1  }
0x2aa: {  	s4 =	sor.u32 $0x40, s6  }
0x2ab: {  	[tilespmem:s4+$0x0] =	vst.add.f32.msk $0xffff, v1  }
0x2ac: {  	s3 =	sor.u32 $0x50, s8;
	v1 =	vld [tilespmem:s31+$0x50]  }
0x2ad: {  	[tilespmem:s3+$0x0] =	vst.add.f32.msk $0xffff, v0  }
0x2ae: {  	v0 =	vld [tilespmem:s7+$0x60];
	_ =	sdelay $0x1  }
0x2af: {  	s9 =	sor.u32 $0x50, s6  }
0x2b0: {  	[tilespmem:s9+$0x0] =	vst.add.f32.msk $0xffff, v1  }
0x2b1: {  	s5 =	sor.u32 $0x60, s8;
	v1 =	vld [tilespmem:s31+$0x60]  }
0x2b2: {  	[tilespmem:s5+$0x0] =	vst.add.f32.msk $0xffff, v0  }
0x2b3: {  	v0 =	vld [tilespmem:s7+$0x70];
	_ =	sdelay $0x1  }
0x2b4: {  	s11 =	sor.u32 $0x60, s6  }
0x2b5: {  	s14 =	rddreg [dreg:$0x9];
	[tilespmem:s11+$0x0] =	vst.add.f32.msk $0xffff, v1  }
0x2b6: {  	s15 =	rddreg [dreg:$0xa];
	s18 =	sadd.s32 $0x200, s14;
	s10 =	sor.u32 $0x70, s8;
	v1 =	vld [tilespmem:s31+$0x70]  }
0x2b7: {  	s0 =	sadd.s32 $0x100, s18;
	s1 =	sadd.s32 $0x180, s15;
	[tilespmem:s10+$0x0] =	vst.add.f32.msk $0xffff, v0  }
0x2b8: {  	s0 =	sand.u32 $0xFFFFF800, s0;
	s19 =	sand.u32 $0x380, s1;
	v0 =	vld [tilespmem:s7+$0x400]  }
0x2b9: {  	s0 =	sor.u32 s19, s0  }
0x2ba: {  	s13 =	sor.u32 $0x70, s6;
	v2 =	vld [tilespmem:s0+$0x0]  }
0x2bb: {  	[tilespmem:s13+$0x0] =	vst.add.f32.msk $0xffff, v1;
	s10 =	simm.s32 $0x200  }
0x2bc: {  	s12 =	sor.u32 $0x400, s8;
	s15 =	simm.s32 $0x180;
	v1 =	vld [tilespmem:s31+$0x400];
	s22 =	sand.u32 $0x3800, s10  }
0x2bd: {  	s24 =	sand.u32 $0x380, s15;
	s23 =	sadd.s32 $0x13000, s22;
	[tilespmem:s12+$0x0] =	vst.add.f32.msk $0xffff, v0  }
0x2be: {  	s2 =	sor.u32 s24, s23;
	v0 =	vld [tilespmem:s7+$0x410]  }
0x2bf: {  	[tilespmem:s2+$0x0] =	vst.add.f32.msk $0xffff, v2  }
0x2c0: {  	s17 =	sor.u32 $0x400, s6;
	v2 =	vld [tilespmem:s0+$0x10]  }
0x2c1: {  	[tilespmem:s17+$0x0] =	vst.add.f32.msk $0xffff, v1  }
0x2c2: {  	s16 =	sor.u32 $0x410, s8;
	v1 =	vld [tilespmem:s31+$0x410]  }
0x2c3: {  	[tilespmem:s16+$0x0] =	vst.add.f32.msk $0xffff, v0  }
0x2c4: {  	s28 =	sor.u32 $0x10, s2;
	v0 =	vld [tilespmem:s7+$0x420]  }
0x2c5: {  	s1 =	sadd.s32 $0xFFFFFF80, s1;
	[tilespmem:s28+$0x0] =	vst.add.f32.msk $0xffff, v2  }
0x2c6: {  	s20 =	sor.u32 $0x410, s6;
	s1 =	sand.u32 $0x380, s1;
	s3 =	sand.u32 $0xFFFFF800, s18;
	v2 =	vld [tilespmem:s0+$0x20]  }
0x2c7: {  	s5 =	sor.u32 s1, s3;
	[tilespmem:s20+$0x0] =	vst.add.f32.msk $0xffff, v1  }
0x2c8: {  	s21 =	sor.u32 $0x420, s8;
	v1 =	vld [tilespmem:s5+$0x0]  }
0x2c9: {  	[tilespmem:s21+$0x0] =	vst.add.f32.msk $0xffff, v0  }
0x2ca: {  	s25 =	simm.s32 $0x100;
	v0 =	vld [tilespmem:s7+$0x430]  }
0x2cb: {  	s3 =	sand.u32 $0x300, s25;
	s4 =	sor.u32 $0x20, s2;
	v3 =	vld [tilespmem:s31+$0x420]  }
0x2cc: {  	s1 =	sor.u32 s3, s23;
	[tilespmem:s4+$0x0] =	vst.add.f32.msk $0xffff, v2  }
0x2cd: {  	[tilespmem:s1+$0x0] =	vst.add.f32.msk $0xffff, v1  }
0x2ce: {  	s26 =	sor.u32 $0x430, s8;
	v1 =	vld [tilespmem:s5+$0x10]  }
0x2cf: {  	[tilespmem:s26+$0x0] =	vst.add.f32.msk $0xffff, v0  }
0x2d0: {  	v0 =	vld [tilespmem:s7+$0x440]  }
0x2d1: {  	s20 =	sor.u32 $0x420, s6;
	v2 =	vld [tilespmem:s0+$0x30]  }
0x2d2: {  	s30 =	sor.u32 $0x10, s1;
	[tilespmem:s20+$0x0] =	vst.add.f32.msk $0xffff, v3  }
0x2d3: {  	[tilespmem:s30+$0x0] =	vst.add.f32.msk $0xffff, v1  }
0x2d4: {  	s29 =	sor.u32 $0x440, s8;
	v1 =	vld [tilespmem:s5+$0x20]  }
0x2d5: {  	[tilespmem:s29+$0x0] =	vst.add.f32.msk $0xffff, v0  }
0x2d6: {  	s12 =	sor.u32 $0x30, s2;
	v0 =	vld [tilespmem:s7+$0x450]  }
0x2d7: {  	[tilespmem:s12+$0x0] =	vst.add.f32.msk $0xffff, v2  }
0x2d8: {  	s11 =	sor.u32 $0x20, s1;
	v2 =	vld [tilespmem:s0+$0x40]  }
0x2d9: {  	[tilespmem:s11+$0x0] =	vst.add.f32.msk $0xffff, v1  }
0x2da: {  	s9 =	sor.u32 $0x450, s8;
	v1 =	vld [tilespmem:s5+$0x30]  }
0x2db: {  	[tilespmem:s9+$0x0] =	vst.add.f32.msk $0xffff, v0  }
0x2dc: {  	s16 =	sor.u32 $0x40, s2;
	v0 =	vld [tilespmem:s7+$0x460]  }
0x2dd: {  	[tilespmem:s16+$0x0] =	vst.add.f32.msk $0xffff, v2  }
0x2de: {  	s14 =	sor.u32 $0x30, s1;
	v2 =	vld [tilespmem:s0+$0x50]  }
0x2df: {  	[tilespmem:s14+$0x0] =	vst.add.f32.msk $0xffff, v1  }
0x2e0: {  	s13 =	sor.u32 $0x460, s8;
	v1 =	vld [tilespmem:s5+$0x40]  }
0x2e1: {  	[tilespmem:s13+$0x0] =	vst.add.f32.msk $0xffff, v0  }
0x2e2: {  	s19 =	sor.u32 $0x50, s2;
	v0 =	vld [tilespmem:s7+$0x470]  }
0x2e3: {  	[tilespmem:s19+$0x0] =	vst.add.f32.msk $0xffff, v2  }
0x2e4: {  	s18 =	sor.u32 $0x40, s1;
	v2 =	vld [tilespmem:s31+$0x430]  }
0x2e5: {  	[tilespmem:s18+$0x0] =	vst.add.f32.msk $0xffff, v1  }
0x2e6: {  	s17 =	sor.u32 $0x470, s8;
	v1 =	vld [tilespmem:s0+$0x60]  }
0x2e7: {  	[tilespmem:s17+$0x0] =	vst.add.f32.msk $0xffff, v0  }
0x2e8: {  	s23 =	sor.u32 $0x430, s6;
	v0 =	vld [tilespmem:s5+$0x50]  }
0x2e9: {  	[tilespmem:s23+$0x0] =	vst.add.f32.msk $0xffff, v2  }
0x2ea: {  	s22 =	sor.u32 $0x60, s2;
	v2 =	vld [tilespmem:s31+$0x440]  }
0x2eb: {  	[tilespmem:s22+$0x0] =	vst.add.f32.msk $0xffff, v1  }
0x2ec: {  	s21 =	sor.u32 $0x50, s1;
	v1 =	vld [tilespmem:s0+$0x70]  }
0x2ed: {  	[tilespmem:s21+$0x0] =	vst.add.f32.msk $0xffff, v0  }
0x2ee: {  	s26 =	sor.u32 $0x440, s6;
	v0 =	vld [tilespmem:s5+$0x60]  }
0x2ef: {  	[tilespmem:s26+$0x0] =	vst.add.f32.msk $0xffff, v2  }
0x2f0: {  	s25 =	sor.u32 $0x70, s2;
	v4 =	vld [tilespmem:s31+$0x450]  }
0x2f1: {  	[tilespmem:s25+$0x0] =	vst.add.f32.msk $0xffff, v1  }
0x2f2: {  	s24 =	sor.u32 $0x60, s1;
	v3 =	vld [tilespmem:s0+$0x400]  }
0x2f3: {  	[tilespmem:s24+$0x0] =	vst.add.f32.msk $0xffff, v0  }
0x2f4: {  	v0 =	vld [tilespmem:s5+$0x70];
	_ =	sdelay $0x1  }
0x2f5: {  	s30 =	sor.u32 $0x450, s6  }
0x2f6: {  	s29 =	sor.u32 $0x400, s2;
	[tilespmem:s30+$0x0] =	vst.add.f32.msk $0xffff, v4  }
0x2f7: {  	s28 =	sor.u32 $0x70, s1;
	[tilespmem:s29+$0x0] =	vst.add.f32.msk $0xffff, v3  }
0x2f8: {  	s8 =	sor.u32 $0x440, s1;
	s20 =	sor.u32 $0x420, s1;
	[tilespmem:s28+$0x0] =	vst.add.f32.msk $0xffff, v0  }
0x2f9: {  	s12 =	sor.u32 $0x430, s1;
	s11 =	sor.u32 $0x400, s1;
	s14 =	sor.u32 $0x410, s1;
	v1 =	vld [tilespmem:s5+$0x400]  }
0x2fa: {  	s9 =	sor.u32 $0x460, s6;
	s23 =	sor.u32 $0x470, s6;
	s6 =	sor.u32 $0x470, s1;
	v2 =	vld [tilespmem:s0+$0x410]  }
0x2fb: {  	s13 =	sor.u32 $0x460, s1;
	s7 =	sor.u32 $0x450, s1;
	s22 =	simm.s32 $0x2;
	v0 =	vld [tilespmem:s31+$0x460]  }
.LBB2_11:
0x2fc: {  	_ =	sdelay $0x1  }
0x2fd: {  	[tilespmem:s11+$0x0] =	vst.add.f32.msk $0xffff, v1  }
0x2fe: {  	s4 =	sor.u32 $0x410, s2;
	v1 =	vld [tilespmem:s5+$0x410]  }
0x2ff: {  	s1 =	rddreg [dreg:$0x9];
	s10 =	sadd.s32 $0x200, s10;
	[tilespmem:s4+$0x0] =	vst.add.f32.msk $0xffff, v2  }
0x300: {  	s3 =	rddreg [dreg:$0xa];
	s15 =	sadd.s32 $0x100, s15;
	s1 =	sadd.s32 s10, s1;
	v2 =	vld [tilespmem:s0+$0x420]  }
0x301: {  	s3 =	sadd.s32 s15, s3;
	s25 =	sand.u32 $0xFFFFF800, s1;
	s1 =	sadd.s32 $0x100, s1;
	[tilespmem:s9+$0x0] =	vst.add.f32.msk $0xffff, v0  }
0x302: {  	s26 =	sadd.s32 $0xFFFFFF80, s3;
	s3 =	sand.u32 $0x380, s3;
	s1 =	sand.u32 $0xFFFFF800, s1;
	v0 =	vld [tilespmem:s31+$0x470]  }
0x303: {  	s9 =	sand.u32 $0x380, s26;
	s1 =	sor.u32 s3, s1;
	[tilespmem:s14+$0x0] =	vst.add.f32.msk $0xffff, v1  }
0x304: {  	s11 =	sor.u32 $0x420, s2;
	s29 =	sor.u32 s9, s25;
	v1 =	vld [tilespmem:s1+$0x0]  }
0x305: {  	s31 =	smov.u32 s5;
	s5 =	smov.u32 s29;
	[tilespmem:s11+$0x0] =	vst.add.f32.msk $0xffff, v2  }
0x306: {  	s14 =	sand.u32 $0x3800, s10;
	v3 =	vld [tilespmem:s5+$0x0]  }
0x307: {  	s16 =	sand.u32 $0x380, s15;
	s3 =	sadd.s32 $0x13000, s14;
	v2 =	vld [tilespmem:s0+$0x430]  }
0x308: {  	s28 =	sadd.s32 $0xFFFFFF80, s15;
	v4 =	vld [tilespmem:s31+$0x420];
	s4 =	sor.u32 s16, s3  }
0x309: {  	s30 =	sand.u32 $0x300, s28;
	[tilespmem:s4+$0x0] =	vst.add.f32.msk $0xffff, v1  }
0x30a: {  	s26 =	sor.u32 s30, s3;
	v1 =	vld [tilespmem:s1+$0x10]  }
0x30b: {  	s17 =	sor.u32 $0x430, s2;
	[tilespmem:s26+$0x0] =	vst.add.f32.msk $0xffff, v3  }
0x30c: {  	[tilespmem:s17+$0x0] =	vst.add.f32.msk $0xffff, v2  }
0x30d: {  	v3 =	vld [tilespmem:s5+$0x10]  }
0x30e: {  	v2 =	vld [tilespmem:s0+$0x440]  }
0x30f: {  	s16 =	sor.u32 $0x10, s4  }
0x310: {  	[tilespmem:s16+$0x0] =	vst.add.f32.msk $0xffff, v1  }
0x311: {  	s28 =	sor.u32 $0x10, s26;
	v1 =	vld [tilespmem:s1+$0x20]  }
0x312: {  	s16 =	sor.u32 $0x440, s2;
	[tilespmem:s28+$0x0] =	vst.add.f32.msk $0xffff, v3  }
0x313: {  	[tilespmem:s16+$0x0] =	vst.add.f32.msk $0xffff, v2  }
0x314: {  	v3 =	vld [tilespmem:s5+$0x20]  }
0x315: {  	v2 =	vld [tilespmem:s0+$0x450]  }
0x316: {  	s28 =	sor.u32 $0x20, s4  }
0x317: {  	[tilespmem:s28+$0x0] =	vst.add.f32.msk $0xffff, v1  }
0x318: {  	s29 =	sor.u32 $0x20, s26;
	v1 =	vld [tilespmem:s1+$0x30]  }
0x319: {  	s28 =	sor.u32 $0x450, s2;
	[tilespmem:s29+$0x0] =	vst.add.f32.msk $0xffff, v3  }
0x31a: {  	[tilespmem:s28+$0x0] =	vst.add.f32.msk $0xffff, v2  }
0x31b: {  	v3 =	vld [tilespmem:s5+$0x30]  }
0x31c: {  	v2 =	vld [tilespmem:s0+$0x460]  }
0x31d: {  	s29 =	sor.u32 $0x30, s4  }
0x31e: {  	[tilespmem:s29+$0x0] =	vst.add.f32.msk $0xffff, v1  }
0x31f: {  	s25 =	sor.u32 $0x30, s26;
	v1 =	vld [tilespmem:s1+$0x40]  }
0x320: {  	s28 =	sor.u32 $0x460, s2;
	[tilespmem:s25+$0x0] =	vst.add.f32.msk $0xffff, v3  }
0x321: {  	[tilespmem:s28+$0x0] =	vst.add.f32.msk $0xffff, v2  }
0x322: {  	v3 =	vld [tilespmem:s5+$0x40]  }
0x323: {  	v2 =	vld [tilespmem:s0+$0x470]  }
0x324: {  	s29 =	sor.u32 $0x40, s4;
	[tilespmem:s20+$0x0] =	vst.add.f32.msk $0xffff, v4  }
0x325: {  	s0 =	smov.u32 s1;
	[tilespmem:s29+$0x0] =	vst.add.f32.msk $0xffff, v1  }
0x326: {  	s24 =	sor.u32 $0x40, s26;
	v1 =	vld [tilespmem:s0+$0x50]  }
0x327: {  	s16 =	sor.u32 $0x470, s2;
	[tilespmem:s24+$0x0] =	vst.add.f32.msk $0xffff, v3  }
0x328: {  	[tilespmem:s16+$0x0] =	vst.add.f32.msk $0xffff, v2  }
0x329: {  	v2 =	vld [tilespmem:s5+$0x50]  }
0x32a: {  	s2 =	smov.u32 s4;
	v3 =	vld [tilespmem:s31+$0x430]  }
0x32b: {  	s25 =	sor.u32 $0x50, s2;
	[tilespmem:s23+$0x0] =	vst.add.f32.msk $0xffff, v0  }
0x32c: {  	s9 =	smov.u32 s13;
	[tilespmem:s25+$0x0] =	vst.add.f32.msk $0xffff, v1  }
0x32d: {  	s21 =	sor.u32 $0x50, s26;
	s18 =	sor.u32 $0x60, s26;
	s19 =	sor.u32 $0x70, s26;
	v1 =	vld [tilespmem:s0+$0x60]  }
0x32e: {  	s11 =	sor.u32 $0x400, s26;
	s14 =	sor.u32 $0x410, s26;
	s30 =	sor.u32 $0x420, s26;
	[tilespmem:s21+$0x0] =	vst.add.f32.msk $0xffff, v2  }
0x32f: {  	s3 =	sor.u32 $0x430, s26;
	s13 =	sor.u32 $0x460, s26;
	[dreg:$0xf] =	wrdreg s19;
	v0 =	vld [tilespmem:s5+$0x60]  }
0x330: {  	s19 =	sor.u32 $0x440, s26;
	s17 =	sor.u32 $0x450, s26;
	s26 =	sor.u32 $0x470, s26;
	[tilespmem:s12+$0x0] =	vst.add.f32.msk $0xffff, v3  }
0x331: {  	s23 =	smov.u32 s6;
	s6 =	smov.u32 s26;
	s26 =	sor.u32 $0x60, s2;
	v2 =	vld [tilespmem:s31+$0x440]  }
0x332: {  	[tilespmem:s26+$0x0] =	vst.add.f32.msk $0xffff, v1  }
0x333: {  	v1 =	vld [tilespmem:s0+$0x70]  }
0x334: {  	[tilespmem:s18+$0x0] =	vst.add.f32.msk $0xffff, v0  }
0x335: {  	v0 =	vld [tilespmem:s5+$0x70]  }
0x336: {  	[tilespmem:s8+$0x0] =	vst.add.f32.msk $0xffff, v2  }
0x337: {  	s28 =	sor.u32 $0x70, s2;
	v4 =	vld [tilespmem:s31+$0x450]  }
0x338: {  	[tilespmem:s28+$0x0] =	vst.add.f32.msk $0xffff, v1  }
0x339: {  	s22 =	sadd.s32 $0x2, s22;
	s29 =	rddreg [dreg:$0xf];
	v3 =	vld [tilespmem:s0+$0x400]  }
0x33a: {  	p0 =	slt.u32 s22, $0x26;
	[tilespmem:s29+$0x0] =	vst.add.f32.msk $0xffff, v0  }
.Ltmp13:
0x33b: {  	v1 =	vld [tilespmem:s5+$0x400];
	(pc) =	sbr.rel @p0 .LBB2_11-.Ltmp13, $4  }
0x33c: {  	[tilespmem:s7+$0x0] =	vst.add.f32.msk $0xffff, v4  }
0x33d: {  	s20 =	smov.u32 s30;
	s30 =	sor.u32 $0x400, s2;
	v0 =	vld [tilespmem:s31+$0x460]  }
0x33e: {  	[tilespmem:s30+$0x0] =	vst.add.f32.msk $0xffff, v3  }
0x33f: {  	s12 =	smov.u32 s3;
	s8 =	smov.u32 s19;
	s7 =	smov.u32 s17;
	v2 =	vld [tilespmem:s0+$0x410]  }
0x340: {  	[tilespmem:s11+$0x0] =	vst.add.f32.msk $0xffff, v1  }
0x341: {  	v1 =	vld [tilespmem:s5+$0x410];
	_ =	sdelay $0x1  }
0x342: {  	s1 =	sor.u32 $0x410, s2  }
0x343: {  	[tilespmem:s1+$0x0] =	vst.add.f32.msk $0xffff, v2  }
0x344: {  	v2 =	vld [tilespmem:s0+$0x420]  }
0x345: {  	[tilespmem:s14+$0x0] =	vst.add.f32.msk $0xffff, v1  }
0x346: {  	v1 =	vld [tilespmem:s5+$0x420];
	_ =	sdelay $0x1  }
0x347: {  	s21 =	sor.u32 $0x420, s2  }
0x348: {  	[tilespmem:s21+$0x0] =	vst.add.f32.msk $0xffff, v2  }
0x349: {  	v2 =	vld [tilespmem:s0+$0x430]  }
0x34a: {  	[tilespmem:s20+$0x0] =	vst.add.f32.msk $0xffff, v1  }
0x34b: {  	v1 =	vld [tilespmem:s5+$0x430];
	_ =	sdelay $0x1  }
0x34c: {  	s22 =	sor.u32 $0x430, s2  }
0x34d: {  	[tilespmem:s22+$0x0] =	vst.add.f32.msk $0xffff, v2  }
0x34e: {  	v2 =	vld [tilespmem:s0+$0x440]  }
0x34f: {  	[tilespmem:s12+$0x0] =	vst.add.f32.msk $0xffff, v1  }
0x350: {  	v1 =	vld [tilespmem:s5+$0x440];
	_ =	sdelay $0x1  }
0x351: {  	s24 =	sor.u32 $0x440, s2  }
0x352: {  	[tilespmem:s24+$0x0] =	vst.add.f32.msk $0xffff, v2  }
0x353: {  	v2 =	vld [tilespmem:s0+$0x450]  }
0x354: {  	[tilespmem:s8+$0x0] =	vst.add.f32.msk $0xffff, v1  }
0x355: {  	v1 =	vld [tilespmem:s5+$0x450];
	_ =	sdelay $0x1  }
0x356: {  	s25 =	sor.u32 $0x450, s2  }
0x357: {  	[tilespmem:s25+$0x0] =	vst.add.f32.msk $0xffff, v2  }
0x358: {  	v2 =	vld [tilespmem:s0+$0x460]  }
0x359: {  	[tilespmem:s7+$0x0] =	vst.add.f32.msk $0xffff, v1  }
0x35a: {  	v1 =	vld [tilespmem:s5+$0x460];
	_ =	sdelay $0x1  }
0x35b: {  	[tilespmem:s9+$0x0] =	vst.add.f32.msk $0xffff, v0  }
0x35c: {  	s26 =	sor.u32 $0x460, s2;
	v0 =	vld [tilespmem:s31+$0x470]  }
0x35d: {  	[tilespmem:s26+$0x0] =	vst.add.f32.msk $0xffff, v2  }
0x35e: {  	[tilespmem:s13+$0x0] =	vst.add.f32.msk $0xffff, v1  }
0x35f: {  	v2 =	vld [tilespmem:s0+$0x470];
	s24 =	rddreg [dreg:$0x1b]  }
0x360: {  	v1 =	vld [tilespmem:s5+$0x470];
	s28 =	smul.u32 $0x28, s24  }
0x361: {  	s22 =	rddreg [dreg:$0x17]  }
.Ltmp14:
0x362: {  	s0 =	sadd.s32 s22, s28;
	(pc) =	sbr.rel .LBB2_20-.Ltmp14, $4  }
0x363: {  	s29 =	sor.u32 $0x470, s2;
	[tilespmem:s23+$0x0] =	vst.add.f32.msk $0xffff, v0;
	s0 =	sshll.u32 s0, $0x5  }
0x364: {  	s30 =	rddreg [dreg:$0x3];
	[tilespmem:s29+$0x0] =	vst.add.f32.msk $0xffff, v2;
	s0 =	sand.u32 $0xFFFFF00, s0  }
0x365: {  	s31 =	simm.s32 $0x13000;
	s21 =	simm.s32 $0x0;
	[tilespmem:s6+$0x0] =	vst.add.f32.msk $0xffff, v1;
	s0 =	sadd.s32 s30, s0  }
0x366: {  	[hbm4b:s0+s21] =	stream.linear.scatter [tilespmem:s31], [sflag:$0x6], $0x2800, $0x38;
	[tilespmem:$0x1A800] =	vst v63  }
.LBB2_17:
0x367: {  	s1 =	simm.s32 $0x4  }
0x368: {  	_ =	swait.ge [sflag:s1], $0x2800  }
0x369: {  	p1 =	sge.s32 s0, s2;
	s15 =	sshll.u32 s3, $0x7;
	[sflag:s1] =	ssyncset.done $0x0  }
0x36a: {  	s16 =	sshll.u32 s3, $0x8;
	[sflag:s1] =	ssyncadd.s32 $0xFFFFD800;
	s1 =	simm.s32 @!p0 $0x6  }
0x36b: {  	s0 =	smul.u32 @!p1 $0x28, s0;
	_ =	swait.ge @!p0 [sflag:s1], $0x2800;
	[dreg:$0x6] =	wrdreg s15  }
0x36c: {  	s2 =	simm.s32 @!p1 $0x0;
	s3 =	simm.s32 @!p1 $0x13000;
	[dreg:$0x5] =	wrdreg s16  }
0x36d: {  	s0 =	sadd.s32 @!p1 s22, s0;
	[sflag:s1] =	ssyncset.done @!p0 $0x0;
	s17 =	rddreg [dreg:$0x5]  }
0x36e: {  	s0 =	sshll.u32 @!p1 s0, $0x5;
	s4 =	rddreg [dreg:$0x6];
	[sflag:s1] =	ssyncadd.s32 @!p0 $0xFFFFD800  }
0x36f: {  	s0 =	sand.u32 @!p1 $0xFFFFF00, s0;
	s18 =	sadd.s32 $0x0, s17;
	s1 =	rddreg [dreg:$0x0]  }
0x370: {  	s19 =	sadd.s32 $0x80, s4;
	s20 =	sadd.s32 $0x100, s18;
	s0 =	sadd.s32 @!p1 s1, s0  }
0x371: {  	[tilespmem:s3], [sflag:$0x2] =	stream.linear.gather @!p1 [hbm4b:s0+s2], $0x2800, $0x38;
	[tilespmem:$0x1A800] =	vst v63  }
0x372: {  	s21 =	sand.u32 $0x380, s19;
	s2 =	sand.u32 $0xFFFFF800, s20  }
0x373: {  	s7 =	sor.u32 s21, s2  }
0x374: {  	v0 =	vld [tilespmem:s7+$0x0]  }
0x375: {  	s23 =	simm.s32 $0x80;
	s22 =	simm.s32 $0x0;
	s1 =	sadd.s32 $0xFFFFFF80, s19  }
0x376: {  	s0 =	sand.u32 $0xFFFFF800, s18;
	s1 =	sand.u32 $0x380, s1;
	s2 =	sand.u32 $0x3800, s22  }
0x377: {  	s3 =	sand.u32 $0x380, s23;
	s31 =	sor.u32 s1, s0;
	s2 =	sor.u32 $0x18000, s2  }
0x378: {  	v1 =	vld [tilespmem:s31+$0x0];
	s8 =	sor.u32 s3, s2  }
0x379: {  	[tilespmem:s8+$0x0] =	vst.add.f32.msk $0xffff, v0  }
0x37a: {  	s24 =	simm.s32 $0x0;
	v0 =	vld [tilespmem:s7+$0x10]  }
0x37b: {  	s0 =	sand.u32 $0x300, s24  }
0x37c: {  	s6 =	sor.u32 s0, s2  }
0x37d: {  	[tilespmem:s6+$0x0] =	vst.add.f32.msk $0xffff, v1  }
0x37e: {  	s25 =	sor.u32 $0x10, s8;
	v1 =	vld [tilespmem:s31+$0x10]  }
0x37f: {  	[tilespmem:s25+$0x0] =	vst.add.f32.msk $0xffff, v0  }
0x380: {  	v0 =	vld [tilespmem:s7+$0x20];
	_ =	sdelay $0x1  }
0x381: {  	s28 =	sor.u32 $0x10, s6  }
0x382: {  	[tilespmem:s28+$0x0] =	vst.add.f32.msk $0xffff, v1  }
0x383: {  	s26 =	sor.u32 $0x20, s8;
	v1 =	vld [tilespmem:s31+$0x20]  }
0x384: {  	[tilespmem:s26+$0x0] =	vst.add.f32.msk $0xffff, v0  }
0x385: {  	v0 =	vld [tilespmem:s7+$0x30];
	_ =	sdelay $0x1  }
0x386: {  	s30 =	sor.u32 $0x20, s6  }
0x387: {  	[tilespmem:s30+$0x0] =	vst.add.f32.msk $0xffff, v1  }
0x388: {  	s29 =	sor.u32 $0x30, s8;
	v1 =	vld [tilespmem:s31+$0x30]  }
0x389: {  	[tilespmem:s29+$0x0] =	vst.add.f32.msk $0xffff, v0  }
0x38a: {  	v0 =	vld [tilespmem:s7+$0x40];
	_ =	sdelay $0x1  }
0x38b: {  	s2 =	sor.u32 $0x30, s6  }
0x38c: {  	[tilespmem:s2+$0x0] =	vst.add.f32.msk $0xffff, v1  }
0x38d: {  	s1 =	sor.u32 $0x40, s8;
	v1 =	vld [tilespmem:s31+$0x40]  }
0x38e: {  	[tilespmem:s1+$0x0] =	vst.add.f32.msk $0xffff, v0  }
0x38f: {  	v0 =	vld [tilespmem:s7+$0x50];
	_ =	sdelay $0x1  }
0x390: {  	s4 =	sor.u32 $0x40, s6  }
0x391: {  	[tilespmem:s4+$0x0] =	vst.add.f32.msk $0xffff, v1  }
0x392: {  	s3 =	sor.u32 $0x50, s8;
	v1 =	vld [tilespmem:s31+$0x50]  }
0x393: {  	[tilespmem:s3+$0x0] =	vst.add.f32.msk $0xffff, v0  }
0x394: {  	v0 =	vld [tilespmem:s7+$0x60];
	_ =	sdelay $0x1  }
0x395: {  	s9 =	sor.u32 $0x50, s6  }
0x396: {  	[tilespmem:s9+$0x0] =	vst.add.f32.msk $0xffff, v1  }
0x397: {  	s5 =	sor.u32 $0x60, s8;
	v1 =	vld [tilespmem:s31+$0x60]  }
0x398: {  	[tilespmem:s5+$0x0] =	vst.add.f32.msk $0xffff, v0  }
0x399: {  	v0 =	vld [tilespmem:s7+$0x70];
	_ =	sdelay $0x1  }
0x39a: {  	s11 =	sor.u32 $0x60, s6  }
0x39b: {  	s14 =	rddreg [dreg:$0x5];
	[tilespmem:s11+$0x0] =	vst.add.f32.msk $0xffff, v1  }
0x39c: {  	s15 =	rddreg [dreg:$0x6];
	s18 =	sadd.s32 $0x200, s14;
	s10 =	sor.u32 $0x70, s8;
	v1 =	vld [tilespmem:s31+$0x70]  }
0x39d: {  	s0 =	sadd.s32 $0x100, s18;
	s1 =	sadd.s32 $0x180, s15;
	[tilespmem:s10+$0x0] =	vst.add.f32.msk $0xffff, v0  }
0x39e: {  	s0 =	sand.u32 $0xFFFFF800, s0;
	s19 =	sand.u32 $0x380, s1;
	v0 =	vld [tilespmem:s7+$0x400]  }
0x39f: {  	s0 =	sor.u32 s19, s0  }
0x3a0: {  	s13 =	sor.u32 $0x70, s6;
	v2 =	vld [tilespmem:s0+$0x0]  }
0x3a1: {  	[tilespmem:s13+$0x0] =	vst.add.f32.msk $0xffff, v1;
	s10 =	simm.s32 $0x200  }
0x3a2: {  	s12 =	sor.u32 $0x400, s8;
	s15 =	simm.s32 $0x180;
	v1 =	vld [tilespmem:s31+$0x400];
	s22 =	sand.u32 $0x3800, s10  }
0x3a3: {  	s24 =	sand.u32 $0x380, s15;
	s23 =	sor.u32 $0x18000, s22;
	[tilespmem:s12+$0x0] =	vst.add.f32.msk $0xffff, v0  }
0x3a4: {  	s2 =	sor.u32 s24, s23;
	v0 =	vld [tilespmem:s7+$0x410]  }
0x3a5: {  	[tilespmem:s2+$0x0] =	vst.add.f32.msk $0xffff, v2  }
0x3a6: {  	s17 =	sor.u32 $0x400, s6;
	v2 =	vld [tilespmem:s0+$0x10]  }
0x3a7: {  	[tilespmem:s17+$0x0] =	vst.add.f32.msk $0xffff, v1  }
0x3a8: {  	s16 =	sor.u32 $0x410, s8;
	v1 =	vld [tilespmem:s31+$0x410]  }
0x3a9: {  	[tilespmem:s16+$0x0] =	vst.add.f32.msk $0xffff, v0  }
0x3aa: {  	s28 =	sor.u32 $0x10, s2;
	v0 =	vld [tilespmem:s7+$0x420]  }
0x3ab: {  	s1 =	sadd.s32 $0xFFFFFF80, s1;
	[tilespmem:s28+$0x0] =	vst.add.f32.msk $0xffff, v2  }
0x3ac: {  	s20 =	sor.u32 $0x410, s6;
	s1 =	sand.u32 $0x380, s1;
	s3 =	sand.u32 $0xFFFFF800, s18;
	v2 =	vld [tilespmem:s0+$0x20]  }
0x3ad: {  	s5 =	sor.u32 s1, s3;
	[tilespmem:s20+$0x0] =	vst.add.f32.msk $0xffff, v1  }
0x3ae: {  	s21 =	sor.u32 $0x420, s8;
	v1 =	vld [tilespmem:s5+$0x0]  }
0x3af: {  	[tilespmem:s21+$0x0] =	vst.add.f32.msk $0xffff, v0  }
0x3b0: {  	s25 =	simm.s32 $0x100;
	v0 =	vld [tilespmem:s7+$0x430]  }
0x3b1: {  	s3 =	sand.u32 $0x300, s25;
	s4 =	sor.u32 $0x20, s2;
	v3 =	vld [tilespmem:s31+$0x420]  }
0x3b2: {  	s1 =	sor.u32 s3, s23;
	[tilespmem:s4+$0x0] =	vst.add.f32.msk $0xffff, v2  }
0x3b3: {  	[tilespmem:s1+$0x0] =	vst.add.f32.msk $0xffff, v1  }
0x3b4: {  	s26 =	sor.u32 $0x430, s8;
	v1 =	vld [tilespmem:s5+$0x10]  }
0x3b5: {  	[tilespmem:s26+$0x0] =	vst.add.f32.msk $0xffff, v0  }
0x3b6: {  	v0 =	vld [tilespmem:s7+$0x440]  }
0x3b7: {  	s20 =	sor.u32 $0x420, s6;
	v2 =	vld [tilespmem:s0+$0x30]  }
0x3b8: {  	s30 =	sor.u32 $0x10, s1;
	[tilespmem:s20+$0x0] =	vst.add.f32.msk $0xffff, v3  }
0x3b9: {  	[tilespmem:s30+$0x0] =	vst.add.f32.msk $0xffff, v1  }
0x3ba: {  	s29 =	sor.u32 $0x440, s8;
	v1 =	vld [tilespmem:s5+$0x20]  }
0x3bb: {  	[tilespmem:s29+$0x0] =	vst.add.f32.msk $0xffff, v0  }
0x3bc: {  	s12 =	sor.u32 $0x30, s2;
	v0 =	vld [tilespmem:s7+$0x450]  }
0x3bd: {  	[tilespmem:s12+$0x0] =	vst.add.f32.msk $0xffff, v2  }
0x3be: {  	s11 =	sor.u32 $0x20, s1;
	v2 =	vld [tilespmem:s0+$0x40]  }
0x3bf: {  	[tilespmem:s11+$0x0] =	vst.add.f32.msk $0xffff, v1  }
0x3c0: {  	s9 =	sor.u32 $0x450, s8;
	v1 =	vld [tilespmem:s5+$0x30]  }
0x3c1: {  	[tilespmem:s9+$0x0] =	vst.add.f32.msk $0xffff, v0  }
0x3c2: {  	s16 =	sor.u32 $0x40, s2;
	v0 =	vld [tilespmem:s7+$0x460]  }
0x3c3: {  	[tilespmem:s16+$0x0] =	vst.add.f32.msk $0xffff, v2  }
0x3c4: {  	s14 =	sor.u32 $0x30, s1;
	v2 =	vld [tilespmem:s0+$0x50]  }
0x3c5: {  	[tilespmem:s14+$0x0] =	vst.add.f32.msk $0xffff, v1  }
0x3c6: {  	s13 =	sor.u32 $0x460, s8;
	v1 =	vld [tilespmem:s5+$0x40]  }
0x3c7: {  	[tilespmem:s13+$0x0] =	vst.add.f32.msk $0xffff, v0  }
0x3c8: {  	s19 =	sor.u32 $0x50, s2;
	v0 =	vld [tilespmem:s7+$0x470]  }
0x3c9: {  	[tilespmem:s19+$0x0] =	vst.add.f32.msk $0xffff, v2  }
0x3ca: {  	s18 =	sor.u32 $0x40, s1;
	v2 =	vld [tilespmem:s31+$0x430]  }
0x3cb: {  	[tilespmem:s18+$0x0] =	vst.add.f32.msk $0xffff, v1  }
0x3cc: {  	s17 =	sor.u32 $0x470, s8;
	v1 =	vld [tilespmem:s0+$0x60]  }
0x3cd: {  	[tilespmem:s17+$0x0] =	vst.add.f32.msk $0xffff, v0  }
0x3ce: {  	s23 =	sor.u32 $0x430, s6;
	v0 =	vld [tilespmem:s5+$0x50]  }
0x3cf: {  	[tilespmem:s23+$0x0] =	vst.add.f32.msk $0xffff, v2  }
0x3d0: {  	s22 =	sor.u32 $0x60, s2;
	v2 =	vld [tilespmem:s31+$0x440]  }
0x3d1: {  	[tilespmem:s22+$0x0] =	vst.add.f32.msk $0xffff, v1  }
0x3d2: {  	s21 =	sor.u32 $0x50, s1;
	v1 =	vld [tilespmem:s0+$0x70]  }
0x3d3: {  	[tilespmem:s21+$0x0] =	vst.add.f32.msk $0xffff, v0  }
0x3d4: {  	s26 =	sor.u32 $0x440, s6;
	v0 =	vld [tilespmem:s5+$0x60]  }
0x3d5: {  	[tilespmem:s26+$0x0] =	vst.add.f32.msk $0xffff, v2  }
0x3d6: {  	s25 =	sor.u32 $0x70, s2;
	v4 =	vld [tilespmem:s31+$0x450]  }
0x3d7: {  	[tilespmem:s25+$0x0] =	vst.add.f32.msk $0xffff, v1  }
0x3d8: {  	s24 =	sor.u32 $0x60, s1;
	v3 =	vld [tilespmem:s0+$0x400]  }
0x3d9: {  	[tilespmem:s24+$0x0] =	vst.add.f32.msk $0xffff, v0  }
0x3da: {  	v0 =	vld [tilespmem:s5+$0x70];
	_ =	sdelay $0x1  }
0x3db: {  	s30 =	sor.u32 $0x450, s6  }
0x3dc: {  	s29 =	sor.u32 $0x400, s2;
	[tilespmem:s30+$0x0] =	vst.add.f32.msk $0xffff, v4  }
0x3dd: {  	s28 =	sor.u32 $0x70, s1;
	[tilespmem:s29+$0x0] =	vst.add.f32.msk $0xffff, v3  }
0x3de: {  	s8 =	sor.u32 $0x440, s1;
	s20 =	sor.u32 $0x420, s1;
	[tilespmem:s28+$0x0] =	vst.add.f32.msk $0xffff, v0  }
0x3df: {  	s12 =	sor.u32 $0x430, s1;
	s11 =	sor.u32 $0x400, s1;
	s14 =	sor.u32 $0x410, s1;
	v1 =	vld [tilespmem:s5+$0x400]  }
0x3e0: {  	s9 =	sor.u32 $0x460, s6;
	s23 =	sor.u32 $0x470, s6;
	s6 =	sor.u32 $0x470, s1;
	v2 =	vld [tilespmem:s0+$0x410]  }
0x3e1: {  	s13 =	sor.u32 $0x460, s1;
	s7 =	sor.u32 $0x450, s1;
	s22 =	simm.s32 $0x2;
	v0 =	vld [tilespmem:s31+$0x460]  }
.LBB2_18:
0x3e2: {  	_ =	sdelay $0x1  }
0x3e3: {  	[tilespmem:s11+$0x0] =	vst.add.f32.msk $0xffff, v1  }
0x3e4: {  	s4 =	sor.u32 $0x410, s2;
	v1 =	vld [tilespmem:s5+$0x410]  }
0x3e5: {  	s1 =	rddreg [dreg:$0x5];
	s10 =	sadd.s32 $0x200, s10;
	[tilespmem:s4+$0x0] =	vst.add.f32.msk $0xffff, v2  }
0x3e6: {  	s3 =	rddreg [dreg:$0x6];
	s15 =	sadd.s32 $0x100, s15;
	s1 =	sadd.s32 s10, s1;
	v2 =	vld [tilespmem:s0+$0x420]  }
0x3e7: {  	s3 =	sadd.s32 s15, s3;
	s28 =	sand.u32 $0xFFFFF800, s1;
	s1 =	sadd.s32 $0x100, s1;
	[tilespmem:s9+$0x0] =	vst.add.f32.msk $0xffff, v0  }
0x3e8: {  	s29 =	sadd.s32 $0xFFFFFF80, s3;
	s3 =	sand.u32 $0x380, s3;
	s1 =	sand.u32 $0xFFFFF800, s1;
	v0 =	vld [tilespmem:s31+$0x470]  }
0x3e9: {  	s9 =	sand.u32 $0x380, s29;
	s1 =	sor.u32 s3, s1;
	[tilespmem:s14+$0x0] =	vst.add.f32.msk $0xffff, v1  }
0x3ea: {  	s16 =	sor.u32 $0x420, s2;
	s4 =	sor.u32 s9, s28;
	v1 =	vld [tilespmem:s1+$0x0]  }
0x3eb: {  	s31 =	smov.u32 s5;
	s5 =	smov.u32 s4;
	[tilespmem:s16+$0x0] =	vst.add.f32.msk $0xffff, v2  }
0x3ec: {  	s17 =	sand.u32 $0x3800, s10;
	v3 =	vld [tilespmem:s5+$0x0]  }
0x3ed: {  	s18 =	sand.u32 $0x380, s15;
	s3 =	sor.u32 $0x18000, s17;
	v2 =	vld [tilespmem:s0+$0x430]  }
0x3ee: {  	s30 =	sadd.s32 $0xFFFFFF80, s15;
	s4 =	sor.u32 s18, s3;
	v4 =	vld [tilespmem:s31+$0x420]  }
0x3ef: {  	s14 =	sand.u32 $0x300, s30;
	[tilespmem:s4+$0x0] =	vst.add.f32.msk $0xffff, v1  }
0x3f0: {  	s26 =	sor.u32 s14, s3;
	v1 =	vld [tilespmem:s1+$0x10]  }
0x3f1: {  	s19 =	sor.u32 $0x430, s2;
	[tilespmem:s26+$0x0] =	vst.add.f32.msk $0xffff, v3  }
0x3f2: {  	[tilespmem:s19+$0x0] =	vst.add.f32.msk $0xffff, v2  }
0x3f3: {  	v3 =	vld [tilespmem:s5+$0x10]  }
0x3f4: {  	v2 =	vld [tilespmem:s0+$0x440]  }
0x3f5: {  	s16 =	sor.u32 $0x10, s4  }
0x3f6: {  	[tilespmem:s16+$0x0] =	vst.add.f32.msk $0xffff, v1  }
0x3f7: {  	s28 =	sor.u32 $0x10, s26;
	v1 =	vld [tilespmem:s1+$0x20]  }
0x3f8: {  	s16 =	sor.u32 $0x440, s2;
	[tilespmem:s28+$0x0] =	vst.add.f32.msk $0xffff, v3  }
0x3f9: {  	[tilespmem:s16+$0x0] =	vst.add.f32.msk $0xffff, v2  }
0x3fa: {  	v3 =	vld [tilespmem:s5+$0x20]  }
0x3fb: {  	v2 =	vld [tilespmem:s0+$0x450]  }
0x3fc: {  	s28 =	sor.u32 $0x20, s4  }
0x3fd: {  	[tilespmem:s28+$0x0] =	vst.add.f32.msk $0xffff, v1  }
0x3fe: {  	s29 =	sor.u32 $0x20, s26;
	v1 =	vld [tilespmem:s1+$0x30]  }
0x3ff: {  	s28 =	sor.u32 $0x450, s2;
	[tilespmem:s29+$0x0] =	vst.add.f32.msk $0xffff, v3  }
0x400: {  	[tilespmem:s28+$0x0] =	vst.add.f32.msk $0xffff, v2  }
0x401: {  	v3 =	vld [tilespmem:s5+$0x30]  }
0x402: {  	v2 =	vld [tilespmem:s0+$0x460]  }
0x403: {  	s28 =	sor.u32 $0x30, s4  }
0x404: {  	[tilespmem:s28+$0x0] =	vst.add.f32.msk $0xffff, v1  }
0x405: {  	s30 =	sor.u32 $0x30, s26;
	v1 =	vld [tilespmem:s1+$0x40]  }
0x406: {  	s29 =	sor.u32 $0x460, s2;
	[tilespmem:s30+$0x0] =	vst.add.f32.msk $0xffff, v3  }
0x407: {  	[tilespmem:s29+$0x0] =	vst.add.f32.msk $0xffff, v2  }
0x408: {  	v3 =	vld [tilespmem:s5+$0x40]  }
0x409: {  	v2 =	vld [tilespmem:s0+$0x470]  }
0x40a: {  	s30 =	sor.u32 $0x40, s4;
	[tilespmem:s20+$0x0] =	vst.add.f32.msk $0xffff, v4  }
0x40b: {  	s0 =	smov.u32 s1;
	[tilespmem:s30+$0x0] =	vst.add.f32.msk $0xffff, v1  }
0x40c: {  	s24 =	sor.u32 $0x40, s26;
	v1 =	vld [tilespmem:s0+$0x50]  }
0x40d: {  	s16 =	sor.u32 $0x470, s2;
	[tilespmem:s24+$0x0] =	vst.add.f32.msk $0xffff, v3  }
0x40e: {  	[tilespmem:s16+$0x0] =	vst.add.f32.msk $0xffff, v2  }
0x40f: {  	s25 =	sor.u32 $0x70, s26;
	v2 =	vld [tilespmem:s5+$0x50]  }
0x410: {  	[dreg:$0xd] =	wrdreg s25;
	s25 =	sor.u32 $0x420, s26;
	s2 =	smov.u32 s4;
	v3 =	vld [tilespmem:s31+$0x430]  }
0x411: {  	s20 =	smov.u32 s25;
	s25 =	sor.u32 $0x50, s2;
	[tilespmem:s23+$0x0] =	vst.add.f32.msk $0xffff, v0  }
0x412: {  	[tilespmem:s25+$0x0] =	vst.add.f32.msk $0xffff, v1  }
0x413: {  	s21 =	sor.u32 $0x50, s26;
	v1 =	vld [tilespmem:s0+$0x60]  }
0x414: {  	s9 =	smov.u32 s13;
	s18 =	sor.u32 $0x60, s26;
	s11 =	sor.u32 $0x400, s26;
	[tilespmem:s21+$0x0] =	vst.add.f32.msk $0xffff, v2  }
0x415: {  	s14 =	sor.u32 $0x410, s26;
	s3 =	sor.u32 $0x430, s26;
	s17 =	sor.u32 $0x450, s26;
	v0 =	vld [tilespmem:s5+$0x60]  }
0x416: {  	s13 =	sor.u32 $0x460, s26;
	s19 =	sor.u32 $0x440, s26;
	s26 =	sor.u32 $0x470, s26;
	[tilespmem:s12+$0x0] =	vst.add.f32.msk $0xffff, v3  }
0x417: {  	s23 =	smov.u32 s6;
	s6 =	smov.u32 s26;
	s26 =	sor.u32 $0x60, s2;
	v2 =	vld [tilespmem:s31+$0x440]  }
0x418: {  	[tilespmem:s26+$0x0] =	vst.add.f32.msk $0xffff, v1  }
0x419: {  	v1 =	vld [tilespmem:s0+$0x70]  }
0x41a: {  	[tilespmem:s18+$0x0] =	vst.add.f32.msk $0xffff, v0  }
0x41b: {  	v0 =	vld [tilespmem:s5+$0x70]  }
0x41c: {  	[tilespmem:s8+$0x0] =	vst.add.f32.msk $0xffff, v2  }
0x41d: {  	s28 =	sor.u32 $0x70, s2;
	v4 =	vld [tilespmem:s31+$0x450]  }
0x41e: {  	[tilespmem:s28+$0x0] =	vst.add.f32.msk $0xffff, v1  }
0x41f: {  	s22 =	sadd.s32 $0x2, s22;
	s29 =	rddreg [dreg:$0xd];
	v3 =	vld [tilespmem:s0+$0x400]  }
0x420: {  	p0 =	slt.u32 s22, $0x26;
	[tilespmem:s29+$0x0] =	vst.add.f32.msk $0xffff, v0  }
.Ltmp15:
0x421: {  	v1 =	vld [tilespmem:s5+$0x400];
	(pc) =	sbr.rel @p0 .LBB2_18-.Ltmp15, $4  }
0x422: {  	[tilespmem:s7+$0x0] =	vst.add.f32.msk $0xffff, v4  }
0x423: {  	s30 =	sor.u32 $0x400, s2;
	v0 =	vld [tilespmem:s31+$0x460]  }
0x424: {  	[tilespmem:s30+$0x0] =	vst.add.f32.msk $0xffff, v3  }
0x425: {  	s12 =	smov.u32 s3;
	s8 =	smov.u32 s19;
	s7 =	smov.u32 s17;
	v2 =	vld [tilespmem:s0+$0x410]  }
0x426: {  	[tilespmem:s11+$0x0] =	vst.add.f32.msk $0xffff, v1  }
0x427: {  	v1 =	vld [tilespmem:s5+$0x410];
	_ =	sdelay $0x1  }
0x428: {  	s1 =	sor.u32 $0x410, s2  }
0x429: {  	[tilespmem:s1+$0x0] =	vst.add.f32.msk $0xffff, v2  }
0x42a: {  	v2 =	vld [tilespmem:s0+$0x420]  }
0x42b: {  	[tilespmem:s14+$0x0] =	vst.add.f32.msk $0xffff, v1  }
0x42c: {  	v1 =	vld [tilespmem:s5+$0x420];
	_ =	sdelay $0x1  }
0x42d: {  	s21 =	sor.u32 $0x420, s2  }
0x42e: {  	[tilespmem:s21+$0x0] =	vst.add.f32.msk $0xffff, v2  }
0x42f: {  	v2 =	vld [tilespmem:s0+$0x430]  }
0x430: {  	[tilespmem:s20+$0x0] =	vst.add.f32.msk $0xffff, v1  }
0x431: {  	v1 =	vld [tilespmem:s5+$0x430];
	_ =	sdelay $0x1  }
0x432: {  	s22 =	sor.u32 $0x430, s2  }
0x433: {  	[tilespmem:s22+$0x0] =	vst.add.f32.msk $0xffff, v2  }
0x434: {  	v2 =	vld [tilespmem:s0+$0x440]  }
0x435: {  	[tilespmem:s12+$0x0] =	vst.add.f32.msk $0xffff, v1  }
0x436: {  	v1 =	vld [tilespmem:s5+$0x440];
	_ =	sdelay $0x1  }
0x437: {  	s24 =	sor.u32 $0x440, s2  }
0x438: {  	[tilespmem:s24+$0x0] =	vst.add.f32.msk $0xffff, v2  }
0x439: {  	v2 =	vld [tilespmem:s0+$0x450]  }
0x43a: {  	[tilespmem:s8+$0x0] =	vst.add.f32.msk $0xffff, v1  }
0x43b: {  	v1 =	vld [tilespmem:s5+$0x450];
	_ =	sdelay $0x1  }
0x43c: {  	s25 =	sor.u32 $0x450, s2  }
0x43d: {  	[tilespmem:s25+$0x0] =	vst.add.f32.msk $0xffff, v2  }
0x43e: {  	v2 =	vld [tilespmem:s0+$0x460]  }
0x43f: {  	[tilespmem:s7+$0x0] =	vst.add.f32.msk $0xffff, v1  }
0x440: {  	v1 =	vld [tilespmem:s5+$0x460];
	_ =	sdelay $0x1  }
0x441: {  	[tilespmem:s9+$0x0] =	vst.add.f32.msk $0xffff, v0  }
0x442: {  	s26 =	sor.u32 $0x460, s2;
	v0 =	vld [tilespmem:s31+$0x470]  }
0x443: {  	[tilespmem:s26+$0x0] =	vst.add.f32.msk $0xffff, v2  }
0x444: {  	[tilespmem:s13+$0x0] =	vst.add.f32.msk $0xffff, v1  }
0x445: {  	v2 =	vld [tilespmem:s0+$0x470];
	s24 =	rddreg [dreg:$0x1b]  }
0x446: {  	v1 =	vld [tilespmem:s5+$0x470];
	s28 =	smul.u32 $0x28, s24  }
0x447: {  	s22 =	rddreg [dreg:$0x17]  }
0x448: {  	s0 =	sadd.s32 s22, s28  }
0x449: {  	s29 =	sor.u32 $0x470, s2;
	[tilespmem:s23+$0x0] =	vst.add.f32.msk $0xffff, v0;
	s0 =	sshll.u32 s0, $0x5  }
0x44a: {  	s30 =	rddreg [dreg:$0x3];
	[tilespmem:s29+$0x0] =	vst.add.f32.msk $0xffff, v2;
	s0 =	sand.u32 $0xFFFFF00, s0  }
0x44b: {  	s31 =	simm.s32 $0x18000;
	s21 =	simm.s32 $0x0;
	[tilespmem:s6+$0x0] =	vst.add.f32.msk $0xffff, v1;
	s0 =	sadd.s32 s30, s0  }
0x44c: {  	[hbm4b:s0+s21] =	stream.linear.scatter [tilespmem:s31], [sflag:$0x8], $0x2800, $0x38;
	[tilespmem:$0x1A800] =	vst v63  }
.LBB2_20:
0x44d: {  	s0 =	rddreg [dreg:$0x1c]  }
0x44e: {  	s0 =	sadd.s32 $0x1, s0  }
0x44f: {  	p0 =	sne.s32 s0, $0x64  }
.Ltmp16:
0x450: {  	_ = 	snop;
	(pc) =	sbr.rel @p0 .LBB2_24-.Ltmp16, $2  }
0x451: {  	_ =	sdelay $0x2  }
0x452: {  	s23 =	rddreg [dreg:$0x18];
	s25 =	smov.u32 s0  }
0x453: {  	s1 =	sshll.u32 s23, $0x9  }
0x454: {  	s1 =	sshra.s32 s1, $0x2  }
0x455: {  	v0 =	vld [tilespmem:s1+$0xE800];
	_ =	sdelay $0x4  }
0x456: {  	(v2sf) =	vpush v0, $0x0;
	_ =	sdelay $0xa  }
0x457: {  	v0 =	vld [tilespmem:s1+$0xE880];
	_ =	sdelay $0x3  }
0x458: {  	s18 =	spop (v2sf)  }
0x459: {  	(v2sf) =	vpush v0, $0x0;
	s2 =	sshll.u32 s18, $0x8;
	s1 =	sshll.u32 s18, $0x7  }
0x45a: {  	s2 =	sand.u32 $0xFFFFF800, s2;
	s1 =	sand.u32 $0x380, s1  }
0x45b: {  	s1 =	sor.u32 s1, s2  }
0x45c: {  	v0 =	vld [tilespmem:s1+$0xC800]  }
0x45d: {  	v1 =	vld [tilespmem:s1+$0xC810]  }
0x45e: {  	v2 =	vld [tilespmem:s1+$0xC820]  }
0x45f: {  	v3 =	vld [tilespmem:s1+$0xC830]  }
0x460: {  	v4 =	vld [tilespmem:s1+$0xC840]  }
0x461: {  	v5 =	vld [tilespmem:s1+$0xC850]  }
0x462: {  	v6 =	vld [tilespmem:s1+$0xC860]  }
0x463: {  	v7 =	vld [tilespmem:s1+$0xC870]  }
0x464: {  	v8 =	vld [tilespmem:s1+$0xCC00]  }
0x465: {  	v9 =	vld [tilespmem:s1+$0xCC10]  }
0x466: {  	v10 =	vld [tilespmem:s1+$0xCC20]  }
0x467: {  	v11 =	vld [tilespmem:s1+$0xCC30]  }
0x468: {  	v12 =	vld [tilespmem:s1+$0xCC40];
	s19 =	spop (v2sf)  }
0x469: {  	v13 =	vld [tilespmem:s1+$0xCC50];
	s3 =	sshll.u32 s19, $0x8;
	s2 =	sshll.u32 s19, $0x7  }
0x46a: {  	v14 =	vld [tilespmem:s1+$0xCC60];
	s3 =	sand.u32 $0xFFFFF800, s3;
	s2 =	sand.u32 $0x380, s2  }
0x46b: {  	v15 =	vld [tilespmem:s1+$0xCC70];
	s20 =	sor.u32 s2, s3  }
0x46c: {  	v16 =	vld [tilespmem:s20+$0xC800]  }
0x46d: {  	v17 =	vld [tilespmem:s20+$0xC810]  }
0x46e: {  	v18 =	vld [tilespmem:s20+$0xC820]  }
0x46f: {  	v19 =	vld [tilespmem:s20+$0xC830]  }
0x470: {  	v20 =	vld [tilespmem:s20+$0xC840]  }
0x471: {  	v21 =	vld [tilespmem:s20+$0xC850]  }
0x472: {  	v22 =	vld [tilespmem:s20+$0xC860]  }
0x473: {  	v23 =	vld [tilespmem:s20+$0xC870]  }
0x474: {  	v24 =	vld [tilespmem:s20+$0xCC00]  }
0x475: {  	v25 =	vld [tilespmem:s20+$0xCC10]  }
0x476: {  	v26 =	vld [tilespmem:s20+$0xCC20]  }
0x477: {  	v27 =	vld [tilespmem:s20+$0xCC30]  }
0x478: {  	v28 =	vld [tilespmem:s20+$0xCC40]  }
0x479: {  	s25 =	simm.s32 $0x0;
	v29 =	vld [tilespmem:s20+$0xCC50]  }
0x47a: {  	s26 =	sand.u32 $0xF800, s25;
	s28 =	sand.u32 $0x300, s25;
	v30 =	vld [tilespmem:s20+$0xCC60];
	v0 =	vsub.f32 v16, v0  }
0x47b: {  	s2 =	sor.u32 s28, s26;
	v16 =	vld [tilespmem:s20+$0xCC70]  }
0x47c: {  	s29 =	sor.u32 $0x80, s2;
	v1 =	vsub.f32 v17, v1;
	[tilespmem:s2+$0x0] =	vst.add.f32.msk $0xffff, v0  }
0x47d: {  	s30 =	sor.u32 $0x90, s2;
	v2 =	vsub.f32 v18, v2;
	[tilespmem:s29+$0x0] =	vst.add.f32.msk $0xffff, v0  }
0x47e: {  	s31 =	sor.u32 $0xA0, s2;
	v3 =	vsub.f32 v19, v3;
	[tilespmem:s30+$0x0] =	vst.add.f32.msk $0xffff, v1  }
0x47f: {  	s3 =	sor.u32 $0xB0, s2;
	v4 =	vsub.f32 v20, v4;
	[tilespmem:s31+$0x0] =	vst.add.f32.msk $0xffff, v2  }
0x480: {  	s4 =	sor.u32 $0xC0, s2;
	[tilespmem:s3+$0x0] =	vst.add.f32.msk $0xffff, v3  }
0x481: {  	v5 =	vsub.f32 v21, v5;
	s3 =	sor.u32 $0x10, s2;
	[tilespmem:s4+$0x0] =	vst.add.f32.msk $0xffff, v4  }
0x482: {  	s5 =	sor.u32 $0xD0, s2;
	[tilespmem:s3+$0x0] =	vst.add.f32.msk $0xffff, v1  }
0x483: {  	s16 =	sor.u32 $0x20, s2;
	v6 =	vsub.f32 v22, v6;
	[tilespmem:s5+$0x0] =	vst.add.f32.msk $0xffff, v5  }
0x484: {  	s6 =	sor.u32 $0xE0, s2;
	[tilespmem:s16+$0x0] =	vst.add.f32.msk $0xffff, v2  }
0x485: {  	s17 =	sor.u32 $0x30, s2;
	v7 =	vsub.f32 v23, v7;
	[tilespmem:s6+$0x0] =	vst.add.f32.msk $0xffff, v6  }
0x486: {  	s7 =	sor.u32 $0xF0, s2;
	[tilespmem:s17+$0x0] =	vst.add.f32.msk $0xffff, v3  }
0x487: {  	s18 =	sor.u32 $0x40, s2;
	v8 =	vsub.f32 v24, v8;
	[tilespmem:s7+$0x0] =	vst.add.f32.msk $0xffff, v7  }
0x488: {  	s8 =	sor.u32 $0x480, s2;
	[tilespmem:s18+$0x0] =	vst.add.f32.msk $0xffff, v4  }
0x489: {  	s19 =	sor.u32 $0x50, s2;
	v9 =	vsub.f32 v25, v9;
	[tilespmem:s8+$0x0] =	vst.add.f32.msk $0xffff, v8  }
0x48a: {  	s9 =	sor.u32 $0x490, s2;
	[tilespmem:s19+$0x0] =	vst.add.f32.msk $0xffff, v5  }
0x48b: {  	v10 =	vsub.f32 v26, v10;
	s20 =	sor.u32 $0x60, s2;
	[tilespmem:s9+$0x0] =	vst.add.f32.msk $0xffff, v9  }
0x48c: {  	s10 =	sor.u32 $0x4A0, s2;
	[tilespmem:s20+$0x0] =	vst.add.f32.msk $0xffff, v6  }
0x48d: {  	s26 =	sor.u32 $0x70, s2;
	v11 =	vsub.f32 v27, v11;
	[tilespmem:s10+$0x0] =	vst.add.f32.msk $0xffff, v10  }
0x48e: {  	s11 =	sor.u32 $0x4B0, s2;
	[tilespmem:s26+$0x0] =	vst.add.f32.msk $0xffff, v7  }
0x48f: {  	s28 =	sor.u32 $0x400, s2;
	v12 =	vsub.f32 v28, v12;
	[tilespmem:s11+$0x0] =	vst.add.f32.msk $0xffff, v11  }
0x490: {  	s12 =	sor.u32 $0x4C0, s2;
	[tilespmem:s28+$0x0] =	vst.add.f32.msk $0xffff, v8  }
0x491: {  	v13 =	vsub.f32 v29, v13;
	s29 =	sor.u32 $0x410, s2;
	[tilespmem:s12+$0x0] =	vst.add.f32.msk $0xffff, v12  }
0x492: {  	s13 =	sor.u32 $0x4D0, s2;
	[tilespmem:s29+$0x0] =	vst.add.f32.msk $0xffff, v9  }
0x493: {  	v14 =	vsub.f32 v30, v14;
	s30 =	sor.u32 $0x420, s2;
	[tilespmem:s13+$0x0] =	vst.add.f32.msk $0xffff, v13  }
0x494: {  	s14 =	sor.u32 $0x4E0, s2;
	[tilespmem:s30+$0x0] =	vst.add.f32.msk $0xffff, v10  }
0x495: {  	s31 =	sor.u32 $0x430, s2;
	v15 =	vsub.f32 v16, v15;
	[tilespmem:s14+$0x0] =	vst.add.f32.msk $0xffff, v14  }
0x496: {  	s15 =	sor.u32 $0x4F0, s2;
	[tilespmem:s31+$0x0] =	vst.add.f32.msk $0xffff, v11  }
0x497: {  	s4 =	sor.u32 $0x440, s2;
	[tilespmem:s15+$0x0] =	vst.add.f32.msk $0xffff, v15  }
0x498: {  	s1 =	sor.u32 $0x460, s2;
	s3 =	sor.u32 $0x470, s2;
	s5 =	sor.u32 $0x450, s2;
	[tilespmem:s4+$0x0] =	vst.add.f32.msk $0xffff, v12  }
0x499: {  	s2 =	simm.s32 $0x0;
	s6 =	simm.s32 $0x200;
	[tilespmem:s5+$0x0] =	vst.add.f32.msk $0xffff, v13;
	s5 =	simm.s32 $0x100  }
.LBB2_22:
0x49a: {  	s4 =	sand.u32 $0xF800, s6;
	s7 =	sand.u32 $0x300, s5;
	[tilespmem:s1+$0x0] =	vst.add.f32.msk $0xffff, v14  }
0x49b: {  	s8 =	sor.u32 s7, s4;
	[tilespmem:s3+$0x0] =	vst.add.f32.msk $0xffff, v15  }
0x49c: {  	[tilespmem:s8+$0x0] =	vst.add.f32.msk $0xffff, v0;
	s9 =	sor.u32 $0x10, s8;
	s4 =	sor.u32 $0x20, s8;
	s1 =	sor.u32 $0x80, s8  }
0x49d: {  	s10 =	sor.u32 $0x30, s8;
	s7 =	sor.u32 $0x40, s8;
	[tilespmem:s1+$0x0] =	vst.add.f32.msk $0xffff, v0;
	s1 =	sor.u32 $0x90, s8  }
0x49e: {  	s12 =	sor.u32 $0x50, s8;
	s11 =	sor.u32 $0x60, s8;
	[tilespmem:s1+$0x0] =	vst.add.f32.msk $0xffff, v1;
	s1 =	sor.u32 $0xA0, s8  }
0x49f: {  	s14 =	sor.u32 $0x70, s8;
	s13 =	sor.u32 $0x400, s8;
	[tilespmem:s1+$0x0] =	vst.add.f32.msk $0xffff, v2;
	s1 =	sor.u32 $0xB0, s8  }
0x4a0: {  	s16 =	sor.u32 $0x410, s8;
	s15 =	sor.u32 $0x420, s8;
	[tilespmem:s1+$0x0] =	vst.add.f32.msk $0xffff, v3;
	s1 =	sor.u32 $0xC0, s8  }
0x4a1: {  	s18 =	sor.u32 $0x430, s8;
	s17 =	sor.u32 $0x440, s8;
	s3 =	sor.u32 $0xD0, s8;
	[tilespmem:s1+$0x0] =	vst.add.f32.msk $0xffff, v4  }
0x4a2: {  	s19 =	sor.u32 $0x450, s8;
	s20 =	sor.u32 $0xE0, s8;
	s1 =	sor.u32 $0x460, s8;
	[tilespmem:s3+$0x0] =	vst.add.f32.msk $0xffff, v5  }
0x4a3: {  	s3 =	sor.u32 $0x470, s8;
	[tilespmem:s20+$0x0] =	vst.add.f32.msk $0xffff, v6;
	s20 =	sor.u32 $0xF0, s8  }
0x4a4: {  	[tilespmem:s20+$0x0] =	vst.add.f32.msk $0xffff, v7;
	s20 =	sor.u32 $0x480, s8  }
0x4a5: {  	[tilespmem:s20+$0x0] =	vst.add.f32.msk $0xffff, v8;
	s20 =	sor.u32 $0x490, s8  }
0x4a6: {  	[tilespmem:s20+$0x0] =	vst.add.f32.msk $0xffff, v9;
	s20 =	sor.u32 $0x4A0, s8  }
0x4a7: {  	[tilespmem:s20+$0x0] =	vst.add.f32.msk $0xffff, v10;
	s20 =	sor.u32 $0x4B0, s8  }
0x4a8: {  	[tilespmem:s20+$0x0] =	vst.add.f32.msk $0xffff, v11;
	s20 =	sor.u32 $0x4C0, s8  }
0x4a9: {  	s2 =	sadd.s32 $0x2, s2;
	[tilespmem:s20+$0x0] =	vst.add.f32.msk $0xffff, v12;
	s20 =	sor.u32 $0x4D0, s8  }
0x4aa: {  	p0 =	slt.u32 s2, $0xC6;
	[tilespmem:s20+$0x0] =	vst.add.f32.msk $0xffff, v13;
	s20 =	sor.u32 $0x4E0, s8  }
0x4ab: {  	s8 =	sor.u32 $0x4F0, s8;
	[tilespmem:s20+$0x0] =	vst.add.f32.msk $0xffff, v14  }
0x4ac: {  	[tilespmem:s8+$0x0] =	vst.add.f32.msk $0xffff, v15  }
0x4ad: {  	[tilespmem:s9+$0x0] =	vst.add.f32.msk $0xffff, v1  }
0x4ae: {  	[tilespmem:s4+$0x0] =	vst.add.f32.msk $0xffff, v2  }
0x4af: {  	[tilespmem:s10+$0x0] =	vst.add.f32.msk $0xffff, v3  }
0x4b0: {  	[tilespmem:s7+$0x0] =	vst.add.f32.msk $0xffff, v4  }
0x4b1: {  	[tilespmem:s12+$0x0] =	vst.add.f32.msk $0xffff, v5  }
0x4b2: {  	[tilespmem:s11+$0x0] =	vst.add.f32.msk $0xffff, v6  }
0x4b3: {  	[tilespmem:s14+$0x0] =	vst.add.f32.msk $0xffff, v7  }
0x4b4: {  	[tilespmem:s13+$0x0] =	vst.add.f32.msk $0xffff, v8  }
.Ltmp17:
0x4b5: {  	[tilespmem:s16+$0x0] =	vst.add.f32.msk $0xffff, v9;
	(pc) =	sbr.rel @p0 .LBB2_22-.Ltmp17, $4  }
0x4b6: {  	[tilespmem:s15+$0x0] =	vst.add.f32.msk $0xffff, v10  }
0x4b7: {  	[tilespmem:s18+$0x0] =	vst.add.f32.msk $0xffff, v11  }
0x4b8: {  	[tilespmem:s17+$0x0] =	vst.add.f32.msk $0xffff, v12  }
0x4b9: {  	s5 =	sadd.s32 $0x100, s5;
	s6 =	sadd.s32 $0x200, s6;
	[tilespmem:s19+$0x0] =	vst.add.f32.msk $0xffff, v13  }
.Ltmp18:
0x4ba: {  	(pc) =	sbr.rel .LBB2_24-.Ltmp18, $3  }
0x4bb: {  	_ =	sdelay $0x1  }
0x4bc: {  	[tilespmem:s1+$0x0] =	vst.add.f32.msk $0xffff, v14  }
0x4bd: {  	[tilespmem:s3+$0x0] =	vst.add.f32.msk $0xffff, v15  }
.LBB2_26:
0x4be: {  	_ =	sfence.sel $0x180000  }
0x4bf: {  	[bflag:$0x0] =	sbarrier.arrive $0xFFFF  }
0x4c0: {  	_ =	strace $0x90000047  }
0x4c1: {  	s0 =	stileid.u32;
	[bflag:$0x2] =	sbarrier.arrive $0xFFFF  }
0x4c2: {  	p0 =	sne.s32 s0, $0x0;
	s0 =	rddreg [dreg:$0x4]  }
0x4c3: {  	s0 =	sadd.s32 @!p0 $0x100000, s0  }
0x4c4: {  	[sflag:s0] =	ssyncadd.tile.s32 @!p0 $0x1;
	_ =	shalt  }
.Lfunc_end2:
_tile_overlayer_lowered:
.L_overlay_start_2:
0x4c5: {  	(tag) =	ssettag $0x2  }
0x4c6: {  	s0 =	rddreg [dreg:$0x0];
	s2 =	stileid.u32  }
0x4c7: {  	s1 =	rddreg [dreg:$0x1];
	p0 =	sne.s32 s2, $0x0  }
0x4c8: {  	s3 =	rddreg [dreg:$0x2];
	[bflag:$0x3] =	sbarrier.arrive $0xFFFF;
	s2 =	simm.s32 @!p0 $0x1C09  }
0x4c9: {  	[timem:s3], [sflag:s2] =	dma.local @!p0 [hbm:s0], s1  }
0x4ca: {  	s0 =	simm.s32 @!p0 $0x9  }
0x4cb: {  	_ =	swait.ge @!p0 [sflag:s0], s1  }
0x4cc: {  	s1 =	ssub.s32 @!p0 $0x0, s1;
	[sflag:s0] =	ssyncset.done @!p0 $0x0  }
0x4cd: {  	[sflag:s0] =	ssyncadd.s32 @!p0 s1  }
0x4ce: {  	[bflag:$0x3] =	sbarrier.arrive $0xFFFF  }
0x4cf: {  	_ =	shalt  }

</sc_bundles>
